<compile_context>
chip_gen: v7x
topology: tpu7x:2x2x1
jax: 0.10.2.dev20260603
libtpu: 0.0.44.dev20260713+nightly
codegen_flags: <defaults>
</compile_context>

<pallas_src>
import functools

import jax
import jax.numpy as jnp
from jax import lax
from jax.experimental import pallas as pl
from jax.experimental.pallas import tpu as pltpu
from jax.experimental.pallas import tpu_sc as plsc

N = 10000
E = 160000
F = 256
D = 8

NC = 2
NS = 16
NW = NC * NS
CH = 128
NCHUNK = 40
NBUF = 10
LOOK = 5
E_PAD = NW * NCHUNK * CH
N_PAD = 10240
DUMMY = 10016
STRIPE = N_PAD // NS
NR = N_PAD * D // 128

_mesh = plsc.VectorSubcoreMesh(core_axis_name="c", subcore_axis_name="s",
                               num_cores=NC, num_subcores=NS)
_sc_params = pltpu.CompilerParams(use_tc_tiling_on_sc=False)


def _wid():
    return lax.axis_index("s") * NC + lax.axis_index("c")


STR_V = STRIPE * D // 128
EPT = E // NW
IDX_ALLOC = EPT + 16 * 16


def _load_perm_idx(ei_hbm, row, wid, raw_v, out_v):
    pltpu.sync_copy(ei_hbm.at[row, pl.ds(wid * EPT, EPT)],
                    raw_v.at[pl.ds(0, EPT)])
    dum = jnp.full((16,), DUMMY, jnp.int32)
    for k in range(15):
        raw_v[pl.ds(EPT + 16 * k, 16)] = dum

    def body(j, carry):
        for b in range(CH // 16):
            v = raw_v[pl.ds(j * CH + b * 16, 16)]
            q = lax.shift_right_logical(
                lax.shift_right_logical(v, 7) * 6554, 15)
            r = v - q * NR0
            out_v[j, pl.ds(b * 16, 16)] = 16 * r + q
        return carry

    lax.fori_loop(0, NCHUNK, body, 0)


@functools.partial(
    pl.kernel,
    out_type=[jax.ShapeDtypeStruct((N_PAD, D), jnp.float32),
              jax.ShapeDtypeStruct((N_PAD, D), jnp.float32)],
    mesh=_mesh,
    scratch_types=[
        pltpu.VMEM((NCHUNK, CH), jnp.int32),
        pltpu.VMEM((IDX_ALLOC,), jnp.int32),
        pltpu.VMEM((CH, D), jnp.float32),
        pltpu.SemaphoreType.DMA,
        pltpu.VMEM_SHARED((N_PAD, D), jnp.float32),
    ],
    compiler_params=_sc_params,
)
def _deg_kernel(ei_hbm, ones_hbm, zeros_hbm, out0_hbm, out1_hbm, dst_v,
                raw_v, ones_v, sem, acc_sh):
    cid = lax.axis_index("c")
    sid = lax.axis_index("s")
    wid = _wid()
    pltpu.sync_copy(zeros_hbm.at[pl.ds(sid * STRIPE, STRIPE)],
                    acc_sh.at[pl.ds(sid * STRIPE, STRIPE)])
    pltpu.sync_copy(ones_hbm, ones_v)
    _load_perm_idx(ei_hbm, 1, wid, raw_v, dst_v)
    plsc.subcore_barrier()

    DEG_Q = 6
    for b in range(DEG_Q):
        pltpu.async_copy(ones_v, acc_sh.at[dst_v.at[b]], sem, add=True)

    def body(j, carry):
        pltpu.make_async_copy(ones_v, acc_sh.at[dst_v.at[0]], sem).wait()
        pltpu.async_copy(ones_v, acc_sh.at[dst_v.at[j + DEG_Q]], sem,
                         add=True)
        return carry

    lax.fori_loop(0, NCHUNK - DEG_Q, body, 0)
    for b in range(DEG_Q):
        pltpu.make_async_copy(ones_v, acc_sh.at[dst_v.at[0]], sem).wait()
    plsc.subcore_barrier()

    @pl.when(cid == 0)
    def _():
        pltpu.sync_copy(acc_sh.at[pl.ds(sid * STRIPE, STRIPE)],
                        out0_hbm.at[pl.ds(sid * STRIPE, STRIPE)])

    @pl.when(cid == 1)
    def _():
        pltpu.sync_copy(acc_sh.at[pl.ds(sid * STRIPE, STRIPE)],
                        out1_hbm.at[pl.ds(sid * STRIPE, STRIPE)])


@functools.partial(
    pl.kernel,
    out_type=[jax.ShapeDtypeStruct((N_PAD, D), jnp.float32),
              jax.ShapeDtypeStruct((N_PAD, D), jnp.float32)],
    mesh=_mesh,
    scratch_types=[
        pltpu.VMEM((NCHUNK, CH), jnp.int32),
        pltpu.VMEM((NCHUNK, CH), jnp.int32),
        pltpu.VMEM((IDX_ALLOC,), jnp.int32),
        pltpu.VMEM((NBUF, CH, D), jnp.float32),
        [pltpu.SemaphoreType.DMA] * NBUF,
        [pltpu.SemaphoreType.DMA] * NBUF,
        pltpu.VMEM_SHARED((N_PAD, D), jnp.float32),
        pltpu.VMEM_SHARED((N_PAD, D), jnp.float32),
    ],
    compiler_params=_sc_params,
)
def _edge_kernel(q_hbm, ei_hbm, zeros_hbm, out0_hbm, out1_hbm,
                 src_v, dst_v, raw_v, rows_v, gsems, ssems, acc_sh, q_sh):
    cid = lax.axis_index("c")
    sid = lax.axis_index("s")
    wid = _wid()
    pltpu.sync_copy(zeros_hbm.at[pl.ds(sid * STRIPE, STRIPE)],
                    acc_sh.at[pl.ds(sid * STRIPE, STRIPE)])
    pltpu.sync_copy(q_hbm.at[pl.ds(sid * STRIPE, STRIPE)],
                    q_sh.at[pl.ds(sid * STRIPE, STRIPE)])
    _load_perm_idx(ei_hbm, 0, wid, raw_v, src_v)
    _load_perm_idx(ei_hbm, 1, wid, raw_v, dst_v)
    plsc.subcore_barrier()

    def _gwait(b):
        pltpu.make_async_copy(q_sh.at[src_v.at[0]], rows_v.at[b],
                              gsems[b]).wait()

    def _swait(b):
        pltpu.make_async_copy(rows_v.at[b], acc_sh.at[dst_v.at[0]],
                              ssems[b]).wait()

    for b in range(LOOK):
        pltpu.async_copy(q_sh.at[src_v.at[b]], rows_v.at[b], gsems[b])

    for j in range(NBUF - LOOK):
        pltpu.async_copy(q_sh.at[src_v.at[j + LOOK]],
                         rows_v.at[(j + LOOK) % NBUF], gsems[(j + LOOK) % NBUF])
        _gwait(j % NBUF)
        pltpu.async_copy(rows_v.at[j % NBUF], acc_sh.at[dst_v.at[j]],
                         ssems[j % NBUF], add=True)

    def outer(g, carry):
        for b in range(NBUF):
            j = (NBUF - LOOK) + g * NBUF + b
            sf = b
            _swait(sf)
            pltpu.async_copy(q_sh.at[src_v.at[j + LOOK]], rows_v.at[sf],
                             gsems[sf])
            _gwait((b + NBUF - LOOK) % NBUF)
            pltpu.async_copy(rows_v.at[(b + NBUF - LOOK) % NBUF],
                             acc_sh.at[dst_v.at[j]],
                             ssems[(b + NBUF - LOOK) % NBUF], add=True)
        return carry

    lax.fori_loop(0, (NCHUNK - NBUF) // NBUF, outer, 0)
    for j in range(NCHUNK - LOOK, NCHUNK):
        _gwait(j % NBUF)
        pltpu.async_copy(rows_v.at[j % NBUF], acc_sh.at[dst_v.at[j]],
                         ssems[j % NBUF], add=True)
    for b in range(NBUF):
        _swait(b)
    plsc.subcore_barrier()

    @pl.when(cid == 0)
    def _():
        pltpu.sync_copy(acc_sh.at[pl.ds(sid * STRIPE, STRIPE)],
                        out0_hbm.at[pl.ds(sid * STRIPE, STRIPE)])

    @pl.when(cid == 1)
    def _():
        pltpu.sync_copy(acc_sh.at[pl.ds(sid * STRIPE, STRIPE)],
                        out1_hbm.at[pl.ds(sid * STRIPE, STRIPE)])


NR0 = N_PAD // 16
_BR = 320
_NGRID = NR0 // _BR


def _scale_body(*refs):
    (x3b_ref, wg_ref, we_ref, wy_ref, d0_ref, d1_ref) = refs[15:21]
    q_ref, dinv_ref = refs[21], refs[22]
    deg = 1.0 + d0_ref[...] + d1_ref[...]
    dinv = lax.rsqrt(deg)
    wc8 = we_ref[...] + jnp.dot(wg_ref[...], wy_ref[...],
                                preferred_element_type=jnp.float32)
    ps = [jnp.dot(refs[u][...], wc8, preferred_element_type=jnp.float32)
          for u in range(15)]
    ps.append(jnp.dot(x3b_ref[...], wc8, preferred_element_type=jnp.float32))
    q_ref[...] = dinv * jnp.concatenate(ps, axis=1)
    dinv_ref[...] = dinv


def _combine_body(a0_ref, a1_ref, q_ref, dinv_ref, b0_ref, bg_ref, wy_ref,
                  out_ref):
    bias8 = b0_ref[0:1, :] + jnp.dot(bg_ref[...], wy_ref[...],
                                     preferred_element_type=jnp.float32)[0:1, :]
    bias128 = jnp.concatenate([bias8] * (128 // D), axis=1)
    out_ref[...] = (dinv_ref[...] * (a0_ref[...] + a1_ref[...] + q_ref[...])
                    + bias128)


def kernel(x, edge_index, W_est, b_est, W_gnn, b_gnn, W_cls, b_cls):
    C = W_cls.shape[1]
    H = W_gnn.shape[1]
    we = jnp.concatenate([W_est, jnp.zeros((F, D - 1), jnp.float32)], axis=1)
    wy = jnp.concatenate(
        [jnp.zeros((H, 1), jnp.float32), W_cls,
         jnp.zeros((H, D - 1 - C), jnp.float32)], axis=1)
    bias0 = jnp.concatenate(
        [b_est, b_cls, jnp.zeros((D - 1 - C,), jnp.float32)])
    bias0_8 = jnp.broadcast_to(bias0[None, :], (8, D))
    bgnn8 = jnp.broadcast_to(b_gnn[None, :], (8, H))

    ones = jnp.ones((CH, D), jnp.float32)
    zeros = jnp.zeros((N_PAD, D), jnp.float32)

    x3b = jnp.concatenate(
        [x[15 * NR0:], jnp.zeros((N_PAD - N, F), jnp.float32)], axis=0)

    deg0, deg1 = _deg_kernel(edge_index, ones, zeros)
    deg0_r = deg0.reshape(NR, 128)
    deg1_r = deg1.reshape(NR, 128)

    grid = _NGRID
    q_r, dinv_r = pl.pallas_call(
        _scale_body,
        grid=(grid,),
        in_specs=(
            [pl.BlockSpec((_BR, F), lambda i, u=u: (2 * u + i, 0))
             for u in range(15)] +
            [
                pl.BlockSpec((_BR, F), lambda i: (i, 0)),
                pl.BlockSpec((F, H), lambda i: (0, 0)),
                pl.BlockSpec((F, D), lambda i: (0, 0)),
                pl.BlockSpec((H, D), lambda i: (0, 0)),
                pl.BlockSpec((_BR, 128), lambda i: (i, 0)),
                pl.BlockSpec((_BR, 128), lambda i: (i, 0)),
            ]
        ),
        out_specs=[
            pl.BlockSpec((_BR, 128), lambda i: (i, 0)),
            pl.BlockSpec((_BR, 128), lambda i: (i, 0)),
        ],
        out_shape=[
            jax.ShapeDtypeStruct((NR, 128), jnp.float32),
            jax.ShapeDtypeStruct((NR, 128), jnp.float32),
        ],
    )(*([x] * 15), x3b, W_gnn, we, wy, deg0_r, deg1_r)

    acc0, acc1 = _edge_kernel(q_r.reshape(N_PAD, D), edge_index, zeros)
    acc0_r = acc0.reshape(NR, 128)
    acc1_r = acc1.reshape(NR, 128)

    out8 = pl.pallas_call(
        _combine_body,
        grid=(grid,),
        in_specs=[
            pl.BlockSpec((_BR, 128), lambda i: (i, 0)),
            pl.BlockSpec((_BR, 128), lambda i: (i, 0)),
            pl.BlockSpec((_BR, 128), lambda i: (i, 0)),
            pl.BlockSpec((_BR, 128), lambda i: (i, 0)),
            pl.BlockSpec((8, D), lambda i: (0, 0)),
            pl.BlockSpec((8, H), lambda i: (0, 0)),
            pl.BlockSpec((H, D), lambda i: (0, 0)),
        ],
        out_specs=pl.BlockSpec((_BR, 128), lambda i: (i, 0)),
        out_shape=jax.ShapeDtypeStruct((NR, 128), jnp.float32),
    )(acc0_r, acc1_r, q_r, dinv_r, bias0_8, bgnn8, wy)

    outn = out8.reshape(NR0, 16, D).transpose(1, 0, 2).reshape(N_PAD, D)
    y = outn[:N, 1:1 + C]
    s = outn[:N, 0:1]
    return (y, s)

# --- scband reference (transcript-rebuilt; emitter-appended) ---
"""Pipeline reference for scband-fair-gnn-47991964565965 (READ-ONLY COPY).

The authoritative reference and input builder live on the scoring server;
editing this copy changes nothing except your own understanding.
"""

import jax, jax.numpy as jnp
import numpy as np

N = 10000
E = 160000
F = 256
H = 128
C = 5


def setup_inputs(seed: int = 0) -> dict:
    key = jax.random.key(seed)
    ks = jax.random.split(key, 8)
    x = jax.random.normal(ks[0], (N, F), dtype=jnp.float32)
    edge_index = jax.random.randint(ks[1], (2, E), 0, N, dtype=jnp.int32)
    # estimator: GCNConv(F, 1)
    W_est = jax.random.normal(ks[2], (F, 1), dtype=jnp.float32) * (1.0 / np.sqrt(F))
    b_est = jnp.zeros((1,), dtype=jnp.float32)
    # GNN: GCNConv(F, H)
    W_gnn = jax.random.normal(ks[3], (F, H), dtype=jnp.float32) * (1.0 / np.sqrt(F))
    b_gnn = jnp.zeros((H,), dtype=jnp.float32)
    # classifier: Linear(H, C)
    W_cls = jax.random.normal(ks[4], (H, C), dtype=jnp.float32) * (1.0 / np.sqrt(H))
    b_cls = jnp.zeros((C,), dtype=jnp.float32)
    return {"x": x, "edge_index": edge_index, "W_est": W_est, "b_est": b_est,
            "W_gnn": W_gnn, "b_gnn": b_gnn, "W_cls": W_cls, "b_cls": b_cls}


def _gcn_conv(x, src, dst, W, b):
    # PyG GCNConv semantics: add_self_loops (done by caller), symmetric normalization,
    # source_to_target flow: out[dst] += norm * (x @ W)[src], then + bias.
    xw = x @ W
    deg = jnp.zeros((N,), dtype=jnp.float32).at[dst].add(1.0)
    dinv = jnp.where(deg > 0, deg ** -0.5, 0.0)
    norm = dinv[src] * dinv[dst]
    out = jnp.zeros_like(xw).at[dst].add(norm[:, None] * xw[src])
    return out + b


def reference(x, edge_index, W_est, b_est, W_gnn, b_gnn, W_cls, b_cls):
    loop = jnp.arange(N, dtype=edge_index.dtype)
    src = jnp.concatenate([edge_index[0], loop])
    dst = jnp.concatenate([edge_index[1], loop])
    # FairGNN.forward(g, x): s = estimator(g, x); z = GNN(g, x); y = classifier(z)
    s = _gcn_conv(x, src, dst, W_est, b_est)
    z = _gcn_conv(x, src, dst, W_gnn, b_gnn)
    y = z @ W_cls + b_cls
    return (y, s)

if __name__ == "__main__":
    import jax
    _d = setup_inputs()
    print(jax.jit(kernel)(*tuple(_d.values())))

</pallas_src>

<mosaic_0001>
#map = affine_map<(d0, d1) -> (0, 0)>
module attributes {stable_mosaic.version = 14 : i64} {
  func.func @_deg_kernel(%arg0: i32, %arg1: i32, %arg2: memref<2x160000xi32, #tpu.memory_space<hbm>>, %arg3: memref<128x8xf32, #tpu.memory_space<hbm>>, %arg4: memref<10240x8xf32, #tpu.memory_space<hbm>>, %arg5: memref<10240x8xf32, #tpu.memory_space<hbm>>, %arg6: memref<10240x8xf32, #tpu.memory_space<hbm>>, %arg7: memref<40x128xi32, #tpu.memory_space<vmem>>, %arg8: memref<5256xi32, #tpu.memory_space<vmem>>, %arg9: memref<128x8xf32, #tpu.memory_space<vmem>>, %arg10: memref<!tpu.dma_semaphore, #tpu.memory_space<semaphore_mem>>, %arg11: memref<10240x8xf32, #tpu.memory_space<vmem_shared>>) attributes {dimension_semantics = [#tpu.dimension_semantics<core_parallel>, #tpu.dimension_semantics<subcore_parallel>], iteration_bounds = array<i64: 2, 16>, scalar_prefetch = 0 : i64, scratch_operands = 5 : i64, tpu.core_type = #tpu.core_type<sc_vector_subcore>, window_params = [{transform_indices = #map}, {transform_indices = #map}, {transform_indices = #map}, {transform_indices = #map}, {transform_indices = #map}]} {
    %mul3A = arith.constant 2 : i32
    %mul3A_0 = arith.muli %arg1, %mul3A : i32
    %add3A = arith.addi %mul3A_0, %arg0 : i32
    %mul3A_1 = arith.constant 640 : i32
    %mul3A_2 = arith.muli %arg1, %mul3A_1 : i32
    %mul3A_3 = arith.constant 640 : i32
    %mul3A_4 = arith.muli %arg1, %mul3A_3 : i32
    "tpu.region"() ({
      %run_scoped3A_168 = tpu.sem_alloc : memref<!tpu.dma_semaphore, #tpu.memory_space<semaphore_mem>>
      %dma_start3A_169 = arith.constant 0 : i32
      %dma_start3A_170 = tpu.memref_slice %arg11[%mul3A_4, %dma_start3A_169] : memref<10240x8xf32, #tpu.memory_space<vmem_shared>> -> memref<640x8xf32, #tpu.memory_space<vmem_shared>>
      %dma_start3A_171 = arith.constant 0 : i32
      %dma_start3A_172 = tpu.memref_slice %arg4[%mul3A_2, %dma_start3A_171] : memref<10240x8xf32, #tpu.memory_space<hbm>> -> memref<640x8xf32, #tpu.memory_space<hbm>>
      tpu.enqueue_dma source(%dma_start3A_172 : memref<640x8xf32, #tpu.memory_space<hbm>>) target(%dma_start3A_170 : memref<640x8xf32, #tpu.memory_space<vmem_shared>>) target_semaphore(%run_scoped3A_168 : memref<!tpu.dma_semaphore, #tpu.memory_space<semaphore_mem>>)
      %dma_wait3A_173 = arith.constant 0 : i32
      %dma_wait3A_174 = tpu.memref_slice %arg11[%mul3A_4, %dma_wait3A_173] : memref<10240x8xf32, #tpu.memory_space<vmem_shared>> -> memref<640x8xf32, #tpu.memory_space<vmem_shared>>
      %dma_wait3A_175 = arith.constant 0 : i32
      %dma_wait3A_176 = tpu.memref_slice %arg4[%mul3A_2, %dma_wait3A_175] : memref<10240x8xf32, #tpu.memory_space<hbm>> -> memref<640x8xf32, #tpu.memory_space<hbm>>
      tpu.wait_dma2 semaphore(%run_scoped3A_168 : memref<!tpu.dma_semaphore, #tpu.memory_space<semaphore_mem>>) src(%dma_wait3A_176 : memref<640x8xf32, #tpu.memory_space<hbm>>) dst(%dma_wait3A_174 : memref<640x8xf32, #tpu.memory_space<vmem_shared>>)
      tpu.yield
    }) : () -> ()
    "tpu.region"() ({
      %run_scoped3A_168 = tpu.sem_alloc : memref<!tpu.dma_semaphore, #tpu.memory_space<semaphore_mem>>
      tpu.enqueue_dma source(%arg3 : memref<128x8xf32, #tpu.memory_space<hbm>>) target(%arg9 : memref<128x8xf32, #tpu.memory_space<vmem>>) target_semaphore(%run_scoped3A_168 : memref<!tpu.dma_semaphore, #tpu.memory_space<semaphore_mem>>)
      tpu.wait_dma2 semaphore(%run_scoped3A_168 : memref<!tpu.dma_semaphore, #tpu.memory_space<semaphore_mem>>) src(%arg3 : memref<128x8xf32, #tpu.memory_space<hbm>>) dst(%arg9 : memref<128x8xf32, #tpu.memory_space<vmem>>)
      tpu.yield
    }) : () -> ()
    %mul3A_5 = arith.constant 5000 : i32
    %mul3A_6 = arith.muli %add3A, %mul3A_5 : i32
    %run_scoped3A = arith.constant 1 : i32
    "tpu.region"() ({
      %run_scoped3A_168 = tpu.sem_alloc : memref<!tpu.dma_semaphore, #tpu.memory_space<semaphore_mem>>
      %dma_start3A_169 = arith.constant 0 : i32
      %dma_start3A_170 = tpu.memref_slice %arg8[%dma_start3A_169] : memref<5256xi32, #tpu.memory_space<vmem>> -> memref<5000xi32, #tpu.memory_space<vmem>>
      %dma_start3A_171 = tpu.memref_slice %arg2[%run_scoped3A, %mul3A_6] : memref<2x160000xi32, #tpu.memory_space<hbm>> -> memref<1x5000xi32, #tpu.memory_space<hbm>>
      %dma_start3A_172 = tpu.memref_squeeze %dma_start3A_171 : memref<1x5000xi32, #tpu.memory_space<hbm>> -> memref<5000xi32, #tpu.memory_space<hbm>>
      %dma_start3A_173 = arith.constant 0 : i32
      %dma_start3A_174 = tpu.memref_slice %arg8[%dma_start3A_173] : memref<5256xi32, #tpu.memory_space<vmem>> -> memref<5000xi32, #tpu.memory_space<vmem>>
      %dma_start3A_175 = tpu.memref_slice %arg2[%run_scoped3A, %mul3A_6] : memref<2x160000xi32, #tpu.memory_space<hbm>> -> memref<1x5000xi32, #tpu.memory_space<hbm>>
      %dma_start3A_176 = tpu.memref_squeeze %dma_start3A_175 : memref<1x5000xi32, #tpu.memory_space<hbm>> -> memref<5000xi32, #tpu.memory_space<hbm>>
      tpu.enqueue_dma source(%dma_start3A_176 : memref<5000xi32, #tpu.memory_space<hbm>>) target(%dma_start3A_174 : memref<5000xi32, #tpu.memory_space<vmem>>) target_semaphore(%run_scoped3A_168 : memref<!tpu.dma_semaphore, #tpu.memory_space<semaphore_mem>>)
      %dma_wait3A_177 = arith.constant 0 : i32
      %dma_wait3A_178 = tpu.memref_slice %arg8[%dma_wait3A_177] : memref<5256xi32, #tpu.memory_space<vmem>> -> memref<5000xi32, #tpu.memory_space<vmem>>
      %dma_wait3A_179 = tpu.memref_slice %arg2[%run_scoped3A, %mul3A_6] : memref<2x160000xi32, #tpu.memory_space<hbm>> -> memref<1x5000xi32, #tpu.memory_space<hbm>>
      %dma_wait3A_180 = tpu.memref_squeeze %dma_wait3A_179 : memref<1x5000xi32, #tpu.memory_space<hbm>> -> memref<5000xi32, #tpu.memory_space<hbm>>
      %dma_wait3A_181 = arith.constant 0 : i32
      %dma_wait3A_182 = tpu.memref_slice %arg8[%dma_wait3A_181] : memref<5256xi32, #tpu.memory_space<vmem>> -> memref<5000xi32, #tpu.memory_space<vmem>>
      %dma_wait3A_183 = tpu.memref_slice %arg2[%run_scoped3A, %mul3A_6] : memref<2x160000xi32, #tpu.memory_space<hbm>> -> memref<1x5000xi32, #tpu.memory_space<hbm>>
      %dma_wait3A_184 = tpu.memref_squeeze %dma_wait3A_183 : memref<1x5000xi32, #tpu.memory_space<hbm>> -> memref<5000xi32, #tpu.memory_space<hbm>>
      tpu.wait_dma2 semaphore(%run_scoped3A_168 : memref<!tpu.dma_semaphore, #tpu.memory_space<semaphore_mem>>) src(%dma_wait3A_184 : memref<5000xi32, #tpu.memory_space<hbm>>) dst(%dma_wait3A_182 : memref<5000xi32, #tpu.memory_space<vmem>>)
      tpu.yield
    }) : () -> ()
    %broadcast_in_dim3A = arith.constant 10016 : i32
    %broadcast_in_dim3A_7 = vector.broadcast %broadcast_in_dim3A : i32 to vector<16xi32>
    %swap3A = arith.constant 5000 : index
    %swap3A_8 = tpu.vector_load %arg8[%swap3A] {strides = array<i32>} : memref<5256xi32, #tpu.memory_space<vmem>>, vector<16xi32>,
    %swap3A_9 = vector.shape_cast %swap3A_8 : vector<16xi32> to vector<16xi32>
    %swap3A_10 = vector.shape_cast %broadcast_in_dim3A_7 : vector<16xi32> to vector<16xi32>
    tpu.vector_store %arg8[%swap3A], %swap3A_10 {strides = array<i32>} : memref<5256xi32, #tpu.memory_space<vmem>>, vector<16xi32>,
    %swap3A_11 = arith.constant 5016 : index
    %swap3A_12 = tpu.vector_load %arg8[%swap3A_11] {strides = array<i32>} : memref<5256xi32, #tpu.memory_space<vmem>>, vector<16xi32>,
    %swap3A_13 = vector.shape_cast %swap3A_12 : vector<16xi32> to vector<16xi32>
    %swap3A_14 = vector.shape_cast %broadcast_in_dim3A_7 : vector<16xi32> to vector<16xi32>
    tpu.vector_store %arg8[%swap3A_11], %swap3A_14 {strides = array<i32>} : memref<5256xi32, #tpu.memory_space<vmem>>, vector<16xi32>,
    %swap3A_15 = arith.constant 5032 : index
    %swap3A_16 = tpu.vector_load %arg8[%swap3A_15] {strides = array<i32>} : memref<5256xi32, #tpu.memory_space<vmem>>, vector<16xi32>,
    %swap3A_17 = vector.shape_cast %swap3A_16 : vector<16xi32> to vector<16xi32>
    %swap3A_18 = vector.shape_cast %broadcast_in_dim3A_7 : vector<16xi32> to vector<16xi32>
    tpu.vector_store %arg8[%swap3A_15], %swap3A_18 {strides = array<i32>} : memref<5256xi32, #tpu.memory_space<vmem>>, vector<16xi32>,
    %swap3A_19 = arith.constant 5048 : index
    %swap3A_20 = tpu.vector_load %arg8[%swap3A_19] {strides = array<i32>} : memref<5256xi32, #tpu.memory_space<vmem>>, vector<16xi32>,
    %swap3A_21 = vector.shape_cast %swap3A_20 : vector<16xi32> to vector<16xi32>
    %swap3A_22 = vector.shape_cast %broadcast_in_dim3A_7 : vector<16xi32> to vector<16xi32>
    tpu.vector_store %arg8[%swap3A_19], %swap3A_22 {strides = array<i32>} : memref<5256xi32, #tpu.memory_space<vmem>>, vector<16xi32>,
    %swap3A_23 = arith.constant 5064 : index
    %swap3A_24 = tpu.vector_load %arg8[%swap3A_23] {strides = array<i32>} : memref<5256xi32, #tpu.memory_space<vmem>>, vector<16xi32>,
    %swap3A_25 = vector.shape_cast %swap3A_24 : vector<16xi32> to vector<16xi32>
    %swap3A_26 = vector.shape_cast %broadcast_in_dim3A_7 : vector<16xi32> to vector<16xi32>
    tpu.vector_store %arg8[%swap3A_23], %swap3A_26 {strides = array<i32>} : memref<5256xi32, #tpu.memory_space<vmem>>, vector<16xi32>,
    %swap3A_27 = arith.constant 5080 : index
    %swap3A_28 = tpu.vector_load %arg8[%swap3A_27] {strides = array<i32>} : memref<5256xi32, #tpu.memory_space<vmem>>, vector<16xi32>,
    %swap3A_29 = vector.shape_cast %swap3A_28 : vector<16xi32> to vector<16xi32>
    %swap3A_30 = vector.shape_cast %broadcast_in_dim3A_7 : vector<16xi32> to vector<16xi32>
    tpu.vector_store %arg8[%swap3A_27], %swap3A_30 {strides = array<i32>} : memref<5256xi32, #tpu.memory_space<vmem>>, vector<16xi32>,
    %swap3A_31 = arith.constant 5096 : index
    %swap3A_32 = tpu.vector_load %arg8[%swap3A_31] {strides = array<i32>} : memref<5256xi32, #tpu.memory_space<vmem>>, vector<16xi32>,
    %swap3A_33 = vector.shape_cast %swap3A_32 : vector<16xi32> to vector<16xi32>
    %swap3A_34 = vector.shape_cast %broadcast_in_dim3A_7 : vector<16xi32> to vector<16xi32>
    tpu.vector_store %arg8[%swap3A_31], %swap3A_34 {strides = array<i32>} : memref<5256xi32, #tpu.memory_space<vmem>>, vector<16xi32>,
    %swap3A_35 = arith.constant 5112 : index
    %swap3A_36 = tpu.vector_load %arg8[%swap3A_35] {strides = array<i32>} : memref<5256xi32, #tpu.memory_space<vmem>>, vector<16xi32>,
    %swap3A_37 = vector.shape_cast %swap3A_36 : vector<16xi32> to vector<16xi32>
    %swap3A_38 = vector.shape_cast %broadcast_in_dim3A_7 : vector<16xi32> to vector<16xi32>
    tpu.vector_store %arg8[%swap3A_35], %swap3A_38 {strides = array<i32>} : memref<5256xi32, #tpu.memory_space<vmem>>, vector<16xi32>,
    %swap3A_39 = arith.constant 5128 : index
    %swap3A_40 = tpu.vector_load %arg8[%swap3A_39] {strides = array<i32>} : memref<5256xi32, #tpu.memory_space<vmem>>, vector<16xi32>,
    %swap3A_41 = vector.shape_cast %swap3A_40 : vector<16xi32> to vector<16xi32>
    %swap3A_42 = vector.shape_cast %broadcast_in_dim3A_7 : vector<16xi32> to vector<16xi32>
    tpu.vector_store %arg8[%swap3A_39], %swap3A_42 {strides = array<i32>} : memref<5256xi32, #tpu.memory_space<vmem>>, vector<16xi32>,
    %swap3A_43 = arith.constant 5144 : index
    %swap3A_44 = tpu.vector_load %arg8[%swap3A_43] {strides = array<i32>} : memref<5256xi32, #tpu.memory_space<vmem>>, vector<16xi32>,
    %swap3A_45 = vector.shape_cast %swap3A_44 : vector<16xi32> to vector<16xi32>
    %swap3A_46 = vector.shape_cast %broadcast_in_dim3A_7 : vector<16xi32> to vector<16xi32>
    tpu.vector_store %arg8[%swap3A_43], %swap3A_46 {strides = array<i32>} : memref<5256xi32, #tpu.memory_space<vmem>>, vector<16xi32>,
    %swap3A_47 = arith.constant 5160 : index
    %swap3A_48 = tpu.vector_load %arg8[%swap3A_47] {strides = array<i32>} : memref<5256xi32, #tpu.memory_space<vmem>>, vector<16xi32>,
    %swap3A_49 = vector.shape_cast %swap3A_48 : vector<16xi32> to vector<16xi32>
    %swap3A_50 = vector.shape_cast %broadcast_in_dim3A_7 : vector<16xi32> to vector<16xi32>
    tpu.vector_store %arg8[%swap3A_47], %swap3A_50 {strides = array<i32>} : memref<5256xi32, #tpu.memory_space<vmem>>, vector<16xi32>,
    %swap3A_51 = arith.constant 5176 : index
    %swap3A_52 = tpu.vector_load %arg8[%swap3A_51] {strides = array<i32>} : memref<5256xi32, #tpu.memory_space<vmem>>, vector<16xi32>,
    %swap3A_53 = vector.shape_cast %swap3A_52 : vector<16xi32> to vector<16xi32>
    %swap3A_54 = vector.shape_cast %broadcast_in_dim3A_7 : vector<16xi32> to vector<16xi32>
    tpu.vector_store %arg8[%swap3A_51], %swap3A_54 {strides = array<i32>} : memref<5256xi32, #tpu.memory_space<vmem>>, vector<16xi32>,
    %swap3A_55 = arith.constant 5192 : index
    %swap3A_56 = tpu.vector_load %arg8[%swap3A_55] {strides = array<i32>} : memref<5256xi32, #tpu.memory_space<vmem>>, vector<16xi32>,
    %swap3A_57 = vector.shape_cast %swap3A_56 : vector<16xi32> to vector<16xi32>
    %swap3A_58 = vector.shape_cast %broadcast_in_dim3A_7 : vector<16xi32> to vector<16xi32>
    tpu.vector_store %arg8[%swap3A_55], %swap3A_58 {strides = array<i32>} : memref<5256xi32, #tpu.memory_space<vmem>>, vector<16xi32>,
    %swap3A_59 = arith.constant 5208 : index
    %swap3A_60 = tpu.vector_load %arg8[%swap3A_59] {strides = array<i32>} : memref<5256xi32, #tpu.memory_space<vmem>>, vector<16xi32>,
    %swap3A_61 = vector.shape_cast %swap3A_60 : vector<16xi32> to vector<16xi32>
    %swap3A_62 = vector.shape_cast %broadcast_in_dim3A_7 : vector<16xi32> to vector<16xi32>
    tpu.vector_store %arg8[%swap3A_59], %swap3A_62 {strides = array<i32>} : memref<5256xi32, #tpu.memory_space<vmem>>, vector<16xi32>,
    %swap3A_63 = arith.constant 5224 : index
    %swap3A_64 = tpu.vector_load %arg8[%swap3A_63] {strides = array<i32>} : memref<5256xi32, #tpu.memory_space<vmem>>, vector<16xi32>,
    %swap3A_65 = vector.shape_cast %swap3A_64 : vector<16xi32> to vector<16xi32>
    %swap3A_66 = vector.shape_cast %broadcast_in_dim3A_7 : vector<16xi32> to vector<16xi32>
    tpu.vector_store %arg8[%swap3A_63], %swap3A_66 {strides = array<i32>} : memref<5256xi32, #tpu.memory_space<vmem>>, vector<16xi32>,
    %scan3A = arith.constant 0 : i32
    %scan3A_67 = arith.constant 0 : i32
    %scan3A_68 = arith.constant 40 : i32
    %scan3A_69 = arith.addi %scan3A_67, %scan3A_68 : i32
    %scan3A_70 = arith.constant 1 : i32
    scf.for %scan3A_168 = %scan3A_67 to %scan3A_69 step %scan3A_70  : i32 {
      %mul3A_169 = arith.constant 128 : i32
      %mul3A_170 = arith.muli %scan3A_168, %mul3A_169 : i32
      %add3A_171 = arith.constant 0 : i32
      %add3A_172 = arith.addi %mul3A_170, %add3A_171 : i32
      %get3A = arith.index_cast %add3A_172 : i32 to index
      %get3A_173 = tpu.vector_load %arg8[%get3A] {strides = array<i32>} : memref<5256xi32, #tpu.memory_space<vmem>>, vector<16xi32>,
      %get3A_174 = vector.shape_cast %get3A_173 : vector<16xi32> to vector<16xi32>
      %shift_right_logical3A = arith.constant 7 : i32
      %shift_right_logical3A_175 = vector.broadcast %shift_right_logical3A : i32 to vector<16xi32>
      %shift_right_logical3A_176 = arith.shrui %get3A_174, %shift_right_logical3A_175 : vector<16xi32>
      %mul3A_177 = arith.constant 6554 : i32
      %mul3A_178 = vector.broadcast %mul3A_177 : i32 to vector<16xi32>
      %mul3A_179 = arith.muli %shift_right_logical3A_176, %mul3A_178 : vector<16xi32>
      %shift_right_logical3A_180 = arith.constant 15 : i32
      %shift_right_logical3A_181 = vector.broadcast %shift_right_logical3A_180 : i32 to vector<16xi32>
      %shift_right_logical3A_182 = arith.shrui %mul3A_179, %shift_right_logical3A_181 : vector<16xi32>
      %mul3A_183 = arith.constant 640 : i32
      %mul3A_184 = vector.broadcast %mul3A_183 : i32 to vector<16xi32>
      %mul3A_185 = arith.muli %shift_right_logical3A_182, %mul3A_184 : vector<16xi32>
      %sub3A = arith.subi %get3A_174, %mul3A_185 : vector<16xi32>
      %mul3A_186 = arith.constant 16 : i32
      %mul3A_187 = vector.broadcast %mul3A_186 : i32 to vector<16xi32>
      %mul3A_188 = arith.muli %mul3A_187, %sub3A : vector<16xi32>
      %add3A_189 = arith.addi %mul3A_188, %shift_right_logical3A_182 : vector<16xi32>
      %swap3A_190 = arith.index_cast %scan3A_168 : i32 to index
      %swap3A_191 = arith.constant 0 : index
      %swap3A_192 = tpu.vector_load %arg7[%swap3A_190, %swap3A_191] {strides = array<i32>} : memref<40x128xi32, #tpu.memory_space<vmem>>, vector<1x16xi32>,
      %swap3A_193 = vector.shape_cast %swap3A_192 : vector<1x16xi32> to vector<16xi32>
      %swap3A_194 = vector.shape_cast %add3A_189 : vector<16xi32> to vector<1x16xi32>
      tpu.vector_store %arg7[%swap3A_190, %swap3A_191], %swap3A_194 {strides = array<i32>} : memref<40x128xi32, #tpu.memory_space<vmem>>, vector<1x16xi32>,
      %mul3A_195 = arith.constant 128 : i32
      %mul3A_196 = arith.muli %scan3A_168, %mul3A_195 : i32
      %add3A_197 = arith.constant 16 : i32
      %add3A_198 = arith.addi %mul3A_196, %add3A_197 : i32
      %get3A_199 = arith.index_cast %add3A_198 : i32 to index
      %get3A_200 = tpu.vector_load %arg8[%get3A_199] {strides = array<i32>} : memref<5256xi32, #tpu.memory_space<vmem>>, vector<16xi32>,
      %get3A_201 = vector.shape_cast %get3A_200 : vector<16xi32> to vector<16xi32>
      %shift_right_logical3A_202 = arith.constant 7 : i32
      %shift_right_logical3A_203 = vector.broadcast %shift_right_logical3A_202 : i32 to vector<16xi32>
      %shift_right_logical3A_204 = arith.shrui %get3A_201, %shift_right_logical3A_203 : vector<16xi32>
      %mul3A_205 = arith.constant 6554 : i32
      %mul3A_206 = vector.broadcast %mul3A_205 : i32 to vector<16xi32>
      %mul3A_207 = arith.muli %shift_right_logical3A_204, %mul3A_206 : vector<16xi32>
      %shift_right_logical3A_208 = arith.constant 15 : i32
      %shift_right_logical3A_209 = vector.broadcast %shift_right_logical3A_208 : i32 to vector<16xi32>
      %shift_right_logical3A_210 = arith.shrui %mul3A_207, %shift_right_logical3A_209 : vector<16xi32>
      %mul3A_211 = arith.constant 640 : i32
      %mul3A_212 = vector.broadcast %mul3A_211 : i32 to vector<16xi32>
      %mul3A_213 = arith.muli %shift_right_logical3A_210, %mul3A_212 : vector<16xi32>
      %sub3A_214 = arith.subi %get3A_201, %mul3A_213 : vector<16xi32>
      %mul3A_215 = arith.constant 16 : i32
      %mul3A_216 = vector.broadcast %mul3A_215 : i32 to vector<16xi32>
      %mul3A_217 = arith.muli %mul3A_216, %sub3A_214 : vector<16xi32>
      %add3A_218 = arith.addi %mul3A_217, %shift_right_logical3A_210 : vector<16xi32>
      %swap3A_219 = arith.index_cast %scan3A_168 : i32 to index
      %swap3A_220 = arith.constant 16 : index
      %swap3A_221 = tpu.vector_load %arg7[%swap3A_219, %swap3A_220] {strides = array<i32>} : memref<40x128xi32, #tpu.memory_space<vmem>>, vector<1x16xi32>,
      %swap3A_222 = vector.shape_cast %swap3A_221 : vector<1x16xi32> to vector<16xi32>
      %swap3A_223 = vector.shape_cast %add3A_218 : vector<16xi32> to vector<1x16xi32>
      tpu.vector_store %arg7[%swap3A_219, %swap3A_220], %swap3A_223 {strides = array<i32>} : memref<40x128xi32, #tpu.memory_space<vmem>>, vector<1x16xi32>,
      %mul3A_224 = arith.constant 128 : i32
      %mul3A_225 = arith.muli %scan3A_168, %mul3A_224 : i32
      %add3A_226 = arith.constant 32 : i32
      %add3A_227 = arith.addi %mul3A_225, %add3A_226 : i32
      %get3A_228 = arith.index_cast %add3A_227 : i32 to index
      %get3A_229 = tpu.vector_load %arg8[%get3A_228] {strides = array<i32>} : memref<5256xi32, #tpu.memory_space<vmem>>, vector<16xi32>,
      %get3A_230 = vector.shape_cast %get3A_229 : vector<16xi32> to vector<16xi32>
      %shift_right_logical3A_231 = arith.constant 7 : i32
      %shift_right_logical3A_232 = vector.broadcast %shift_right_logical3A_231 : i32 to vector<16xi32>
      %shift_right_logical3A_233 = arith.shrui %get3A_230, %shift_right_logical3A_232 : vector<16xi32>
      %mul3A_234 = arith.constant 6554 : i32
      %mul3A_235 = vector.broadcast %mul3A_234 : i32 to vector<16xi32>
      %mul3A_236 = arith.muli %shift_right_logical3A_233, %mul3A_235 : vector<16xi32>
      %shift_right_logical3A_237 = arith.constant 15 : i32
      %shift_right_logical3A_238 = vector.broadcast %shift_right_logical3A_237 : i32 to vector<16xi32>
      %shift_right_logical3A_239 = arith.shrui %mul3A_236, %shift_right_logical3A_238 : vector<16xi32>
      %mul3A_240 = arith.constant 640 : i32
      %mul3A_241 = vector.broadcast %mul3A_240 : i32 to vector<16xi32>
      %mul3A_242 = arith.muli %shift_right_logical3A_239, %mul3A_241 : vector<16xi32>
      %sub3A_243 = arith.subi %get3A_230, %mul3A_242 : vector<16xi32>
      %mul3A_244 = arith.constant 16 : i32
      %mul3A_245 = vector.broadcast %mul3A_244 : i32 to vector<16xi32>
      %mul3A_246 = arith.muli %mul3A_245, %sub3A_243 : vector<16xi32>
      %add3A_247 = arith.addi %mul3A_246, %shift_right_logical3A_239 : vector<16xi32>
      %swap3A_248 = arith.index_cast %scan3A_168 : i32 to index
      %swap3A_249 = arith.constant 32 : index
      %swap3A_250 = tpu.vector_load %arg7[%swap3A_248, %swap3A_249] {strides = array<i32>} : memref<40x128xi32, #tpu.memory_space<vmem>>, vector<1x16xi32>,
      %swap3A_251 = vector.shape_cast %swap3A_250 : vector<1x16xi32> to vector<16xi32>
      %swap3A_252 = vector.shape_cast %add3A_247 : vector<16xi32> to vector<1x16xi32>
      tpu.vector_store %arg7[%swap3A_248, %swap3A_249], %swap3A_252 {strides = array<i32>} : memref<40x128xi32, #tpu.memory_space<vmem>>, vector<1x16xi32>,
      %mul3A_253 = arith.constant 128 : i32
      %mul3A_254 = arith.muli %scan3A_168, %mul3A_253 : i32
      %add3A_255 = arith.constant 48 : i32
      %add3A_256 = arith.addi %mul3A_254, %add3A_255 : i32
      %get3A_257 = arith.index_cast %add3A_256 : i32 to index
      %get3A_258 = tpu.vector_load %arg8[%get3A_257] {strides = array<i32>} : memref<5256xi32, #tpu.memory_space<vmem>>, vector<16xi32>,
      %get3A_259 = vector.shape_cast %get3A_258 : vector<16xi32> to vector<16xi32>
      %shift_right_logical3A_260 = arith.constant 7 : i32
      %shift_right_logical3A_261 = vector.broadcast %shift_right_logical3A_260 : i32 to vector<16xi32>
      %shift_right_logical3A_262 = arith.shrui %get3A_259, %shift_right_logical3A_261 : vector<16xi32>
      %mul3A_263 = arith.constant 6554 : i32
      %mul3A_264 = vector.broadcast %mul3A_263 : i32 to vector<16xi32>
      %mul3A_265 = arith.muli %shift_right_logical3A_262, %mul3A_264 : vector<16xi32>
      %shift_right_logical3A_266 = arith.constant 15 : i32
      %shift_right_logical3A_267 = vector.broadcast %shift_right_logical3A_266 : i32 to vector<16xi32>
      %shift_right_logical3A_268 = arith.shrui %mul3A_265, %shift_right_logical3A_267 : vector<16xi32>
      %mul3A_269 = arith.constant 640 : i32
      %mul3A_270 = vector.broadcast %mul3A_269 : i32 to vector<16xi32>
      %mul3A_271 = arith.muli %shift_right_logical3A_268, %mul3A_270 : vector<16xi32>
      %sub3A_272 = arith.subi %get3A_259, %mul3A_271 : vector<16xi32>
      %mul3A_273 = arith.constant 16 : i32
      %mul3A_274 = vector.broadcast %mul3A_273 : i32 to vector<16xi32>
      %mul3A_275 = arith.muli %mul3A_274, %sub3A_272 : vector<16xi32>
      %add3A_276 = arith.addi %mul3A_275, %shift_right_logical3A_268 : vector<16xi32>
      %swap3A_277 = arith.index_cast %scan3A_168 : i32 to index
      %swap3A_278 = arith.constant 48 : index
      %swap3A_279 = tpu.vector_load %arg7[%swap3A_277, %swap3A_278] {strides = array<i32>} : memref<40x128xi32, #tpu.memory_space<vmem>>, vector<1x16xi32>,
      %swap3A_280 = vector.shape_cast %swap3A_279 : vector<1x16xi32> to vector<16xi32>
      %swap3A_281 = vector.shape_cast %add3A_276 : vector<16xi32> to vector<1x16xi32>
      tpu.vector_store %arg7[%swap3A_277, %swap3A_278], %swap3A_281 {strides = array<i32>} : memref<40x128xi32, #tpu.memory_space<vmem>>, vector<1x16xi32>,
      %mul3A_282 = arith.constant 128 : i32
      %mul3A_283 = arith.muli %scan3A_168, %mul3A_282 : i32
      %add3A_284 = arith.constant 64 : i32
      %add3A_285 = arith.addi %mul3A_283, %add3A_284 : i32
      %get3A_286 = arith.index_cast %add3A_285 : i32 to index
      %get3A_287 = tpu.vector_load %arg8[%get3A_286] {strides = array<i32>} : memref<5256xi32, #tpu.memory_space<vmem>>, vector<16xi32>,
      %get3A_288 = vector.shape_cast %get3A_287 : vector<16xi32> to vector<16xi32>
      %shift_right_logical3A_289 = arith.constant 7 : i32
      %shift_right_logical3A_290 = vector.broadcast %shift_right_logical3A_289 : i32 to vector<16xi32>
      %shift_right_logical3A_291 = arith.shrui %get3A_288, %shift_right_logical3A_290 : vector<16xi32>
      %mul3A_292 = arith.constant 6554 : i32
      %mul3A_293 = vector.broadcast %mul3A_292 : i32 to vector<16xi32>
      %mul3A_294 = arith.muli %shift_right_logical3A_291, %mul3A_293 : vector<16xi32>
      %shift_right_logical3A_295 = arith.constant 15 : i32
      %shift_right_logical3A_296 = vector.broadcast %shift_right_logical3A_295 : i32 to vector<16xi32>
      %shift_right_logical3A_297 = arith.shrui %mul3A_294, %shift_right_logical3A_296 : vector<16xi32>
      %mul3A_298 = arith.constant 640 : i32
      %mul3A_299 = vector.broadcast %mul3A_298 : i32 to vector<16xi32>
      %mul3A_300 = arith.muli %shift_right_logical3A_297, %mul3A_299 : vector<16xi32>
      %sub3A_301 = arith.subi %get3A_288, %mul3A_300 : vector<16xi32>
      %mul3A_302 = arith.constant 16 : i32
      %mul3A_303 = vector.broadcast %mul3A_302 : i32 to vector<16xi32>
      %mul3A_304 = arith.muli %mul3A_303, %sub3A_301 : vector<16xi32>
      %add3A_305 = arith.addi %mul3A_304, %shift_right_logical3A_297 : vector<16xi32>
      %swap3A_306 = arith.index_cast %scan3A_168 : i32 to index
      %swap3A_307 = arith.constant 64 : index
      %swap3A_308 = tpu.vector_load %arg7[%swap3A_306, %swap3A_307] {strides = array<i32>} : memref<40x128xi32, #tpu.memory_space<vmem>>, vector<1x16xi32>,
      %swap3A_309 = vector.shape_cast %swap3A_308 : vector<1x16xi32> to vector<16xi32>
      %swap3A_310 = vector.shape_cast %add3A_305 : vector<16xi32> to vector<1x16xi32>
      tpu.vector_store %arg7[%swap3A_306, %swap3A_307], %swap3A_310 {strides = array<i32>} : memref<40x128xi32, #tpu.memory_space<vmem>>, vector<1x16xi32>,
      %mul3A_311 = arith.constant 128 : i32
      %mul3A_312 = arith.muli %scan3A_168, %mul3A_311 : i32
      %add3A_313 = arith.constant 80 : i32
      %add3A_314 = arith.addi %mul3A_312, %add3A_313 : i32
      %get3A_315 = arith.index_cast %add3A_314 : i32 to index
      %get3A_316 = tpu.vector_load %arg8[%get3A_315] {strides = array<i32>} : memref<5256xi32, #tpu.memory_space<vmem>>, vector<16xi32>,
      %get3A_317 = vector.shape_cast %get3A_316 : vector<16xi32> to vector<16xi32>
      %shift_right_logical3A_318 = arith.constant 7 : i32
      %shift_right_logical3A_319 = vector.broadcast %shift_right_logical3A_318 : i32 to vector<16xi32>
      %shift_right_logical3A_320 = arith.shrui %get3A_317, %shift_right_logical3A_319 : vector<16xi32>
      %mul3A_321 = arith.constant 6554 : i32
      %mul3A_322 = vector.broadcast %mul3A_321 : i32 to vector<16xi32>
      %mul3A_323 = arith.muli %shift_right_logical3A_320, %mul3A_322 : vector<16xi32>
      %shift_right_logical3A_324 = arith.constant 15 : i32
      %shift_right_logical3A_325 = vector.broadcast %shift_right_logical3A_324 : i32 to vector<16xi32>
      %shift_right_logical3A_326 = arith.shrui %mul3A_323, %shift_right_logical3A_325 : vector<16xi32>
      %mul3A_327 = arith.constant 640 : i32
      %mul3A_328 = vector.broadcast %mul3A_327 : i32 to vector<16xi32>
      %mul3A_329 = arith.muli %shift_right_logical3A_326, %mul3A_328 : vector<16xi32>
      %sub3A_330 = arith.subi %get3A_317, %mul3A_329 : vector<16xi32>
      %mul3A_331 = arith.constant 16 : i32
      %mul3A_332 = vector.broadcast %mul3A_331 : i32 to vector<16xi32>
      %mul3A_333 = arith.muli %mul3A_332, %sub3A_330 : vector<16xi32>
      %add3A_334 = arith.addi %mul3A_333, %shift_right_logical3A_326 : vector<16xi32>
      %swap3A_335 = arith.index_cast %scan3A_168 : i32 to index
      %swap3A_336 = arith.constant 80 : index
      %swap3A_337 = tpu.vector_load %arg7[%swap3A_335, %swap3A_336] {strides = array<i32>} : memref<40x128xi32, #tpu.memory_space<vmem>>, vector<1x16xi32>,
      %swap3A_338 = vector.shape_cast %swap3A_337 : vector<1x16xi32> to vector<16xi32>
      %swap3A_339 = vector.shape_cast %add3A_334 : vector<16xi32> to vector<1x16xi32>
      tpu.vector_store %arg7[%swap3A_335, %swap3A_336], %swap3A_339 {strides = array<i32>} : memref<40x128xi32, #tpu.memory_space<vmem>>, vector<1x16xi32>,
      %mul3A_340 = arith.constant 128 : i32
      %mul3A_341 = arith.muli %scan3A_168, %mul3A_340 : i32
      %add3A_342 = arith.constant 96 : i32
      %add3A_343 = arith.addi %mul3A_341, %add3A_342 : i32
      %get3A_344 = arith.index_cast %add3A_343 : i32 to index
      %get3A_345 = tpu.vector_load %arg8[%get3A_344] {strides = array<i32>} : memref<5256xi32, #tpu.memory_space<vmem>>, vector<16xi32>,
      %get3A_346 = vector.shape_cast %get3A_345 : vector<16xi32> to vector<16xi32>
      %shift_right_logical3A_347 = arith.constant 7 : i32
      %shift_right_logical3A_348 = vector.broadcast %shift_right_logical3A_347 : i32 to vector<16xi32>
      %shift_right_logical3A_349 = arith.shrui %get3A_346, %shift_right_logical3A_348 : vector<16xi32>
      %mul3A_350 = arith.constant 6554 : i32
      %mul3A_351 = vector.broadcast %mul3A_350 : i32 to vector<16xi32>
      %mul3A_352 = arith.muli %shift_right_logical3A_349, %mul3A_351 : vector<16xi32>
      %shift_right_logical3A_353 = arith.constant 15 : i32
      %shift_right_logical3A_354 = vector.broadcast %shift_right_logical3A_353 : i32 to vector<16xi32>
      %shift_right_logical3A_355 = arith.shrui %mul3A_352, %shift_right_logical3A_354 : vector<16xi32>
      %mul3A_356 = arith.constant 640 : i32
      %mul3A_357 = vector.broadcast %mul3A_356 : i32 to vector<16xi32>
      %mul3A_358 = arith.muli %shift_right_logical3A_355, %mul3A_357 : vector<16xi32>
      %sub3A_359 = arith.subi %get3A_346, %mul3A_358 : vector<16xi32>
      %mul3A_360 = arith.constant 16 : i32
      %mul3A_361 = vector.broadcast %mul3A_360 : i32 to vector<16xi32>
      %mul3A_362 = arith.muli %mul3A_361, %sub3A_359 : vector<16xi32>
      %add3A_363 = arith.addi %mul3A_362, %shift_right_logical3A_355 : vector<16xi32>
      %swap3A_364 = arith.index_cast %scan3A_168 : i32 to index
      %swap3A_365 = arith.constant 96 : index
      %swap3A_366 = tpu.vector_load %arg7[%swap3A_364, %swap3A_365] {strides = array<i32>} : memref<40x128xi32, #tpu.memory_space<vmem>>, vector<1x16xi32>,
      %swap3A_367 = vector.shape_cast %swap3A_366 : vector<1x16xi32> to vector<16xi32>
      %swap3A_368 = vector.shape_cast %add3A_363 : vector<16xi32> to vector<1x16xi32>
      tpu.vector_store %arg7[%swap3A_364, %swap3A_365], %swap3A_368 {strides = array<i32>} : memref<40x128xi32, #tpu.memory_space<vmem>>, vector<1x16xi32>,
      %mul3A_369 = arith.constant 128 : i32
      %mul3A_370 = arith.muli %scan3A_168, %mul3A_369 : i32
      %add3A_371 = arith.constant 112 : i32
      %add3A_372 = arith.addi %mul3A_370, %add3A_371 : i32
      %get3A_373 = arith.index_cast %add3A_372 : i32 to index
      %get3A_374 = tpu.vector_load %arg8[%get3A_373] {strides = array<i32>} : memref<5256xi32, #tpu.memory_space<vmem>>, vector<16xi32>,
      %get3A_375 = vector.shape_cast %get3A_374 : vector<16xi32> to vector<16xi32>
      %shift_right_logical3A_376 = arith.constant 7 : i32
      %shift_right_logical3A_377 = vector.broadcast %shift_right_logical3A_376 : i32 to vector<16xi32>
      %shift_right_logical3A_378 = arith.shrui %get3A_375, %shift_right_logical3A_377 : vector<16xi32>
      %mul3A_379 = arith.constant 6554 : i32
      %mul3A_380 = vector.broadcast %mul3A_379 : i32 to vector<16xi32>
      %mul3A_381 = arith.muli %shift_right_logical3A_378, %mul3A_380 : vector<16xi32>
      %shift_right_logical3A_382 = arith.constant 15 : i32
      %shift_right_logical3A_383 = vector.broadcast %shift_right_logical3A_382 : i32 to vector<16xi32>
      %shift_right_logical3A_384 = arith.shrui %mul3A_381, %shift_right_logical3A_383 : vector<16xi32>
      %mul3A_385 = arith.constant 640 : i32
      %mul3A_386 = vector.broadcast %mul3A_385 : i32 to vector<16xi32>
      %mul3A_387 = arith.muli %shift_right_logical3A_384, %mul3A_386 : vector<16xi32>
      %sub3A_388 = arith.subi %get3A_375, %mul3A_387 : vector<16xi32>
      %mul3A_389 = arith.constant 16 : i32
      %mul3A_390 = vector.broadcast %mul3A_389 : i32 to vector<16xi32>
      %mul3A_391 = arith.muli %mul3A_390, %sub3A_388 : vector<16xi32>
      %add3A_392 = arith.addi %mul3A_391, %shift_right_logical3A_384 : vector<16xi32>
      %swap3A_393 = arith.index_cast %scan3A_168 : i32 to index
      %swap3A_394 = arith.constant 112 : index
      %swap3A_395 = tpu.vector_load %arg7[%swap3A_393, %swap3A_394] {strides = array<i32>} : memref<40x128xi32, #tpu.memory_space<vmem>>, vector<1x16xi32>,
      %swap3A_396 = vector.shape_cast %swap3A_395 : vector<1x16xi32> to vector<16xi32>
      %swap3A_397 = vector.shape_cast %add3A_392 : vector<16xi32> to vector<1x16xi32>
      tpu.vector_store %arg7[%swap3A_393, %swap3A_394], %swap3A_397 {strides = array<i32>} : memref<40x128xi32, #tpu.memory_space<vmem>>, vector<1x16xi32>,
    }
    %scan3A_71 = arith.constant 40 : i32
    %barrier3A = arith.constant 0 : index
    tpu.barrier barrier_id(%barrier3A)
    %dma_start3A = arith.constant 0 : i32
    %dma_start3A_72 = arith.constant 0 : i32
    %dma_start3A_73 = tpu.memref_slice %arg7[%dma_start3A, %dma_start3A_72] : memref<40x128xi32, #tpu.memory_space<vmem>> -> memref<1x128xi32, #tpu.memory_space<vmem>>
    %dma_start3A_74 = tpu.memref_squeeze %dma_start3A_73 : memref<1x128xi32, #tpu.memory_space<vmem>> -> memref<128xi32, #tpu.memory_space<vmem>>
    %dma_start3A_75 = arith.constant 0 : i32
    %dma_start3A_76 = arith.constant 0 : i32
    %dma_start3A_77 = tpu.memref_slice %arg11[%dma_start3A_75, %dma_start3A_76] : memref<10240x8xf32, #tpu.memory_space<vmem_shared>> -> memref<10240x8xf32, #tpu.memory_space<vmem_shared>>
    tpu.enqueue_indirect_dma source(%arg9 : memref<128x8xf32, #tpu.memory_space<vmem>>) target(%dma_start3A_77 : memref<10240x8xf32, #tpu.memory_space<vmem_shared>>) offsets(%dma_start3A_74 : memref<128xi32, #tpu.memory_space<vmem>>) semaphore(%arg10 : memref<!tpu.dma_semaphore, #tpu.memory_space<semaphore_mem>>) {add = true}
    %dma_start3A_78 = arith.constant 1 : i32
    %dma_start3A_79 = arith.constant 0 : i32
    %dma_start3A_80 = tpu.memref_slice %arg7[%dma_start3A_78, %dma_start3A_79] : memref<40x128xi32, #tpu.memory_space<vmem>> -> memref<1x128xi32, #tpu.memory_space<vmem>>
    %dma_start3A_81 = tpu.memref_squeeze %dma_start3A_80 : memref<1x128xi32, #tpu.memory_space<vmem>> -> memref<128xi32, #tpu.memory_space<vmem>>
    %dma_start3A_82 = arith.constant 0 : i32
    %dma_start3A_83 = arith.constant 0 : i32
    %dma_start3A_84 = tpu.memref_slice %arg11[%dma_start3A_82, %dma_start3A_83] : memref<10240x8xf32, #tpu.memory_space<vmem_shared>> -> memref<10240x8xf32, #tpu.memory_space<vmem_shared>>
    tpu.enqueue_indirect_dma source(%arg9 : memref<128x8xf32, #tpu.memory_space<vmem>>) target(%dma_start3A_84 : memref<10240x8xf32, #tpu.memory_space<vmem_shared>>) offsets(%dma_start3A_81 : memref<128xi32, #tpu.memory_space<vmem>>) semaphore(%arg10 : memref<!tpu.dma_semaphore, #tpu.memory_space<semaphore_mem>>) {add = true}
    %dma_start3A_85 = arith.constant 2 : i32
    %dma_start3A_86 = arith.constant 0 : i32
    %dma_start3A_87 = tpu.memref_slice %arg7[%dma_start3A_85, %dma_start3A_86] : memref<40x128xi32, #tpu.memory_space<vmem>> -> memref<1x128xi32, #tpu.memory_space<vmem>>
    %dma_start3A_88 = tpu.memref_squeeze %dma_start3A_87 : memref<1x128xi32, #tpu.memory_space<vmem>> -> memref<128xi32, #tpu.memory_space<vmem>>
    %dma_start3A_89 = arith.constant 0 : i32
    %dma_start3A_90 = arith.constant 0 : i32
    %dma_start3A_91 = tpu.memref_slice %arg11[%dma_start3A_89, %dma_start3A_90] : memref<10240x8xf32, #tpu.memory_space<vmem_shared>> -> memref<10240x8xf32, #tpu.memory_space<vmem_shared>>
    tpu.enqueue_indirect_dma source(%arg9 : memref<128x8xf32, #tpu.memory_space<vmem>>) target(%dma_start3A_91 : memref<10240x8xf32, #tpu.memory_space<vmem_shared>>) offsets(%dma_start3A_88 : memref<128xi32, #tpu.memory_space<vmem>>) semaphore(%arg10 : memref<!tpu.dma_semaphore, #tpu.memory_space<semaphore_mem>>) {add = true}
    %dma_start3A_92 = arith.constant 3 : i32
    %dma_start3A_93 = arith.constant 0 : i32
    %dma_start3A_94 = tpu.memref_slice %arg7[%dma_start3A_92, %dma_start3A_93] : memref<40x128xi32, #tpu.memory_space<vmem>> -> memref<1x128xi32, #tpu.memory_space<vmem>>
    %dma_start3A_95 = tpu.memref_squeeze %dma_start3A_94 : memref<1x128xi32, #tpu.memory_space<vmem>> -> memref<128xi32, #tpu.memory_space<vmem>>
    %dma_start3A_96 = arith.constant 0 : i32
    %dma_start3A_97 = arith.constant 0 : i32
    %dma_start3A_98 = tpu.memref_slice %arg11[%dma_start3A_96, %dma_start3A_97] : memref<10240x8xf32, #tpu.memory_space<vmem_shared>> -> memref<10240x8xf32, #tpu.memory_space<vmem_shared>>
    tpu.enqueue_indirect_dma source(%arg9 : memref<128x8xf32, #tpu.memory_space<vmem>>) target(%dma_start3A_98 : memref<10240x8xf32, #tpu.memory_space<vmem_shared>>) offsets(%dma_start3A_95 : memref<128xi32, #tpu.memory_space<vmem>>) semaphore(%arg10 : memref<!tpu.dma_semaphore, #tpu.memory_space<semaphore_mem>>) {add = true}
    %dma_start3A_99 = arith.constant 4 : i32
    %dma_start3A_100 = arith.constant 0 : i32
    %dma_start3A_101 = tpu.memref_slice %arg7[%dma_start3A_99, %dma_start3A_100] : memref<40x128xi32, #tpu.memory_space<vmem>> -> memref<1x128xi32, #tpu.memory_space<vmem>>
    %dma_start3A_102 = tpu.memref_squeeze %dma_start3A_101 : memref<1x128xi32, #tpu.memory_space<vmem>> -> memref<128xi32, #tpu.memory_space<vmem>>
    %dma_start3A_103 = arith.constant 0 : i32
    %dma_start3A_104 = arith.constant 0 : i32
    %dma_start3A_105 = tpu.memref_slice %arg11[%dma_start3A_103, %dma_start3A_104] : memref<10240x8xf32, #tpu.memory_space<vmem_shared>> -> memref<10240x8xf32, #tpu.memory_space<vmem_shared>>
    tpu.enqueue_indirect_dma source(%arg9 : memref<128x8xf32, #tpu.memory_space<vmem>>) target(%dma_start3A_105 : memref<10240x8xf32, #tpu.memory_space<vmem_shared>>) offsets(%dma_start3A_102 : memref<128xi32, #tpu.memory_space<vmem>>) semaphore(%arg10 : memref<!tpu.dma_semaphore, #tpu.memory_space<semaphore_mem>>) {add = true}
    %dma_start3A_106 = arith.constant 5 : i32
    %dma_start3A_107 = arith.constant 0 : i32
    %dma_start3A_108 = tpu.memref_slice %arg7[%dma_start3A_106, %dma_start3A_107] : memref<40x128xi32, #tpu.memory_space<vmem>> -> memref<1x128xi32, #tpu.memory_space<vmem>>
    %dma_start3A_109 = tpu.memref_squeeze %dma_start3A_108 : memref<1x128xi32, #tpu.memory_space<vmem>> -> memref<128xi32, #tpu.memory_space<vmem>>
    %dma_start3A_110 = arith.constant 0 : i32
    %dma_start3A_111 = arith.constant 0 : i32
    %dma_start3A_112 = tpu.memref_slice %arg11[%dma_start3A_110, %dma_start3A_111] : memref<10240x8xf32, #tpu.memory_space<vmem_shared>> -> memref<10240x8xf32, #tpu.memory_space<vmem_shared>>
    tpu.enqueue_indirect_dma source(%arg9 : memref<128x8xf32, #tpu.memory_space<vmem>>) target(%dma_start3A_112 : memref<10240x8xf32, #tpu.memory_space<vmem_shared>>) offsets(%dma_start3A_109 : memref<128xi32, #tpu.memory_space<vmem>>) semaphore(%arg10 : memref<!tpu.dma_semaphore, #tpu.memory_space<semaphore_mem>>) {add = true}
    %scan3A_113 = arith.constant 0 : i32
    %scan3A_114 = arith.constant 0 : i32
    %scan3A_115 = arith.constant 34 : i32
    %scan3A_116 = arith.addi %scan3A_114, %scan3A_115 : i32
    %scan3A_117 = arith.constant 1 : i32
    scf.for %scan3A_168 = %scan3A_114 to %scan3A_116 step %scan3A_117  : i32 {
      %dma_wait3A_169 = arith.constant 0 : i32
      %dma_wait3A_170 = arith.constant 0 : i32
      %dma_wait3A_171 = tpu.memref_slice %arg7[%dma_wait3A_169, %dma_wait3A_170] : memref<40x128xi32, #tpu.memory_space<vmem>> -> memref<1x128xi32, #tpu.memory_space<vmem>>
      %dma_wait3A_172 = tpu.memref_squeeze %dma_wait3A_171 : memref<1x128xi32, #tpu.memory_space<vmem>> -> memref<128xi32, #tpu.memory_space<vmem>>
      %dma_wait3A_173 = arith.constant 0 : i32
      %dma_wait3A_174 = arith.constant 0 : i32
      %dma_wait3A_175 = tpu.memref_slice %arg11[%dma_wait3A_173, %dma_wait3A_174] : memref<10240x8xf32, #tpu.memory_space<vmem_shared>> -> memref<10240x8xf32, #tpu.memory_space<vmem_shared>>
      tpu.wait_indirect_dma semaphore(%arg10 : memref<!tpu.dma_semaphore, #tpu.memory_space<semaphore_mem>>) src(%arg9 : memref<128x8xf32, #tpu.memory_space<vmem>>) dst(%dma_wait3A_175 : memref<10240x8xf32, #tpu.memory_space<vmem_shared>>)
      %add3A_176 = arith.constant 6 : i32
      %add3A_177 = arith.addi %scan3A_168, %add3A_176 : i32
      %dma_start3A_178 = arith.constant 0 : i32
      %dma_start3A_179 = tpu.memref_slice %arg7[%add3A_177, %dma_start3A_178] : memref<40x128xi32, #tpu.memory_space<vmem>> -> memref<1x128xi32, #tpu.memory_space<vmem>>
      %dma_start3A_180 = tpu.memref_squeeze %dma_start3A_179 : memref<1x128xi32, #tpu.memory_space<vmem>> -> memref<128xi32, #tpu.memory_space<vmem>>
      %dma_start3A_181 = arith.constant 0 : i32
      %dma_start3A_182 = arith.constant 0 : i32
      %dma_start3A_183 = tpu.memref_slice %arg11[%dma_start3A_181, %dma_start3A_182] : memref<10240x8xf32, #tpu.memory_space<vmem_shared>> -> memref<10240x8xf32, #tpu.memory_space<vmem_shared>>
      tpu.enqueue_indirect_dma source(%arg9 : memref<128x8xf32, #tpu.memory_space<vmem>>) target(%dma_start3A_183 : memref<10240x8xf32, #tpu.memory_space<vmem_shared>>) offsets(%dma_start3A_180 : memref<128xi32, #tpu.memory_space<vmem>>) semaphore(%arg10 : memref<!tpu.dma_semaphore, #tpu.memory_space<semaphore_mem>>) {add = true}
    }
    %scan3A_118 = arith.constant 34 : i32
    %dma_wait3A = arith.constant 0 : i32
    %dma_wait3A_119 = arith.constant 0 : i32
    %dma_wait3A_120 = tpu.memref_slice %arg7[%dma_wait3A, %dma_wait3A_119] : memref<40x128xi32, #tpu.memory_space<vmem>> -> memref<1x128xi32, #tpu.memory_space<vmem>>
    %dma_wait3A_121 = tpu.memref_squeeze %dma_wait3A_120 : memref<1x128xi32, #tpu.memory_space<vmem>> -> memref<128xi32, #tpu.memory_space<vmem>>
    %dma_wait3A_122 = arith.constant 0 : i32
    %dma_wait3A_123 = arith.constant 0 : i32
    %dma_wait3A_124 = tpu.memref_slice %arg11[%dma_wait3A_122, %dma_wait3A_123] : memref<10240x8xf32, #tpu.memory_space<vmem_shared>> -> memref<10240x8xf32, #tpu.memory_space<vmem_shared>>
    tpu.wait_indirect_dma semaphore(%arg10 : memref<!tpu.dma_semaphore, #tpu.memory_space<semaphore_mem>>) src(%arg9 : memref<128x8xf32, #tpu.memory_space<vmem>>) dst(%dma_wait3A_124 : memref<10240x8xf32, #tpu.memory_space<vmem_shared>>)
    %dma_wait3A_125 = arith.constant 0 : i32
    %dma_wait3A_126 = arith.constant 0 : i32
    %dma_wait3A_127 = tpu.memref_slice %arg7[%dma_wait3A_125, %dma_wait3A_126] : memref<40x128xi32, #tpu.memory_space<vmem>> -> memref<1x128xi32, #tpu.memory_space<vmem>>
    %dma_wait3A_128 = tpu.memref_squeeze %dma_wait3A_127 : memref<1x128xi32, #tpu.memory_space<vmem>> -> memref<128xi32, #tpu.memory_space<vmem>>
    %dma_wait3A_129 = arith.constant 0 : i32
    %dma_wait3A_130 = arith.constant 0 : i32
    %dma_wait3A_131 = tpu.memref_slice %arg11[%dma_wait3A_129, %dma_wait3A_130] : memref<10240x8xf32, #tpu.memory_space<vmem_shared>> -> memref<10240x8xf32, #tpu.memory_space<vmem_shared>>
    tpu.wait_indirect_dma semaphore(%arg10 : memref<!tpu.dma_semaphore, #tpu.memory_space<semaphore_mem>>) src(%arg9 : memref<128x8xf32, #tpu.memory_space<vmem>>) dst(%dma_wait3A_131 : memref<10240x8xf32, #tpu.memory_space<vmem_shared>>)
    %dma_wait3A_132 = arith.constant 0 : i32
    %dma_wait3A_133 = arith.constant 0 : i32
    %dma_wait3A_134 = tpu.memref_slice %arg7[%dma_wait3A_132, %dma_wait3A_133] : memref<40x128xi32, #tpu.memory_space<vmem>> -> memref<1x128xi32, #tpu.memory_space<vmem>>
    %dma_wait3A_135 = tpu.memref_squeeze %dma_wait3A_134 : memref<1x128xi32, #tpu.memory_space<vmem>> -> memref<128xi32, #tpu.memory_space<vmem>>
    %dma_wait3A_136 = arith.constant 0 : i32
    %dma_wait3A_137 = arith.constant 0 : i32
    %dma_wait3A_138 = tpu.memref_slice %arg11[%dma_wait3A_136, %dma_wait3A_137] : memref<10240x8xf32, #tpu.memory_space<vmem_shared>> -> memref<10240x8xf32, #tpu.memory_space<vmem_shared>>
    tpu.wait_indirect_dma semaphore(%arg10 : memref<!tpu.dma_semaphore, #tpu.memory_space<semaphore_mem>>) src(%arg9 : memref<128x8xf32, #tpu.memory_space<vmem>>) dst(%dma_wait3A_138 : memref<10240x8xf32, #tpu.memory_space<vmem_shared>>)
    %dma_wait3A_139 = arith.constant 0 : i32
    %dma_wait3A_140 = arith.constant 0 : i32
    %dma_wait3A_141 = tpu.memref_slice %arg7[%dma_wait3A_139, %dma_wait3A_140] : memref<40x128xi32, #tpu.memory_space<vmem>> -> memref<1x128xi32, #tpu.memory_space<vmem>>
    %dma_wait3A_142 = tpu.memref_squeeze %dma_wait3A_141 : memref<1x128xi32, #tpu.memory_space<vmem>> -> memref<128xi32, #tpu.memory_space<vmem>>
    %dma_wait3A_143 = arith.constant 0 : i32
    %dma_wait3A_144 = arith.constant 0 : i32
    %dma_wait3A_145 = tpu.memref_slice %arg11[%dma_wait3A_143, %dma_wait3A_144] : memref<10240x8xf32, #tpu.memory_space<vmem_shared>> -> memref<10240x8xf32, #tpu.memory_space<vmem_shared>>
    tpu.wait_indirect_dma semaphore(%arg10 : memref<!tpu.dma_semaphore, #tpu.memory_space<semaphore_mem>>) src(%arg9 : memref<128x8xf32, #tpu.memory_space<vmem>>) dst(%dma_wait3A_145 : memref<10240x8xf32, #tpu.memory_space<vmem_shared>>)
    %dma_wait3A_146 = arith.constant 0 : i32
    %dma_wait3A_147 = arith.constant 0 : i32
    %dma_wait3A_148 = tpu.memref_slice %arg7[%dma_wait3A_146, %dma_wait3A_147] : memref<40x128xi32, #tpu.memory_space<vmem>> -> memref<1x128xi32, #tpu.memory_space<vmem>>
    %dma_wait3A_149 = tpu.memref_squeeze %dma_wait3A_148 : memref<1x128xi32, #tpu.memory_space<vmem>> -> memref<128xi32, #tpu.memory_space<vmem>>
    %dma_wait3A_150 = arith.constant 0 : i32
    %dma_wait3A_151 = arith.constant 0 : i32
    %dma_wait3A_152 = tpu.memref_slice %arg11[%dma_wait3A_150, %dma_wait3A_151] : memref<10240x8xf32, #tpu.memory_space<vmem_shared>> -> memref<10240x8xf32, #tpu.memory_space<vmem_shared>>
    tpu.wait_indirect_dma semaphore(%arg10 : memref<!tpu.dma_semaphore, #tpu.memory_space<semaphore_mem>>) src(%arg9 : memref<128x8xf32, #tpu.memory_space<vmem>>) dst(%dma_wait3A_152 : memref<10240x8xf32, #tpu.memory_space<vmem_shared>>)
    %dma_wait3A_153 = arith.constant 0 : i32
    %dma_wait3A_154 = arith.constant 0 : i32
    %dma_wait3A_155 = tpu.memref_slice %arg7[%dma_wait3A_153, %dma_wait3A_154] : memref<40x128xi32, #tpu.memory_space<vmem>> -> memref<1x128xi32, #tpu.memory_space<vmem>>
    %dma_wait3A_156 = tpu.memref_squeeze %dma_wait3A_155 : memref<1x128xi32, #tpu.memory_space<vmem>> -> memref<128xi32, #tpu.memory_space<vmem>>
    %dma_wait3A_157 = arith.constant 0 : i32
    %dma_wait3A_158 = arith.constant 0 : i32
    %dma_wait3A_159 = tpu.memref_slice %arg11[%dma_wait3A_157, %dma_wait3A_158] : memref<10240x8xf32, #tpu.memory_space<vmem_shared>> -> memref<10240x8xf32, #tpu.memory_space<vmem_shared>>
    tpu.wait_indirect_dma semaphore(%arg10 : memref<!tpu.dma_semaphore, #tpu.memory_space<semaphore_mem>>) src(%arg9 : memref<128x8xf32, #tpu.memory_space<vmem>>) dst(%dma_wait3A_159 : memref<10240x8xf32, #tpu.memory_space<vmem_shared>>)
    %barrier3A_160 = arith.constant 0 : index
    tpu.barrier barrier_id(%barrier3A_160)
    %eq3A = arith.constant 0 : i32
    %eq3A_161 = arith.cmpi eq, %arg0, %eq3A : i32
    %convert_element_type3A = arith.extui %eq3A_161 : i1 to i32
    %cond3A = arith.constant 0 : i32
    %cond3A_162 = arith.cmpi ne, %convert_element_type3A, %cond3A : i32
    scf.if %cond3A_162 {
      %mul3A_168 = arith.constant 640 : i32
      %mul3A_169 = arith.muli %arg1, %mul3A_168 : i32
      %mul3A_170 = arith.constant 640 : i32
      %mul3A_171 = arith.muli %arg1, %mul3A_170 : i32
      "tpu.region"() ({
        %run_scoped3A_172 = tpu.sem_alloc : memref<!tpu.dma_semaphore, #tpu.memory_space<semaphore_mem>>
        %dma_start3A_173 = arith.constant 0 : i32
        %dma_start3A_174 = tpu.memref_slice %arg5[%mul3A_171, %dma_start3A_173] : memref<10240x8xf32, #tpu.memory_space<hbm>> -> memref<640x8xf32, #tpu.memory_space<hbm>>
        %dma_start3A_175 = arith.constant 0 : i32
        %dma_start3A_176 = tpu.memref_slice %arg11[%mul3A_169, %dma_start3A_175] : memref<10240x8xf32, #tpu.memory_space<vmem_shared>> -> memref<640x8xf32, #tpu.memory_space<vmem_shared>>
        tpu.enqueue_dma source(%dma_start3A_176 : memref<640x8xf32, #tpu.memory_space<vmem_shared>>) target(%dma_start3A_174 : memref<640x8xf32, #tpu.memory_space<hbm>>) target_semaphore(%run_scoped3A_172 : memref<!tpu.dma_semaphore, #tpu.memory_space<semaphore_mem>>)
        %dma_wait3A_177 = arith.constant 0 : i32
        %dma_wait3A_178 = tpu.memref_slice %arg5[%mul3A_171, %dma_wait3A_177] : memref<10240x8xf32, #tpu.memory_space<hbm>> -> memref<640x8xf32, #tpu.memory_space<hbm>>
        %dma_wait3A_179 = arith.constant 0 : i32
        %dma_wait3A_180 = tpu.memref_slice %arg11[%mul3A_169, %dma_wait3A_179] : memref<10240x8xf32, #tpu.memory_space<vmem_shared>> -> memref<640x8xf32, #tpu.memory_space<vmem_shared>>
        tpu.wait_dma2 semaphore(%run_scoped3A_172 : memref<!tpu.dma_semaphore, #tpu.memory_space<semaphore_mem>>) src(%dma_wait3A_180 : memref<640x8xf32, #tpu.memory_space<vmem_shared>>) dst(%dma_wait3A_178 : memref<640x8xf32, #tpu.memory_space<hbm>>)
        tpu.yield
      }) : () -> ()
    } else {
    }
    %eq3A_163 = arith.constant 1 : i32
    %eq3A_164 = arith.cmpi eq, %arg0, %eq3A_163 : i32
    %convert_element_type3A_165 = arith.extui %eq3A_164 : i1 to i32
    %cond3A_166 = arith.constant 0 : i32
    %cond3A_167 = arith.cmpi ne, %convert_element_type3A_165, %cond3A_166 : i32
    scf.if %cond3A_167 {
      %mul3A_168 = arith.constant 640 : i32
      %mul3A_169 = arith.muli %arg1, %mul3A_168 : i32
      %mul3A_170 = arith.constant 640 : i32
      %mul3A_171 = arith.muli %arg1, %mul3A_170 : i32
      "tpu.region"() ({
        %run_scoped3A_172 = tpu.sem_alloc : memref<!tpu.dma_semaphore, #tpu.memory_space<semaphore_mem>>
        %dma_start3A_173 = arith.constant 0 : i32
        %dma_start3A_174 = tpu.memref_slice %arg6[%mul3A_171, %dma_start3A_173] : memref<10240x8xf32, #tpu.memory_space<hbm>> -> memref<640x8xf32, #tpu.memory_space<hbm>>
        %dma_start3A_175 = arith.constant 0 : i32
        %dma_start3A_176 = tpu.memref_slice %arg11[%mul3A_169, %dma_start3A_175] : memref<10240x8xf32, #tpu.memory_space<vmem_shared>> -> memref<640x8xf32, #tpu.memory_space<vmem_shared>>
        tpu.enqueue_dma source(%dma_start3A_176 : memref<640x8xf32, #tpu.memory_space<vmem_shared>>) target(%dma_start3A_174 : memref<640x8xf32, #tpu.memory_space<hbm>>) target_semaphore(%run_scoped3A_172 : memref<!tpu.dma_semaphore, #tpu.memory_space<semaphore_mem>>)
        %dma_wait3A_177 = arith.constant 0 : i32
        %dma_wait3A_178 = tpu.memref_slice %arg6[%mul3A_171, %dma_wait3A_177] : memref<10240x8xf32, #tpu.memory_space<hbm>> -> memref<640x8xf32, #tpu.memory_space<hbm>>
        %dma_wait3A_179 = arith.constant 0 : i32
        %dma_wait3A_180 = tpu.memref_slice %arg11[%mul3A_169, %dma_wait3A_179] : memref<10240x8xf32, #tpu.memory_space<vmem_shared>> -> memref<640x8xf32, #tpu.memory_space<vmem_shared>>
        tpu.wait_dma2 semaphore(%run_scoped3A_172 : memref<!tpu.dma_semaphore, #tpu.memory_space<semaphore_mem>>) src(%dma_wait3A_180 : memref<640x8xf32, #tpu.memory_space<vmem_shared>>) dst(%dma_wait3A_178 : memref<640x8xf32, #tpu.memory_space<hbm>>)
        tpu.yield
      }) : () -> ()
    } else {
    }
    return
  }
}

#map = affine_map<(d0, d1) -> (0, 0)>
module attributes {stable_mosaic.version = 14 : i64} {
  func.func @_edge_kernel(%arg0: i32, %arg1: i32, %arg2: memref<10240x8xf32, #tpu.memory_space<hbm>>, %arg3: memref<2x160000xi32, #tpu.memory_space<hbm>>, %arg4: memref<10240x8xf32, #tpu.memory_space<hbm>>, %arg5: memref<10240x8xf32, #tpu.memory_space<hbm>>, %arg6: memref<10240x8xf32, #tpu.memory_space<hbm>>, %arg7: memref<40x128xi32, #tpu.memory_space<vmem>>, %arg8: memref<40x128xi32, #tpu.memory_space<vmem>>, %arg9: memref<5256xi32, #tpu.memory_space<vmem>>, %arg10: memref<10x128x8xf32, #tpu.memory_space<vmem>>, %arg11: memref<!tpu.dma_semaphore, #tpu.memory_space<semaphore_mem>>, %arg12: memref<!tpu.dma_semaphore, #tpu.memory_space<semaphore_mem>>, %arg13: memref<!tpu.dma_semaphore, #tpu.memory_space<semaphore_mem>>, %arg14: memref<!tpu.dma_semaphore, #tpu.memory_space<semaphore_mem>>, %arg15: memref<!tpu.dma_semaphore, #tpu.memory_space<semaphore_mem>>, %arg16: memref<!tpu.dma_semaphore, #tpu.memory_space<semaphore_mem>>, %arg17: memref<!tpu.dma_semaphore, #tpu.memory_space<semaphore_mem>>, %arg18: memref<!tpu.dma_semaphore, #tpu.memory_space<semaphore_mem>>, %arg19: memref<!tpu.dma_semaphore, #tpu.memory_space<semaphore_mem>>, %arg20: memref<!tpu.dma_semaphore, #tpu.memory_space<semaphore_mem>>, %arg21: memref<!tpu.dma_semaphore, #tpu.memory_space<semaphore_mem>>, %arg22: memref<!tpu.dma_semaphore, #tpu.memory_space<semaphore_mem>>, %arg23: memref<!tpu.dma_semaphore, #tpu.memory_space<semaphore_mem>>, %arg24: memref<!tpu.dma_semaphore, #tpu.memory_space<semaphore_mem>>, %arg25: memref<!tpu.dma_semaphore, #tpu.memory_space<semaphore_mem>>, %arg26: memref<!tpu.dma_semaphore, #tpu.memory_space<semaphore_mem>>, %arg27: memref<!tpu.dma_semaphore, #tpu.memory_space<semaphore_mem>>, %arg28: memref<!tpu.dma_semaphore, #tpu.memory_space<semaphore_mem>>, %arg29: memref<!tpu.dma_semaphore, #tpu.memory_space<semaphore_mem>>, %arg30: memref<!tpu.dma_semaphore, #tpu.memory_space<semaphore_mem>>, %arg31: memref<10240x8xf32, #tpu.memory_space<vmem_shared>>, %arg32: memref<10240x8xf32, #tpu.memory_space<vmem_shared>>) attributes {dimension_semantics = [#tpu.dimension_semantics<core_parallel>, #tpu.dimension_semantics<subcore_parallel>], iteration_bounds = array<i64: 2, 16>, scalar_prefetch = 0 : i64, scratch_operands = 26 : i64, tpu.core_type = #tpu.core_type<sc_vector_subcore>, window_params = [{transform_indices = #map}, {transform_indices = #map}, {transform_indices = #map}, {transform_indices = #map}, {transform_indices = #map}]} {
    %mul3A = arith.constant 2 : i32
    %mul3A_0 = arith.muli %arg1, %mul3A : i32
    %add3A = arith.addi %mul3A_0, %arg0 : i32
    %mul3A_1 = arith.constant 640 : i32
    %mul3A_2 = arith.muli %arg1, %mul3A_1 : i32
    %mul3A_3 = arith.constant 640 : i32
    %mul3A_4 = arith.muli %arg1, %mul3A_3 : i32
    "tpu.region"() ({
      %run_scoped3A_639 = tpu.sem_alloc : memref<!tpu.dma_semaphore, #tpu.memory_space<semaphore_mem>>
      %dma_start3A_640 = arith.constant 0 : i32
      %dma_start3A_641 = tpu.memref_slice %arg31[%mul3A_4, %dma_start3A_640] : memref<10240x8xf32, #tpu.memory_space<vmem_shared>> -> memref<640x8xf32, #tpu.memory_space<vmem_shared>>
      %dma_start3A_642 = arith.constant 0 : i32
      %dma_start3A_643 = tpu.memref_slice %arg4[%mul3A_2, %dma_start3A_642] : memref<10240x8xf32, #tpu.memory_space<hbm>> -> memref<640x8xf32, #tpu.memory_space<hbm>>
      tpu.enqueue_dma source(%dma_start3A_643 : memref<640x8xf32, #tpu.memory_space<hbm>>) target(%dma_start3A_641 : memref<640x8xf32, #tpu.memory_space<vmem_shared>>) target_semaphore(%run_scoped3A_639 : memref<!tpu.dma_semaphore, #tpu.memory_space<semaphore_mem>>)
      %dma_wait3A_644 = arith.constant 0 : i32
      %dma_wait3A_645 = tpu.memref_slice %arg31[%mul3A_4, %dma_wait3A_644] : memref<10240x8xf32, #tpu.memory_space<vmem_shared>> -> memref<640x8xf32, #tpu.memory_space<vmem_shared>>
      %dma_wait3A_646 = arith.constant 0 : i32
      %dma_wait3A_647 = tpu.memref_slice %arg4[%mul3A_2, %dma_wait3A_646] : memref<10240x8xf32, #tpu.memory_space<hbm>> -> memref<640x8xf32, #tpu.memory_space<hbm>>
      tpu.wait_dma2 semaphore(%run_scoped3A_639 : memref<!tpu.dma_semaphore, #tpu.memory_space<semaphore_mem>>) src(%dma_wait3A_647 : memref<640x8xf32, #tpu.memory_space<hbm>>) dst(%dma_wait3A_645 : memref<640x8xf32, #tpu.memory_space<vmem_shared>>)
      tpu.yield
    }) : () -> ()
    %mul3A_5 = arith.constant 640 : i32
    %mul3A_6 = arith.muli %arg1, %mul3A_5 : i32
    %mul3A_7 = arith.constant 640 : i32
    %mul3A_8 = arith.muli %arg1, %mul3A_7 : i32
    "tpu.region"() ({
      %run_scoped3A_639 = tpu.sem_alloc : memref<!tpu.dma_semaphore, #tpu.memory_space<semaphore_mem>>
      %dma_start3A_640 = arith.constant 0 : i32
      %dma_start3A_641 = tpu.memref_slice %arg32[%mul3A_8, %dma_start3A_640] : memref<10240x8xf32, #tpu.memory_space<vmem_shared>> -> memref<640x8xf32, #tpu.memory_space<vmem_shared>>
      %dma_start3A_642 = arith.constant 0 : i32
      %dma_start3A_643 = tpu.memref_slice %arg2[%mul3A_6, %dma_start3A_642] : memref<10240x8xf32, #tpu.memory_space<hbm>> -> memref<640x8xf32, #tpu.memory_space<hbm>>
      tpu.enqueue_dma source(%dma_start3A_643 : memref<640x8xf32, #tpu.memory_space<hbm>>) target(%dma_start3A_641 : memref<640x8xf32, #tpu.memory_space<vmem_shared>>) target_semaphore(%run_scoped3A_639 : memref<!tpu.dma_semaphore, #tpu.memory_space<semaphore_mem>>)
      %dma_wait3A_644 = arith.constant 0 : i32
      %dma_wait3A_645 = tpu.memref_slice %arg32[%mul3A_8, %dma_wait3A_644] : memref<10240x8xf32, #tpu.memory_space<vmem_shared>> -> memref<640x8xf32, #tpu.memory_space<vmem_shared>>
      %dma_wait3A_646 = arith.constant 0 : i32
      %dma_wait3A_647 = tpu.memref_slice %arg2[%mul3A_6, %dma_wait3A_646] : memref<10240x8xf32, #tpu.memory_space<hbm>> -> memref<640x8xf32, #tpu.memory_space<hbm>>
      tpu.wait_dma2 semaphore(%run_scoped3A_639 : memref<!tpu.dma_semaphore, #tpu.memory_space<semaphore_mem>>) src(%dma_wait3A_647 : memref<640x8xf32, #tpu.memory_space<hbm>>) dst(%dma_wait3A_645 : memref<640x8xf32, #tpu.memory_space<vmem_shared>>)
      tpu.yield
    }) : () -> ()
    %mul3A_9 = arith.constant 5000 : i32
    %mul3A_10 = arith.muli %add3A, %mul3A_9 : i32
    %run_scoped3A = arith.constant 0 : i32
    "tpu.region"() ({
      %run_scoped3A_639 = tpu.sem_alloc : memref<!tpu.dma_semaphore, #tpu.memory_space<semaphore_mem>>
      %dma_start3A_640 = arith.constant 0 : i32
      %dma_start3A_641 = tpu.memref_slice %arg9[%dma_start3A_640] : memref<5256xi32, #tpu.memory_space<vmem>> -> memref<5000xi32, #tpu.memory_space<vmem>>
      %dma_start3A_642 = tpu.memref_slice %arg3[%run_scoped3A, %mul3A_10] : memref<2x160000xi32, #tpu.memory_space<hbm>> -> memref<1x5000xi32, #tpu.memory_space<hbm>>
      %dma_start3A_643 = tpu.memref_squeeze %dma_start3A_642 : memref<1x5000xi32, #tpu.memory_space<hbm>> -> memref<5000xi32, #tpu.memory_space<hbm>>
      %dma_start3A_644 = arith.constant 0 : i32
      %dma_start3A_645 = tpu.memref_slice %arg9[%dma_start3A_644] : memref<5256xi32, #tpu.memory_space<vmem>> -> memref<5000xi32, #tpu.memory_space<vmem>>
      %dma_start3A_646 = tpu.memref_slice %arg3[%run_scoped3A, %mul3A_10] : memref<2x160000xi32, #tpu.memory_space<hbm>> -> memref<1x5000xi32, #tpu.memory_space<hbm>>
      %dma_start3A_647 = tpu.memref_squeeze %dma_start3A_646 : memref<1x5000xi32, #tpu.memory_space<hbm>> -> memref<5000xi32, #tpu.memory_space<hbm>>
      tpu.enqueue_dma source(%dma_start3A_647 : memref<5000xi32, #tpu.memory_space<hbm>>) target(%dma_start3A_645 : memref<5000xi32, #tpu.memory_space<vmem>>) target_semaphore(%run_scoped3A_639 : memref<!tpu.dma_semaphore, #tpu.memory_space<semaphore_mem>>)
      %dma_wait3A_648 = arith.constant 0 : i32
      %dma_wait3A_649 = tpu.memref_slice %arg9[%dma_wait3A_648] : memref<5256xi32, #tpu.memory_space<vmem>> -> memref<5000xi32, #tpu.memory_space<vmem>>
      %dma_wait3A_650 = tpu.memref_slice %arg3[%run_scoped3A, %mul3A_10] : memref<2x160000xi32, #tpu.memory_space<hbm>> -> memref<1x5000xi32, #tpu.memory_space<hbm>>
      %dma_wait3A_651 = tpu.memref_squeeze %dma_wait3A_650 : memref<1x5000xi32, #tpu.memory_space<hbm>> -> memref<5000xi32, #tpu.memory_space<hbm>>
      %dma_wait3A_652 = arith.constant 0 : i32
      %dma_wait3A_653 = tpu.memref_slice %arg9[%dma_wait3A_652] : memref<5256xi32, #tpu.memory_space<vmem>> -> memref<5000xi32, #tpu.memory_space<vmem>>
      %dma_wait3A_654 = tpu.memref_slice %arg3[%run_scoped3A, %mul3A_10] : memref<2x160000xi32, #tpu.memory_space<hbm>> -> memref<1x5000xi32, #tpu.memory_space<hbm>>
      %dma_wait3A_655 = tpu.memref_squeeze %dma_wait3A_654 : memref<1x5000xi32, #tpu.memory_space<hbm>> -> memref<5000xi32, #tpu.memory_space<hbm>>
      tpu.wait_dma2 semaphore(%run_scoped3A_639 : memref<!tpu.dma_semaphore, #tpu.memory_space<semaphore_mem>>) src(%dma_wait3A_655 : memref<5000xi32, #tpu.memory_space<hbm>>) dst(%dma_wait3A_653 : memref<5000xi32, #tpu.memory_space<vmem>>)
      tpu.yield
    }) : () -> ()
    %broadcast_in_dim3A = arith.constant 10016 : i32
    %broadcast_in_dim3A_11 = vector.broadcast %broadcast_in_dim3A : i32 to vector<16xi32>
    %swap3A = arith.constant 5000 : index
    %swap3A_12 = tpu.vector_load %arg9[%swap3A] {strides = array<i32>} : memref<5256xi32, #tpu.memory_space<vmem>>, vector<16xi32>,
    %swap3A_13 = vector.shape_cast %swap3A_12 : vector<16xi32> to vector<16xi32>
    %swap3A_14 = vector.shape_cast %broadcast_in_dim3A_11 : vector<16xi32> to vector<16xi32>
    tpu.vector_store %arg9[%swap3A], %swap3A_14 {strides = array<i32>} : memref<5256xi32, #tpu.memory_space<vmem>>, vector<16xi32>,
    %swap3A_15 = arith.constant 5016 : index
    %swap3A_16 = tpu.vector_load %arg9[%swap3A_15] {strides = array<i32>} : memref<5256xi32, #tpu.memory_space<vmem>>, vector<16xi32>,
    %swap3A_17 = vector.shape_cast %swap3A_16 : vector<16xi32> to vector<16xi32>
    %swap3A_18 = vector.shape_cast %broadcast_in_dim3A_11 : vector<16xi32> to vector<16xi32>
    tpu.vector_store %arg9[%swap3A_15], %swap3A_18 {strides = array<i32>} : memref<5256xi32, #tpu.memory_space<vmem>>, vector<16xi32>,
    %swap3A_19 = arith.constant 5032 : index
    %swap3A_20 = tpu.vector_load %arg9[%swap3A_19] {strides = array<i32>} : memref<5256xi32, #tpu.memory_space<vmem>>, vector<16xi32>,
    %swap3A_21 = vector.shape_cast %swap3A_20 : vector<16xi32> to vector<16xi32>
    %swap3A_22 = vector.shape_cast %broadcast_in_dim3A_11 : vector<16xi32> to vector<16xi32>
    tpu.vector_store %arg9[%swap3A_19], %swap3A_22 {strides = array<i32>} : memref<5256xi32, #tpu.memory_space<vmem>>, vector<16xi32>,
    %swap3A_23 = arith.constant 5048 : index
    %swap3A_24 = tpu.vector_load %arg9[%swap3A_23] {strides = array<i32>} : memref<5256xi32, #tpu.memory_space<vmem>>, vector<16xi32>,
    %swap3A_25 = vector.shape_cast %swap3A_24 : vector<16xi32> to vector<16xi32>
    %swap3A_26 = vector.shape_cast %broadcast_in_dim3A_11 : vector<16xi32> to vector<16xi32>
    tpu.vector_store %arg9[%swap3A_23], %swap3A_26 {strides = array<i32>} : memref<5256xi32, #tpu.memory_space<vmem>>, vector<16xi32>,
    %swap3A_27 = arith.constant 5064 : index
    %swap3A_28 = tpu.vector_load %arg9[%swap3A_27] {strides = array<i32>} : memref<5256xi32, #tpu.memory_space<vmem>>, vector<16xi32>,
    %swap3A_29 = vector.shape_cast %swap3A_28 : vector<16xi32> to vector<16xi32>
    %swap3A_30 = vector.shape_cast %broadcast_in_dim3A_11 : vector<16xi32> to vector<16xi32>
    tpu.vector_store %arg9[%swap3A_27], %swap3A_30 {strides = array<i32>} : memref<5256xi32, #tpu.memory_space<vmem>>, vector<16xi32>,
    %swap3A_31 = arith.constant 5080 : index
    %swap3A_32 = tpu.vector_load %arg9[%swap3A_31] {strides = array<i32>} : memref<5256xi32, #tpu.memory_space<vmem>>, vector<16xi32>,
    %swap3A_33 = vector.shape_cast %swap3A_32 : vector<16xi32> to vector<16xi32>
    %swap3A_34 = vector.shape_cast %broadcast_in_dim3A_11 : vector<16xi32> to vector<16xi32>
    tpu.vector_store %arg9[%swap3A_31], %swap3A_34 {strides = array<i32>} : memref<5256xi32, #tpu.memory_space<vmem>>, vector<16xi32>,
    %swap3A_35 = arith.constant 5096 : index
    %swap3A_36 = tpu.vector_load %arg9[%swap3A_35] {strides = array<i32>} : memref<5256xi32, #tpu.memory_space<vmem>>, vector<16xi32>,
    %swap3A_37 = vector.shape_cast %swap3A_36 : vector<16xi32> to vector<16xi32>
    %swap3A_38 = vector.shape_cast %broadcast_in_dim3A_11 : vector<16xi32> to vector<16xi32>
    tpu.vector_store %arg9[%swap3A_35], %swap3A_38 {strides = array<i32>} : memref<5256xi32, #tpu.memory_space<vmem>>, vector<16xi32>,
    %swap3A_39 = arith.constant 5112 : index
    %swap3A_40 = tpu.vector_load %arg9[%swap3A_39] {strides = array<i32>} : memref<5256xi32, #tpu.memory_space<vmem>>, vector<16xi32>,
    %swap3A_41 = vector.shape_cast %swap3A_40 : vector<16xi32> to vector<16xi32>
    %swap3A_42 = vector.shape_cast %broadcast_in_dim3A_11 : vector<16xi32> to vector<16xi32>
    tpu.vector_store %arg9[%swap3A_39], %swap3A_42 {strides = array<i32>} : memref<5256xi32, #tpu.memory_space<vmem>>, vector<16xi32>,
    %swap3A_43 = arith.constant 5128 : index
    %swap3A_44 = tpu.vector_load %arg9[%swap3A_43] {strides = array<i32>} : memref<5256xi32, #tpu.memory_space<vmem>>, vector<16xi32>,
    %swap3A_45 = vector.shape_cast %swap3A_44 : vector<16xi32> to vector<16xi32>
    %swap3A_46 = vector.shape_cast %broadcast_in_dim3A_11 : vector<16xi32> to vector<16xi32>
    tpu.vector_store %arg9[%swap3A_43], %swap3A_46 {strides = array<i32>} : memref<5256xi32, #tpu.memory_space<vmem>>, vector<16xi32>,
    %swap3A_47 = arith.constant 5144 : index
    %swap3A_48 = tpu.vector_load %arg9[%swap3A_47] {strides = array<i32>} : memref<5256xi32, #tpu.memory_space<vmem>>, vector<16xi32>,
    %swap3A_49 = vector.shape_cast %swap3A_48 : vector<16xi32> to vector<16xi32>
    %swap3A_50 = vector.shape_cast %broadcast_in_dim3A_11 : vector<16xi32> to vector<16xi32>
    tpu.vector_store %arg9[%swap3A_47], %swap3A_50 {strides = array<i32>} : memref<5256xi32, #tpu.memory_space<vmem>>, vector<16xi32>,
    %swap3A_51 = arith.constant 5160 : index
    %swap3A_52 = tpu.vector_load %arg9[%swap3A_51] {strides = array<i32>} : memref<5256xi32, #tpu.memory_space<vmem>>, vector<16xi32>,
    %swap3A_53 = vector.shape_cast %swap3A_52 : vector<16xi32> to vector<16xi32>
    %swap3A_54 = vector.shape_cast %broadcast_in_dim3A_11 : vector<16xi32> to vector<16xi32>
    tpu.vector_store %arg9[%swap3A_51], %swap3A_54 {strides = array<i32>} : memref<5256xi32, #tpu.memory_space<vmem>>, vector<16xi32>,
    %swap3A_55 = arith.constant 5176 : index
    %swap3A_56 = tpu.vector_load %arg9[%swap3A_55] {strides = array<i32>} : memref<5256xi32, #tpu.memory_space<vmem>>, vector<16xi32>,
    %swap3A_57 = vector.shape_cast %swap3A_56 : vector<16xi32> to vector<16xi32>
    %swap3A_58 = vector.shape_cast %broadcast_in_dim3A_11 : vector<16xi32> to vector<16xi32>
    tpu.vector_store %arg9[%swap3A_55], %swap3A_58 {strides = array<i32>} : memref<5256xi32, #tpu.memory_space<vmem>>, vector<16xi32>,
    %swap3A_59 = arith.constant 5192 : index
    %swap3A_60 = tpu.vector_load %arg9[%swap3A_59] {strides = array<i32>} : memref<5256xi32, #tpu.memory_space<vmem>>, vector<16xi32>,
    %swap3A_61 = vector.shape_cast %swap3A_60 : vector<16xi32> to vector<16xi32>
    %swap3A_62 = vector.shape_cast %broadcast_in_dim3A_11 : vector<16xi32> to vector<16xi32>
    tpu.vector_store %arg9[%swap3A_59], %swap3A_62 {strides = array<i32>} : memref<5256xi32, #tpu.memory_space<vmem>>, vector<16xi32>,
    %swap3A_63 = arith.constant 5208 : index
    %swap3A_64 = tpu.vector_load %arg9[%swap3A_63] {strides = array<i32>} : memref<5256xi32, #tpu.memory_space<vmem>>, vector<16xi32>,
    %swap3A_65 = vector.shape_cast %swap3A_64 : vector<16xi32> to vector<16xi32>
    %swap3A_66 = vector.shape_cast %broadcast_in_dim3A_11 : vector<16xi32> to vector<16xi32>
    tpu.vector_store %arg9[%swap3A_63], %swap3A_66 {strides = array<i32>} : memref<5256xi32, #tpu.memory_space<vmem>>, vector<16xi32>,
    %swap3A_67 = arith.constant 5224 : index
    %swap3A_68 = tpu.vector_load %arg9[%swap3A_67] {strides = array<i32>} : memref<5256xi32, #tpu.memory_space<vmem>>, vector<16xi32>,
    %swap3A_69 = vector.shape_cast %swap3A_68 : vector<16xi32> to vector<16xi32>
    %swap3A_70 = vector.shape_cast %broadcast_in_dim3A_11 : vector<16xi32> to vector<16xi32>
    tpu.vector_store %arg9[%swap3A_67], %swap3A_70 {strides = array<i32>} : memref<5256xi32, #tpu.memory_space<vmem>>, vector<16xi32>,
    %scan3A = arith.constant 0 : i32
    %scan3A_71 = arith.constant 0 : i32
    %scan3A_72 = arith.constant 40 : i32
    %scan3A_73 = arith.addi %scan3A_71, %scan3A_72 : i32
    %scan3A_74 = arith.constant 1 : i32
    scf.for %scan3A_639 = %scan3A_71 to %scan3A_73 step %scan3A_74  : i32 {
      %mul3A_640 = arith.constant 128 : i32
      %mul3A_641 = arith.muli %scan3A_639, %mul3A_640 : i32
      %add3A_642 = arith.constant 0 : i32
      %add3A_643 = arith.addi %mul3A_641, %add3A_642 : i32
      %get3A = arith.index_cast %add3A_643 : i32 to index
      %get3A_644 = tpu.vector_load %arg9[%get3A] {strides = array<i32>} : memref<5256xi32, #tpu.memory_space<vmem>>, vector<16xi32>,
      %get3A_645 = vector.shape_cast %get3A_644 : vector<16xi32> to vector<16xi32>
      %shift_right_logical3A = arith.constant 7 : i32
      %shift_right_logical3A_646 = vector.broadcast %shift_right_logical3A : i32 to vector<16xi32>
      %shift_right_logical3A_647 = arith.shrui %get3A_645, %shift_right_logical3A_646 : vector<16xi32>
      %mul3A_648 = arith.constant 6554 : i32
      %mul3A_649 = vector.broadcast %mul3A_648 : i32 to vector<16xi32>
      %mul3A_650 = arith.muli %shift_right_logical3A_647, %mul3A_649 : vector<16xi32>
      %shift_right_logical3A_651 = arith.constant 15 : i32
      %shift_right_logical3A_652 = vector.broadcast %shift_right_logical3A_651 : i32 to vector<16xi32>
      %shift_right_logical3A_653 = arith.shrui %mul3A_650, %shift_right_logical3A_652 : vector<16xi32>
      %mul3A_654 = arith.constant 640 : i32
      %mul3A_655 = vector.broadcast %mul3A_654 : i32 to vector<16xi32>
      %mul3A_656 = arith.muli %shift_right_logical3A_653, %mul3A_655 : vector<16xi32>
      %sub3A = arith.subi %get3A_645, %mul3A_656 : vector<16xi32>
      %mul3A_657 = arith.constant 16 : i32
      %mul3A_658 = vector.broadcast %mul3A_657 : i32 to vector<16xi32>
      %mul3A_659 = arith.muli %mul3A_658, %sub3A : vector<16xi32>
      %add3A_660 = arith.addi %mul3A_659, %shift_right_logical3A_653 : vector<16xi32>
      %swap3A_661 = arith.index_cast %scan3A_639 : i32 to index
      %swap3A_662 = arith.constant 0 : index
      %swap3A_663 = tpu.vector_load %arg7[%swap3A_661, %swap3A_662] {strides = array<i32>} : memref<40x128xi32, #tpu.memory_space<vmem>>, vector<1x16xi32>,
      %swap3A_664 = vector.shape_cast %swap3A_663 : vector<1x16xi32> to vector<16xi32>
      %swap3A_665 = vector.shape_cast %add3A_660 : vector<16xi32> to vector<1x16xi32>
      tpu.vector_store %arg7[%swap3A_661, %swap3A_662], %swap3A_665 {strides = array<i32>} : memref<40x128xi32, #tpu.memory_space<vmem>>, vector<1x16xi32>,
      %mul3A_666 = arith.constant 128 : i32
      %mul3A_667 = arith.muli %scan3A_639, %mul3A_666 : i32
      %add3A_668 = arith.constant 16 : i32
      %add3A_669 = arith.addi %mul3A_667, %add3A_668 : i32
      %get3A_670 = arith.index_cast %add3A_669 : i32 to index
      %get3A_671 = tpu.vector_load %arg9[%get3A_670] {strides = array<i32>} : memref<5256xi32, #tpu.memory_space<vmem>>, vector<16xi32>,
      %get3A_672 = vector.shape_cast %get3A_671 : vector<16xi32> to vector<16xi32>
      %shift_right_logical3A_673 = arith.constant 7 : i32
      %shift_right_logical3A_674 = vector.broadcast %shift_right_logical3A_673 : i32 to vector<16xi32>
      %shift_right_logical3A_675 = arith.shrui %get3A_672, %shift_right_logical3A_674 : vector<16xi32>
      %mul3A_676 = arith.constant 6554 : i32
      %mul3A_677 = vector.broadcast %mul3A_676 : i32 to vector<16xi32>
      %mul3A_678 = arith.muli %shift_right_logical3A_675, %mul3A_677 : vector<16xi32>
      %shift_right_logical3A_679 = arith.constant 15 : i32
      %shift_right_logical3A_680 = vector.broadcast %shift_right_logical3A_679 : i32 to vector<16xi32>
      %shift_right_logical3A_681 = arith.shrui %mul3A_678, %shift_right_logical3A_680 : vector<16xi32>
      %mul3A_682 = arith.constant 640 : i32
      %mul3A_683 = vector.broadcast %mul3A_682 : i32 to vector<16xi32>
      %mul3A_684 = arith.muli %shift_right_logical3A_681, %mul3A_683 : vector<16xi32>
      %sub3A_685 = arith.subi %get3A_672, %mul3A_684 : vector<16xi32>
      %mul3A_686 = arith.constant 16 : i32
      %mul3A_687 = vector.broadcast %mul3A_686 : i32 to vector<16xi32>
      %mul3A_688 = arith.muli %mul3A_687, %sub3A_685 : vector<16xi32>
      %add3A_689 = arith.addi %mul3A_688, %shift_right_logical3A_681 : vector<16xi32>
      %swap3A_690 = arith.index_cast %scan3A_639 : i32 to index
      %swap3A_691 = arith.constant 16 : index
      %swap3A_692 = tpu.vector_load %arg7[%swap3A_690, %swap3A_691] {strides = array<i32>} : memref<40x128xi32, #tpu.memory_space<vmem>>, vector<1x16xi32>,
      %swap3A_693 = vector.shape_cast %swap3A_692 : vector<1x16xi32> to vector<16xi32>
      %swap3A_694 = vector.shape_cast %add3A_689 : vector<16xi32> to vector<1x16xi32>
      tpu.vector_store %arg7[%swap3A_690, %swap3A_691], %swap3A_694 {strides = array<i32>} : memref<40x128xi32, #tpu.memory_space<vmem>>, vector<1x16xi32>,
      %mul3A_695 = arith.constant 128 : i32
      %mul3A_696 = arith.muli %scan3A_639, %mul3A_695 : i32
      %add3A_697 = arith.constant 32 : i32
      %add3A_698 = arith.addi %mul3A_696, %add3A_697 : i32
      %get3A_699 = arith.index_cast %add3A_698 : i32 to index
      %get3A_700 = tpu.vector_load %arg9[%get3A_699] {strides = array<i32>} : memref<5256xi32, #tpu.memory_space<vmem>>, vector<16xi32>,
      %get3A_701 = vector.shape_cast %get3A_700 : vector<16xi32> to vector<16xi32>
      %shift_right_logical3A_702 = arith.constant 7 : i32
      %shift_right_logical3A_703 = vector.broadcast %shift_right_logical3A_702 : i32 to vector<16xi32>
      %shift_right_logical3A_704 = arith.shrui %get3A_701, %shift_right_logical3A_703 : vector<16xi32>
      %mul3A_705 = arith.constant 6554 : i32
      %mul3A_706 = vector.broadcast %mul3A_705 : i32 to vector<16xi32>
      %mul3A_707 = arith.muli %shift_right_logical3A_704, %mul3A_706 : vector<16xi32>
      %shift_right_logical3A_708 = arith.constant 15 : i32
      %shift_right_logical3A_709 = vector.broadcast %shift_right_logical3A_708 : i32 to vector<16xi32>
      %shift_right_logical3A_710 = arith.shrui %mul3A_707, %shift_right_logical3A_709 : vector<16xi32>
      %mul3A_711 = arith.constant 640 : i32
      %mul3A_712 = vector.broadcast %mul3A_711 : i32 to vector<16xi32>
      %mul3A_713 = arith.muli %shift_right_logical3A_710, %mul3A_712 : vector<16xi32>
      %sub3A_714 = arith.subi %get3A_701, %mul3A_713 : vector<16xi32>
      %mul3A_715 = arith.constant 16 : i32
      %mul3A_716 = vector.broadcast %mul3A_715 : i32 to vector<16xi32>
      %mul3A_717 = arith.muli %mul3A_716, %sub3A_714 : vector<16xi32>
      %add3A_718 = arith.addi %mul3A_717, %shift_right_logical3A_710 : vector<16xi32>
      %swap3A_719 = arith.index_cast %scan3A_639 : i32 to index
      %swap3A_720 = arith.constant 32 : index
      %swap3A_721 = tpu.vector_load %arg7[%swap3A_719, %swap3A_720] {strides = array<i32>} : memref<40x128xi32, #tpu.memory_space<vmem>>, vector<1x16xi32>,
      %swap3A_722 = vector.shape_cast %swap3A_721 : vector<1x16xi32> to vector<16xi32>
      %swap3A_723 = vector.shape_cast %add3A_718 : vector<16xi32> to vector<1x16xi32>
      tpu.vector_store %arg7[%swap3A_719, %swap3A_720], %swap3A_723 {strides = array<i32>} : memref<40x128xi32, #tpu.memory_space<vmem>>, vector<1x16xi32>,
      %mul3A_724 = arith.constant 128 : i32
      %mul3A_725 = arith.muli %scan3A_639, %mul3A_724 : i32
      %add3A_726 = arith.constant 48 : i32
      %add3A_727 = arith.addi %mul3A_725, %add3A_726 : i32
      %get3A_728 = arith.index_cast %add3A_727 : i32 to index
      %get3A_729 = tpu.vector_load %arg9[%get3A_728] {strides = array<i32>} : memref<5256xi32, #tpu.memory_space<vmem>>, vector<16xi32>,
      %get3A_730 = vector.shape_cast %get3A_729 : vector<16xi32> to vector<16xi32>
      %shift_right_logical3A_731 = arith.constant 7 : i32
      %shift_right_logical3A_732 = vector.broadcast %shift_right_logical3A_731 : i32 to vector<16xi32>
      %shift_right_logical3A_733 = arith.shrui %get3A_730, %shift_right_logical3A_732 : vector<16xi32>
      %mul3A_734 = arith.constant 6554 : i32
      %mul3A_735 = vector.broadcast %mul3A_734 : i32 to vector<16xi32>
      %mul3A_736 = arith.muli %shift_right_logical3A_733, %mul3A_735 : vector<16xi32>
      %shift_right_logical3A_737 = arith.constant 15 : i32
      %shift_right_logical3A_738 = vector.broadcast %shift_right_logical3A_737 : i32 to vector<16xi32>
      %shift_right_logical3A_739 = arith.shrui %mul3A_736, %shift_right_logical3A_738 : vector<16xi32>
      %mul3A_740 = arith.constant 640 : i32
      %mul3A_741 = vector.broadcast %mul3A_740 : i32 to vector<16xi32>
      %mul3A_742 = arith.muli %shift_right_logical3A_739, %mul3A_741 : vector<16xi32>
      %sub3A_743 = arith.subi %get3A_730, %mul3A_742 : vector<16xi32>
      %mul3A_744 = arith.constant 16 : i32
      %mul3A_745 = vector.broadcast %mul3A_744 : i32 to vector<16xi32>
      %mul3A_746 = arith.muli %mul3A_745, %sub3A_743 : vector<16xi32>
      %add3A_747 = arith.addi %mul3A_746, %shift_right_logical3A_739 : vector<16xi32>
      %swap3A_748 = arith.index_cast %scan3A_639 : i32 to index
      %swap3A_749 = arith.constant 48 : index
      %swap3A_750 = tpu.vector_load %arg7[%swap3A_748, %swap3A_749] {strides = array<i32>} : memref<40x128xi32, #tpu.memory_space<vmem>>, vector<1x16xi32>,
      %swap3A_751 = vector.shape_cast %swap3A_750 : vector<1x16xi32> to vector<16xi32>
      %swap3A_752 = vector.shape_cast %add3A_747 : vector<16xi32> to vector<1x16xi32>
      tpu.vector_store %arg7[%swap3A_748, %swap3A_749], %swap3A_752 {strides = array<i32>} : memref<40x128xi32, #tpu.memory_space<vmem>>, vector<1x16xi32>,
      %mul3A_753 = arith.constant 128 : i32
      %mul3A_754 = arith.muli %scan3A_639, %mul3A_753 : i32
      %add3A_755 = arith.constant 64 : i32
      %add3A_756 = arith.addi %mul3A_754, %add3A_755 : i32
      %get3A_757 = arith.index_cast %add3A_756 : i32 to index
      %get3A_758 = tpu.vector_load %arg9[%get3A_757] {strides = array<i32>} : memref<5256xi32, #tpu.memory_space<vmem>>, vector<16xi32>,
      %get3A_759 = vector.shape_cast %get3A_758 : vector<16xi32> to vector<16xi32>
      %shift_right_logical3A_760 = arith.constant 7 : i32
      %shift_right_logical3A_761 = vector.broadcast %shift_right_logical3A_760 : i32 to vector<16xi32>
      %shift_right_logical3A_762 = arith.shrui %get3A_759, %shift_right_logical3A_761 : vector<16xi32>
      %mul3A_763 = arith.constant 6554 : i32
      %mul3A_764 = vector.broadcast %mul3A_763 : i32 to vector<16xi32>
      %mul3A_765 = arith.muli %shift_right_logical3A_762, %mul3A_764 : vector<16xi32>
      %shift_right_logical3A_766 = arith.constant 15 : i32
      %shift_right_logical3A_767 = vector.broadcast %shift_right_logical3A_766 : i32 to vector<16xi32>
      %shift_right_logical3A_768 = arith.shrui %mul3A_765, %shift_right_logical3A_767 : vector<16xi32>
      %mul3A_769 = arith.constant 640 : i32
      %mul3A_770 = vector.broadcast %mul3A_769 : i32 to vector<16xi32>
      %mul3A_771 = arith.muli %shift_right_logical3A_768, %mul3A_770 : vector<16xi32>
      %sub3A_772 = arith.subi %get3A_759, %mul3A_771 : vector<16xi32>
      %mul3A_773 = arith.constant 16 : i32
      %mul3A_774 = vector.broadcast %mul3A_773 : i32 to vector<16xi32>
      %mul3A_775 = arith.muli %mul3A_774, %sub3A_772 : vector<16xi32>
      %add3A_776 = arith.addi %mul3A_775, %shift_right_logical3A_768 : vector<16xi32>
      %swap3A_777 = arith.index_cast %scan3A_639 : i32 to index
      %swap3A_778 = arith.constant 64 : index
      %swap3A_779 = tpu.vector_load %arg7[%swap3A_777, %swap3A_778] {strides = array<i32>} : memref<40x128xi32, #tpu.memory_space<vmem>>, vector<1x16xi32>,
      %swap3A_780 = vector.shape_cast %swap3A_779 : vector<1x16xi32> to vector<16xi32>
      %swap3A_781 = vector.shape_cast %add3A_776 : vector<16xi32> to vector<1x16xi32>
      tpu.vector_store %arg7[%swap3A_777, %swap3A_778], %swap3A_781 {strides = array<i32>} : memref<40x128xi32, #tpu.memory_space<vmem>>, vector<1x16xi32>,
      %mul3A_782 = arith.constant 128 : i32
      %mul3A_783 = arith.muli %scan3A_639, %mul3A_782 : i32
      %add3A_784 = arith.constant 80 : i32
      %add3A_785 = arith.addi %mul3A_783, %add3A_784 : i32
      %get3A_786 = arith.index_cast %add3A_785 : i32 to index
      %get3A_787 = tpu.vector_load %arg9[%get3A_786] {strides = array<i32>} : memref<5256xi32, #tpu.memory_space<vmem>>, vector<16xi32>,
      %get3A_788 = vector.shape_cast %get3A_787 : vector<16xi32> to vector<16xi32>
      %shift_right_logical3A_789 = arith.constant 7 : i32
      %shift_right_logical3A_790 = vector.broadcast %shift_right_logical3A_789 : i32 to vector<16xi32>
      %shift_right_logical3A_791 = arith.shrui %get3A_788, %shift_right_logical3A_790 : vector<16xi32>
      %mul3A_792 = arith.constant 6554 : i32
      %mul3A_793 = vector.broadcast %mul3A_792 : i32 to vector<16xi32>
      %mul3A_794 = arith.muli %shift_right_logical3A_791, %mul3A_793 : vector<16xi32>
      %shift_right_logical3A_795 = arith.constant 15 : i32
      %shift_right_logical3A_796 = vector.broadcast %shift_right_logical3A_795 : i32 to vector<16xi32>
      %shift_right_logical3A_797 = arith.shrui %mul3A_794, %shift_right_logical3A_796 : vector<16xi32>
      %mul3A_798 = arith.constant 640 : i32
      %mul3A_799 = vector.broadcast %mul3A_798 : i32 to vector<16xi32>
      %mul3A_800 = arith.muli %shift_right_logical3A_797, %mul3A_799 : vector<16xi32>
      %sub3A_801 = arith.subi %get3A_788, %mul3A_800 : vector<16xi32>
      %mul3A_802 = arith.constant 16 : i32
      %mul3A_803 = vector.broadcast %mul3A_802 : i32 to vector<16xi32>
      %mul3A_804 = arith.muli %mul3A_803, %sub3A_801 : vector<16xi32>
      %add3A_805 = arith.addi %mul3A_804, %shift_right_logical3A_797 : vector<16xi32>
      %swap3A_806 = arith.index_cast %scan3A_639 : i32 to index
      %swap3A_807 = arith.constant 80 : index
      %swap3A_808 = tpu.vector_load %arg7[%swap3A_806, %swap3A_807] {strides = array<i32>} : memref<40x128xi32, #tpu.memory_space<vmem>>, vector<1x16xi32>,
      %swap3A_809 = vector.shape_cast %swap3A_808 : vector<1x16xi32> to vector<16xi32>
      %swap3A_810 = vector.shape_cast %add3A_805 : vector<16xi32> to vector<1x16xi32>
      tpu.vector_store %arg7[%swap3A_806, %swap3A_807], %swap3A_810 {strides = array<i32>} : memref<40x128xi32, #tpu.memory_space<vmem>>, vector<1x16xi32>,
      %mul3A_811 = arith.constant 128 : i32
      %mul3A_812 = arith.muli %scan3A_639, %mul3A_811 : i32
      %add3A_813 = arith.constant 96 : i32
      %add3A_814 = arith.addi %mul3A_812, %add3A_813 : i32
      %get3A_815 = arith.index_cast %add3A_814 : i32 to index
      %get3A_816 = tpu.vector_load %arg9[%get3A_815] {strides = array<i32>} : memref<5256xi32, #tpu.memory_space<vmem>>, vector<16xi32>,
      %get3A_817 = vector.shape_cast %get3A_816 : vector<16xi32> to vector<16xi32>
      %shift_right_logical3A_818 = arith.constant 7 : i32
      %shift_right_logical3A_819 = vector.broadcast %shift_right_logical3A_818 : i32 to vector<16xi32>
      %shift_right_logical3A_820 = arith.shrui %get3A_817, %shift_right_logical3A_819 : vector<16xi32>
      %mul3A_821 = arith.constant 6554 : i32
      %mul3A_822 = vector.broadcast %mul3A_821 : i32 to vector<16xi32>
      %mul3A_823 = arith.muli %shift_right_logical3A_820, %mul3A_822 : vector<16xi32>
      %shift_right_logical3A_824 = arith.constant 15 : i32
      %shift_right_logical3A_825 = vector.broadcast %shift_right_logical3A_824 : i32 to vector<16xi32>
      %shift_right_logical3A_826 = arith.shrui %mul3A_823, %shift_right_logical3A_825 : vector<16xi32>
      %mul3A_827 = arith.constant 640 : i32
      %mul3A_828 = vector.broadcast %mul3A_827 : i32 to vector<16xi32>
      %mul3A_829 = arith.muli %shift_right_logical3A_826, %mul3A_828 : vector<16xi32>
      %sub3A_830 = arith.subi %get3A_817, %mul3A_829 : vector<16xi32>
      %mul3A_831 = arith.constant 16 : i32
      %mul3A_832 = vector.broadcast %mul3A_831 : i32 to vector<16xi32>
      %mul3A_833 = arith.muli %mul3A_832, %sub3A_830 : vector<16xi32>
      %add3A_834 = arith.addi %mul3A_833, %shift_right_logical3A_826 : vector<16xi32>
      %swap3A_835 = arith.index_cast %scan3A_639 : i32 to index
      %swap3A_836 = arith.constant 96 : index
      %swap3A_837 = tpu.vector_load %arg7[%swap3A_835, %swap3A_836] {strides = array<i32>} : memref<40x128xi32, #tpu.memory_space<vmem>>, vector<1x16xi32>,
      %swap3A_838 = vector.shape_cast %swap3A_837 : vector<1x16xi32> to vector<16xi32>
      %swap3A_839 = vector.shape_cast %add3A_834 : vector<16xi32> to vector<1x16xi32>
      tpu.vector_store %arg7[%swap3A_835, %swap3A_836], %swap3A_839 {strides = array<i32>} : memref<40x128xi32, #tpu.memory_space<vmem>>, vector<1x16xi32>,
      %mul3A_840 = arith.constant 128 : i32
      %mul3A_841 = arith.muli %scan3A_639, %mul3A_840 : i32
      %add3A_842 = arith.constant 112 : i32
      %add3A_843 = arith.addi %mul3A_841, %add3A_842 : i32
      %get3A_844 = arith.index_cast %add3A_843 : i32 to index
      %get3A_845 = tpu.vector_load %arg9[%get3A_844] {strides = array<i32>} : memref<5256xi32, #tpu.memory_space<vmem>>, vector<16xi32>,
      %get3A_846 = vector.shape_cast %get3A_845 : vector<16xi32> to vector<16xi32>
      %shift_right_logical3A_847 = arith.constant 7 : i32
      %shift_right_logical3A_848 = vector.broadcast %shift_right_logical3A_847 : i32 to vector<16xi32>
      %shift_right_logical3A_849 = arith.shrui %get3A_846, %shift_right_logical3A_848 : vector<16xi32>
      %mul3A_850 = arith.constant 6554 : i32
      %mul3A_851 = vector.broadcast %mul3A_850 : i32 to vector<16xi32>
      %mul3A_852 = arith.muli %shift_right_logical3A_849, %mul3A_851 : vector<16xi32>
      %shift_right_logical3A_853 = arith.constant 15 : i32
      %shift_right_logical3A_854 = vector.broadcast %shift_right_logical3A_853 : i32 to vector<16xi32>
      %shift_right_logical3A_855 = arith.shrui %mul3A_852, %shift_right_logical3A_854 : vector<16xi32>
      %mul3A_856 = arith.constant 640 : i32
      %mul3A_857 = vector.broadcast %mul3A_856 : i32 to vector<16xi32>
      %mul3A_858 = arith.muli %shift_right_logical3A_855, %mul3A_857 : vector<16xi32>
      %sub3A_859 = arith.subi %get3A_846, %mul3A_858 : vector<16xi32>
      %mul3A_860 = arith.constant 16 : i32
      %mul3A_861 = vector.broadcast %mul3A_860 : i32 to vector<16xi32>
      %mul3A_862 = arith.muli %mul3A_861, %sub3A_859 : vector<16xi32>
      %add3A_863 = arith.addi %mul3A_862, %shift_right_logical3A_855 : vector<16xi32>
      %swap3A_864 = arith.index_cast %scan3A_639 : i32 to index
      %swap3A_865 = arith.constant 112 : index
      %swap3A_866 = tpu.vector_load %arg7[%swap3A_864, %swap3A_865] {strides = array<i32>} : memref<40x128xi32, #tpu.memory_space<vmem>>, vector<1x16xi32>,
      %swap3A_867 = vector.shape_cast %swap3A_866 : vector<1x16xi32> to vector<16xi32>
      %swap3A_868 = vector.shape_cast %add3A_863 : vector<16xi32> to vector<1x16xi32>
      tpu.vector_store %arg7[%swap3A_864, %swap3A_865], %swap3A_868 {strides = array<i32>} : memref<40x128xi32, #tpu.memory_space<vmem>>, vector<1x16xi32>,
    }
    %scan3A_75 = arith.constant 40 : i32
    %mul3A_76 = arith.constant 5000 : i32
    %mul3A_77 = arith.muli %add3A, %mul3A_76 : i32
    %run_scoped3A_78 = arith.constant 1 : i32
    "tpu.region"() ({
      %run_scoped3A_639 = tpu.sem_alloc : memref<!tpu.dma_semaphore, #tpu.memory_space<semaphore_mem>>
      %dma_start3A_640 = arith.constant 0 : i32
      %dma_start3A_641 = tpu.memref_slice %arg9[%dma_start3A_640] : memref<5256xi32, #tpu.memory_space<vmem>> -> memref<5000xi32, #tpu.memory_space<vmem>>
      %dma_start3A_642 = tpu.memref_slice %arg3[%run_scoped3A_78, %mul3A_77] : memref<2x160000xi32, #tpu.memory_space<hbm>> -> memref<1x5000xi32, #tpu.memory_space<hbm>>
      %dma_start3A_643 = tpu.memref_squeeze %dma_start3A_642 : memref<1x5000xi32, #tpu.memory_space<hbm>> -> memref<5000xi32, #tpu.memory_space<hbm>>
      %dma_start3A_644 = arith.constant 0 : i32
      %dma_start3A_645 = tpu.memref_slice %arg9[%dma_start3A_644] : memref<5256xi32, #tpu.memory_space<vmem>> -> memref<5000xi32, #tpu.memory_space<vmem>>
      %dma_start3A_646 = tpu.memref_slice %arg3[%run_scoped3A_78, %mul3A_77] : memref<2x160000xi32, #tpu.memory_space<hbm>> -> memref<1x5000xi32, #tpu.memory_space<hbm>>
      %dma_start3A_647 = tpu.memref_squeeze %dma_start3A_646 : memref<1x5000xi32, #tpu.memory_space<hbm>> -> memref<5000xi32, #tpu.memory_space<hbm>>
      tpu.enqueue_dma source(%dma_start3A_647 : memref<5000xi32, #tpu.memory_space<hbm>>) target(%dma_start3A_645 : memref<5000xi32, #tpu.memory_space<vmem>>) target_semaphore(%run_scoped3A_639 : memref<!tpu.dma_semaphore, #tpu.memory_space<semaphore_mem>>)
      %dma_wait3A_648 = arith.constant 0 : i32
      %dma_wait3A_649 = tpu.memref_slice %arg9[%dma_wait3A_648] : memref<5256xi32, #tpu.memory_space<vmem>> -> memref<5000xi32, #tpu.memory_space<vmem>>
      %dma_wait3A_650 = tpu.memref_slice %arg3[%run_scoped3A_78, %mul3A_77] : memref<2x160000xi32, #tpu.memory_space<hbm>> -> memref<1x5000xi32, #tpu.memory_space<hbm>>
      %dma_wait3A_651 = tpu.memref_squeeze %dma_wait3A_650 : memref<1x5000xi32, #tpu.memory_space<hbm>> -> memref<5000xi32, #tpu.memory_space<hbm>>
      %dma_wait3A_652 = arith.constant 0 : i32
      %dma_wait3A_653 = tpu.memref_slice %arg9[%dma_wait3A_652] : memref<5256xi32, #tpu.memory_space<vmem>> -> memref<5000xi32, #tpu.memory_space<vmem>>
      %dma_wait3A_654 = tpu.memref_slice %arg3[%run_scoped3A_78, %mul3A_77] : memref<2x160000xi32, #tpu.memory_space<hbm>> -> memref<1x5000xi32, #tpu.memory_space<hbm>>
      %dma_wait3A_655 = tpu.memref_squeeze %dma_wait3A_654 : memref<1x5000xi32, #tpu.memory_space<hbm>> -> memref<5000xi32, #tpu.memory_space<hbm>>
      tpu.wait_dma2 semaphore(%run_scoped3A_639 : memref<!tpu.dma_semaphore, #tpu.memory_space<semaphore_mem>>) src(%dma_wait3A_655 : memref<5000xi32, #tpu.memory_space<hbm>>) dst(%dma_wait3A_653 : memref<5000xi32, #tpu.memory_space<vmem>>)
      tpu.yield
    }) : () -> ()
    %broadcast_in_dim3A_79 = arith.constant 10016 : i32
    %broadcast_in_dim3A_80 = vector.broadcast %broadcast_in_dim3A_79 : i32 to vector<16xi32>
    %swap3A_81 = arith.constant 5000 : index
    %swap3A_82 = tpu.vector_load %arg9[%swap3A_81] {strides = array<i32>} : memref<5256xi32, #tpu.memory_space<vmem>>, vector<16xi32>,
    %swap3A_83 = vector.shape_cast %swap3A_82 : vector<16xi32> to vector<16xi32>
    %swap3A_84 = vector.shape_cast %broadcast_in_dim3A_80 : vector<16xi32> to vector<16xi32>
    tpu.vector_store %arg9[%swap3A_81], %swap3A_84 {strides = array<i32>} : memref<5256xi32, #tpu.memory_space<vmem>>, vector<16xi32>,
    %swap3A_85 = arith.constant 5016 : index
    %swap3A_86 = tpu.vector_load %arg9[%swap3A_85] {strides = array<i32>} : memref<5256xi32, #tpu.memory_space<vmem>>, vector<16xi32>,
    %swap3A_87 = vector.shape_cast %swap3A_86 : vector<16xi32> to vector<16xi32>
    %swap3A_88 = vector.shape_cast %broadcast_in_dim3A_80 : vector<16xi32> to vector<16xi32>
    tpu.vector_store %arg9[%swap3A_85], %swap3A_88 {strides = array<i32>} : memref<5256xi32, #tpu.memory_space<vmem>>, vector<16xi32>,
    %swap3A_89 = arith.constant 5032 : index
    %swap3A_90 = tpu.vector_load %arg9[%swap3A_89] {strides = array<i32>} : memref<5256xi32, #tpu.memory_space<vmem>>, vector<16xi32>,
    %swap3A_91 = vector.shape_cast %swap3A_90 : vector<16xi32> to vector<16xi32>
    %swap3A_92 = vector.shape_cast %broadcast_in_dim3A_80 : vector<16xi32> to vector<16xi32>
    tpu.vector_store %arg9[%swap3A_89], %swap3A_92 {strides = array<i32>} : memref<5256xi32, #tpu.memory_space<vmem>>, vector<16xi32>,
    %swap3A_93 = arith.constant 5048 : index
    %swap3A_94 = tpu.vector_load %arg9[%swap3A_93] {strides = array<i32>} : memref<5256xi32, #tpu.memory_space<vmem>>, vector<16xi32>,
    %swap3A_95 = vector.shape_cast %swap3A_94 : vector<16xi32> to vector<16xi32>
    %swap3A_96 = vector.shape_cast %broadcast_in_dim3A_80 : vector<16xi32> to vector<16xi32>
    tpu.vector_store %arg9[%swap3A_93], %swap3A_96 {strides = array<i32>} : memref<5256xi32, #tpu.memory_space<vmem>>, vector<16xi32>,
    %swap3A_97 = arith.constant 5064 : index
    %swap3A_98 = tpu.vector_load %arg9[%swap3A_97] {strides = array<i32>} : memref<5256xi32, #tpu.memory_space<vmem>>, vector<16xi32>,
    %swap3A_99 = vector.shape_cast %swap3A_98 : vector<16xi32> to vector<16xi32>
    %swap3A_100 = vector.shape_cast %broadcast_in_dim3A_80 : vector<16xi32> to vector<16xi32>
    tpu.vector_store %arg9[%swap3A_97], %swap3A_100 {strides = array<i32>} : memref<5256xi32, #tpu.memory_space<vmem>>, vector<16xi32>,
    %swap3A_101 = arith.constant 5080 : index
    %swap3A_102 = tpu.vector_load %arg9[%swap3A_101] {strides = array<i32>} : memref<5256xi32, #tpu.memory_space<vmem>>, vector<16xi32>,
    %swap3A_103 = vector.shape_cast %swap3A_102 : vector<16xi32> to vector<16xi32>
    %swap3A_104 = vector.shape_cast %broadcast_in_dim3A_80 : vector<16xi32> to vector<16xi32>
    tpu.vector_store %arg9[%swap3A_101], %swap3A_104 {strides = array<i32>} : memref<5256xi32, #tpu.memory_space<vmem>>, vector<16xi32>,
    %swap3A_105 = arith.constant 5096 : index
    %swap3A_106 = tpu.vector_load %arg9[%swap3A_105] {strides = array<i32>} : memref<5256xi32, #tpu.memory_space<vmem>>, vector<16xi32>,
    %swap3A_107 = vector.shape_cast %swap3A_106 : vector<16xi32> to vector<16xi32>
    %swap3A_108 = vector.shape_cast %broadcast_in_dim3A_80 : vector<16xi32> to vector<16xi32>
    tpu.vector_store %arg9[%swap3A_105], %swap3A_108 {strides = array<i32>} : memref<5256xi32, #tpu.memory_space<vmem>>, vector<16xi32>,
    %swap3A_109 = arith.constant 5112 : index
    %swap3A_110 = tpu.vector_load %arg9[%swap3A_109] {strides = array<i32>} : memref<5256xi32, #tpu.memory_space<vmem>>, vector<16xi32>,
    %swap3A_111 = vector.shape_cast %swap3A_110 : vector<16xi32> to vector<16xi32>
    %swap3A_112 = vector.shape_cast %broadcast_in_dim3A_80 : vector<16xi32> to vector<16xi32>
    tpu.vector_store %arg9[%swap3A_109], %swap3A_112 {strides = array<i32>} : memref<5256xi32, #tpu.memory_space<vmem>>, vector<16xi32>,
    %swap3A_113 = arith.constant 5128 : index
    %swap3A_114 = tpu.vector_load %arg9[%swap3A_113] {strides = array<i32>} : memref<5256xi32, #tpu.memory_space<vmem>>, vector<16xi32>,
    %swap3A_115 = vector.shape_cast %swap3A_114 : vector<16xi32> to vector<16xi32>
    %swap3A_116 = vector.shape_cast %broadcast_in_dim3A_80 : vector<16xi32> to vector<16xi32>
    tpu.vector_store %arg9[%swap3A_113], %swap3A_116 {strides = array<i32>} : memref<5256xi32, #tpu.memory_space<vmem>>, vector<16xi32>,
    %swap3A_117 = arith.constant 5144 : index
    %swap3A_118 = tpu.vector_load %arg9[%swap3A_117] {strides = array<i32>} : memref<5256xi32, #tpu.memory_space<vmem>>, vector<16xi32>,
    %swap3A_119 = vector.shape_cast %swap3A_118 : vector<16xi32> to vector<16xi32>
    %swap3A_120 = vector.shape_cast %broadcast_in_dim3A_80 : vector<16xi32> to vector<16xi32>
    tpu.vector_store %arg9[%swap3A_117], %swap3A_120 {strides = array<i32>} : memref<5256xi32, #tpu.memory_space<vmem>>, vector<16xi32>,
    %swap3A_121 = arith.constant 5160 : index
    %swap3A_122 = tpu.vector_load %arg9[%swap3A_121] {strides = array<i32>} : memref<5256xi32, #tpu.memory_space<vmem>>, vector<16xi32>,
    %swap3A_123 = vector.shape_cast %swap3A_122 : vector<16xi32> to vector<16xi32>
    %swap3A_124 = vector.shape_cast %broadcast_in_dim3A_80 : vector<16xi32> to vector<16xi32>
    tpu.vector_store %arg9[%swap3A_121], %swap3A_124 {strides = array<i32>} : memref<5256xi32, #tpu.memory_space<vmem>>, vector<16xi32>,
    %swap3A_125 = arith.constant 5176 : index
    %swap3A_126 = tpu.vector_load %arg9[%swap3A_125] {strides = array<i32>} : memref<5256xi32, #tpu.memory_space<vmem>>, vector<16xi32>,
    %swap3A_127 = vector.shape_cast %swap3A_126 : vector<16xi32> to vector<16xi32>
    %swap3A_128 = vector.shape_cast %broadcast_in_dim3A_80 : vector<16xi32> to vector<16xi32>
    tpu.vector_store %arg9[%swap3A_125], %swap3A_128 {strides = array<i32>} : memref<5256xi32, #tpu.memory_space<vmem>>, vector<16xi32>,
    %swap3A_129 = arith.constant 5192 : index
    %swap3A_130 = tpu.vector_load %arg9[%swap3A_129] {strides = array<i32>} : memref<5256xi32, #tpu.memory_space<vmem>>, vector<16xi32>,
    %swap3A_131 = vector.shape_cast %swap3A_130 : vector<16xi32> to vector<16xi32>
    %swap3A_132 = vector.shape_cast %broadcast_in_dim3A_80 : vector<16xi32> to vector<16xi32>
    tpu.vector_store %arg9[%swap3A_129], %swap3A_132 {strides = array<i32>} : memref<5256xi32, #tpu.memory_space<vmem>>, vector<16xi32>,
    %swap3A_133 = arith.constant 5208 : index
    %swap3A_134 = tpu.vector_load %arg9[%swap3A_133] {strides = array<i32>} : memref<5256xi32, #tpu.memory_space<vmem>>, vector<16xi32>,
    %swap3A_135 = vector.shape_cast %swap3A_134 : vector<16xi32> to vector<16xi32>
    %swap3A_136 = vector.shape_cast %broadcast_in_dim3A_80 : vector<16xi32> to vector<16xi32>
    tpu.vector_store %arg9[%swap3A_133], %swap3A_136 {strides = array<i32>} : memref<5256xi32, #tpu.memory_space<vmem>>, vector<16xi32>,
    %swap3A_137 = arith.constant 5224 : index
    %swap3A_138 = tpu.vector_load %arg9[%swap3A_137] {strides = array<i32>} : memref<5256xi32, #tpu.memory_space<vmem>>, vector<16xi32>,
    %swap3A_139 = vector.shape_cast %swap3A_138 : vector<16xi32> to vector<16xi32>
    %swap3A_140 = vector.shape_cast %broadcast_in_dim3A_80 : vector<16xi32> to vector<16xi32>
    tpu.vector_store %arg9[%swap3A_137], %swap3A_140 {strides = array<i32>} : memref<5256xi32, #tpu.memory_space<vmem>>, vector<16xi32>,
    %scan3A_141 = arith.constant 0 : i32
    %scan3A_142 = arith.constant 0 : i32
    %scan3A_143 = arith.constant 40 : i32
    %scan3A_144 = arith.addi %scan3A_142, %scan3A_143 : i32
    %scan3A_145 = arith.constant 1 : i32
    scf.for %scan3A_639 = %scan3A_142 to %scan3A_144 step %scan3A_145  : i32 {
      %mul3A_640 = arith.constant 128 : i32
      %mul3A_641 = arith.muli %scan3A_639, %mul3A_640 : i32
      %add3A_642 = arith.constant 0 : i32
      %add3A_643 = arith.addi %mul3A_641, %add3A_642 : i32
      %get3A = arith.index_cast %add3A_643 : i32 to index
      %get3A_644 = tpu.vector_load %arg9[%get3A] {strides = array<i32>} : memref<5256xi32, #tpu.memory_space<vmem>>, vector<16xi32>,
      %get3A_645 = vector.shape_cast %get3A_644 : vector<16xi32> to vector<16xi32>
      %shift_right_logical3A = arith.constant 7 : i32
      %shift_right_logical3A_646 = vector.broadcast %shift_right_logical3A : i32 to vector<16xi32>
      %shift_right_logical3A_647 = arith.shrui %get3A_645, %shift_right_logical3A_646 : vector<16xi32>
      %mul3A_648 = arith.constant 6554 : i32
      %mul3A_649 = vector.broadcast %mul3A_648 : i32 to vector<16xi32>
      %mul3A_650 = arith.muli %shift_right_logical3A_647, %mul3A_649 : vector<16xi32>
      %shift_right_logical3A_651 = arith.constant 15 : i32
      %shift_right_logical3A_652 = vector.broadcast %shift_right_logical3A_651 : i32 to vector<16xi32>
      %shift_right_logical3A_653 = arith.shrui %mul3A_650, %shift_right_logical3A_652 : vector<16xi32>
      %mul3A_654 = arith.constant 640 : i32
      %mul3A_655 = vector.broadcast %mul3A_654 : i32 to vector<16xi32>
      %mul3A_656 = arith.muli %shift_right_logical3A_653, %mul3A_655 : vector<16xi32>
      %sub3A = arith.subi %get3A_645, %mul3A_656 : vector<16xi32>
      %mul3A_657 = arith.constant 16 : i32
      %mul3A_658 = vector.broadcast %mul3A_657 : i32 to vector<16xi32>
      %mul3A_659 = arith.muli %mul3A_658, %sub3A : vector<16xi32>
      %add3A_660 = arith.addi %mul3A_659, %shift_right_logical3A_653 : vector<16xi32>
      %swap3A_661 = arith.index_cast %scan3A_639 : i32 to index
      %swap3A_662 = arith.constant 0 : index
      %swap3A_663 = tpu.vector_load %arg8[%swap3A_661, %swap3A_662] {strides = array<i32>} : memref<40x128xi32, #tpu.memory_space<vmem>>, vector<1x16xi32>,
      %swap3A_664 = vector.shape_cast %swap3A_663 : vector<1x16xi32> to vector<16xi32>
      %swap3A_665 = vector.shape_cast %add3A_660 : vector<16xi32> to vector<1x16xi32>
      tpu.vector_store %arg8[%swap3A_661, %swap3A_662], %swap3A_665 {strides = array<i32>} : memref<40x128xi32, #tpu.memory_space<vmem>>, vector<1x16xi32>,
      %mul3A_666 = arith.constant 128 : i32
      %mul3A_667 = arith.muli %scan3A_639, %mul3A_666 : i32
      %add3A_668 = arith.constant 16 : i32
      %add3A_669 = arith.addi %mul3A_667, %add3A_668 : i32
      %get3A_670 = arith.index_cast %add3A_669 : i32 to index
      %get3A_671 = tpu.vector_load %arg9[%get3A_670] {strides = array<i32>} : memref<5256xi32, #tpu.memory_space<vmem>>, vector<16xi32>,
      %get3A_672 = vector.shape_cast %get3A_671 : vector<16xi32> to vector<16xi32>
      %shift_right_logical3A_673 = arith.constant 7 : i32
      %shift_right_logical3A_674 = vector.broadcast %shift_right_logical3A_673 : i32 to vector<16xi32>
      %shift_right_logical3A_675 = arith.shrui %get3A_672, %shift_right_logical3A_674 : vector<16xi32>
      %mul3A_676 = arith.constant 6554 : i32
      %mul3A_677 = vector.broadcast %mul3A_676 : i32 to vector<16xi32>
      %mul3A_678 = arith.muli %shift_right_logical3A_675, %mul3A_677 : vector<16xi32>
      %shift_right_logical3A_679 = arith.constant 15 : i32
      %shift_right_logical3A_680 = vector.broadcast %shift_right_logical3A_679 : i32 to vector<16xi32>
      %shift_right_logical3A_681 = arith.shrui %mul3A_678, %shift_right_logical3A_680 : vector<16xi32>
      %mul3A_682 = arith.constant 640 : i32
      %mul3A_683 = vector.broadcast %mul3A_682 : i32 to vector<16xi32>
      %mul3A_684 = arith.muli %shift_right_logical3A_681, %mul3A_683 : vector<16xi32>
      %sub3A_685 = arith.subi %get3A_672, %mul3A_684 : vector<16xi32>
      %mul3A_686 = arith.constant 16 : i32
      %mul3A_687 = vector.broadcast %mul3A_686 : i32 to vector<16xi32>
      %mul3A_688 = arith.muli %mul3A_687, %sub3A_685 : vector<16xi32>
      %add3A_689 = arith.addi %mul3A_688, %shift_right_logical3A_681 : vector<16xi32>
      %swap3A_690 = arith.index_cast %scan3A_639 : i32 to index
      %swap3A_691 = arith.constant 16 : index
      %swap3A_692 = tpu.vector_load %arg8[%swap3A_690, %swap3A_691] {strides = array<i32>} : memref<40x128xi32, #tpu.memory_space<vmem>>, vector<1x16xi32>,
      %swap3A_693 = vector.shape_cast %swap3A_692 : vector<1x16xi32> to vector<16xi32>
      %swap3A_694 = vector.shape_cast %add3A_689 : vector<16xi32> to vector<1x16xi32>
      tpu.vector_store %arg8[%swap3A_690, %swap3A_691], %swap3A_694 {strides = array<i32>} : memref<40x128xi32, #tpu.memory_space<vmem>>, vector<1x16xi32>,
      %mul3A_695 = arith.constant 128 : i32
      %mul3A_696 = arith.muli %scan3A_639, %mul3A_695 : i32
      %add3A_697 = arith.constant 32 : i32
      %add3A_698 = arith.addi %mul3A_696, %add3A_697 : i32
      %get3A_699 = arith.index_cast %add3A_698 : i32 to index
      %get3A_700 = tpu.vector_load %arg9[%get3A_699] {strides = array<i32>} : memref<5256xi32, #tpu.memory_space<vmem>>, vector<16xi32>,
      %get3A_701 = vector.shape_cast %get3A_700 : vector<16xi32> to vector<16xi32>
      %shift_right_logical3A_702 = arith.constant 7 : i32
      %shift_right_logical3A_703 = vector.broadcast %shift_right_logical3A_702 : i32 to vector<16xi32>
      %shift_right_logical3A_704 = arith.shrui %get3A_701, %shift_right_logical3A_703 : vector<16xi32>
      %mul3A_705 = arith.constant 6554 : i32
      %mul3A_706 = vector.broadcast %mul3A_705 : i32 to vector<16xi32>
      %mul3A_707 = arith.muli %shift_right_logical3A_704, %mul3A_706 : vector<16xi32>
      %shift_right_logical3A_708 = arith.constant 15 : i32
      %shift_right_logical3A_709 = vector.broadcast %shift_right_logical3A_708 : i32 to vector<16xi32>
      %shift_right_logical3A_710 = arith.shrui %mul3A_707, %shift_right_logical3A_709 : vector<16xi32>
      %mul3A_711 = arith.constant 640 : i32
      %mul3A_712 = vector.broadcast %mul3A_711 : i32 to vector<16xi32>
      %mul3A_713 = arith.muli %shift_right_logical3A_710, %mul3A_712 : vector<16xi32>
      %sub3A_714 = arith.subi %get3A_701, %mul3A_713 : vector<16xi32>
      %mul3A_715 = arith.constant 16 : i32
      %mul3A_716 = vector.broadcast %mul3A_715 : i32 to vector<16xi32>
      %mul3A_717 = arith.muli %mul3A_716, %sub3A_714 : vector<16xi32>
      %add3A_718 = arith.addi %mul3A_717, %shift_right_logical3A_710 : vector<16xi32>
      %swap3A_719 = arith.index_cast %scan3A_639 : i32 to index
      %swap3A_720 = arith.constant 32 : index
      %swap3A_721 = tpu.vector_load %arg8[%swap3A_719, %swap3A_720] {strides = array<i32>} : memref<40x128xi32, #tpu.memory_space<vmem>>, vector<1x16xi32>,
      %swap3A_722 = vector.shape_cast %swap3A_721 : vector<1x16xi32> to vector<16xi32>
      %swap3A_723 = vector.shape_cast %add3A_718 : vector<16xi32> to vector<1x16xi32>
      tpu.vector_store %arg8[%swap3A_719, %swap3A_720], %swap3A_723 {strides = array<i32>} : memref<40x128xi32, #tpu.memory_space<vmem>>, vector<1x16xi32>,
      %mul3A_724 = arith.constant 128 : i32
      %mul3A_725 = arith.muli %scan3A_639, %mul3A_724 : i32
      %add3A_726 = arith.constant 48 : i32
      %add3A_727 = arith.addi %mul3A_725, %add3A_726 : i32
      %get3A_728 = arith.index_cast %add3A_727 : i32 to index
      %get3A_729 = tpu.vector_load %arg9[%get3A_728] {strides = array<i32>} : memref<5256xi32, #tpu.memory_space<vmem>>, vector<16xi32>,
      %get3A_730 = vector.shape_cast %get3A_729 : vector<16xi32> to vector<16xi32>
      %shift_right_logical3A_731 = arith.constant 7 : i32
      %shift_right_logical3A_732 = vector.broadcast %shift_right_logical3A_731 : i32 to vector<16xi32>
      %shift_right_logical3A_733 = arith.shrui %get3A_730, %shift_right_logical3A_732 : vector<16xi32>
      %mul3A_734 = arith.constant 6554 : i32
      %mul3A_735 = vector.broadcast %mul3A_734 : i32 to vector<16xi32>
      %mul3A_736 = arith.muli %shift_right_logical3A_733, %mul3A_735 : vector<16xi32>
      %shift_right_logical3A_737 = arith.constant 15 : i32
      %shift_right_logical3A_738 = vector.broadcast %shift_right_logical3A_737 : i32 to vector<16xi32>
      %shift_right_logical3A_739 = arith.shrui %mul3A_736, %shift_right_logical3A_738 : vector<16xi32>
      %mul3A_740 = arith.constant 640 : i32
      %mul3A_741 = vector.broadcast %mul3A_740 : i32 to vector<16xi32>
      %mul3A_742 = arith.muli %shift_right_logical3A_739, %mul3A_741 : vector<16xi32>
      %sub3A_743 = arith.subi %get3A_730, %mul3A_742 : vector<16xi32>
      %mul3A_744 = arith.constant 16 : i32
      %mul3A_745 = vector.broadcast %mul3A_744 : i32 to vector<16xi32>
      %mul3A_746 = arith.muli %mul3A_745, %sub3A_743 : vector<16xi32>
      %add3A_747 = arith.addi %mul3A_746, %shift_right_logical3A_739 : vector<16xi32>
      %swap3A_748 = arith.index_cast %scan3A_639 : i32 to index
      %swap3A_749 = arith.constant 48 : index
      %swap3A_750 = tpu.vector_load %arg8[%swap3A_748, %swap3A_749] {strides = array<i32>} : memref<40x128xi32, #tpu.memory_space<vmem>>, vector<1x16xi32>,
      %swap3A_751 = vector.shape_cast %swap3A_750 : vector<1x16xi32> to vector<16xi32>
      %swap3A_752 = vector.shape_cast %add3A_747 : vector<16xi32> to vector<1x16xi32>
      tpu.vector_store %arg8[%swap3A_748, %swap3A_749], %swap3A_752 {strides = array<i32>} : memref<40x128xi32, #tpu.memory_space<vmem>>, vector<1x16xi32>,
      %mul3A_753 = arith.constant 128 : i32
      %mul3A_754 = arith.muli %scan3A_639, %mul3A_753 : i32
      %add3A_755 = arith.constant 64 : i32
      %add3A_756 = arith.addi %mul3A_754, %add3A_755 : i32
      %get3A_757 = arith.index_cast %add3A_756 : i32 to index
      %get3A_758 = tpu.vector_load %arg9[%get3A_757] {strides = array<i32>} : memref<5256xi32, #tpu.memory_space<vmem>>, vector<16xi32>,
      %get3A_759 = vector.shape_cast %get3A_758 : vector<16xi32> to vector<16xi32>
      %shift_right_logical3A_760 = arith.constant 7 : i32
      %shift_right_logical3A_761 = vector.broadcast %shift_right_logical3A_760 : i32 to vector<16xi32>
      %shift_right_logical3A_762 = arith.shrui %get3A_759, %shift_right_logical3A_761 : vector<16xi32>
      %mul3A_763 = arith.constant 6554 : i32
      %mul3A_764 = vector.broadcast %mul3A_763 : i32 to vector<16xi32>
      %mul3A_765 = arith.muli %shift_right_logical3A_762, %mul3A_764 : vector<16xi32>
      %shift_right_logical3A_766 = arith.constant 15 : i32
      %shift_right_logical3A_767 = vector.broadcast %shift_right_logical3A_766 : i32 to vector<16xi32>
      %shift_right_logical3A_768 = arith.shrui %mul3A_765, %shift_right_logical3A_767 : vector<16xi32>
      %mul3A_769 = arith.constant 640 : i32
      %mul3A_770 = vector.broadcast %mul3A_769 : i32 to vector<16xi32>
      %mul3A_771 = arith.muli %shift_right_logical3A_768, %mul3A_770 : vector<16xi32>
      %sub3A_772 = arith.subi %get3A_759, %mul3A_771 : vector<16xi32>
      %mul3A_773 = arith.constant 16 : i32
      %mul3A_774 = vector.broadcast %mul3A_773 : i32 to vector<16xi32>
      %mul3A_775 = arith.muli %mul3A_774, %sub3A_772 : vector<16xi32>
      %add3A_776 = arith.addi %mul3A_775, %shift_right_logical3A_768 : vector<16xi32>
      %swap3A_777 = arith.index_cast %scan3A_639 : i32 to index
      %swap3A_778 = arith.constant 64 : index
      %swap3A_779 = tpu.vector_load %arg8[%swap3A_777, %swap3A_778] {strides = array<i32>} : memref<40x128xi32, #tpu.memory_space<vmem>>, vector<1x16xi32>,
      %swap3A_780 = vector.shape_cast %swap3A_779 : vector<1x16xi32> to vector<16xi32>
      %swap3A_781 = vector.shape_cast %add3A_776 : vector<16xi32> to vector<1x16xi32>
      tpu.vector_store %arg8[%swap3A_777, %swap3A_778], %swap3A_781 {strides = array<i32>} : memref<40x128xi32, #tpu.memory_space<vmem>>, vector<1x16xi32>,
      %mul3A_782 = arith.constant 128 : i32
      %mul3A_783 = arith.muli %scan3A_639, %mul3A_782 : i32
      %add3A_784 = arith.constant 80 : i32
      %add3A_785 = arith.addi %mul3A_783, %add3A_784 : i32
      %get3A_786 = arith.index_cast %add3A_785 : i32 to index
      %get3A_787 = tpu.vector_load %arg9[%get3A_786] {strides = array<i32>} : memref<5256xi32, #tpu.memory_space<vmem>>, vector<16xi32>,
      %get3A_788 = vector.shape_cast %get3A_787 : vector<16xi32> to vector<16xi32>
      %shift_right_logical3A_789 = arith.constant 7 : i32
      %shift_right_logical3A_790 = vector.broadcast %shift_right_logical3A_789 : i32 to vector<16xi32>
      %shift_right_logical3A_791 = arith.shrui %get3A_788, %shift_right_logical3A_790 : vector<16xi32>
      %mul3A_792 = arith.constant 6554 : i32
      %mul3A_793 = vector.broadcast %mul3A_792 : i32 to vector<16xi32>
      %mul3A_794 = arith.muli %shift_right_logical3A_791, %mul3A_793 : vector<16xi32>
      %shift_right_logical3A_795 = arith.constant 15 : i32
      %shift_right_logical3A_796 = vector.broadcast %shift_right_logical3A_795 : i32 to vector<16xi32>
      %shift_right_logical3A_797 = arith.shrui %mul3A_794, %shift_right_logical3A_796 : vector<16xi32>
      %mul3A_798 = arith.constant 640 : i32
      %mul3A_799 = vector.broadcast %mul3A_798 : i32 to vector<16xi32>
      %mul3A_800 = arith.muli %shift_right_logical3A_797, %mul3A_799 : vector<16xi32>
      %sub3A_801 = arith.subi %get3A_788, %mul3A_800 : vector<16xi32>
      %mul3A_802 = arith.constant 16 : i32
      %mul3A_803 = vector.broadcast %mul3A_802 : i32 to vector<16xi32>
      %mul3A_804 = arith.muli %mul3A_803, %sub3A_801 : vector<16xi32>
      %add3A_805 = arith.addi %mul3A_804, %shift_right_logical3A_797 : vector<16xi32>
      %swap3A_806 = arith.index_cast %scan3A_639 : i32 to index
      %swap3A_807 = arith.constant 80 : index
      %swap3A_808 = tpu.vector_load %arg8[%swap3A_806, %swap3A_807] {strides = array<i32>} : memref<40x128xi32, #tpu.memory_space<vmem>>, vector<1x16xi32>,
      %swap3A_809 = vector.shape_cast %swap3A_808 : vector<1x16xi32> to vector<16xi32>
      %swap3A_810 = vector.shape_cast %add3A_805 : vector<16xi32> to vector<1x16xi32>
      tpu.vector_store %arg8[%swap3A_806, %swap3A_807], %swap3A_810 {strides = array<i32>} : memref<40x128xi32, #tpu.memory_space<vmem>>, vector<1x16xi32>,
      %mul3A_811 = arith.constant 128 : i32
      %mul3A_812 = arith.muli %scan3A_639, %mul3A_811 : i32
      %add3A_813 = arith.constant 96 : i32
      %add3A_814 = arith.addi %mul3A_812, %add3A_813 : i32
      %get3A_815 = arith.index_cast %add3A_814 : i32 to index
      %get3A_816 = tpu.vector_load %arg9[%get3A_815] {strides = array<i32>} : memref<5256xi32, #tpu.memory_space<vmem>>, vector<16xi32>,
      %get3A_817 = vector.shape_cast %get3A_816 : vector<16xi32> to vector<16xi32>
      %shift_right_logical3A_818 = arith.constant 7 : i32
      %shift_right_logical3A_819 = vector.broadcast %shift_right_logical3A_818 : i32 to vector<16xi32>
      %shift_right_logical3A_820 = arith.shrui %get3A_817, %shift_right_logical3A_819 : vector<16xi32>
      %mul3A_821 = arith.constant 6554 : i32
      %mul3A_822 = vector.broadcast %mul3A_821 : i32 to vector<16xi32>
      %mul3A_823 = arith.muli %shift_right_logical3A_820, %mul3A_822 : vector<16xi32>
      %shift_right_logical3A_824 = arith.constant 15 : i32
      %shift_right_logical3A_825 = vector.broadcast %shift_right_logical3A_824 : i32 to vector<16xi32>
      %shift_right_logical3A_826 = arith.shrui %mul3A_823, %shift_right_logical3A_825 : vector<16xi32>
      %mul3A_827 = arith.constant 640 : i32
      %mul3A_828 = vector.broadcast %mul3A_827 : i32 to vector<16xi32>
      %mul3A_829 = arith.muli %shift_right_logical3A_826, %mul3A_828 : vector<16xi32>
      %sub3A_830 = arith.subi %get3A_817, %mul3A_829 : vector<16xi32>
      %mul3A_831 = arith.constant 16 : i32
      %mul3A_832 = vector.broadcast %mul3A_831 : i32 to vector<16xi32>
      %mul3A_833 = arith.muli %mul3A_832, %sub3A_830 : vector<16xi32>
      %add3A_834 = arith.addi %mul3A_833, %shift_right_logical3A_826 : vector<16xi32>
      %swap3A_835 = arith.index_cast %scan3A_639 : i32 to index
      %swap3A_836 = arith.constant 96 : index
      %swap3A_837 = tpu.vector_load %arg8[%swap3A_835, %swap3A_836] {strides = array<i32>} : memref<40x128xi32, #tpu.memory_space<vmem>>, vector<1x16xi32>,
      %swap3A_838 = vector.shape_cast %swap3A_837 : vector<1x16xi32> to vector<16xi32>
      %swap3A_839 = vector.shape_cast %add3A_834 : vector<16xi32> to vector<1x16xi32>
      tpu.vector_store %arg8[%swap3A_835, %swap3A_836], %swap3A_839 {strides = array<i32>} : memref<40x128xi32, #tpu.memory_space<vmem>>, vector<1x16xi32>,
      %mul3A_840 = arith.constant 128 : i32
      %mul3A_841 = arith.muli %scan3A_639, %mul3A_840 : i32
      %add3A_842 = arith.constant 112 : i32
      %add3A_843 = arith.addi %mul3A_841, %add3A_842 : i32
      %get3A_844 = arith.index_cast %add3A_843 : i32 to index
      %get3A_845 = tpu.vector_load %arg9[%get3A_844] {strides = array<i32>} : memref<5256xi32, #tpu.memory_space<vmem>>, vector<16xi32>,
      %get3A_846 = vector.shape_cast %get3A_845 : vector<16xi32> to vector<16xi32>
      %shift_right_logical3A_847 = arith.constant 7 : i32
      %shift_right_logical3A_848 = vector.broadcast %shift_right_logical3A_847 : i32 to vector<16xi32>
      %shift_right_logical3A_849 = arith.shrui %get3A_846, %shift_right_logical3A_848 : vector<16xi32>
      %mul3A_850 = arith.constant 6554 : i32
      %mul3A_851 = vector.broadcast %mul3A_850 : i32 to vector<16xi32>
      %mul3A_852 = arith.muli %shift_right_logical3A_849, %mul3A_851 : vector<16xi32>
      %shift_right_logical3A_853 = arith.constant 15 : i32
      %shift_right_logical3A_854 = vector.broadcast %shift_right_logical3A_853 : i32 to vector<16xi32>
      %shift_right_logical3A_855 = arith.shrui %mul3A_852, %shift_right_logical3A_854 : vector<16xi32>
      %mul3A_856 = arith.constant 640 : i32
      %mul3A_857 = vector.broadcast %mul3A_856 : i32 to vector<16xi32>
      %mul3A_858 = arith.muli %shift_right_logical3A_855, %mul3A_857 : vector<16xi32>
      %sub3A_859 = arith.subi %get3A_846, %mul3A_858 : vector<16xi32>
      %mul3A_860 = arith.constant 16 : i32
      %mul3A_861 = vector.broadcast %mul3A_860 : i32 to vector<16xi32>
      %mul3A_862 = arith.muli %mul3A_861, %sub3A_859 : vector<16xi32>
      %add3A_863 = arith.addi %mul3A_862, %shift_right_logical3A_855 : vector<16xi32>
      %swap3A_864 = arith.index_cast %scan3A_639 : i32 to index
      %swap3A_865 = arith.constant 112 : index
      %swap3A_866 = tpu.vector_load %arg8[%swap3A_864, %swap3A_865] {strides = array<i32>} : memref<40x128xi32, #tpu.memory_space<vmem>>, vector<1x16xi32>,
      %swap3A_867 = vector.shape_cast %swap3A_866 : vector<1x16xi32> to vector<16xi32>
      %swap3A_868 = vector.shape_cast %add3A_863 : vector<16xi32> to vector<1x16xi32>
      tpu.vector_store %arg8[%swap3A_864, %swap3A_865], %swap3A_868 {strides = array<i32>} : memref<40x128xi32, #tpu.memory_space<vmem>>, vector<1x16xi32>,
    }
    %scan3A_146 = arith.constant 40 : i32
    %barrier3A = arith.constant 0 : index
    tpu.barrier barrier_id(%barrier3A)
    %dma_start3A = arith.constant 0 : i32
    %dma_start3A_147 = arith.constant 0 : i32
    %dma_start3A_148 = arith.constant 0 : i32
    %dma_start3A_149 = arith.constant 0 : i32
    %dma_start3A_150 = tpu.memref_slice %arg10[%dma_start3A_147, %dma_start3A_148, %dma_start3A_149] : memref<10x128x8xf32, #tpu.memory_space<vmem>> -> memref<1x128x8xf32, #tpu.memory_space<vmem>>
    %dma_start3A_151 = tpu.memref_squeeze %dma_start3A_150 : memref<1x128x8xf32, #tpu.memory_space<vmem>> -> memref<128x8xf32, #tpu.memory_space<vmem>>
    %dma_start3A_152 = arith.constant 0 : i32
    %dma_start3A_153 = tpu.memref_slice %arg7[%dma_start3A, %dma_start3A_152] : memref<40x128xi32, #tpu.memory_space<vmem>> -> memref<1x128xi32, #tpu.memory_space<vmem>>
    %dma_start3A_154 = tpu.memref_squeeze %dma_start3A_153 : memref<1x128xi32, #tpu.memory_space<vmem>> -> memref<128xi32, #tpu.memory_space<vmem>>
    %dma_start3A_155 = arith.constant 0 : i32
    %dma_start3A_156 = arith.constant 0 : i32
    %dma_start3A_157 = tpu.memref_slice %arg32[%dma_start3A_155, %dma_start3A_156] : memref<10240x8xf32, #tpu.memory_space<vmem_shared>> -> memref<10240x8xf32, #tpu.memory_space<vmem_shared>>
    tpu.enqueue_indirect_dma source(%dma_start3A_157 : memref<10240x8xf32, #tpu.memory_space<vmem_shared>>) target(%dma_start3A_151 : memref<128x8xf32, #tpu.memory_space<vmem>>) offsets(%dma_start3A_154 : memref<128xi32, #tpu.memory_space<vmem>>) semaphore(%arg11 : memref<!tpu.dma_semaphore, #tpu.memory_space<semaphore_mem>>)
    %dma_start3A_158 = arith.constant 1 : i32
    %dma_start3A_159 = arith.constant 1 : i32
    %dma_start3A_160 = arith.constant 0 : i32
    %dma_start3A_161 = arith.constant 0 : i32
    %dma_start3A_162 = tpu.memref_slice %arg10[%dma_start3A_159, %dma_start3A_160, %dma_start3A_161] : memref<10x128x8xf32, #tpu.memory_space<vmem>> -> memref<1x128x8xf32, #tpu.memory_space<vmem>>
    %dma_start3A_163 = tpu.memref_squeeze %dma_start3A_162 : memref<1x128x8xf32, #tpu.memory_space<vmem>> -> memref<128x8xf32, #tpu.memory_space<vmem>>
    %dma_start3A_164 = arith.constant 0 : i32
    %dma_start3A_165 = tpu.memref_slice %arg7[%dma_start3A_158, %dma_start3A_164] : memref<40x128xi32, #tpu.memory_space<vmem>> -> memref<1x128xi32, #tpu.memory_space<vmem>>
    %dma_start3A_166 = tpu.memref_squeeze %dma_start3A_165 : memref<1x128xi32, #tpu.memory_space<vmem>> -> memref<128xi32, #tpu.memory_space<vmem>>
    %dma_start3A_167 = arith.constant 0 : i32
    %dma_start3A_168 = arith.constant 0 : i32
    %dma_start3A_169 = tpu.memref_slice %arg32[%dma_start3A_167, %dma_start3A_168] : memref<10240x8xf32, #tpu.memory_space<vmem_shared>> -> memref<10240x8xf32, #tpu.memory_space<vmem_shared>>
    tpu.enqueue_indirect_dma source(%dma_start3A_169 : memref<10240x8xf32, #tpu.memory_space<vmem_shared>>) target(%dma_start3A_163 : memref<128x8xf32, #tpu.memory_space<vmem>>) offsets(%dma_start3A_166 : memref<128xi32, #tpu.memory_space<vmem>>) semaphore(%arg12 : memref<!tpu.dma_semaphore, #tpu.memory_space<semaphore_mem>>)
    %dma_start3A_170 = arith.constant 2 : i32
    %dma_start3A_171 = arith.constant 2 : i32
    %dma_start3A_172 = arith.constant 0 : i32
    %dma_start3A_173 = arith.constant 0 : i32
    %dma_start3A_174 = tpu.memref_slice %arg10[%dma_start3A_171, %dma_start3A_172, %dma_start3A_173] : memref<10x128x8xf32, #tpu.memory_space<vmem>> -> memref<1x128x8xf32, #tpu.memory_space<vmem>>
    %dma_start3A_175 = tpu.memref_squeeze %dma_start3A_174 : memref<1x128x8xf32, #tpu.memory_space<vmem>> -> memref<128x8xf32, #tpu.memory_space<vmem>>
    %dma_start3A_176 = arith.constant 0 : i32
    %dma_start3A_177 = tpu.memref_slice %arg7[%dma_start3A_170, %dma_start3A_176] : memref<40x128xi32, #tpu.memory_space<vmem>> -> memref<1x128xi32, #tpu.memory_space<vmem>>
    %dma_start3A_178 = tpu.memref_squeeze %dma_start3A_177 : memref<1x128xi32, #tpu.memory_space<vmem>> -> memref<128xi32, #tpu.memory_space<vmem>>
    %dma_start3A_179 = arith.constant 0 : i32
    %dma_start3A_180 = arith.constant 0 : i32
    %dma_start3A_181 = tpu.memref_slice %arg32[%dma_start3A_179, %dma_start3A_180] : memref<10240x8xf32, #tpu.memory_space<vmem_shared>> -> memref<10240x8xf32, #tpu.memory_space<vmem_shared>>
    tpu.enqueue_indirect_dma source(%dma_start3A_181 : memref<10240x8xf32, #tpu.memory_space<vmem_shared>>) target(%dma_start3A_175 : memref<128x8xf32, #tpu.memory_space<vmem>>) offsets(%dma_start3A_178 : memref<128xi32, #tpu.memory_space<vmem>>) semaphore(%arg13 : memref<!tpu.dma_semaphore, #tpu.memory_space<semaphore_mem>>)
    %dma_start3A_182 = arith.constant 3 : i32
    %dma_start3A_183 = arith.constant 3 : i32
    %dma_start3A_184 = arith.constant 0 : i32
    %dma_start3A_185 = arith.constant 0 : i32
    %dma_start3A_186 = tpu.memref_slice %arg10[%dma_start3A_183, %dma_start3A_184, %dma_start3A_185] : memref<10x128x8xf32, #tpu.memory_space<vmem>> -> memref<1x128x8xf32, #tpu.memory_space<vmem>>
    %dma_start3A_187 = tpu.memref_squeeze %dma_start3A_186 : memref<1x128x8xf32, #tpu.memory_space<vmem>> -> memref<128x8xf32, #tpu.memory_space<vmem>>
    %dma_start3A_188 = arith.constant 0 : i32
    %dma_start3A_189 = tpu.memref_slice %arg7[%dma_start3A_182, %dma_start3A_188] : memref<40x128xi32, #tpu.memory_space<vmem>> -> memref<1x128xi32, #tpu.memory_space<vmem>>
    %dma_start3A_190 = tpu.memref_squeeze %dma_start3A_189 : memref<1x128xi32, #tpu.memory_space<vmem>> -> memref<128xi32, #tpu.memory_space<vmem>>
    %dma_start3A_191 = arith.constant 0 : i32
    %dma_start3A_192 = arith.constant 0 : i32
    %dma_start3A_193 = tpu.memref_slice %arg32[%dma_start3A_191, %dma_start3A_192] : memref<10240x8xf32, #tpu.memory_space<vmem_shared>> -> memref<10240x8xf32, #tpu.memory_space<vmem_shared>>
    tpu.enqueue_indirect_dma source(%dma_start3A_193 : memref<10240x8xf32, #tpu.memory_space<vmem_shared>>) target(%dma_start3A_187 : memref<128x8xf32, #tpu.memory_space<vmem>>) offsets(%dma_start3A_190 : memref<128xi32, #tpu.memory_space<vmem>>) semaphore(%arg14 : memref<!tpu.dma_semaphore, #tpu.memory_space<semaphore_mem>>)
    %dma_start3A_194 = arith.constant 4 : i32
    %dma_start3A_195 = arith.constant 4 : i32
    %dma_start3A_196 = arith.constant 0 : i32
    %dma_start3A_197 = arith.constant 0 : i32
    %dma_start3A_198 = tpu.memref_slice %arg10[%dma_start3A_195, %dma_start3A_196, %dma_start3A_197] : memref<10x128x8xf32, #tpu.memory_space<vmem>> -> memref<1x128x8xf32, #tpu.memory_space<vmem>>
    %dma_start3A_199 = tpu.memref_squeeze %dma_start3A_198 : memref<1x128x8xf32, #tpu.memory_space<vmem>> -> memref<128x8xf32, #tpu.memory_space<vmem>>
    %dma_start3A_200 = arith.constant 0 : i32
    %dma_start3A_201 = tpu.memref_slice %arg7[%dma_start3A_194, %dma_start3A_200] : memref<40x128xi32, #tpu.memory_space<vmem>> -> memref<1x128xi32, #tpu.memory_space<vmem>>
    %dma_start3A_202 = tpu.memref_squeeze %dma_start3A_201 : memref<1x128xi32, #tpu.memory_space<vmem>> -> memref<128xi32, #tpu.memory_space<vmem>>
    %dma_start3A_203 = arith.constant 0 : i32
    %dma_start3A_204 = arith.constant 0 : i32
    %dma_start3A_205 = tpu.memref_slice %arg32[%dma_start3A_203, %dma_start3A_204] : memref<10240x8xf32, #tpu.memory_space<vmem_shared>> -> memref<10240x8xf32, #tpu.memory_space<vmem_shared>>
    tpu.enqueue_indirect_dma source(%dma_start3A_205 : memref<10240x8xf32, #tpu.memory_space<vmem_shared>>) target(%dma_start3A_199 : memref<128x8xf32, #tpu.memory_space<vmem>>) offsets(%dma_start3A_202 : memref<128xi32, #tpu.memory_space<vmem>>) semaphore(%arg15 : memref<!tpu.dma_semaphore, #tpu.memory_space<semaphore_mem>>)
    %dma_start3A_206 = arith.constant 5 : i32
    %dma_start3A_207 = arith.constant 5 : i32
    %dma_start3A_208 = arith.constant 0 : i32
    %dma_start3A_209 = arith.constant 0 : i32
    %dma_start3A_210 = tpu.memref_slice %arg10[%dma_start3A_207, %dma_start3A_208, %dma_start3A_209] : memref<10x128x8xf32, #tpu.memory_space<vmem>> -> memref<1x128x8xf32, #tpu.memory_space<vmem>>
    %dma_start3A_211 = tpu.memref_squeeze %dma_start3A_210 : memref<1x128x8xf32, #tpu.memory_space<vmem>> -> memref<128x8xf32, #tpu.memory_space<vmem>>
    %dma_start3A_212 = arith.constant 0 : i32
    %dma_start3A_213 = tpu.memref_slice %arg7[%dma_start3A_206, %dma_start3A_212] : memref<40x128xi32, #tpu.memory_space<vmem>> -> memref<1x128xi32, #tpu.memory_space<vmem>>
    %dma_start3A_214 = tpu.memref_squeeze %dma_start3A_213 : memref<1x128xi32, #tpu.memory_space<vmem>> -> memref<128xi32, #tpu.memory_space<vmem>>
    %dma_start3A_215 = arith.constant 0 : i32
    %dma_start3A_216 = arith.constant 0 : i32
    %dma_start3A_217 = tpu.memref_slice %arg32[%dma_start3A_215, %dma_start3A_216] : memref<10240x8xf32, #tpu.memory_space<vmem_shared>> -> memref<10240x8xf32, #tpu.memory_space<vmem_shared>>
    tpu.enqueue_indirect_dma source(%dma_start3A_217 : memref<10240x8xf32, #tpu.memory_space<vmem_shared>>) target(%dma_start3A_211 : memref<128x8xf32, #tpu.memory_space<vmem>>) offsets(%dma_start3A_214 : memref<128xi32, #tpu.memory_space<vmem>>) semaphore(%arg16 : memref<!tpu.dma_semaphore, #tpu.memory_space<semaphore_mem>>)
    %dma_wait3A = arith.constant 0 : i32
    %dma_wait3A_218 = arith.constant 0 : i32
    %dma_wait3A_219 = arith.constant 0 : i32
    %dma_wait3A_220 = arith.constant 0 : i32
    %dma_wait3A_221 = tpu.memref_slice %arg10[%dma_wait3A_218, %dma_wait3A_219, %dma_wait3A_220] : memref<10x128x8xf32, #tpu.memory_space<vmem>> -> memref<1x128x8xf32, #tpu.memory_space<vmem>>
    %dma_wait3A_222 = tpu.memref_squeeze %dma_wait3A_221 : memref<1x128x8xf32, #tpu.memory_space<vmem>> -> memref<128x8xf32, #tpu.memory_space<vmem>>
    %dma_wait3A_223 = arith.constant 0 : i32
    %dma_wait3A_224 = tpu.memref_slice %arg7[%dma_wait3A, %dma_wait3A_223] : memref<40x128xi32, #tpu.memory_space<vmem>> -> memref<1x128xi32, #tpu.memory_space<vmem>>
    %dma_wait3A_225 = tpu.memref_squeeze %dma_wait3A_224 : memref<1x128xi32, #tpu.memory_space<vmem>> -> memref<128xi32, #tpu.memory_space<vmem>>
    %dma_wait3A_226 = arith.constant 0 : i32
    %dma_wait3A_227 = arith.constant 0 : i32
    %dma_wait3A_228 = tpu.memref_slice %arg32[%dma_wait3A_226, %dma_wait3A_227] : memref<10240x8xf32, #tpu.memory_space<vmem_shared>> -> memref<10240x8xf32, #tpu.memory_space<vmem_shared>>
    tpu.wait_indirect_dma semaphore(%arg11 : memref<!tpu.dma_semaphore, #tpu.memory_space<semaphore_mem>>) src(%dma_wait3A_228 : memref<10240x8xf32, #tpu.memory_space<vmem_shared>>) dst(%dma_wait3A_222 : memref<128x8xf32, #tpu.memory_space<vmem>>)
    %dma_start3A_229 = arith.constant 0 : i32
    %dma_start3A_230 = arith.constant 0 : i32
    %dma_start3A_231 = arith.constant 0 : i32
    %dma_start3A_232 = arith.constant 0 : i32
    %dma_start3A_233 = tpu.memref_slice %arg10[%dma_start3A_229, %dma_start3A_231, %dma_start3A_232] : memref<10x128x8xf32, #tpu.memory_space<vmem>> -> memref<1x128x8xf32, #tpu.memory_space<vmem>>
    %dma_start3A_234 = tpu.memref_squeeze %dma_start3A_233 : memref<1x128x8xf32, #tpu.memory_space<vmem>> -> memref<128x8xf32, #tpu.memory_space<vmem>>
    %dma_start3A_235 = arith.constant 0 : i32
    %dma_start3A_236 = tpu.memref_slice %arg8[%dma_start3A_230, %dma_start3A_235] : memref<40x128xi32, #tpu.memory_space<vmem>> -> memref<1x128xi32, #tpu.memory_space<vmem>>
    %dma_start3A_237 = tpu.memref_squeeze %dma_start3A_236 : memref<1x128xi32, #tpu.memory_space<vmem>> -> memref<128xi32, #tpu.memory_space<vmem>>
    %dma_start3A_238 = arith.constant 0 : i32
    %dma_start3A_239 = arith.constant 0 : i32
    %dma_start3A_240 = tpu.memref_slice %arg31[%dma_start3A_238, %dma_start3A_239] : memref<10240x8xf32, #tpu.memory_space<vmem_shared>> -> memref<10240x8xf32, #tpu.memory_space<vmem_shared>>
    tpu.enqueue_indirect_dma source(%dma_start3A_234 : memref<128x8xf32, #tpu.memory_space<vmem>>) target(%dma_start3A_240 : memref<10240x8xf32, #tpu.memory_space<vmem_shared>>) offsets(%dma_start3A_237 : memref<128xi32, #tpu.memory_space<vmem>>) semaphore(%arg21 : memref<!tpu.dma_semaphore, #tpu.memory_space<semaphore_mem>>) {add = true}
    %dma_start3A_241 = arith.constant 6 : i32
    %dma_start3A_242 = arith.constant 6 : i32
    %dma_start3A_243 = arith.constant 0 : i32
    %dma_start3A_244 = arith.constant 0 : i32
    %dma_start3A_245 = tpu.memref_slice %arg10[%dma_start3A_242, %dma_start3A_243, %dma_start3A_244] : memref<10x128x8xf32, #tpu.memory_space<vmem>> -> memref<1x128x8xf32, #tpu.memory_space<vmem>>
    %dma_start3A_246 = tpu.memref_squeeze %dma_start3A_245 : memref<1x128x8xf32, #tpu.memory_space<vmem>> -> memref<128x8xf32, #tpu.memory_space<vmem>>
    %dma_start3A_247 = arith.constant 0 : i32
    %dma_start3A_248 = tpu.memref_slice %arg7[%dma_start3A_241, %dma_start3A_247] : memref<40x128xi32, #tpu.memory_space<vmem>> -> memref<1x128xi32, #tpu.memory_space<vmem>>
    %dma_start3A_249 = tpu.memref_squeeze %dma_start3A_248 : memref<1x128xi32, #tpu.memory_space<vmem>> -> memref<128xi32, #tpu.memory_space<vmem>>
    %dma_start3A_250 = arith.constant 0 : i32
    %dma_start3A_251 = arith.constant 0 : i32
    %dma_start3A_252 = tpu.memref_slice %arg32[%dma_start3A_250, %dma_start3A_251] : memref<10240x8xf32, #tpu.memory_space<vmem_shared>> -> memref<10240x8xf32, #tpu.memory_space<vmem_shared>>
    tpu.enqueue_indirect_dma source(%dma_start3A_252 : memref<10240x8xf32, #tpu.memory_space<vmem_shared>>) target(%dma_start3A_246 : memref<128x8xf32, #tpu.memory_space<vmem>>) offsets(%dma_start3A_249 : memref<128xi32, #tpu.memory_space<vmem>>) semaphore(%arg17 : memref<!tpu.dma_semaphore, #tpu.memory_space<semaphore_mem>>)
    %dma_wait3A_253 = arith.constant 0 : i32
    %dma_wait3A_254 = arith.constant 1 : i32
    %dma_wait3A_255 = arith.constant 0 : i32
    %dma_wait3A_256 = arith.constant 0 : i32
    %dma_wait3A_257 = tpu.memref_slice %arg10[%dma_wait3A_254, %dma_wait3A_255, %dma_wait3A_256] : memref<10x128x8xf32, #tpu.memory_space<vmem>> -> memref<1x128x8xf32, #tpu.memory_space<vmem>>
    %dma_wait3A_258 = tpu.memref_squeeze %dma_wait3A_257 : memref<1x128x8xf32, #tpu.memory_space<vmem>> -> memref<128x8xf32, #tpu.memory_space<vmem>>
    %dma_wait3A_259 = arith.constant 0 : i32
    %dma_wait3A_260 = tpu.memref_slice %arg7[%dma_wait3A_253, %dma_wait3A_259] : memref<40x128xi32, #tpu.memory_space<vmem>> -> memref<1x128xi32, #tpu.memory_space<vmem>>
    %dma_wait3A_261 = tpu.memref_squeeze %dma_wait3A_260 : memref<1x128xi32, #tpu.memory_space<vmem>> -> memref<128xi32, #tpu.memory_space<vmem>>
    %dma_wait3A_262 = arith.constant 0 : i32
    %dma_wait3A_263 = arith.constant 0 : i32
    %dma_wait3A_264 = tpu.memref_slice %arg32[%dma_wait3A_262, %dma_wait3A_263] : memref<10240x8xf32, #tpu.memory_space<vmem_shared>> -> memref<10240x8xf32, #tpu.memory_space<vmem_shared>>
    tpu.wait_indirect_dma semaphore(%arg12 : memref<!tpu.dma_semaphore, #tpu.memory_space<semaphore_mem>>) src(%dma_wait3A_264 : memref<10240x8xf32, #tpu.memory_space<vmem_shared>>) dst(%dma_wait3A_258 : memref<128x8xf32, #tpu.memory_space<vmem>>)
    %dma_start3A_265 = arith.constant 1 : i32
    %dma_start3A_266 = arith.constant 1 : i32
    %dma_start3A_267 = arith.constant 0 : i32
    %dma_start3A_268 = arith.constant 0 : i32
    %dma_start3A_269 = tpu.memref_slice %arg10[%dma_start3A_265, %dma_start3A_267, %dma_start3A_268] : memref<10x128x8xf32, #tpu.memory_space<vmem>> -> memref<1x128x8xf32, #tpu.memory_space<vmem>>
    %dma_start3A_270 = tpu.memref_squeeze %dma_start3A_269 : memref<1x128x8xf32, #tpu.memory_space<vmem>> -> memref<128x8xf32, #tpu.memory_space<vmem>>
    %dma_start3A_271 = arith.constant 0 : i32
    %dma_start3A_272 = tpu.memref_slice %arg8[%dma_start3A_266, %dma_start3A_271] : memref<40x128xi32, #tpu.memory_space<vmem>> -> memref<1x128xi32, #tpu.memory_space<vmem>>
    %dma_start3A_273 = tpu.memref_squeeze %dma_start3A_272 : memref<1x128xi32, #tpu.memory_space<vmem>> -> memref<128xi32, #tpu.memory_space<vmem>>
    %dma_start3A_274 = arith.constant 0 : i32
    %dma_start3A_275 = arith.constant 0 : i32
    %dma_start3A_276 = tpu.memref_slice %arg31[%dma_start3A_274, %dma_start3A_275] : memref<10240x8xf32, #tpu.memory_space<vmem_shared>> -> memref<10240x8xf32, #tpu.memory_space<vmem_shared>>
    tpu.enqueue_indirect_dma source(%dma_start3A_270 : memref<128x8xf32, #tpu.memory_space<vmem>>) target(%dma_start3A_276 : memref<10240x8xf32, #tpu.memory_space<vmem_shared>>) offsets(%dma_start3A_273 : memref<128xi32, #tpu.memory_space<vmem>>) semaphore(%arg22 : memref<!tpu.dma_semaphore, #tpu.memory_space<semaphore_mem>>) {add = true}
    %dma_start3A_277 = arith.constant 7 : i32
    %dma_start3A_278 = arith.constant 7 : i32
    %dma_start3A_279 = arith.constant 0 : i32
    %dma_start3A_280 = arith.constant 0 : i32
    %dma_start3A_281 = tpu.memref_slice %arg10[%dma_start3A_278, %dma_start3A_279, %dma_start3A_280] : memref<10x128x8xf32, #tpu.memory_space<vmem>> -> memref<1x128x8xf32, #tpu.memory_space<vmem>>
    %dma_start3A_282 = tpu.memref_squeeze %dma_start3A_281 : memref<1x128x8xf32, #tpu.memory_space<vmem>> -> memref<128x8xf32, #tpu.memory_space<vmem>>
    %dma_start3A_283 = arith.constant 0 : i32
    %dma_start3A_284 = tpu.memref_slice %arg7[%dma_start3A_277, %dma_start3A_283] : memref<40x128xi32, #tpu.memory_space<vmem>> -> memref<1x128xi32, #tpu.memory_space<vmem>>
    %dma_start3A_285 = tpu.memref_squeeze %dma_start3A_284 : memref<1x128xi32, #tpu.memory_space<vmem>> -> memref<128xi32, #tpu.memory_space<vmem>>
    %dma_start3A_286 = arith.constant 0 : i32
    %dma_start3A_287 = arith.constant 0 : i32
    %dma_start3A_288 = tpu.memref_slice %arg32[%dma_start3A_286, %dma_start3A_287] : memref<10240x8xf32, #tpu.memory_space<vmem_shared>> -> memref<10240x8xf32, #tpu.memory_space<vmem_shared>>
    tpu.enqueue_indirect_dma source(%dma_start3A_288 : memref<10240x8xf32, #tpu.memory_space<vmem_shared>>) target(%dma_start3A_282 : memref<128x8xf32, #tpu.memory_space<vmem>>) offsets(%dma_start3A_285 : memref<128xi32, #tpu.memory_space<vmem>>) semaphore(%arg18 : memref<!tpu.dma_semaphore, #tpu.memory_space<semaphore_mem>>)
    %dma_wait3A_289 = arith.constant 0 : i32
    %dma_wait3A_290 = arith.constant 2 : i32
    %dma_wait3A_291 = arith.constant 0 : i32
    %dma_wait3A_292 = arith.constant 0 : i32
    %dma_wait3A_293 = tpu.memref_slice %arg10[%dma_wait3A_290, %dma_wait3A_291, %dma_wait3A_292] : memref<10x128x8xf32, #tpu.memory_space<vmem>> -> memref<1x128x8xf32, #tpu.memory_space<vmem>>
    %dma_wait3A_294 = tpu.memref_squeeze %dma_wait3A_293 : memref<1x128x8xf32, #tpu.memory_space<vmem>> -> memref<128x8xf32, #tpu.memory_space<vmem>>
    %dma_wait3A_295 = arith.constant 0 : i32
    %dma_wait3A_296 = tpu.memref_slice %arg7[%dma_wait3A_289, %dma_wait3A_295] : memref<40x128xi32, #tpu.memory_space<vmem>> -> memref<1x128xi32, #tpu.memory_space<vmem>>
    %dma_wait3A_297 = tpu.memref_squeeze %dma_wait3A_296 : memref<1x128xi32, #tpu.memory_space<vmem>> -> memref<128xi32, #tpu.memory_space<vmem>>
    %dma_wait3A_298 = arith.constant 0 : i32
    %dma_wait3A_299 = arith.constant 0 : i32
    %dma_wait3A_300 = tpu.memref_slice %arg32[%dma_wait3A_298, %dma_wait3A_299] : memref<10240x8xf32, #tpu.memory_space<vmem_shared>> -> memref<10240x8xf32, #tpu.memory_space<vmem_shared>>
    tpu.wait_indirect_dma semaphore(%arg13 : memref<!tpu.dma_semaphore, #tpu.memory_space<semaphore_mem>>) src(%dma_wait3A_300 : memref<10240x8xf32, #tpu.memory_space<vmem_shared>>) dst(%dma_wait3A_294 : memref<128x8xf32, #tpu.memory_space<vmem>>)
    %dma_start3A_301 = arith.constant 2 : i32
    %dma_start3A_302 = arith.constant 2 : i32
    %dma_start3A_303 = arith.constant 0 : i32
    %dma_start3A_304 = arith.constant 0 : i32
    %dma_start3A_305 = tpu.memref_slice %arg10[%dma_start3A_301, %dma_start3A_303, %dma_start3A_304] : memref<10x128x8xf32, #tpu.memory_space<vmem>> -> memref<1x128x8xf32, #tpu.memory_space<vmem>>
    %dma_start3A_306 = tpu.memref_squeeze %dma_start3A_305 : memref<1x128x8xf32, #tpu.memory_space<vmem>> -> memref<128x8xf32, #tpu.memory_space<vmem>>
    %dma_start3A_307 = arith.constant 0 : i32
    %dma_start3A_308 = tpu.memref_slice %arg8[%dma_start3A_302, %dma_start3A_307] : memref<40x128xi32, #tpu.memory_space<vmem>> -> memref<1x128xi32, #tpu.memory_space<vmem>>
    %dma_start3A_309 = tpu.memref_squeeze %dma_start3A_308 : memref<1x128xi32, #tpu.memory_space<vmem>> -> memref<128xi32, #tpu.memory_space<vmem>>
    %dma_start3A_310 = arith.constant 0 : i32
    %dma_start3A_311 = arith.constant 0 : i32
    %dma_start3A_312 = tpu.memref_slice %arg31[%dma_start3A_310, %dma_start3A_311] : memref<10240x8xf32, #tpu.memory_space<vmem_shared>> -> memref<10240x8xf32, #tpu.memory_space<vmem_shared>>
    tpu.enqueue_indirect_dma source(%dma_start3A_306 : memref<128x8xf32, #tpu.memory_space<vmem>>) target(%dma_start3A_312 : memref<10240x8xf32, #tpu.memory_space<vmem_shared>>) offsets(%dma_start3A_309 : memref<128xi32, #tpu.memory_space<vmem>>) semaphore(%arg23 : memref<!tpu.dma_semaphore, #tpu.memory_space<semaphore_mem>>) {add = true}
    %dma_start3A_313 = arith.constant 8 : i32
    %dma_start3A_314 = arith.constant 8 : i32
    %dma_start3A_315 = arith.constant 0 : i32
    %dma_start3A_316 = arith.constant 0 : i32
    %dma_start3A_317 = tpu.memref_slice %arg10[%dma_start3A_314, %dma_start3A_315, %dma_start3A_316] : memref<10x128x8xf32, #tpu.memory_space<vmem>> -> memref<1x128x8xf32, #tpu.memory_space<vmem>>
    %dma_start3A_318 = tpu.memref_squeeze %dma_start3A_317 : memref<1x128x8xf32, #tpu.memory_space<vmem>> -> memref<128x8xf32, #tpu.memory_space<vmem>>
    %dma_start3A_319 = arith.constant 0 : i32
    %dma_start3A_320 = tpu.memref_slice %arg7[%dma_start3A_313, %dma_start3A_319] : memref<40x128xi32, #tpu.memory_space<vmem>> -> memref<1x128xi32, #tpu.memory_space<vmem>>
    %dma_start3A_321 = tpu.memref_squeeze %dma_start3A_320 : memref<1x128xi32, #tpu.memory_space<vmem>> -> memref<128xi32, #tpu.memory_space<vmem>>
    %dma_start3A_322 = arith.constant 0 : i32
    %dma_start3A_323 = arith.constant 0 : i32
    %dma_start3A_324 = tpu.memref_slice %arg32[%dma_start3A_322, %dma_start3A_323] : memref<10240x8xf32, #tpu.memory_space<vmem_shared>> -> memref<10240x8xf32, #tpu.memory_space<vmem_shared>>
    tpu.enqueue_indirect_dma source(%dma_start3A_324 : memref<10240x8xf32, #tpu.memory_space<vmem_shared>>) target(%dma_start3A_318 : memref<128x8xf32, #tpu.memory_space<vmem>>) offsets(%dma_start3A_321 : memref<128xi32, #tpu.memory_space<vmem>>) semaphore(%arg19 : memref<!tpu.dma_semaphore, #tpu.memory_space<semaphore_mem>>)
    %dma_wait3A_325 = arith.constant 0 : i32
    %dma_wait3A_326 = arith.constant 3 : i32
    %dma_wait3A_327 = arith.constant 0 : i32
    %dma_wait3A_328 = arith.constant 0 : i32
    %dma_wait3A_329 = tpu.memref_slice %arg10[%dma_wait3A_326, %dma_wait3A_327, %dma_wait3A_328] : memref<10x128x8xf32, #tpu.memory_space<vmem>> -> memref<1x128x8xf32, #tpu.memory_space<vmem>>
    %dma_wait3A_330 = tpu.memref_squeeze %dma_wait3A_329 : memref<1x128x8xf32, #tpu.memory_space<vmem>> -> memref<128x8xf32, #tpu.memory_space<vmem>>
    %dma_wait3A_331 = arith.constant 0 : i32
    %dma_wait3A_332 = tpu.memref_slice %arg7[%dma_wait3A_325, %dma_wait3A_331] : memref<40x128xi32, #tpu.memory_space<vmem>> -> memref<1x128xi32, #tpu.memory_space<vmem>>
    %dma_wait3A_333 = tpu.memref_squeeze %dma_wait3A_332 : memref<1x128xi32, #tpu.memory_space<vmem>> -> memref<128xi32, #tpu.memory_space<vmem>>
    %dma_wait3A_334 = arith.constant 0 : i32
    %dma_wait3A_335 = arith.constant 0 : i32
    %dma_wait3A_336 = tpu.memref_slice %arg32[%dma_wait3A_334, %dma_wait3A_335] : memref<10240x8xf32, #tpu.memory_space<vmem_shared>> -> memref<10240x8xf32, #tpu.memory_space<vmem_shared>>
    tpu.wait_indirect_dma semaphore(%arg14 : memref<!tpu.dma_semaphore, #tpu.memory_space<semaphore_mem>>) src(%dma_wait3A_336 : memref<10240x8xf32, #tpu.memory_space<vmem_shared>>) dst(%dma_wait3A_330 : memref<128x8xf32, #tpu.memory_space<vmem>>)
    %dma_start3A_337 = arith.constant 3 : i32
    %dma_start3A_338 = arith.constant 3 : i32
    %dma_start3A_339 = arith.constant 0 : i32
    %dma_start3A_340 = arith.constant 0 : i32
    %dma_start3A_341 = tpu.memref_slice %arg10[%dma_start3A_337, %dma_start3A_339, %dma_start3A_340] : memref<10x128x8xf32, #tpu.memory_space<vmem>> -> memref<1x128x8xf32, #tpu.memory_space<vmem>>
    %dma_start3A_342 = tpu.memref_squeeze %dma_start3A_341 : memref<1x128x8xf32, #tpu.memory_space<vmem>> -> memref<128x8xf32, #tpu.memory_space<vmem>>
    %dma_start3A_343 = arith.constant 0 : i32
    %dma_start3A_344 = tpu.memref_slice %arg8[%dma_start3A_338, %dma_start3A_343] : memref<40x128xi32, #tpu.memory_space<vmem>> -> memref<1x128xi32, #tpu.memory_space<vmem>>
    %dma_start3A_345 = tpu.memref_squeeze %dma_start3A_344 : memref<1x128xi32, #tpu.memory_space<vmem>> -> memref<128xi32, #tpu.memory_space<vmem>>
    %dma_start3A_346 = arith.constant 0 : i32
    %dma_start3A_347 = arith.constant 0 : i32
    %dma_start3A_348 = tpu.memref_slice %arg31[%dma_start3A_346, %dma_start3A_347] : memref<10240x8xf32, #tpu.memory_space<vmem_shared>> -> memref<10240x8xf32, #tpu.memory_space<vmem_shared>>
    tpu.enqueue_indirect_dma source(%dma_start3A_342 : memref<128x8xf32, #tpu.memory_space<vmem>>) target(%dma_start3A_348 : memref<10240x8xf32, #tpu.memory_space<vmem_shared>>) offsets(%dma_start3A_345 : memref<128xi32, #tpu.memory_space<vmem>>) semaphore(%arg24 : memref<!tpu.dma_semaphore, #tpu.memory_space<semaphore_mem>>) {add = true}
    %dma_start3A_349 = arith.constant 9 : i32
    %dma_start3A_350 = arith.constant 9 : i32
    %dma_start3A_351 = arith.constant 0 : i32
    %dma_start3A_352 = arith.constant 0 : i32
    %dma_start3A_353 = tpu.memref_slice %arg10[%dma_start3A_350, %dma_start3A_351, %dma_start3A_352] : memref<10x128x8xf32, #tpu.memory_space<vmem>> -> memref<1x128x8xf32, #tpu.memory_space<vmem>>
    %dma_start3A_354 = tpu.memref_squeeze %dma_start3A_353 : memref<1x128x8xf32, #tpu.memory_space<vmem>> -> memref<128x8xf32, #tpu.memory_space<vmem>>
    %dma_start3A_355 = arith.constant 0 : i32
    %dma_start3A_356 = tpu.memref_slice %arg7[%dma_start3A_349, %dma_start3A_355] : memref<40x128xi32, #tpu.memory_space<vmem>> -> memref<1x128xi32, #tpu.memory_space<vmem>>
    %dma_start3A_357 = tpu.memref_squeeze %dma_start3A_356 : memref<1x128xi32, #tpu.memory_space<vmem>> -> memref<128xi32, #tpu.memory_space<vmem>>
    %dma_start3A_358 = arith.constant 0 : i32
    %dma_start3A_359 = arith.constant 0 : i32
    %dma_start3A_360 = tpu.memref_slice %arg32[%dma_start3A_358, %dma_start3A_359] : memref<10240x8xf32, #tpu.memory_space<vmem_shared>> -> memref<10240x8xf32, #tpu.memory_space<vmem_shared>>
    tpu.enqueue_indirect_dma source(%dma_start3A_360 : memref<10240x8xf32, #tpu.memory_space<vmem_shared>>) target(%dma_start3A_354 : memref<128x8xf32, #tpu.memory_space<vmem>>) offsets(%dma_start3A_357 : memref<128xi32, #tpu.memory_space<vmem>>) semaphore(%arg20 : memref<!tpu.dma_semaphore, #tpu.memory_space<semaphore_mem>>)
    %dma_wait3A_361 = arith.constant 0 : i32
    %dma_wait3A_362 = arith.constant 4 : i32
    %dma_wait3A_363 = arith.constant 0 : i32
    %dma_wait3A_364 = arith.constant 0 : i32
    %dma_wait3A_365 = tpu.memref_slice %arg10[%dma_wait3A_362, %dma_wait3A_363, %dma_wait3A_364] : memref<10x128x8xf32, #tpu.memory_space<vmem>> -> memref<1x128x8xf32, #tpu.memory_space<vmem>>
    %dma_wait3A_366 = tpu.memref_squeeze %dma_wait3A_365 : memref<1x128x8xf32, #tpu.memory_space<vmem>> -> memref<128x8xf32, #tpu.memory_space<vmem>>
    %dma_wait3A_367 = arith.constant 0 : i32
    %dma_wait3A_368 = tpu.memref_slice %arg7[%dma_wait3A_361, %dma_wait3A_367] : memref<40x128xi32, #tpu.memory_space<vmem>> -> memref<1x128xi32, #tpu.memory_space<vmem>>
    %dma_wait3A_369 = tpu.memref_squeeze %dma_wait3A_368 : memref<1x128xi32, #tpu.memory_space<vmem>> -> memref<128xi32, #tpu.memory_space<vmem>>
    %dma_wait3A_370 = arith.constant 0 : i32
    %dma_wait3A_371 = arith.constant 0 : i32
    %dma_wait3A_372 = tpu.memref_slice %arg32[%dma_wait3A_370, %dma_wait3A_371] : memref<10240x8xf32, #tpu.memory_space<vmem_shared>> -> memref<10240x8xf32, #tpu.memory_space<vmem_shared>>
    tpu.wait_indirect_dma semaphore(%arg15 : memref<!tpu.dma_semaphore, #tpu.memory_space<semaphore_mem>>) src(%dma_wait3A_372 : memref<10240x8xf32, #tpu.memory_space<vmem_shared>>) dst(%dma_wait3A_366 : memref<128x8xf32, #tpu.memory_space<vmem>>)
    %dma_start3A_373 = arith.constant 4 : i32
    %dma_start3A_374 = arith.constant 4 : i32
    %dma_start3A_375 = arith.constant 0 : i32
    %dma_start3A_376 = arith.constant 0 : i32
    %dma_start3A_377 = tpu.memref_slice %arg10[%dma_start3A_373, %dma_start3A_375, %dma_start3A_376] : memref<10x128x8xf32, #tpu.memory_space<vmem>> -> memref<1x128x8xf32, #tpu.memory_space<vmem>>
    %dma_start3A_378 = tpu.memref_squeeze %dma_start3A_377 : memref<1x128x8xf32, #tpu.memory_space<vmem>> -> memref<128x8xf32, #tpu.memory_space<vmem>>
    %dma_start3A_379 = arith.constant 0 : i32
    %dma_start3A_380 = tpu.memref_slice %arg8[%dma_start3A_374, %dma_start3A_379] : memref<40x128xi32, #tpu.memory_space<vmem>> -> memref<1x128xi32, #tpu.memory_space<vmem>>
    %dma_start3A_381 = tpu.memref_squeeze %dma_start3A_380 : memref<1x128xi32, #tpu.memory_space<vmem>> -> memref<128xi32, #tpu.memory_space<vmem>>
    %dma_start3A_382 = arith.constant 0 : i32
    %dma_start3A_383 = arith.constant 0 : i32
    %dma_start3A_384 = tpu.memref_slice %arg31[%dma_start3A_382, %dma_start3A_383] : memref<10240x8xf32, #tpu.memory_space<vmem_shared>> -> memref<10240x8xf32, #tpu.memory_space<vmem_shared>>
    tpu.enqueue_indirect_dma source(%dma_start3A_378 : memref<128x8xf32, #tpu.memory_space<vmem>>) target(%dma_start3A_384 : memref<10240x8xf32, #tpu.memory_space<vmem_shared>>) offsets(%dma_start3A_381 : memref<128xi32, #tpu.memory_space<vmem>>) semaphore(%arg25 : memref<!tpu.dma_semaphore, #tpu.memory_space<semaphore_mem>>) {add = true}
    %scan3A_385 = arith.constant 0 : i32
    %scan3A_386 = arith.constant 0 : i32
    %scan3A_387 = arith.constant 3 : i32
    %scan3A_388 = arith.addi %scan3A_386, %scan3A_387 : i32
    %scan3A_389 = arith.constant 1 : i32
    scf.for %scan3A_639 = %scan3A_386 to %scan3A_388 step %scan3A_389  : i32 {
      %mul3A_640 = arith.constant 10 : i32
      %mul3A_641 = arith.muli %scan3A_639, %mul3A_640 : i32
      %add3A_642 = arith.constant 5 : i32
      %add3A_643 = arith.addi %add3A_642, %mul3A_641 : i32
      %add3A_644 = arith.constant 0 : i32
      %add3A_645 = arith.addi %add3A_643, %add3A_644 : i32
      %dma_wait3A_646 = arith.constant 0 : i32
      %dma_wait3A_647 = arith.constant 0 : i32
      %dma_wait3A_648 = arith.constant 0 : i32
      %dma_wait3A_649 = arith.constant 0 : i32
      %dma_wait3A_650 = tpu.memref_slice %arg10[%dma_wait3A_646, %dma_wait3A_648, %dma_wait3A_649] : memref<10x128x8xf32, #tpu.memory_space<vmem>> -> memref<1x128x8xf32, #tpu.memory_space<vmem>>
      %dma_wait3A_651 = tpu.memref_squeeze %dma_wait3A_650 : memref<1x128x8xf32, #tpu.memory_space<vmem>> -> memref<128x8xf32, #tpu.memory_space<vmem>>
      %dma_wait3A_652 = arith.constant 0 : i32
      %dma_wait3A_653 = tpu.memref_slice %arg8[%dma_wait3A_647, %dma_wait3A_652] : memref<40x128xi32, #tpu.memory_space<vmem>> -> memref<1x128xi32, #tpu.memory_space<vmem>>
      %dma_wait3A_654 = tpu.memref_squeeze %dma_wait3A_653 : memref<1x128xi32, #tpu.memory_space<vmem>> -> memref<128xi32, #tpu.memory_space<vmem>>
      %dma_wait3A_655 = arith.constant 0 : i32
      %dma_wait3A_656 = arith.constant 0 : i32
      %dma_wait3A_657 = tpu.memref_slice %arg31[%dma_wait3A_655, %dma_wait3A_656] : memref<10240x8xf32, #tpu.memory_space<vmem_shared>> -> memref<10240x8xf32, #tpu.memory_space<vmem_shared>>
      tpu.wait_indirect_dma semaphore(%arg21 : memref<!tpu.dma_semaphore, #tpu.memory_space<semaphore_mem>>) src(%dma_wait3A_651 : memref<128x8xf32, #tpu.memory_space<vmem>>) dst(%dma_wait3A_657 : memref<10240x8xf32, #tpu.memory_space<vmem_shared>>)
      %add3A_658 = arith.constant 5 : i32
      %add3A_659 = arith.addi %add3A_645, %add3A_658 : i32
      %dma_start3A_660 = arith.constant 0 : i32
      %dma_start3A_661 = arith.constant 0 : i32
      %dma_start3A_662 = arith.constant 0 : i32
      %dma_start3A_663 = tpu.memref_slice %arg10[%dma_start3A_660, %dma_start3A_661, %dma_start3A_662] : memref<10x128x8xf32, #tpu.memory_space<vmem>> -> memref<1x128x8xf32, #tpu.memory_space<vmem>>
      %dma_start3A_664 = tpu.memref_squeeze %dma_start3A_663 : memref<1x128x8xf32, #tpu.memory_space<vmem>> -> memref<128x8xf32, #tpu.memory_space<vmem>>
      %dma_start3A_665 = arith.constant 0 : i32
      %dma_start3A_666 = tpu.memref_slice %arg7[%add3A_659, %dma_start3A_665] : memref<40x128xi32, #tpu.memory_space<vmem>> -> memref<1x128xi32, #tpu.memory_space<vmem>>
      %dma_start3A_667 = tpu.memref_squeeze %dma_start3A_666 : memref<1x128xi32, #tpu.memory_space<vmem>> -> memref<128xi32, #tpu.memory_space<vmem>>
      %dma_start3A_668 = arith.constant 0 : i32
      %dma_start3A_669 = arith.constant 0 : i32
      %dma_start3A_670 = tpu.memref_slice %arg32[%dma_start3A_668, %dma_start3A_669] : memref<10240x8xf32, #tpu.memory_space<vmem_shared>> -> memref<10240x8xf32, #tpu.memory_space<vmem_shared>>
      tpu.enqueue_indirect_dma source(%dma_start3A_670 : memref<10240x8xf32, #tpu.memory_space<vmem_shared>>) target(%dma_start3A_664 : memref<128x8xf32, #tpu.memory_space<vmem>>) offsets(%dma_start3A_667 : memref<128xi32, #tpu.memory_space<vmem>>) semaphore(%arg11 : memref<!tpu.dma_semaphore, #tpu.memory_space<semaphore_mem>>)
      %dma_wait3A_671 = arith.constant 0 : i32
      %dma_wait3A_672 = arith.constant 5 : i32
      %dma_wait3A_673 = arith.constant 0 : i32
      %dma_wait3A_674 = arith.constant 0 : i32
      %dma_wait3A_675 = tpu.memref_slice %arg10[%dma_wait3A_672, %dma_wait3A_673, %dma_wait3A_674] : memref<10x128x8xf32, #tpu.memory_space<vmem>> -> memref<1x128x8xf32, #tpu.memory_space<vmem>>
      %dma_wait3A_676 = tpu.memref_squeeze %dma_wait3A_675 : memref<1x128x8xf32, #tpu.memory_space<vmem>> -> memref<128x8xf32, #tpu.memory_space<vmem>>
      %dma_wait3A_677 = arith.constant 0 : i32
      %dma_wait3A_678 = tpu.memref_slice %arg7[%dma_wait3A_671, %dma_wait3A_677] : memref<40x128xi32, #tpu.memory_space<vmem>> -> memref<1x128xi32, #tpu.memory_space<vmem>>
      %dma_wait3A_679 = tpu.memref_squeeze %dma_wait3A_678 : memref<1x128xi32, #tpu.memory_space<vmem>> -> memref<128xi32, #tpu.memory_space<vmem>>
      %dma_wait3A_680 = arith.constant 0 : i32
      %dma_wait3A_681 = arith.constant 0 : i32
      %dma_wait3A_682 = tpu.memref_slice %arg32[%dma_wait3A_680, %dma_wait3A_681] : memref<10240x8xf32, #tpu.memory_space<vmem_shared>> -> memref<10240x8xf32, #tpu.memory_space<vmem_shared>>
      tpu.wait_indirect_dma semaphore(%arg16 : memref<!tpu.dma_semaphore, #tpu.memory_space<semaphore_mem>>) src(%dma_wait3A_682 : memref<10240x8xf32, #tpu.memory_space<vmem_shared>>) dst(%dma_wait3A_676 : memref<128x8xf32, #tpu.memory_space<vmem>>)
      %dma_start3A_683 = arith.constant 5 : i32
      %dma_start3A_684 = arith.constant 0 : i32
      %dma_start3A_685 = arith.constant 0 : i32
      %dma_start3A_686 = tpu.memref_slice %arg10[%dma_start3A_683, %dma_start3A_684, %dma_start3A_685] : memref<10x128x8xf32, #tpu.memory_space<vmem>> -> memref<1x128x8xf32, #tpu.memory_space<vmem>>
      %dma_start3A_687 = tpu.memref_squeeze %dma_start3A_686 : memref<1x128x8xf32, #tpu.memory_space<vmem>> -> memref<128x8xf32, #tpu.memory_space<vmem>>
      %dma_start3A_688 = arith.constant 0 : i32
      %dma_start3A_689 = tpu.memref_slice %arg8[%add3A_645, %dma_start3A_688] : memref<40x128xi32, #tpu.memory_space<vmem>> -> memref<1x128xi32, #tpu.memory_space<vmem>>
      %dma_start3A_690 = tpu.memref_squeeze %dma_start3A_689 : memref<1x128xi32, #tpu.memory_space<vmem>> -> memref<128xi32, #tpu.memory_space<vmem>>
      %dma_start3A_691 = arith.constant 0 : i32
      %dma_start3A_692 = arith.constant 0 : i32
      %dma_start3A_693 = tpu.memref_slice %arg31[%dma_start3A_691, %dma_start3A_692] : memref<10240x8xf32, #tpu.memory_space<vmem_shared>> -> memref<10240x8xf32, #tpu.memory_space<vmem_shared>>
      tpu.enqueue_indirect_dma source(%dma_start3A_687 : memref<128x8xf32, #tpu.memory_space<vmem>>) target(%dma_start3A_693 : memref<10240x8xf32, #tpu.memory_space<vmem_shared>>) offsets(%dma_start3A_690 : memref<128xi32, #tpu.memory_space<vmem>>) semaphore(%arg26 : memref<!tpu.dma_semaphore, #tpu.memory_space<semaphore_mem>>) {add = true}
      %mul3A_694 = arith.constant 10 : i32
      %mul3A_695 = arith.muli %scan3A_639, %mul3A_694 : i32
      %add3A_696 = arith.constant 5 : i32
      %add3A_697 = arith.addi %add3A_696, %mul3A_695 : i32
      %add3A_698 = arith.constant 1 : i32
      %add3A_699 = arith.addi %add3A_697, %add3A_698 : i32
      %dma_wait3A_700 = arith.constant 1 : i32
      %dma_wait3A_701 = arith.constant 0 : i32
      %dma_wait3A_702 = arith.constant 0 : i32
      %dma_wait3A_703 = arith.constant 0 : i32
      %dma_wait3A_704 = tpu.memref_slice %arg10[%dma_wait3A_700, %dma_wait3A_702, %dma_wait3A_703] : memref<10x128x8xf32, #tpu.memory_space<vmem>> -> memref<1x128x8xf32, #tpu.memory_space<vmem>>
      %dma_wait3A_705 = tpu.memref_squeeze %dma_wait3A_704 : memref<1x128x8xf32, #tpu.memory_space<vmem>> -> memref<128x8xf32, #tpu.memory_space<vmem>>
      %dma_wait3A_706 = arith.constant 0 : i32
      %dma_wait3A_707 = tpu.memref_slice %arg8[%dma_wait3A_701, %dma_wait3A_706] : memref<40x128xi32, #tpu.memory_space<vmem>> -> memref<1x128xi32, #tpu.memory_space<vmem>>
      %dma_wait3A_708 = tpu.memref_squeeze %dma_wait3A_707 : memref<1x128xi32, #tpu.memory_space<vmem>> -> memref<128xi32, #tpu.memory_space<vmem>>
      %dma_wait3A_709 = arith.constant 0 : i32
      %dma_wait3A_710 = arith.constant 0 : i32
      %dma_wait3A_711 = tpu.memref_slice %arg31[%dma_wait3A_709, %dma_wait3A_710] : memref<10240x8xf32, #tpu.memory_space<vmem_shared>> -> memref<10240x8xf32, #tpu.memory_space<vmem_shared>>
      tpu.wait_indirect_dma semaphore(%arg22 : memref<!tpu.dma_semaphore, #tpu.memory_space<semaphore_mem>>) src(%dma_wait3A_705 : memref<128x8xf32, #tpu.memory_space<vmem>>) dst(%dma_wait3A_711 : memref<10240x8xf32, #tpu.memory_space<vmem_shared>>)
      %add3A_712 = arith.constant 5 : i32
      %add3A_713 = arith.addi %add3A_699, %add3A_712 : i32
      %dma_start3A_714 = arith.constant 1 : i32
      %dma_start3A_715 = arith.constant 0 : i32
      %dma_start3A_716 = arith.constant 0 : i32
      %dma_start3A_717 = tpu.memref_slice %arg10[%dma_start3A_714, %dma_start3A_715, %dma_start3A_716] : memref<10x128x8xf32, #tpu.memory_space<vmem>> -> memref<1x128x8xf32, #tpu.memory_space<vmem>>
      %dma_start3A_718 = tpu.memref_squeeze %dma_start3A_717 : memref<1x128x8xf32, #tpu.memory_space<vmem>> -> memref<128x8xf32, #tpu.memory_space<vmem>>
      %dma_start3A_719 = arith.constant 0 : i32
      %dma_start3A_720 = tpu.memref_slice %arg7[%add3A_713, %dma_start3A_719] : memref<40x128xi32, #tpu.memory_space<vmem>> -> memref<1x128xi32, #tpu.memory_space<vmem>>
      %dma_start3A_721 = tpu.memref_squeeze %dma_start3A_720 : memref<1x128xi32, #tpu.memory_space<vmem>> -> memref<128xi32, #tpu.memory_space<vmem>>
      %dma_start3A_722 = arith.constant 0 : i32
      %dma_start3A_723 = arith.constant 0 : i32
      %dma_start3A_724 = tpu.memref_slice %arg32[%dma_start3A_722, %dma_start3A_723] : memref<10240x8xf32, #tpu.memory_space<vmem_shared>> -> memref<10240x8xf32, #tpu.memory_space<vmem_shared>>
      tpu.enqueue_indirect_dma source(%dma_start3A_724 : memref<10240x8xf32, #tpu.memory_space<vmem_shared>>) target(%dma_start3A_718 : memref<128x8xf32, #tpu.memory_space<vmem>>) offsets(%dma_start3A_721 : memref<128xi32, #tpu.memory_space<vmem>>) semaphore(%arg12 : memref<!tpu.dma_semaphore, #tpu.memory_space<semaphore_mem>>)
      %dma_wait3A_725 = arith.constant 0 : i32
      %dma_wait3A_726 = arith.constant 6 : i32
      %dma_wait3A_727 = arith.constant 0 : i32
      %dma_wait3A_728 = arith.constant 0 : i32
      %dma_wait3A_729 = tpu.memref_slice %arg10[%dma_wait3A_726, %dma_wait3A_727, %dma_wait3A_728] : memref<10x128x8xf32, #tpu.memory_space<vmem>> -> memref<1x128x8xf32, #tpu.memory_space<vmem>>
      %dma_wait3A_730 = tpu.memref_squeeze %dma_wait3A_729 : memref<1x128x8xf32, #tpu.memory_space<vmem>> -> memref<128x8xf32, #tpu.memory_space<vmem>>
      %dma_wait3A_731 = arith.constant 0 : i32
      %dma_wait3A_732 = tpu.memref_slice %arg7[%dma_wait3A_725, %dma_wait3A_731] : memref<40x128xi32, #tpu.memory_space<vmem>> -> memref<1x128xi32, #tpu.memory_space<vmem>>
      %dma_wait3A_733 = tpu.memref_squeeze %dma_wait3A_732 : memref<1x128xi32, #tpu.memory_space<vmem>> -> memref<128xi32, #tpu.memory_space<vmem>>
      %dma_wait3A_734 = arith.constant 0 : i32
      %dma_wait3A_735 = arith.constant 0 : i32
      %dma_wait3A_736 = tpu.memref_slice %arg32[%dma_wait3A_734, %dma_wait3A_735] : memref<10240x8xf32, #tpu.memory_space<vmem_shared>> -> memref<10240x8xf32, #tpu.memory_space<vmem_shared>>
      tpu.wait_indirect_dma semaphore(%arg17 : memref<!tpu.dma_semaphore, #tpu.memory_space<semaphore_mem>>) src(%dma_wait3A_736 : memref<10240x8xf32, #tpu.memory_space<vmem_shared>>) dst(%dma_wait3A_730 : memref<128x8xf32, #tpu.memory_space<vmem>>)
      %dma_start3A_737 = arith.constant 6 : i32
      %dma_start3A_738 = arith.constant 0 : i32
      %dma_start3A_739 = arith.constant 0 : i32
      %dma_start3A_740 = tpu.memref_slice %arg10[%dma_start3A_737, %dma_start3A_738, %dma_start3A_739] : memref<10x128x8xf32, #tpu.memory_space<vmem>> -> memref<1x128x8xf32, #tpu.memory_space<vmem>>
      %dma_start3A_741 = tpu.memref_squeeze %dma_start3A_740 : memref<1x128x8xf32, #tpu.memory_space<vmem>> -> memref<128x8xf32, #tpu.memory_space<vmem>>
      %dma_start3A_742 = arith.constant 0 : i32
      %dma_start3A_743 = tpu.memref_slice %arg8[%add3A_699, %dma_start3A_742] : memref<40x128xi32, #tpu.memory_space<vmem>> -> memref<1x128xi32, #tpu.memory_space<vmem>>
      %dma_start3A_744 = tpu.memref_squeeze %dma_start3A_743 : memref<1x128xi32, #tpu.memory_space<vmem>> -> memref<128xi32, #tpu.memory_space<vmem>>
      %dma_start3A_745 = arith.constant 0 : i32
      %dma_start3A_746 = arith.constant 0 : i32
      %dma_start3A_747 = tpu.memref_slice %arg31[%dma_start3A_745, %dma_start3A_746] : memref<10240x8xf32, #tpu.memory_space<vmem_shared>> -> memref<10240x8xf32, #tpu.memory_space<vmem_shared>>
      tpu.enqueue_indirect_dma source(%dma_start3A_741 : memref<128x8xf32, #tpu.memory_space<vmem>>) target(%dma_start3A_747 : memref<10240x8xf32, #tpu.memory_space<vmem_shared>>) offsets(%dma_start3A_744 : memref<128xi32, #tpu.memory_space<vmem>>) semaphore(%arg27 : memref<!tpu.dma_semaphore, #tpu.memory_space<semaphore_mem>>) {add = true}
      %mul3A_748 = arith.constant 10 : i32
      %mul3A_749 = arith.muli %scan3A_639, %mul3A_748 : i32
      %add3A_750 = arith.constant 5 : i32
      %add3A_751 = arith.addi %add3A_750, %mul3A_749 : i32
      %add3A_752 = arith.constant 2 : i32
      %add3A_753 = arith.addi %add3A_751, %add3A_752 : i32
      %dma_wait3A_754 = arith.constant 2 : i32
      %dma_wait3A_755 = arith.constant 0 : i32
      %dma_wait3A_756 = arith.constant 0 : i32
      %dma_wait3A_757 = arith.constant 0 : i32
      %dma_wait3A_758 = tpu.memref_slice %arg10[%dma_wait3A_754, %dma_wait3A_756, %dma_wait3A_757] : memref<10x128x8xf32, #tpu.memory_space<vmem>> -> memref<1x128x8xf32, #tpu.memory_space<vmem>>
      %dma_wait3A_759 = tpu.memref_squeeze %dma_wait3A_758 : memref<1x128x8xf32, #tpu.memory_space<vmem>> -> memref<128x8xf32, #tpu.memory_space<vmem>>
      %dma_wait3A_760 = arith.constant 0 : i32
      %dma_wait3A_761 = tpu.memref_slice %arg8[%dma_wait3A_755, %dma_wait3A_760] : memref<40x128xi32, #tpu.memory_space<vmem>> -> memref<1x128xi32, #tpu.memory_space<vmem>>
      %dma_wait3A_762 = tpu.memref_squeeze %dma_wait3A_761 : memref<1x128xi32, #tpu.memory_space<vmem>> -> memref<128xi32, #tpu.memory_space<vmem>>
      %dma_wait3A_763 = arith.constant 0 : i32
      %dma_wait3A_764 = arith.constant 0 : i32
      %dma_wait3A_765 = tpu.memref_slice %arg31[%dma_wait3A_763, %dma_wait3A_764] : memref<10240x8xf32, #tpu.memory_space<vmem_shared>> -> memref<10240x8xf32, #tpu.memory_space<vmem_shared>>
      tpu.wait_indirect_dma semaphore(%arg23 : memref<!tpu.dma_semaphore, #tpu.memory_space<semaphore_mem>>) src(%dma_wait3A_759 : memref<128x8xf32, #tpu.memory_space<vmem>>) dst(%dma_wait3A_765 : memref<10240x8xf32, #tpu.memory_space<vmem_shared>>)
      %add3A_766 = arith.constant 5 : i32
      %add3A_767 = arith.addi %add3A_753, %add3A_766 : i32
      %dma_start3A_768 = arith.constant 2 : i32
      %dma_start3A_769 = arith.constant 0 : i32
      %dma_start3A_770 = arith.constant 0 : i32
      %dma_start3A_771 = tpu.memref_slice %arg10[%dma_start3A_768, %dma_start3A_769, %dma_start3A_770] : memref<10x128x8xf32, #tpu.memory_space<vmem>> -> memref<1x128x8xf32, #tpu.memory_space<vmem>>
      %dma_start3A_772 = tpu.memref_squeeze %dma_start3A_771 : memref<1x128x8xf32, #tpu.memory_space<vmem>> -> memref<128x8xf32, #tpu.memory_space<vmem>>
      %dma_start3A_773 = arith.constant 0 : i32
      %dma_start3A_774 = tpu.memref_slice %arg7[%add3A_767, %dma_start3A_773] : memref<40x128xi32, #tpu.memory_space<vmem>> -> memref<1x128xi32, #tpu.memory_space<vmem>>
      %dma_start3A_775 = tpu.memref_squeeze %dma_start3A_774 : memref<1x128xi32, #tpu.memory_space<vmem>> -> memref<128xi32, #tpu.memory_space<vmem>>
      %dma_start3A_776 = arith.constant 0 : i32
      %dma_start3A_777 = arith.constant 0 : i32
      %dma_start3A_778 = tpu.memref_slice %arg32[%dma_start3A_776, %dma_start3A_777] : memref<10240x8xf32, #tpu.memory_space<vmem_shared>> -> memref<10240x8xf32, #tpu.memory_space<vmem_shared>>
      tpu.enqueue_indirect_dma source(%dma_start3A_778 : memref<10240x8xf32, #tpu.memory_space<vmem_shared>>) target(%dma_start3A_772 : memref<128x8xf32, #tpu.memory_space<vmem>>) offsets(%dma_start3A_775 : memref<128xi32, #tpu.memory_space<vmem>>) semaphore(%arg13 : memref<!tpu.dma_semaphore, #tpu.memory_space<semaphore_mem>>)
      %dma_wait3A_779 = arith.constant 0 : i32
      %dma_wait3A_780 = arith.constant 7 : i32
      %dma_wait3A_781 = arith.constant 0 : i32
      %dma_wait3A_782 = arith.constant 0 : i32
      %dma_wait3A_783 = tpu.memref_slice %arg10[%dma_wait3A_780, %dma_wait3A_781, %dma_wait3A_782] : memref<10x128x8xf32, #tpu.memory_space<vmem>> -> memref<1x128x8xf32, #tpu.memory_space<vmem>>
      %dma_wait3A_784 = tpu.memref_squeeze %dma_wait3A_783 : memref<1x128x8xf32, #tpu.memory_space<vmem>> -> memref<128x8xf32, #tpu.memory_space<vmem>>
      %dma_wait3A_785 = arith.constant 0 : i32
      %dma_wait3A_786 = tpu.memref_slice %arg7[%dma_wait3A_779, %dma_wait3A_785] : memref<40x128xi32, #tpu.memory_space<vmem>> -> memref<1x128xi32, #tpu.memory_space<vmem>>
      %dma_wait3A_787 = tpu.memref_squeeze %dma_wait3A_786 : memref<1x128xi32, #tpu.memory_space<vmem>> -> memref<128xi32, #tpu.memory_space<vmem>>
      %dma_wait3A_788 = arith.constant 0 : i32
      %dma_wait3A_789 = arith.constant 0 : i32
      %dma_wait3A_790 = tpu.memref_slice %arg32[%dma_wait3A_788, %dma_wait3A_789] : memref<10240x8xf32, #tpu.memory_space<vmem_shared>> -> memref<10240x8xf32, #tpu.memory_space<vmem_shared>>
      tpu.wait_indirect_dma semaphore(%arg18 : memref<!tpu.dma_semaphore, #tpu.memory_space<semaphore_mem>>) src(%dma_wait3A_790 : memref<10240x8xf32, #tpu.memory_space<vmem_shared>>) dst(%dma_wait3A_784 : memref<128x8xf32, #tpu.memory_space<vmem>>)
      %dma_start3A_791 = arith.constant 7 : i32
      %dma_start3A_792 = arith.constant 0 : i32
      %dma_start3A_793 = arith.constant 0 : i32
      %dma_start3A_794 = tpu.memref_slice %arg10[%dma_start3A_791, %dma_start3A_792, %dma_start3A_793] : memref<10x128x8xf32, #tpu.memory_space<vmem>> -> memref<1x128x8xf32, #tpu.memory_space<vmem>>
      %dma_start3A_795 = tpu.memref_squeeze %dma_start3A_794 : memref<1x128x8xf32, #tpu.memory_space<vmem>> -> memref<128x8xf32, #tpu.memory_space<vmem>>
      %dma_start3A_796 = arith.constant 0 : i32
      %dma_start3A_797 = tpu.memref_slice %arg8[%add3A_753, %dma_start3A_796] : memref<40x128xi32, #tpu.memory_space<vmem>> -> memref<1x128xi32, #tpu.memory_space<vmem>>
      %dma_start3A_798 = tpu.memref_squeeze %dma_start3A_797 : memref<1x128xi32, #tpu.memory_space<vmem>> -> memref<128xi32, #tpu.memory_space<vmem>>
      %dma_start3A_799 = arith.constant 0 : i32
      %dma_start3A_800 = arith.constant 0 : i32
      %dma_start3A_801 = tpu.memref_slice %arg31[%dma_start3A_799, %dma_start3A_800] : memref<10240x8xf32, #tpu.memory_space<vmem_shared>> -> memref<10240x8xf32, #tpu.memory_space<vmem_shared>>
      tpu.enqueue_indirect_dma source(%dma_start3A_795 : memref<128x8xf32, #tpu.memory_space<vmem>>) target(%dma_start3A_801 : memref<10240x8xf32, #tpu.memory_space<vmem_shared>>) offsets(%dma_start3A_798 : memref<128xi32, #tpu.memory_space<vmem>>) semaphore(%arg28 : memref<!tpu.dma_semaphore, #tpu.memory_space<semaphore_mem>>) {add = true}
      %mul3A_802 = arith.constant 10 : i32
      %mul3A_803 = arith.muli %scan3A_639, %mul3A_802 : i32
      %add3A_804 = arith.constant 5 : i32
      %add3A_805 = arith.addi %add3A_804, %mul3A_803 : i32
      %add3A_806 = arith.constant 3 : i32
      %add3A_807 = arith.addi %add3A_805, %add3A_806 : i32
      %dma_wait3A_808 = arith.constant 3 : i32
      %dma_wait3A_809 = arith.constant 0 : i32
      %dma_wait3A_810 = arith.constant 0 : i32
      %dma_wait3A_811 = arith.constant 0 : i32
      %dma_wait3A_812 = tpu.memref_slice %arg10[%dma_wait3A_808, %dma_wait3A_810, %dma_wait3A_811] : memref<10x128x8xf32, #tpu.memory_space<vmem>> -> memref<1x128x8xf32, #tpu.memory_space<vmem>>
      %dma_wait3A_813 = tpu.memref_squeeze %dma_wait3A_812 : memref<1x128x8xf32, #tpu.memory_space<vmem>> -> memref<128x8xf32, #tpu.memory_space<vmem>>
      %dma_wait3A_814 = arith.constant 0 : i32
      %dma_wait3A_815 = tpu.memref_slice %arg8[%dma_wait3A_809, %dma_wait3A_814] : memref<40x128xi32, #tpu.memory_space<vmem>> -> memref<1x128xi32, #tpu.memory_space<vmem>>
      %dma_wait3A_816 = tpu.memref_squeeze %dma_wait3A_815 : memref<1x128xi32, #tpu.memory_space<vmem>> -> memref<128xi32, #tpu.memory_space<vmem>>
      %dma_wait3A_817 = arith.constant 0 : i32
      %dma_wait3A_818 = arith.constant 0 : i32
      %dma_wait3A_819 = tpu.memref_slice %arg31[%dma_wait3A_817, %dma_wait3A_818] : memref<10240x8xf32, #tpu.memory_space<vmem_shared>> -> memref<10240x8xf32, #tpu.memory_space<vmem_shared>>
      tpu.wait_indirect_dma semaphore(%arg24 : memref<!tpu.dma_semaphore, #tpu.memory_space<semaphore_mem>>) src(%dma_wait3A_813 : memref<128x8xf32, #tpu.memory_space<vmem>>) dst(%dma_wait3A_819 : memref<10240x8xf32, #tpu.memory_space<vmem_shared>>)
      %add3A_820 = arith.constant 5 : i32
      %add3A_821 = arith.addi %add3A_807, %add3A_820 : i32
      %dma_start3A_822 = arith.constant 3 : i32
      %dma_start3A_823 = arith.constant 0 : i32
      %dma_start3A_824 = arith.constant 0 : i32
      %dma_start3A_825 = tpu.memref_slice %arg10[%dma_start3A_822, %dma_start3A_823, %dma_start3A_824] : memref<10x128x8xf32, #tpu.memory_space<vmem>> -> memref<1x128x8xf32, #tpu.memory_space<vmem>>
      %dma_start3A_826 = tpu.memref_squeeze %dma_start3A_825 : memref<1x128x8xf32, #tpu.memory_space<vmem>> -> memref<128x8xf32, #tpu.memory_space<vmem>>
      %dma_start3A_827 = arith.constant 0 : i32
      %dma_start3A_828 = tpu.memref_slice %arg7[%add3A_821, %dma_start3A_827] : memref<40x128xi32, #tpu.memory_space<vmem>> -> memref<1x128xi32, #tpu.memory_space<vmem>>
      %dma_start3A_829 = tpu.memref_squeeze %dma_start3A_828 : memref<1x128xi32, #tpu.memory_space<vmem>> -> memref<128xi32, #tpu.memory_space<vmem>>
      %dma_start3A_830 = arith.constant 0 : i32
      %dma_start3A_831 = arith.constant 0 : i32
      %dma_start3A_832 = tpu.memref_slice %arg32[%dma_start3A_830, %dma_start3A_831] : memref<10240x8xf32, #tpu.memory_space<vmem_shared>> -> memref<10240x8xf32, #tpu.memory_space<vmem_shared>>
      tpu.enqueue_indirect_dma source(%dma_start3A_832 : memref<10240x8xf32, #tpu.memory_space<vmem_shared>>) target(%dma_start3A_826 : memref<128x8xf32, #tpu.memory_space<vmem>>) offsets(%dma_start3A_829 : memref<128xi32, #tpu.memory_space<vmem>>) semaphore(%arg14 : memref<!tpu.dma_semaphore, #tpu.memory_space<semaphore_mem>>)
      %dma_wait3A_833 = arith.constant 0 : i32
      %dma_wait3A_834 = arith.constant 8 : i32
      %dma_wait3A_835 = arith.constant 0 : i32
      %dma_wait3A_836 = arith.constant 0 : i32
      %dma_wait3A_837 = tpu.memref_slice %arg10[%dma_wait3A_834, %dma_wait3A_835, %dma_wait3A_836] : memref<10x128x8xf32, #tpu.memory_space<vmem>> -> memref<1x128x8xf32, #tpu.memory_space<vmem>>
      %dma_wait3A_838 = tpu.memref_squeeze %dma_wait3A_837 : memref<1x128x8xf32, #tpu.memory_space<vmem>> -> memref<128x8xf32, #tpu.memory_space<vmem>>
      %dma_wait3A_839 = arith.constant 0 : i32
      %dma_wait3A_840 = tpu.memref_slice %arg7[%dma_wait3A_833, %dma_wait3A_839] : memref<40x128xi32, #tpu.memory_space<vmem>> -> memref<1x128xi32, #tpu.memory_space<vmem>>
      %dma_wait3A_841 = tpu.memref_squeeze %dma_wait3A_840 : memref<1x128xi32, #tpu.memory_space<vmem>> -> memref<128xi32, #tpu.memory_space<vmem>>
      %dma_wait3A_842 = arith.constant 0 : i32
      %dma_wait3A_843 = arith.constant 0 : i32
      %dma_wait3A_844 = tpu.memref_slice %arg32[%dma_wait3A_842, %dma_wait3A_843] : memref<10240x8xf32, #tpu.memory_space<vmem_shared>> -> memref<10240x8xf32, #tpu.memory_space<vmem_shared>>
      tpu.wait_indirect_dma semaphore(%arg19 : memref<!tpu.dma_semaphore, #tpu.memory_space<semaphore_mem>>) src(%dma_wait3A_844 : memref<10240x8xf32, #tpu.memory_space<vmem_shared>>) dst(%dma_wait3A_838 : memref<128x8xf32, #tpu.memory_space<vmem>>)
      %dma_start3A_845 = arith.constant 8 : i32
      %dma_start3A_846 = arith.constant 0 : i32
      %dma_start3A_847 = arith.constant 0 : i32
      %dma_start3A_848 = tpu.memref_slice %arg10[%dma_start3A_845, %dma_start3A_846, %dma_start3A_847] : memref<10x128x8xf32, #tpu.memory_space<vmem>> -> memref<1x128x8xf32, #tpu.memory_space<vmem>>
      %dma_start3A_849 = tpu.memref_squeeze %dma_start3A_848 : memref<1x128x8xf32, #tpu.memory_space<vmem>> -> memref<128x8xf32, #tpu.memory_space<vmem>>
      %dma_start3A_850 = arith.constant 0 : i32
      %dma_start3A_851 = tpu.memref_slice %arg8[%add3A_807, %dma_start3A_850] : memref<40x128xi32, #tpu.memory_space<vmem>> -> memref<1x128xi32, #tpu.memory_space<vmem>>
      %dma_start3A_852 = tpu.memref_squeeze %dma_start3A_851 : memref<1x128xi32, #tpu.memory_space<vmem>> -> memref<128xi32, #tpu.memory_space<vmem>>
      %dma_start3A_853 = arith.constant 0 : i32
      %dma_start3A_854 = arith.constant 0 : i32
      %dma_start3A_855 = tpu.memref_slice %arg31[%dma_start3A_853, %dma_start3A_854] : memref<10240x8xf32, #tpu.memory_space<vmem_shared>> -> memref<10240x8xf32, #tpu.memory_space<vmem_shared>>
      tpu.enqueue_indirect_dma source(%dma_start3A_849 : memref<128x8xf32, #tpu.memory_space<vmem>>) target(%dma_start3A_855 : memref<10240x8xf32, #tpu.memory_space<vmem_shared>>) offsets(%dma_start3A_852 : memref<128xi32, #tpu.memory_space<vmem>>) semaphore(%arg29 : memref<!tpu.dma_semaphore, #tpu.memory_space<semaphore_mem>>) {add = true}
      %mul3A_856 = arith.constant 10 : i32
      %mul3A_857 = arith.muli %scan3A_639, %mul3A_856 : i32
      %add3A_858 = arith.constant 5 : i32
      %add3A_859 = arith.addi %add3A_858, %mul3A_857 : i32
      %add3A_860 = arith.constant 4 : i32
      %add3A_861 = arith.addi %add3A_859, %add3A_860 : i32
      %dma_wait3A_862 = arith.constant 4 : i32
      %dma_wait3A_863 = arith.constant 0 : i32
      %dma_wait3A_864 = arith.constant 0 : i32
      %dma_wait3A_865 = arith.constant 0 : i32
      %dma_wait3A_866 = tpu.memref_slice %arg10[%dma_wait3A_862, %dma_wait3A_864, %dma_wait3A_865] : memref<10x128x8xf32, #tpu.memory_space<vmem>> -> memref<1x128x8xf32, #tpu.memory_space<vmem>>
      %dma_wait3A_867 = tpu.memref_squeeze %dma_wait3A_866 : memref<1x128x8xf32, #tpu.memory_space<vmem>> -> memref<128x8xf32, #tpu.memory_space<vmem>>
      %dma_wait3A_868 = arith.constant 0 : i32
      %dma_wait3A_869 = tpu.memref_slice %arg8[%dma_wait3A_863, %dma_wait3A_868] : memref<40x128xi32, #tpu.memory_space<vmem>> -> memref<1x128xi32, #tpu.memory_space<vmem>>
      %dma_wait3A_870 = tpu.memref_squeeze %dma_wait3A_869 : memref<1x128xi32, #tpu.memory_space<vmem>> -> memref<128xi32, #tpu.memory_space<vmem>>
      %dma_wait3A_871 = arith.constant 0 : i32
      %dma_wait3A_872 = arith.constant 0 : i32
      %dma_wait3A_873 = tpu.memref_slice %arg31[%dma_wait3A_871, %dma_wait3A_872] : memref<10240x8xf32, #tpu.memory_space<vmem_shared>> -> memref<10240x8xf32, #tpu.memory_space<vmem_shared>>
      tpu.wait_indirect_dma semaphore(%arg25 : memref<!tpu.dma_semaphore, #tpu.memory_space<semaphore_mem>>) src(%dma_wait3A_867 : memref<128x8xf32, #tpu.memory_space<vmem>>) dst(%dma_wait3A_873 : memref<10240x8xf32, #tpu.memory_space<vmem_shared>>)
      %add3A_874 = arith.constant 5 : i32
      %add3A_875 = arith.addi %add3A_861, %add3A_874 : i32
      %dma_start3A_876 = arith.constant 4 : i32
      %dma_start3A_877 = arith.constant 0 : i32
      %dma_start3A_878 = arith.constant 0 : i32
      %dma_start3A_879 = tpu.memref_slice %arg10[%dma_start3A_876, %dma_start3A_877, %dma_start3A_878] : memref<10x128x8xf32, #tpu.memory_space<vmem>> -> memref<1x128x8xf32, #tpu.memory_space<vmem>>
      %dma_start3A_880 = tpu.memref_squeeze %dma_start3A_879 : memref<1x128x8xf32, #tpu.memory_space<vmem>> -> memref<128x8xf32, #tpu.memory_space<vmem>>
      %dma_start3A_881 = arith.constant 0 : i32
      %dma_start3A_882 = tpu.memref_slice %arg7[%add3A_875, %dma_start3A_881] : memref<40x128xi32, #tpu.memory_space<vmem>> -> memref<1x128xi32, #tpu.memory_space<vmem>>
      %dma_start3A_883 = tpu.memref_squeeze %dma_start3A_882 : memref<1x128xi32, #tpu.memory_space<vmem>> -> memref<128xi32, #tpu.memory_space<vmem>>
      %dma_start3A_884 = arith.constant 0 : i32
      %dma_start3A_885 = arith.constant 0 : i32
      %dma_start3A_886 = tpu.memref_slice %arg32[%dma_start3A_884, %dma_start3A_885] : memref<10240x8xf32, #tpu.memory_space<vmem_shared>> -> memref<10240x8xf32, #tpu.memory_space<vmem_shared>>
      tpu.enqueue_indirect_dma source(%dma_start3A_886 : memref<10240x8xf32, #tpu.memory_space<vmem_shared>>) target(%dma_start3A_880 : memref<128x8xf32, #tpu.memory_space<vmem>>) offsets(%dma_start3A_883 : memref<128xi32, #tpu.memory_space<vmem>>) semaphore(%arg15 : memref<!tpu.dma_semaphore, #tpu.memory_space<semaphore_mem>>)
      %dma_wait3A_887 = arith.constant 0 : i32
      %dma_wait3A_888 = arith.constant 9 : i32
      %dma_wait3A_889 = arith.constant 0 : i32
      %dma_wait3A_890 = arith.constant 0 : i32
      %dma_wait3A_891 = tpu.memref_slice %arg10[%dma_wait3A_888, %dma_wait3A_889, %dma_wait3A_890] : memref<10x128x8xf32, #tpu.memory_space<vmem>> -> memref<1x128x8xf32, #tpu.memory_space<vmem>>
      %dma_wait3A_892 = tpu.memref_squeeze %dma_wait3A_891 : memref<1x128x8xf32, #tpu.memory_space<vmem>> -> memref<128x8xf32, #tpu.memory_space<vmem>>
      %dma_wait3A_893 = arith.constant 0 : i32
      %dma_wait3A_894 = tpu.memref_slice %arg7[%dma_wait3A_887, %dma_wait3A_893] : memref<40x128xi32, #tpu.memory_space<vmem>> -> memref<1x128xi32, #tpu.memory_space<vmem>>
      %dma_wait3A_895 = tpu.memref_squeeze %dma_wait3A_894 : memref<1x128xi32, #tpu.memory_space<vmem>> -> memref<128xi32, #tpu.memory_space<vmem>>
      %dma_wait3A_896 = arith.constant 0 : i32
      %dma_wait3A_897 = arith.constant 0 : i32
      %dma_wait3A_898 = tpu.memref_slice %arg32[%dma_wait3A_896, %dma_wait3A_897] : memref<10240x8xf32, #tpu.memory_space<vmem_shared>> -> memref<10240x8xf32, #tpu.memory_space<vmem_shared>>
      tpu.wait_indirect_dma semaphore(%arg20 : memref<!tpu.dma_semaphore, #tpu.memory_space<semaphore_mem>>) src(%dma_wait3A_898 : memref<10240x8xf32, #tpu.memory_space<vmem_shared>>) dst(%dma_wait3A_892 : memref<128x8xf32, #tpu.memory_space<vmem>>)
      %dma_start3A_899 = arith.constant 9 : i32
      %dma_start3A_900 = arith.constant 0 : i32
      %dma_start3A_901 = arith.constant 0 : i32
      %dma_start3A_902 = tpu.memref_slice %arg10[%dma_start3A_899, %dma_start3A_900, %dma_start3A_901] : memref<10x128x8xf32, #tpu.memory_space<vmem>> -> memref<1x128x8xf32, #tpu.memory_space<vmem>>
      %dma_start3A_903 = tpu.memref_squeeze %dma_start3A_902 : memref<1x128x8xf32, #tpu.memory_space<vmem>> -> memref<128x8xf32, #tpu.memory_space<vmem>>
      %dma_start3A_904 = arith.constant 0 : i32
      %dma_start3A_905 = tpu.memref_slice %arg8[%add3A_861, %dma_start3A_904] : memref<40x128xi32, #tpu.memory_space<vmem>> -> memref<1x128xi32, #tpu.memory_space<vmem>>
      %dma_start3A_906 = tpu.memref_squeeze %dma_start3A_905 : memref<1x128xi32, #tpu.memory_space<vmem>> -> memref<128xi32, #tpu.memory_space<vmem>>
      %dma_start3A_907 = arith.constant 0 : i32
      %dma_start3A_908 = arith.constant 0 : i32
      %dma_start3A_909 = tpu.memref_slice %arg31[%dma_start3A_907, %dma_start3A_908] : memref<10240x8xf32, #tpu.memory_space<vmem_shared>> -> memref<10240x8xf32, #tpu.memory_space<vmem_shared>>
      tpu.enqueue_indirect_dma source(%dma_start3A_903 : memref<128x8xf32, #tpu.memory_space<vmem>>) target(%dma_start3A_909 : memref<10240x8xf32, #tpu.memory_space<vmem_shared>>) offsets(%dma_start3A_906 : memref<128xi32, #tpu.memory_space<vmem>>) semaphore(%arg30 : memref<!tpu.dma_semaphore, #tpu.memory_space<semaphore_mem>>) {add = true}
      %mul3A_910 = arith.constant 10 : i32
      %mul3A_911 = arith.muli %scan3A_639, %mul3A_910 : i32
      %add3A_912 = arith.constant 5 : i32
      %add3A_913 = arith.addi %add3A_912, %mul3A_911 : i32
      %add3A_914 = arith.constant 5 : i32
      %add3A_915 = arith.addi %add3A_913, %add3A_914 : i32
      %dma_wait3A_916 = arith.constant 5 : i32
      %dma_wait3A_917 = arith.constant 0 : i32
      %dma_wait3A_918 = arith.constant 0 : i32
      %dma_wait3A_919 = arith.constant 0 : i32
      %dma_wait3A_920 = tpu.memref_slice %arg10[%dma_wait3A_916, %dma_wait3A_918, %dma_wait3A_919] : memref<10x128x8xf32, #tpu.memory_space<vmem>> -> memref<1x128x8xf32, #tpu.memory_space<vmem>>
      %dma_wait3A_921 = tpu.memref_squeeze %dma_wait3A_920 : memref<1x128x8xf32, #tpu.memory_space<vmem>> -> memref<128x8xf32, #tpu.memory_space<vmem>>
      %dma_wait3A_922 = arith.constant 0 : i32
      %dma_wait3A_923 = tpu.memref_slice %arg8[%dma_wait3A_917, %dma_wait3A_922] : memref<40x128xi32, #tpu.memory_space<vmem>> -> memref<1x128xi32, #tpu.memory_space<vmem>>
      %dma_wait3A_924 = tpu.memref_squeeze %dma_wait3A_923 : memref<1x128xi32, #tpu.memory_space<vmem>> -> memref<128xi32, #tpu.memory_space<vmem>>
      %dma_wait3A_925 = arith.constant 0 : i32
      %dma_wait3A_926 = arith.constant 0 : i32
      %dma_wait3A_927 = tpu.memref_slice %arg31[%dma_wait3A_925, %dma_wait3A_926] : memref<10240x8xf32, #tpu.memory_space<vmem_shared>> -> memref<10240x8xf32, #tpu.memory_space<vmem_shared>>
      tpu.wait_indirect_dma semaphore(%arg26 : memref<!tpu.dma_semaphore, #tpu.memory_space<semaphore_mem>>) src(%dma_wait3A_921 : memref<128x8xf32, #tpu.memory_space<vmem>>) dst(%dma_wait3A_927 : memref<10240x8xf32, #tpu.memory_space<vmem_shared>>)
      %add3A_928 = arith.constant 5 : i32
      %add3A_929 = arith.addi %add3A_915, %add3A_928 : i32
      %dma_start3A_930 = arith.constant 5 : i32
      %dma_start3A_931 = arith.constant 0 : i32
      %dma_start3A_932 = arith.constant 0 : i32
      %dma_start3A_933 = tpu.memref_slice %arg10[%dma_start3A_930, %dma_start3A_931, %dma_start3A_932] : memref<10x128x8xf32, #tpu.memory_space<vmem>> -> memref<1x128x8xf32, #tpu.memory_space<vmem>>
      %dma_start3A_934 = tpu.memref_squeeze %dma_start3A_933 : memref<1x128x8xf32, #tpu.memory_space<vmem>> -> memref<128x8xf32, #tpu.memory_space<vmem>>
      %dma_start3A_935 = arith.constant 0 : i32
      %dma_start3A_936 = tpu.memref_slice %arg7[%add3A_929, %dma_start3A_935] : memref<40x128xi32, #tpu.memory_space<vmem>> -> memref<1x128xi32, #tpu.memory_space<vmem>>
      %dma_start3A_937 = tpu.memref_squeeze %dma_start3A_936 : memref<1x128xi32, #tpu.memory_space<vmem>> -> memref<128xi32, #tpu.memory_space<vmem>>
      %dma_start3A_938 = arith.constant 0 : i32
      %dma_start3A_939 = arith.constant 0 : i32
      %dma_start3A_940 = tpu.memref_slice %arg32[%dma_start3A_938, %dma_start3A_939] : memref<10240x8xf32, #tpu.memory_space<vmem_shared>> -> memref<10240x8xf32, #tpu.memory_space<vmem_shared>>
      tpu.enqueue_indirect_dma source(%dma_start3A_940 : memref<10240x8xf32, #tpu.memory_space<vmem_shared>>) target(%dma_start3A_934 : memref<128x8xf32, #tpu.memory_space<vmem>>) offsets(%dma_start3A_937 : memref<128xi32, #tpu.memory_space<vmem>>) semaphore(%arg16 : memref<!tpu.dma_semaphore, #tpu.memory_space<semaphore_mem>>)
      %dma_wait3A_941 = arith.constant 0 : i32
      %dma_wait3A_942 = arith.constant 0 : i32
      %dma_wait3A_943 = arith.constant 0 : i32
      %dma_wait3A_944 = arith.constant 0 : i32
      %dma_wait3A_945 = tpu.memref_slice %arg10[%dma_wait3A_942, %dma_wait3A_943, %dma_wait3A_944] : memref<10x128x8xf32, #tpu.memory_space<vmem>> -> memref<1x128x8xf32, #tpu.memory_space<vmem>>
      %dma_wait3A_946 = tpu.memref_squeeze %dma_wait3A_945 : memref<1x128x8xf32, #tpu.memory_space<vmem>> -> memref<128x8xf32, #tpu.memory_space<vmem>>
      %dma_wait3A_947 = arith.constant 0 : i32
      %dma_wait3A_948 = tpu.memref_slice %arg7[%dma_wait3A_941, %dma_wait3A_947] : memref<40x128xi32, #tpu.memory_space<vmem>> -> memref<1x128xi32, #tpu.memory_space<vmem>>
      %dma_wait3A_949 = tpu.memref_squeeze %dma_wait3A_948 : memref<1x128xi32, #tpu.memory_space<vmem>> -> memref<128xi32, #tpu.memory_space<vmem>>
      %dma_wait3A_950 = arith.constant 0 : i32
      %dma_wait3A_951 = arith.constant 0 : i32
      %dma_wait3A_952 = tpu.memref_slice %arg32[%dma_wait3A_950, %dma_wait3A_951] : memref<10240x8xf32, #tpu.memory_space<vmem_shared>> -> memref<10240x8xf32, #tpu.memory_space<vmem_shared>>
      tpu.wait_indirect_dma semaphore(%arg11 : memref<!tpu.dma_semaphore, #tpu.memory_space<semaphore_mem>>) src(%dma_wait3A_952 : memref<10240x8xf32, #tpu.memory_space<vmem_shared>>) dst(%dma_wait3A_946 : memref<128x8xf32, #tpu.memory_space<vmem>>)
      %dma_start3A_953 = arith.constant 0 : i32
      %dma_start3A_954 = arith.constant 0 : i32
      %dma_start3A_955 = arith.constant 0 : i32
      %dma_start3A_956 = tpu.memref_slice %arg10[%dma_start3A_953, %dma_start3A_954, %dma_start3A_955] : memref<10x128x8xf32, #tpu.memory_space<vmem>> -> memref<1x128x8xf32, #tpu.memory_space<vmem>>
      %dma_start3A_957 = tpu.memref_squeeze %dma_start3A_956 : memref<1x128x8xf32, #tpu.memory_space<vmem>> -> memref<128x8xf32, #tpu.memory_space<vmem>>
      %dma_start3A_958 = arith.constant 0 : i32
      %dma_start3A_959 = tpu.memref_slice %arg8[%add3A_915, %dma_start3A_958] : memref<40x128xi32, #tpu.memory_space<vmem>> -> memref<1x128xi32, #tpu.memory_space<vmem>>
      %dma_start3A_960 = tpu.memref_squeeze %dma_start3A_959 : memref<1x128xi32, #tpu.memory_space<vmem>> -> memref<128xi32, #tpu.memory_space<vmem>>
      %dma_start3A_961 = arith.constant 0 : i32
      %dma_start3A_962 = arith.constant 0 : i32
      %dma_start3A_963 = tpu.memref_slice %arg31[%dma_start3A_961, %dma_start3A_962] : memref<10240x8xf32, #tpu.memory_space<vmem_shared>> -> memref<10240x8xf32, #tpu.memory_space<vmem_shared>>
      tpu.enqueue_indirect_dma source(%dma_start3A_957 : memref<128x8xf32, #tpu.memory_space<vmem>>) target(%dma_start3A_963 : memref<10240x8xf32, #tpu.memory_space<vmem_shared>>) offsets(%dma_start3A_960 : memref<128xi32, #tpu.memory_space<vmem>>) semaphore(%arg21 : memref<!tpu.dma_semaphore, #tpu.memory_space<semaphore_mem>>) {add = true}
      %mul3A_964 = arith.constant 10 : i32
      %mul3A_965 = arith.muli %scan3A_639, %mul3A_964 : i32
      %add3A_966 = arith.constant 5 : i32
      %add3A_967 = arith.addi %add3A_966, %mul3A_965 : i32
      %add3A_968 = arith.constant 6 : i32
      %add3A_969 = arith.addi %add3A_967, %add3A_968 : i32
      %dma_wait3A_970 = arith.constant 6 : i32
      %dma_wait3A_971 = arith.constant 0 : i32
      %dma_wait3A_972 = arith.constant 0 : i32
      %dma_wait3A_973 = arith.constant 0 : i32
      %dma_wait3A_974 = tpu.memref_slice %arg10[%dma_wait3A_970, %dma_wait3A_972, %dma_wait3A_973] : memref<10x128x8xf32, #tpu.memory_space<vmem>> -> memref<1x128x8xf32, #tpu.memory_space<vmem>>
      %dma_wait3A_975 = tpu.memref_squeeze %dma_wait3A_974 : memref<1x128x8xf32, #tpu.memory_space<vmem>> -> memref<128x8xf32, #tpu.memory_space<vmem>>
      %dma_wait3A_976 = arith.constant 0 : i32
      %dma_wait3A_977 = tpu.memref_slice %arg8[%dma_wait3A_971, %dma_wait3A_976] : memref<40x128xi32, #tpu.memory_space<vmem>> -> memref<1x128xi32, #tpu.memory_space<vmem>>
      %dma_wait3A_978 = tpu.memref_squeeze %dma_wait3A_977 : memref<1x128xi32, #tpu.memory_space<vmem>> -> memref<128xi32, #tpu.memory_space<vmem>>
      %dma_wait3A_979 = arith.constant 0 : i32
      %dma_wait3A_980 = arith.constant 0 : i32
      %dma_wait3A_981 = tpu.memref_slice %arg31[%dma_wait3A_979, %dma_wait3A_980] : memref<10240x8xf32, #tpu.memory_space<vmem_shared>> -> memref<10240x8xf32, #tpu.memory_space<vmem_shared>>
      tpu.wait_indirect_dma semaphore(%arg27 : memref<!tpu.dma_semaphore, #tpu.memory_space<semaphore_mem>>) src(%dma_wait3A_975 : memref<128x8xf32, #tpu.memory_space<vmem>>) dst(%dma_wait3A_981 : memref<10240x8xf32, #tpu.memory_space<vmem_shared>>)
      %add3A_982 = arith.constant 5 : i32
      %add3A_983 = arith.addi %add3A_969, %add3A_982 : i32
      %dma_start3A_984 = arith.constant 6 : i32
      %dma_start3A_985 = arith.constant 0 : i32
      %dma_start3A_986 = arith.constant 0 : i32
      %dma_start3A_987 = tpu.memref_slice %arg10[%dma_start3A_984, %dma_start3A_985, %dma_start3A_986] : memref<10x128x8xf32, #tpu.memory_space<vmem>> -> memref<1x128x8xf32, #tpu.memory_space<vmem>>
      %dma_start3A_988 = tpu.memref_squeeze %dma_start3A_987 : memref<1x128x8xf32, #tpu.memory_space<vmem>> -> memref<128x8xf32, #tpu.memory_space<vmem>>
      %dma_start3A_989 = arith.constant 0 : i32
      %dma_start3A_990 = tpu.memref_slice %arg7[%add3A_983, %dma_start3A_989] : memref<40x128xi32, #tpu.memory_space<vmem>> -> memref<1x128xi32, #tpu.memory_space<vmem>>
      %dma_start3A_991 = tpu.memref_squeeze %dma_start3A_990 : memref<1x128xi32, #tpu.memory_space<vmem>> -> memref<128xi32, #tpu.memory_space<vmem>>
      %dma_start3A_992 = arith.constant 0 : i32
      %dma_start3A_993 = arith.constant 0 : i32
      %dma_start3A_994 = tpu.memref_slice %arg32[%dma_start3A_992, %dma_start3A_993] : memref<10240x8xf32, #tpu.memory_space<vmem_shared>> -> memref<10240x8xf32, #tpu.memory_space<vmem_shared>>
      tpu.enqueue_indirect_dma source(%dma_start3A_994 : memref<10240x8xf32, #tpu.memory_space<vmem_shared>>) target(%dma_start3A_988 : memref<128x8xf32, #tpu.memory_space<vmem>>) offsets(%dma_start3A_991 : memref<128xi32, #tpu.memory_space<vmem>>) semaphore(%arg17 : memref<!tpu.dma_semaphore, #tpu.memory_space<semaphore_mem>>)
      %dma_wait3A_995 = arith.constant 0 : i32
      %dma_wait3A_996 = arith.constant 1 : i32
      %dma_wait3A_997 = arith.constant 0 : i32
      %dma_wait3A_998 = arith.constant 0 : i32
      %dma_wait3A_999 = tpu.memref_slice %arg10[%dma_wait3A_996, %dma_wait3A_997, %dma_wait3A_998] : memref<10x128x8xf32, #tpu.memory_space<vmem>> -> memref<1x128x8xf32, #tpu.memory_space<vmem>>
      %dma_wait3A_1000 = tpu.memref_squeeze %dma_wait3A_999 : memref<1x128x8xf32, #tpu.memory_space<vmem>> -> memref<128x8xf32, #tpu.memory_space<vmem>>
      %dma_wait3A_1001 = arith.constant 0 : i32
      %dma_wait3A_1002 = tpu.memref_slice %arg7[%dma_wait3A_995, %dma_wait3A_1001] : memref<40x128xi32, #tpu.memory_space<vmem>> -> memref<1x128xi32, #tpu.memory_space<vmem>>
      %dma_wait3A_1003 = tpu.memref_squeeze %dma_wait3A_1002 : memref<1x128xi32, #tpu.memory_space<vmem>> -> memref<128xi32, #tpu.memory_space<vmem>>
      %dma_wait3A_1004 = arith.constant 0 : i32
      %dma_wait3A_1005 = arith.constant 0 : i32
      %dma_wait3A_1006 = tpu.memref_slice %arg32[%dma_wait3A_1004, %dma_wait3A_1005] : memref<10240x8xf32, #tpu.memory_space<vmem_shared>> -> memref<10240x8xf32, #tpu.memory_space<vmem_shared>>
      tpu.wait_indirect_dma semaphore(%arg12 : memref<!tpu.dma_semaphore, #tpu.memory_space<semaphore_mem>>) src(%dma_wait3A_1006 : memref<10240x8xf32, #tpu.memory_space<vmem_shared>>) dst(%dma_wait3A_1000 : memref<128x8xf32, #tpu.memory_space<vmem>>)
      %dma_start3A_1007 = arith.constant 1 : i32
      %dma_start3A_1008 = arith.constant 0 : i32
      %dma_start3A_1009 = arith.constant 0 : i32
      %dma_start3A_1010 = tpu.memref_slice %arg10[%dma_start3A_1007, %dma_start3A_1008, %dma_start3A_1009] : memref<10x128x8xf32, #tpu.memory_space<vmem>> -> memref<1x128x8xf32, #tpu.memory_space<vmem>>
      %dma_start3A_1011 = tpu.memref_squeeze %dma_start3A_1010 : memref<1x128x8xf32, #tpu.memory_space<vmem>> -> memref<128x8xf32, #tpu.memory_space<vmem>>
      %dma_start3A_1012 = arith.constant 0 : i32
      %dma_start3A_1013 = tpu.memref_slice %arg8[%add3A_969, %dma_start3A_1012] : memref<40x128xi32, #tpu.memory_space<vmem>> -> memref<1x128xi32, #tpu.memory_space<vmem>>
      %dma_start3A_1014 = tpu.memref_squeeze %dma_start3A_1013 : memref<1x128xi32, #tpu.memory_space<vmem>> -> memref<128xi32, #tpu.memory_space<vmem>>
      %dma_start3A_1015 = arith.constant 0 : i32
      %dma_start3A_1016 = arith.constant 0 : i32
      %dma_start3A_1017 = tpu.memref_slice %arg31[%dma_start3A_1015, %dma_start3A_1016] : memref<10240x8xf32, #tpu.memory_space<vmem_shared>> -> memref<10240x8xf32, #tpu.memory_space<vmem_shared>>
      tpu.enqueue_indirect_dma source(%dma_start3A_1011 : memref<128x8xf32, #tpu.memory_space<vmem>>) target(%dma_start3A_1017 : memref<10240x8xf32, #tpu.memory_space<vmem_shared>>) offsets(%dma_start3A_1014 : memref<128xi32, #tpu.memory_space<vmem>>) semaphore(%arg22 : memref<!tpu.dma_semaphore, #tpu.memory_space<semaphore_mem>>) {add = true}
      %mul3A_1018 = arith.constant 10 : i32
      %mul3A_1019 = arith.muli %scan3A_639, %mul3A_1018 : i32
      %add3A_1020 = arith.constant 5 : i32
      %add3A_1021 = arith.addi %add3A_1020, %mul3A_1019 : i32
      %add3A_1022 = arith.constant 7 : i32
      %add3A_1023 = arith.addi %add3A_1021, %add3A_1022 : i32
      %dma_wait3A_1024 = arith.constant 7 : i32
      %dma_wait3A_1025 = arith.constant 0 : i32
      %dma_wait3A_1026 = arith.constant 0 : i32
      %dma_wait3A_1027 = arith.constant 0 : i32
      %dma_wait3A_1028 = tpu.memref_slice %arg10[%dma_wait3A_1024, %dma_wait3A_1026, %dma_wait3A_1027] : memref<10x128x8xf32, #tpu.memory_space<vmem>> -> memref<1x128x8xf32, #tpu.memory_space<vmem>>
      %dma_wait3A_1029 = tpu.memref_squeeze %dma_wait3A_1028 : memref<1x128x8xf32, #tpu.memory_space<vmem>> -> memref<128x8xf32, #tpu.memory_space<vmem>>
      %dma_wait3A_1030 = arith.constant 0 : i32
      %dma_wait3A_1031 = tpu.memref_slice %arg8[%dma_wait3A_1025, %dma_wait3A_1030] : memref<40x128xi32, #tpu.memory_space<vmem>> -> memref<1x128xi32, #tpu.memory_space<vmem>>
      %dma_wait3A_1032 = tpu.memref_squeeze %dma_wait3A_1031 : memref<1x128xi32, #tpu.memory_space<vmem>> -> memref<128xi32, #tpu.memory_space<vmem>>
      %dma_wait3A_1033 = arith.constant 0 : i32
      %dma_wait3A_1034 = arith.constant 0 : i32
      %dma_wait3A_1035 = tpu.memref_slice %arg31[%dma_wait3A_1033, %dma_wait3A_1034] : memref<10240x8xf32, #tpu.memory_space<vmem_shared>> -> memref<10240x8xf32, #tpu.memory_space<vmem_shared>>
      tpu.wait_indirect_dma semaphore(%arg28 : memref<!tpu.dma_semaphore, #tpu.memory_space<semaphore_mem>>) src(%dma_wait3A_1029 : memref<128x8xf32, #tpu.memory_space<vmem>>) dst(%dma_wait3A_1035 : memref<10240x8xf32, #tpu.memory_space<vmem_shared>>)
      %add3A_1036 = arith.constant 5 : i32
      %add3A_1037 = arith.addi %add3A_1023, %add3A_1036 : i32
      %dma_start3A_1038 = arith.constant 7 : i32
      %dma_start3A_1039 = arith.constant 0 : i32
      %dma_start3A_1040 = arith.constant 0 : i32
      %dma_start3A_1041 = tpu.memref_slice %arg10[%dma_start3A_1038, %dma_start3A_1039, %dma_start3A_1040] : memref<10x128x8xf32, #tpu.memory_space<vmem>> -> memref<1x128x8xf32, #tpu.memory_space<vmem>>
      %dma_start3A_1042 = tpu.memref_squeeze %dma_start3A_1041 : memref<1x128x8xf32, #tpu.memory_space<vmem>> -> memref<128x8xf32, #tpu.memory_space<vmem>>
      %dma_start3A_1043 = arith.constant 0 : i32
      %dma_start3A_1044 = tpu.memref_slice %arg7[%add3A_1037, %dma_start3A_1043] : memref<40x128xi32, #tpu.memory_space<vmem>> -> memref<1x128xi32, #tpu.memory_space<vmem>>
      %dma_start3A_1045 = tpu.memref_squeeze %dma_start3A_1044 : memref<1x128xi32, #tpu.memory_space<vmem>> -> memref<128xi32, #tpu.memory_space<vmem>>
      %dma_start3A_1046 = arith.constant 0 : i32
      %dma_start3A_1047 = arith.constant 0 : i32
      %dma_start3A_1048 = tpu.memref_slice %arg32[%dma_start3A_1046, %dma_start3A_1047] : memref<10240x8xf32, #tpu.memory_space<vmem_shared>> -> memref<10240x8xf32, #tpu.memory_space<vmem_shared>>
      tpu.enqueue_indirect_dma source(%dma_start3A_1048 : memref<10240x8xf32, #tpu.memory_space<vmem_shared>>) target(%dma_start3A_1042 : memref<128x8xf32, #tpu.memory_space<vmem>>) offsets(%dma_start3A_1045 : memref<128xi32, #tpu.memory_space<vmem>>) semaphore(%arg18 : memref<!tpu.dma_semaphore, #tpu.memory_space<semaphore_mem>>)
      %dma_wait3A_1049 = arith.constant 0 : i32
      %dma_wait3A_1050 = arith.constant 2 : i32
      %dma_wait3A_1051 = arith.constant 0 : i32
      %dma_wait3A_1052 = arith.constant 0 : i32
      %dma_wait3A_1053 = tpu.memref_slice %arg10[%dma_wait3A_1050, %dma_wait3A_1051, %dma_wait3A_1052] : memref<10x128x8xf32, #tpu.memory_space<vmem>> -> memref<1x128x8xf32, #tpu.memory_space<vmem>>
      %dma_wait3A_1054 = tpu.memref_squeeze %dma_wait3A_1053 : memref<1x128x8xf32, #tpu.memory_space<vmem>> -> memref<128x8xf32, #tpu.memory_space<vmem>>
      %dma_wait3A_1055 = arith.constant 0 : i32
      %dma_wait3A_1056 = tpu.memref_slice %arg7[%dma_wait3A_1049, %dma_wait3A_1055] : memref<40x128xi32, #tpu.memory_space<vmem>> -> memref<1x128xi32, #tpu.memory_space<vmem>>
      %dma_wait3A_1057 = tpu.memref_squeeze %dma_wait3A_1056 : memref<1x128xi32, #tpu.memory_space<vmem>> -> memref<128xi32, #tpu.memory_space<vmem>>
      %dma_wait3A_1058 = arith.constant 0 : i32
      %dma_wait3A_1059 = arith.constant 0 : i32
      %dma_wait3A_1060 = tpu.memref_slice %arg32[%dma_wait3A_1058, %dma_wait3A_1059] : memref<10240x8xf32, #tpu.memory_space<vmem_shared>> -> memref<10240x8xf32, #tpu.memory_space<vmem_shared>>
      tpu.wait_indirect_dma semaphore(%arg13 : memref<!tpu.dma_semaphore, #tpu.memory_space<semaphore_mem>>) src(%dma_wait3A_1060 : memref<10240x8xf32, #tpu.memory_space<vmem_shared>>) dst(%dma_wait3A_1054 : memref<128x8xf32, #tpu.memory_space<vmem>>)
      %dma_start3A_1061 = arith.constant 2 : i32
      %dma_start3A_1062 = arith.constant 0 : i32
      %dma_start3A_1063 = arith.constant 0 : i32
      %dma_start3A_1064 = tpu.memref_slice %arg10[%dma_start3A_1061, %dma_start3A_1062, %dma_start3A_1063] : memref<10x128x8xf32, #tpu.memory_space<vmem>> -> memref<1x128x8xf32, #tpu.memory_space<vmem>>
      %dma_start3A_1065 = tpu.memref_squeeze %dma_start3A_1064 : memref<1x128x8xf32, #tpu.memory_space<vmem>> -> memref<128x8xf32, #tpu.memory_space<vmem>>
      %dma_start3A_1066 = arith.constant 0 : i32
      %dma_start3A_1067 = tpu.memref_slice %arg8[%add3A_1023, %dma_start3A_1066] : memref<40x128xi32, #tpu.memory_space<vmem>> -> memref<1x128xi32, #tpu.memory_space<vmem>>
      %dma_start3A_1068 = tpu.memref_squeeze %dma_start3A_1067 : memref<1x128xi32, #tpu.memory_space<vmem>> -> memref<128xi32, #tpu.memory_space<vmem>>
      %dma_start3A_1069 = arith.constant 0 : i32
      %dma_start3A_1070 = arith.constant 0 : i32
      %dma_start3A_1071 = tpu.memref_slice %arg31[%dma_start3A_1069, %dma_start3A_1070] : memref<10240x8xf32, #tpu.memory_space<vmem_shared>> -> memref<10240x8xf32, #tpu.memory_space<vmem_shared>>
      tpu.enqueue_indirect_dma source(%dma_start3A_1065 : memref<128x8xf32, #tpu.memory_space<vmem>>) target(%dma_start3A_1071 : memref<10240x8xf32, #tpu.memory_space<vmem_shared>>) offsets(%dma_start3A_1068 : memref<128xi32, #tpu.memory_space<vmem>>) semaphore(%arg23 : memref<!tpu.dma_semaphore, #tpu.memory_space<semaphore_mem>>) {add = true}
      %mul3A_1072 = arith.constant 10 : i32
      %mul3A_1073 = arith.muli %scan3A_639, %mul3A_1072 : i32
      %add3A_1074 = arith.constant 5 : i32
      %add3A_1075 = arith.addi %add3A_1074, %mul3A_1073 : i32
      %add3A_1076 = arith.constant 8 : i32
      %add3A_1077 = arith.addi %add3A_1075, %add3A_1076 : i32
      %dma_wait3A_1078 = arith.constant 8 : i32
      %dma_wait3A_1079 = arith.constant 0 : i32
      %dma_wait3A_1080 = arith.constant 0 : i32
      %dma_wait3A_1081 = arith.constant 0 : i32
      %dma_wait3A_1082 = tpu.memref_slice %arg10[%dma_wait3A_1078, %dma_wait3A_1080, %dma_wait3A_1081] : memref<10x128x8xf32, #tpu.memory_space<vmem>> -> memref<1x128x8xf32, #tpu.memory_space<vmem>>
      %dma_wait3A_1083 = tpu.memref_squeeze %dma_wait3A_1082 : memref<1x128x8xf32, #tpu.memory_space<vmem>> -> memref<128x8xf32, #tpu.memory_space<vmem>>
      %dma_wait3A_1084 = arith.constant 0 : i32
      %dma_wait3A_1085 = tpu.memref_slice %arg8[%dma_wait3A_1079, %dma_wait3A_1084] : memref<40x128xi32, #tpu.memory_space<vmem>> -> memref<1x128xi32, #tpu.memory_space<vmem>>
      %dma_wait3A_1086 = tpu.memref_squeeze %dma_wait3A_1085 : memref<1x128xi32, #tpu.memory_space<vmem>> -> memref<128xi32, #tpu.memory_space<vmem>>
      %dma_wait3A_1087 = arith.constant 0 : i32
      %dma_wait3A_1088 = arith.constant 0 : i32
      %dma_wait3A_1089 = tpu.memref_slice %arg31[%dma_wait3A_1087, %dma_wait3A_1088] : memref<10240x8xf32, #tpu.memory_space<vmem_shared>> -> memref<10240x8xf32, #tpu.memory_space<vmem_shared>>
      tpu.wait_indirect_dma semaphore(%arg29 : memref<!tpu.dma_semaphore, #tpu.memory_space<semaphore_mem>>) src(%dma_wait3A_1083 : memref<128x8xf32, #tpu.memory_space<vmem>>) dst(%dma_wait3A_1089 : memref<10240x8xf32, #tpu.memory_space<vmem_shared>>)
      %add3A_1090 = arith.constant 5 : i32
      %add3A_1091 = arith.addi %add3A_1077, %add3A_1090 : i32
      %dma_start3A_1092 = arith.constant 8 : i32
      %dma_start3A_1093 = arith.constant 0 : i32
      %dma_start3A_1094 = arith.constant 0 : i32
      %dma_start3A_1095 = tpu.memref_slice %arg10[%dma_start3A_1092, %dma_start3A_1093, %dma_start3A_1094] : memref<10x128x8xf32, #tpu.memory_space<vmem>> -> memref<1x128x8xf32, #tpu.memory_space<vmem>>
      %dma_start3A_1096 = tpu.memref_squeeze %dma_start3A_1095 : memref<1x128x8xf32, #tpu.memory_space<vmem>> -> memref<128x8xf32, #tpu.memory_space<vmem>>
      %dma_start3A_1097 = arith.constant 0 : i32
      %dma_start3A_1098 = tpu.memref_slice %arg7[%add3A_1091, %dma_start3A_1097] : memref<40x128xi32, #tpu.memory_space<vmem>> -> memref<1x128xi32, #tpu.memory_space<vmem>>
      %dma_start3A_1099 = tpu.memref_squeeze %dma_start3A_1098 : memref<1x128xi32, #tpu.memory_space<vmem>> -> memref<128xi32, #tpu.memory_space<vmem>>
      %dma_start3A_1100 = arith.constant 0 : i32
      %dma_start3A_1101 = arith.constant 0 : i32
      %dma_start3A_1102 = tpu.memref_slice %arg32[%dma_start3A_1100, %dma_start3A_1101] : memref<10240x8xf32, #tpu.memory_space<vmem_shared>> -> memref<10240x8xf32, #tpu.memory_space<vmem_shared>>
      tpu.enqueue_indirect_dma source(%dma_start3A_1102 : memref<10240x8xf32, #tpu.memory_space<vmem_shared>>) target(%dma_start3A_1096 : memref<128x8xf32, #tpu.memory_space<vmem>>) offsets(%dma_start3A_1099 : memref<128xi32, #tpu.memory_space<vmem>>) semaphore(%arg19 : memref<!tpu.dma_semaphore, #tpu.memory_space<semaphore_mem>>)
      %dma_wait3A_1103 = arith.constant 0 : i32
      %dma_wait3A_1104 = arith.constant 3 : i32
      %dma_wait3A_1105 = arith.constant 0 : i32
      %dma_wait3A_1106 = arith.constant 0 : i32
      %dma_wait3A_1107 = tpu.memref_slice %arg10[%dma_wait3A_1104, %dma_wait3A_1105, %dma_wait3A_1106] : memref<10x128x8xf32, #tpu.memory_space<vmem>> -> memref<1x128x8xf32, #tpu.memory_space<vmem>>
      %dma_wait3A_1108 = tpu.memref_squeeze %dma_wait3A_1107 : memref<1x128x8xf32, #tpu.memory_space<vmem>> -> memref<128x8xf32, #tpu.memory_space<vmem>>
      %dma_wait3A_1109 = arith.constant 0 : i32
      %dma_wait3A_1110 = tpu.memref_slice %arg7[%dma_wait3A_1103, %dma_wait3A_1109] : memref<40x128xi32, #tpu.memory_space<vmem>> -> memref<1x128xi32, #tpu.memory_space<vmem>>
      %dma_wait3A_1111 = tpu.memref_squeeze %dma_wait3A_1110 : memref<1x128xi32, #tpu.memory_space<vmem>> -> memref<128xi32, #tpu.memory_space<vmem>>
      %dma_wait3A_1112 = arith.constant 0 : i32
      %dma_wait3A_1113 = arith.constant 0 : i32
      %dma_wait3A_1114 = tpu.memref_slice %arg32[%dma_wait3A_1112, %dma_wait3A_1113] : memref<10240x8xf32, #tpu.memory_space<vmem_shared>> -> memref<10240x8xf32, #tpu.memory_space<vmem_shared>>
      tpu.wait_indirect_dma semaphore(%arg14 : memref<!tpu.dma_semaphore, #tpu.memory_space<semaphore_mem>>) src(%dma_wait3A_1114 : memref<10240x8xf32, #tpu.memory_space<vmem_shared>>) dst(%dma_wait3A_1108 : memref<128x8xf32, #tpu.memory_space<vmem>>)
      %dma_start3A_1115 = arith.constant 3 : i32
      %dma_start3A_1116 = arith.constant 0 : i32
      %dma_start3A_1117 = arith.constant 0 : i32
      %dma_start3A_1118 = tpu.memref_slice %arg10[%dma_start3A_1115, %dma_start3A_1116, %dma_start3A_1117] : memref<10x128x8xf32, #tpu.memory_space<vmem>> -> memref<1x128x8xf32, #tpu.memory_space<vmem>>
      %dma_start3A_1119 = tpu.memref_squeeze %dma_start3A_1118 : memref<1x128x8xf32, #tpu.memory_space<vmem>> -> memref<128x8xf32, #tpu.memory_space<vmem>>
      %dma_start3A_1120 = arith.constant 0 : i32
      %dma_start3A_1121 = tpu.memref_slice %arg8[%add3A_1077, %dma_start3A_1120] : memref<40x128xi32, #tpu.memory_space<vmem>> -> memref<1x128xi32, #tpu.memory_space<vmem>>
      %dma_start3A_1122 = tpu.memref_squeeze %dma_start3A_1121 : memref<1x128xi32, #tpu.memory_space<vmem>> -> memref<128xi32, #tpu.memory_space<vmem>>
      %dma_start3A_1123 = arith.constant 0 : i32
      %dma_start3A_1124 = arith.constant 0 : i32
      %dma_start3A_1125 = tpu.memref_slice %arg31[%dma_start3A_1123, %dma_start3A_1124] : memref<10240x8xf32, #tpu.memory_space<vmem_shared>> -> memref<10240x8xf32, #tpu.memory_space<vmem_shared>>
      tpu.enqueue_indirect_dma source(%dma_start3A_1119 : memref<128x8xf32, #tpu.memory_space<vmem>>) target(%dma_start3A_1125 : memref<10240x8xf32, #tpu.memory_space<vmem_shared>>) offsets(%dma_start3A_1122 : memref<128xi32, #tpu.memory_space<vmem>>) semaphore(%arg24 : memref<!tpu.dma_semaphore, #tpu.memory_space<semaphore_mem>>) {add = true}
      %mul3A_1126 = arith.constant 10 : i32
      %mul3A_1127 = arith.muli %scan3A_639, %mul3A_1126 : i32
      %add3A_1128 = arith.constant 5 : i32
      %add3A_1129 = arith.addi %add3A_1128, %mul3A_1127 : i32
      %add3A_1130 = arith.constant 9 : i32
      %add3A_1131 = arith.addi %add3A_1129, %add3A_1130 : i32
      %dma_wait3A_1132 = arith.constant 9 : i32
      %dma_wait3A_1133 = arith.constant 0 : i32
      %dma_wait3A_1134 = arith.constant 0 : i32
      %dma_wait3A_1135 = arith.constant 0 : i32
      %dma_wait3A_1136 = tpu.memref_slice %arg10[%dma_wait3A_1132, %dma_wait3A_1134, %dma_wait3A_1135] : memref<10x128x8xf32, #tpu.memory_space<vmem>> -> memref<1x128x8xf32, #tpu.memory_space<vmem>>
      %dma_wait3A_1137 = tpu.memref_squeeze %dma_wait3A_1136 : memref<1x128x8xf32, #tpu.memory_space<vmem>> -> memref<128x8xf32, #tpu.memory_space<vmem>>
      %dma_wait3A_1138 = arith.constant 0 : i32
      %dma_wait3A_1139 = tpu.memref_slice %arg8[%dma_wait3A_1133, %dma_wait3A_1138] : memref<40x128xi32, #tpu.memory_space<vmem>> -> memref<1x128xi32, #tpu.memory_space<vmem>>
      %dma_wait3A_1140 = tpu.memref_squeeze %dma_wait3A_1139 : memref<1x128xi32, #tpu.memory_space<vmem>> -> memref<128xi32, #tpu.memory_space<vmem>>
      %dma_wait3A_1141 = arith.constant 0 : i32
      %dma_wait3A_1142 = arith.constant 0 : i32
      %dma_wait3A_1143 = tpu.memref_slice %arg31[%dma_wait3A_1141, %dma_wait3A_1142] : memref<10240x8xf32, #tpu.memory_space<vmem_shared>> -> memref<10240x8xf32, #tpu.memory_space<vmem_shared>>
      tpu.wait_indirect_dma semaphore(%arg30 : memref<!tpu.dma_semaphore, #tpu.memory_space<semaphore_mem>>) src(%dma_wait3A_1137 : memref<128x8xf32, #tpu.memory_space<vmem>>) dst(%dma_wait3A_1143 : memref<10240x8xf32, #tpu.memory_space<vmem_shared>>)
      %add3A_1144 = arith.constant 5 : i32
      %add3A_1145 = arith.addi %add3A_1131, %add3A_1144 : i32
      %dma_start3A_1146 = arith.constant 9 : i32
      %dma_start3A_1147 = arith.constant 0 : i32
      %dma_start3A_1148 = arith.constant 0 : i32
      %dma_start3A_1149 = tpu.memref_slice %arg10[%dma_start3A_1146, %dma_start3A_1147, %dma_start3A_1148] : memref<10x128x8xf32, #tpu.memory_space<vmem>> -> memref<1x128x8xf32, #tpu.memory_space<vmem>>
      %dma_start3A_1150 = tpu.memref_squeeze %dma_start3A_1149 : memref<1x128x8xf32, #tpu.memory_space<vmem>> -> memref<128x8xf32, #tpu.memory_space<vmem>>
      %dma_start3A_1151 = arith.constant 0 : i32
      %dma_start3A_1152 = tpu.memref_slice %arg7[%add3A_1145, %dma_start3A_1151] : memref<40x128xi32, #tpu.memory_space<vmem>> -> memref<1x128xi32, #tpu.memory_space<vmem>>
      %dma_start3A_1153 = tpu.memref_squeeze %dma_start3A_1152 : memref<1x128xi32, #tpu.memory_space<vmem>> -> memref<128xi32, #tpu.memory_space<vmem>>
      %dma_start3A_1154 = arith.constant 0 : i32
      %dma_start3A_1155 = arith.constant 0 : i32
      %dma_start3A_1156 = tpu.memref_slice %arg32[%dma_start3A_1154, %dma_start3A_1155] : memref<10240x8xf32, #tpu.memory_space<vmem_shared>> -> memref<10240x8xf32, #tpu.memory_space<vmem_shared>>
      tpu.enqueue_indirect_dma source(%dma_start3A_1156 : memref<10240x8xf32, #tpu.memory_space<vmem_shared>>) target(%dma_start3A_1150 : memref<128x8xf32, #tpu.memory_space<vmem>>) offsets(%dma_start3A_1153 : memref<128xi32, #tpu.memory_space<vmem>>) semaphore(%arg20 : memref<!tpu.dma_semaphore, #tpu.memory_space<semaphore_mem>>)
      %dma_wait3A_1157 = arith.constant 0 : i32
      %dma_wait3A_1158 = arith.constant 4 : i32
      %dma_wait3A_1159 = arith.constant 0 : i32
      %dma_wait3A_1160 = arith.constant 0 : i32
      %dma_wait3A_1161 = tpu.memref_slice %arg10[%dma_wait3A_1158, %dma_wait3A_1159, %dma_wait3A_1160] : memref<10x128x8xf32, #tpu.memory_space<vmem>> -> memref<1x128x8xf32, #tpu.memory_space<vmem>>
      %dma_wait3A_1162 = tpu.memref_squeeze %dma_wait3A_1161 : memref<1x128x8xf32, #tpu.memory_space<vmem>> -> memref<128x8xf32, #tpu.memory_space<vmem>>
      %dma_wait3A_1163 = arith.constant 0 : i32
      %dma_wait3A_1164 = tpu.memref_slice %arg7[%dma_wait3A_1157, %dma_wait3A_1163] : memref<40x128xi32, #tpu.memory_space<vmem>> -> memref<1x128xi32, #tpu.memory_space<vmem>>
      %dma_wait3A_1165 = tpu.memref_squeeze %dma_wait3A_1164 : memref<1x128xi32, #tpu.memory_space<vmem>> -> memref<128xi32, #tpu.memory_space<vmem>>
      %dma_wait3A_1166 = arith.constant 0 : i32
      %dma_wait3A_1167 = arith.constant 0 : i32
      %dma_wait3A_1168 = tpu.memref_slice %arg32[%dma_wait3A_1166, %dma_wait3A_1167] : memref<10240x8xf32, #tpu.memory_space<vmem_shared>> -> memref<10240x8xf32, #tpu.memory_space<vmem_shared>>
      tpu.wait_indirect_dma semaphore(%arg15 : memref<!tpu.dma_semaphore, #tpu.memory_space<semaphore_mem>>) src(%dma_wait3A_1168 : memref<10240x8xf32, #tpu.memory_space<vmem_shared>>) dst(%dma_wait3A_1162 : memref<128x8xf32, #tpu.memory_space<vmem>>)
      %dma_start3A_1169 = arith.constant 4 : i32
      %dma_start3A_1170 = arith.constant 0 : i32
      %dma_start3A_1171 = arith.constant 0 : i32
      %dma_start3A_1172 = tpu.memref_slice %arg10[%dma_start3A_1169, %dma_start3A_1170, %dma_start3A_1171] : memref<10x128x8xf32, #tpu.memory_space<vmem>> -> memref<1x128x8xf32, #tpu.memory_space<vmem>>
      %dma_start3A_1173 = tpu.memref_squeeze %dma_start3A_1172 : memref<1x128x8xf32, #tpu.memory_space<vmem>> -> memref<128x8xf32, #tpu.memory_space<vmem>>
      %dma_start3A_1174 = arith.constant 0 : i32
      %dma_start3A_1175 = tpu.memref_slice %arg8[%add3A_1131, %dma_start3A_1174] : memref<40x128xi32, #tpu.memory_space<vmem>> -> memref<1x128xi32, #tpu.memory_space<vmem>>
      %dma_start3A_1176 = tpu.memref_squeeze %dma_start3A_1175 : memref<1x128xi32, #tpu.memory_space<vmem>> -> memref<128xi32, #tpu.memory_space<vmem>>
      %dma_start3A_1177 = arith.constant 0 : i32
      %dma_start3A_1178 = arith.constant 0 : i32
      %dma_start3A_1179 = tpu.memref_slice %arg31[%dma_start3A_1177, %dma_start3A_1178] : memref<10240x8xf32, #tpu.memory_space<vmem_shared>> -> memref<10240x8xf32, #tpu.memory_space<vmem_shared>>
      tpu.enqueue_indirect_dma source(%dma_start3A_1173 : memref<128x8xf32, #tpu.memory_space<vmem>>) target(%dma_start3A_1179 : memref<10240x8xf32, #tpu.memory_space<vmem_shared>>) offsets(%dma_start3A_1176 : memref<128xi32, #tpu.memory_space<vmem>>) semaphore(%arg25 : memref<!tpu.dma_semaphore, #tpu.memory_space<semaphore_mem>>) {add = true}
    }
    %scan3A_390 = arith.constant 3 : i32
    %dma_wait3A_391 = arith.constant 0 : i32
    %dma_wait3A_392 = arith.constant 5 : i32
    %dma_wait3A_393 = arith.constant 0 : i32
    %dma_wait3A_394 = arith.constant 0 : i32
    %dma_wait3A_395 = tpu.memref_slice %arg10[%dma_wait3A_392, %dma_wait3A_393, %dma_wait3A_394] : memref<10x128x8xf32, #tpu.memory_space<vmem>> -> memref<1x128x8xf32, #tpu.memory_space<vmem>>
    %dma_wait3A_396 = tpu.memref_squeeze %dma_wait3A_395 : memref<1x128x8xf32, #tpu.memory_space<vmem>> -> memref<128x8xf32, #tpu.memory_space<vmem>>
    %dma_wait3A_397 = arith.constant 0 : i32
    %dma_wait3A_398 = tpu.memref_slice %arg7[%dma_wait3A_391, %dma_wait3A_397] : memref<40x128xi32, #tpu.memory_space<vmem>> -> memref<1x128xi32, #tpu.memory_space<vmem>>
    %dma_wait3A_399 = tpu.memref_squeeze %dma_wait3A_398 : memref<1x128xi32, #tpu.memory_space<vmem>> -> memref<128xi32, #tpu.memory_space<vmem>>
    %dma_wait3A_400 = arith.constant 0 : i32
    %dma_wait3A_401 = arith.constant 0 : i32
    %dma_wait3A_402 = tpu.memref_slice %arg32[%dma_wait3A_400, %dma_wait3A_401] : memref<10240x8xf32, #tpu.memory_space<vmem_shared>> -> memref<10240x8xf32, #tpu.memory_space<vmem_shared>>
    tpu.wait_indirect_dma semaphore(%arg16 : memref<!tpu.dma_semaphore, #tpu.memory_space<semaphore_mem>>) src(%dma_wait3A_402 : memref<10240x8xf32, #tpu.memory_space<vmem_shared>>) dst(%dma_wait3A_396 : memref<128x8xf32, #tpu.memory_space<vmem>>)
    %dma_start3A_403 = arith.constant 5 : i32
    %dma_start3A_404 = arith.constant 35 : i32
    %dma_start3A_405 = arith.constant 0 : i32
    %dma_start3A_406 = arith.constant 0 : i32
    %dma_start3A_407 = tpu.memref_slice %arg10[%dma_start3A_403, %dma_start3A_405, %dma_start3A_406] : memref<10x128x8xf32, #tpu.memory_space<vmem>> -> memref<1x128x8xf32, #tpu.memory_space<vmem>>
    %dma_start3A_408 = tpu.memref_squeeze %dma_start3A_407 : memref<1x128x8xf32, #tpu.memory_space<vmem>> -> memref<128x8xf32, #tpu.memory_space<vmem>>
    %dma_start3A_409 = arith.constant 0 : i32
    %dma_start3A_410 = tpu.memref_slice %arg8[%dma_start3A_404, %dma_start3A_409] : memref<40x128xi32, #tpu.memory_space<vmem>> -> memref<1x128xi32, #tpu.memory_space<vmem>>
    %dma_start3A_411 = tpu.memref_squeeze %dma_start3A_410 : memref<1x128xi32, #tpu.memory_space<vmem>> -> memref<128xi32, #tpu.memory_space<vmem>>
    %dma_start3A_412 = arith.constant 0 : i32
    %dma_start3A_413 = arith.constant 0 : i32
    %dma_start3A_414 = tpu.memref_slice %arg31[%dma_start3A_412, %dma_start3A_413] : memref<10240x8xf32, #tpu.memory_space<vmem_shared>> -> memref<10240x8xf32, #tpu.memory_space<vmem_shared>>
    tpu.enqueue_indirect_dma source(%dma_start3A_408 : memref<128x8xf32, #tpu.memory_space<vmem>>) target(%dma_start3A_414 : memref<10240x8xf32, #tpu.memory_space<vmem_shared>>) offsets(%dma_start3A_411 : memref<128xi32, #tpu.memory_space<vmem>>) semaphore(%arg26 : memref<!tpu.dma_semaphore, #tpu.memory_space<semaphore_mem>>) {add = true}
    %dma_wait3A_415 = arith.constant 0 : i32
    %dma_wait3A_416 = arith.constant 6 : i32
    %dma_wait3A_417 = arith.constant 0 : i32
    %dma_wait3A_418 = arith.constant 0 : i32
    %dma_wait3A_419 = tpu.memref_slice %arg10[%dma_wait3A_416, %dma_wait3A_417, %dma_wait3A_418] : memref<10x128x8xf32, #tpu.memory_space<vmem>> -> memref<1x128x8xf32, #tpu.memory_space<vmem>>
    %dma_wait3A_420 = tpu.memref_squeeze %dma_wait3A_419 : memref<1x128x8xf32, #tpu.memory_space<vmem>> -> memref<128x8xf32, #tpu.memory_space<vmem>>
    %dma_wait3A_421 = arith.constant 0 : i32
    %dma_wait3A_422 = tpu.memref_slice %arg7[%dma_wait3A_415, %dma_wait3A_421] : memref<40x128xi32, #tpu.memory_space<vmem>> -> memref<1x128xi32, #tpu.memory_space<vmem>>
    %dma_wait3A_423 = tpu.memref_squeeze %dma_wait3A_422 : memref<1x128xi32, #tpu.memory_space<vmem>> -> memref<128xi32, #tpu.memory_space<vmem>>
    %dma_wait3A_424 = arith.constant 0 : i32
    %dma_wait3A_425 = arith.constant 0 : i32
    %dma_wait3A_426 = tpu.memref_slice %arg32[%dma_wait3A_424, %dma_wait3A_425] : memref<10240x8xf32, #tpu.memory_space<vmem_shared>> -> memref<10240x8xf32, #tpu.memory_space<vmem_shared>>
    tpu.wait_indirect_dma semaphore(%arg17 : memref<!tpu.dma_semaphore, #tpu.memory_space<semaphore_mem>>) src(%dma_wait3A_426 : memref<10240x8xf32, #tpu.memory_space<vmem_shared>>) dst(%dma_wait3A_420 : memref<128x8xf32, #tpu.memory_space<vmem>>)
    %dma_start3A_427 = arith.constant 6 : i32
    %dma_start3A_428 = arith.constant 36 : i32
    %dma_start3A_429 = arith.constant 0 : i32
    %dma_start3A_430 = arith.constant 0 : i32
    %dma_start3A_431 = tpu.memref_slice %arg10[%dma_start3A_427, %dma_start3A_429, %dma_start3A_430] : memref<10x128x8xf32, #tpu.memory_space<vmem>> -> memref<1x128x8xf32, #tpu.memory_space<vmem>>
    %dma_start3A_432 = tpu.memref_squeeze %dma_start3A_431 : memref<1x128x8xf32, #tpu.memory_space<vmem>> -> memref<128x8xf32, #tpu.memory_space<vmem>>
    %dma_start3A_433 = arith.constant 0 : i32
    %dma_start3A_434 = tpu.memref_slice %arg8[%dma_start3A_428, %dma_start3A_433] : memref<40x128xi32, #tpu.memory_space<vmem>> -> memref<1x128xi32, #tpu.memory_space<vmem>>
    %dma_start3A_435 = tpu.memref_squeeze %dma_start3A_434 : memref<1x128xi32, #tpu.memory_space<vmem>> -> memref<128xi32, #tpu.memory_space<vmem>>
    %dma_start3A_436 = arith.constant 0 : i32
    %dma_start3A_437 = arith.constant 0 : i32
    %dma_start3A_438 = tpu.memref_slice %arg31[%dma_start3A_436, %dma_start3A_437] : memref<10240x8xf32, #tpu.memory_space<vmem_shared>> -> memref<10240x8xf32, #tpu.memory_space<vmem_shared>>
    tpu.enqueue_indirect_dma source(%dma_start3A_432 : memref<128x8xf32, #tpu.memory_space<vmem>>) target(%dma_start3A_438 : memref<10240x8xf32, #tpu.memory_space<vmem_shared>>) offsets(%dma_start3A_435 : memref<128xi32, #tpu.memory_space<vmem>>) semaphore(%arg27 : memref<!tpu.dma_semaphore, #tpu.memory_space<semaphore_mem>>) {add = true}
    %dma_wait3A_439 = arith.constant 0 : i32
    %dma_wait3A_440 = arith.constant 7 : i32
    %dma_wait3A_441 = arith.constant 0 : i32
    %dma_wait3A_442 = arith.constant 0 : i32
    %dma_wait3A_443 = tpu.memref_slice %arg10[%dma_wait3A_440, %dma_wait3A_441, %dma_wait3A_442] : memref<10x128x8xf32, #tpu.memory_space<vmem>> -> memref<1x128x8xf32, #tpu.memory_space<vmem>>
    %dma_wait3A_444 = tpu.memref_squeeze %dma_wait3A_443 : memref<1x128x8xf32, #tpu.memory_space<vmem>> -> memref<128x8xf32, #tpu.memory_space<vmem>>
    %dma_wait3A_445 = arith.constant 0 : i32
    %dma_wait3A_446 = tpu.memref_slice %arg7[%dma_wait3A_439, %dma_wait3A_445] : memref<40x128xi32, #tpu.memory_space<vmem>> -> memref<1x128xi32, #tpu.memory_space<vmem>>
    %dma_wait3A_447 = tpu.memref_squeeze %dma_wait3A_446 : memref<1x128xi32, #tpu.memory_space<vmem>> -> memref<128xi32, #tpu.memory_space<vmem>>
    %dma_wait3A_448 = arith.constant 0 : i32
    %dma_wait3A_449 = arith.constant 0 : i32
    %dma_wait3A_450 = tpu.memref_slice %arg32[%dma_wait3A_448, %dma_wait3A_449] : memref<10240x8xf32, #tpu.memory_space<vmem_shared>> -> memref<10240x8xf32, #tpu.memory_space<vmem_shared>>
    tpu.wait_indirect_dma semaphore(%arg18 : memref<!tpu.dma_semaphore, #tpu.memory_space<semaphore_mem>>) src(%dma_wait3A_450 : memref<10240x8xf32, #tpu.memory_space<vmem_shared>>) dst(%dma_wait3A_444 : memref<128x8xf32, #tpu.memory_space<vmem>>)
    %dma_start3A_451 = arith.constant 7 : i32
    %dma_start3A_452 = arith.constant 37 : i32
    %dma_start3A_453 = arith.constant 0 : i32
    %dma_start3A_454 = arith.constant 0 : i32
    %dma_start3A_455 = tpu.memref_slice %arg10[%dma_start3A_451, %dma_start3A_453, %dma_start3A_454] : memref<10x128x8xf32, #tpu.memory_space<vmem>> -> memref<1x128x8xf32, #tpu.memory_space<vmem>>
    %dma_start3A_456 = tpu.memref_squeeze %dma_start3A_455 : memref<1x128x8xf32, #tpu.memory_space<vmem>> -> memref<128x8xf32, #tpu.memory_space<vmem>>
    %dma_start3A_457 = arith.constant 0 : i32
    %dma_start3A_458 = tpu.memref_slice %arg8[%dma_start3A_452, %dma_start3A_457] : memref<40x128xi32, #tpu.memory_space<vmem>> -> memref<1x128xi32, #tpu.memory_space<vmem>>
    %dma_start3A_459 = tpu.memref_squeeze %dma_start3A_458 : memref<1x128xi32, #tpu.memory_space<vmem>> -> memref<128xi32, #tpu.memory_space<vmem>>
    %dma_start3A_460 = arith.constant 0 : i32
    %dma_start3A_461 = arith.constant 0 : i32
    %dma_start3A_462 = tpu.memref_slice %arg31[%dma_start3A_460, %dma_start3A_461] : memref<10240x8xf32, #tpu.memory_space<vmem_shared>> -> memref<10240x8xf32, #tpu.memory_space<vmem_shared>>
    tpu.enqueue_indirect_dma source(%dma_start3A_456 : memref<128x8xf32, #tpu.memory_space<vmem>>) target(%dma_start3A_462 : memref<10240x8xf32, #tpu.memory_space<vmem_shared>>) offsets(%dma_start3A_459 : memref<128xi32, #tpu.memory_space<vmem>>) semaphore(%arg28 : memref<!tpu.dma_semaphore, #tpu.memory_space<semaphore_mem>>) {add = true}
    %dma_wait3A_463 = arith.constant 0 : i32
    %dma_wait3A_464 = arith.constant 8 : i32
    %dma_wait3A_465 = arith.constant 0 : i32
    %dma_wait3A_466 = arith.constant 0 : i32
    %dma_wait3A_467 = tpu.memref_slice %arg10[%dma_wait3A_464, %dma_wait3A_465, %dma_wait3A_466] : memref<10x128x8xf32, #tpu.memory_space<vmem>> -> memref<1x128x8xf32, #tpu.memory_space<vmem>>
    %dma_wait3A_468 = tpu.memref_squeeze %dma_wait3A_467 : memref<1x128x8xf32, #tpu.memory_space<vmem>> -> memref<128x8xf32, #tpu.memory_space<vmem>>
    %dma_wait3A_469 = arith.constant 0 : i32
    %dma_wait3A_470 = tpu.memref_slice %arg7[%dma_wait3A_463, %dma_wait3A_469] : memref<40x128xi32, #tpu.memory_space<vmem>> -> memref<1x128xi32, #tpu.memory_space<vmem>>
    %dma_wait3A_471 = tpu.memref_squeeze %dma_wait3A_470 : memref<1x128xi32, #tpu.memory_space<vmem>> -> memref<128xi32, #tpu.memory_space<vmem>>
    %dma_wait3A_472 = arith.constant 0 : i32
    %dma_wait3A_473 = arith.constant 0 : i32
    %dma_wait3A_474 = tpu.memref_slice %arg32[%dma_wait3A_472, %dma_wait3A_473] : memref<10240x8xf32, #tpu.memory_space<vmem_shared>> -> memref<10240x8xf32, #tpu.memory_space<vmem_shared>>
    tpu.wait_indirect_dma semaphore(%arg19 : memref<!tpu.dma_semaphore, #tpu.memory_space<semaphore_mem>>) src(%dma_wait3A_474 : memref<10240x8xf32, #tpu.memory_space<vmem_shared>>) dst(%dma_wait3A_468 : memref<128x8xf32, #tpu.memory_space<vmem>>)
    %dma_start3A_475 = arith.constant 8 : i32
    %dma_start3A_476 = arith.constant 38 : i32
    %dma_start3A_477 = arith.constant 0 : i32
    %dma_start3A_478 = arith.constant 0 : i32
    %dma_start3A_479 = tpu.memref_slice %arg10[%dma_start3A_475, %dma_start3A_477, %dma_start3A_478] : memref<10x128x8xf32, #tpu.memory_space<vmem>> -> memref<1x128x8xf32, #tpu.memory_space<vmem>>
    %dma_start3A_480 = tpu.memref_squeeze %dma_start3A_479 : memref<1x128x8xf32, #tpu.memory_space<vmem>> -> memref<128x8xf32, #tpu.memory_space<vmem>>
    %dma_start3A_481 = arith.constant 0 : i32
    %dma_start3A_482 = tpu.memref_slice %arg8[%dma_start3A_476, %dma_start3A_481] : memref<40x128xi32, #tpu.memory_space<vmem>> -> memref<1x128xi32, #tpu.memory_space<vmem>>
    %dma_start3A_483 = tpu.memref_squeeze %dma_start3A_482 : memref<1x128xi32, #tpu.memory_space<vmem>> -> memref<128xi32, #tpu.memory_space<vmem>>
    %dma_start3A_484 = arith.constant 0 : i32
    %dma_start3A_485 = arith.constant 0 : i32
    %dma_start3A_486 = tpu.memref_slice %arg31[%dma_start3A_484, %dma_start3A_485] : memref<10240x8xf32, #tpu.memory_space<vmem_shared>> -> memref<10240x8xf32, #tpu.memory_space<vmem_shared>>
    tpu.enqueue_indirect_dma source(%dma_start3A_480 : memref<128x8xf32, #tpu.memory_space<vmem>>) target(%dma_start3A_486 : memref<10240x8xf32, #tpu.memory_space<vmem_shared>>) offsets(%dma_start3A_483 : memref<128xi32, #tpu.memory_space<vmem>>) semaphore(%arg29 : memref<!tpu.dma_semaphore, #tpu.memory_space<semaphore_mem>>) {add = true}
    %dma_wait3A_487 = arith.constant 0 : i32
    %dma_wait3A_488 = arith.constant 9 : i32
    %dma_wait3A_489 = arith.constant 0 : i32
    %dma_wait3A_490 = arith.constant 0 : i32
    %dma_wait3A_491 = tpu.memref_slice %arg10[%dma_wait3A_488, %dma_wait3A_489, %dma_wait3A_490] : memref<10x128x8xf32, #tpu.memory_space<vmem>> -> memref<1x128x8xf32, #tpu.memory_space<vmem>>
    %dma_wait3A_492 = tpu.memref_squeeze %dma_wait3A_491 : memref<1x128x8xf32, #tpu.memory_space<vmem>> -> memref<128x8xf32, #tpu.memory_space<vmem>>
    %dma_wait3A_493 = arith.constant 0 : i32
    %dma_wait3A_494 = tpu.memref_slice %arg7[%dma_wait3A_487, %dma_wait3A_493] : memref<40x128xi32, #tpu.memory_space<vmem>> -> memref<1x128xi32, #tpu.memory_space<vmem>>
    %dma_wait3A_495 = tpu.memref_squeeze %dma_wait3A_494 : memref<1x128xi32, #tpu.memory_space<vmem>> -> memref<128xi32, #tpu.memory_space<vmem>>
    %dma_wait3A_496 = arith.constant 0 : i32
    %dma_wait3A_497 = arith.constant 0 : i32
    %dma_wait3A_498 = tpu.memref_slice %arg32[%dma_wait3A_496, %dma_wait3A_497] : memref<10240x8xf32, #tpu.memory_space<vmem_shared>> -> memref<10240x8xf32, #tpu.memory_space<vmem_shared>>
    tpu.wait_indirect_dma semaphore(%arg20 : memref<!tpu.dma_semaphore, #tpu.memory_space<semaphore_mem>>) src(%dma_wait3A_498 : memref<10240x8xf32, #tpu.memory_space<vmem_shared>>) dst(%dma_wait3A_492 : memref<128x8xf32, #tpu.memory_space<vmem>>)
    %dma_start3A_499 = arith.constant 9 : i32
    %dma_start3A_500 = arith.constant 39 : i32
    %dma_start3A_501 = arith.constant 0 : i32
    %dma_start3A_502 = arith.constant 0 : i32
    %dma_start3A_503 = tpu.memref_slice %arg10[%dma_start3A_499, %dma_start3A_501, %dma_start3A_502] : memref<10x128x8xf32, #tpu.memory_space<vmem>> -> memref<1x128x8xf32, #tpu.memory_space<vmem>>
    %dma_start3A_504 = tpu.memref_squeeze %dma_start3A_503 : memref<1x128x8xf32, #tpu.memory_space<vmem>> -> memref<128x8xf32, #tpu.memory_space<vmem>>
    %dma_start3A_505 = arith.constant 0 : i32
    %dma_start3A_506 = tpu.memref_slice %arg8[%dma_start3A_500, %dma_start3A_505] : memref<40x128xi32, #tpu.memory_space<vmem>> -> memref<1x128xi32, #tpu.memory_space<vmem>>
    %dma_start3A_507 = tpu.memref_squeeze %dma_start3A_506 : memref<1x128xi32, #tpu.memory_space<vmem>> -> memref<128xi32, #tpu.memory_space<vmem>>
    %dma_start3A_508 = arith.constant 0 : i32
    %dma_start3A_509 = arith.constant 0 : i32
    %dma_start3A_510 = tpu.memref_slice %arg31[%dma_start3A_508, %dma_start3A_509] : memref<10240x8xf32, #tpu.memory_space<vmem_shared>> -> memref<10240x8xf32, #tpu.memory_space<vmem_shared>>
    tpu.enqueue_indirect_dma source(%dma_start3A_504 : memref<128x8xf32, #tpu.memory_space<vmem>>) target(%dma_start3A_510 : memref<10240x8xf32, #tpu.memory_space<vmem_shared>>) offsets(%dma_start3A_507 : memref<128xi32, #tpu.memory_space<vmem>>) semaphore(%arg30 : memref<!tpu.dma_semaphore, #tpu.memory_space<semaphore_mem>>) {add = true}
    %dma_wait3A_511 = arith.constant 0 : i32
    %dma_wait3A_512 = arith.constant 0 : i32
    %dma_wait3A_513 = arith.constant 0 : i32
    %dma_wait3A_514 = arith.constant 0 : i32
    %dma_wait3A_515 = tpu.memref_slice %arg10[%dma_wait3A_511, %dma_wait3A_513, %dma_wait3A_514] : memref<10x128x8xf32, #tpu.memory_space<vmem>> -> memref<1x128x8xf32, #tpu.memory_space<vmem>>
    %dma_wait3A_516 = tpu.memref_squeeze %dma_wait3A_515 : memref<1x128x8xf32, #tpu.memory_space<vmem>> -> memref<128x8xf32, #tpu.memory_space<vmem>>
    %dma_wait3A_517 = arith.constant 0 : i32
    %dma_wait3A_518 = tpu.memref_slice %arg8[%dma_wait3A_512, %dma_wait3A_517] : memref<40x128xi32, #tpu.memory_space<vmem>> -> memref<1x128xi32, #tpu.memory_space<vmem>>
    %dma_wait3A_519 = tpu.memref_squeeze %dma_wait3A_518 : memref<1x128xi32, #tpu.memory_space<vmem>> -> memref<128xi32, #tpu.memory_space<vmem>>
    %dma_wait3A_520 = arith.constant 0 : i32
    %dma_wait3A_521 = arith.constant 0 : i32
    %dma_wait3A_522 = tpu.memref_slice %arg31[%dma_wait3A_520, %dma_wait3A_521] : memref<10240x8xf32, #tpu.memory_space<vmem_shared>> -> memref<10240x8xf32, #tpu.memory_space<vmem_shared>>
    tpu.wait_indirect_dma semaphore(%arg21 : memref<!tpu.dma_semaphore, #tpu.memory_space<semaphore_mem>>) src(%dma_wait3A_516 : memref<128x8xf32, #tpu.memory_space<vmem>>) dst(%dma_wait3A_522 : memref<10240x8xf32, #tpu.memory_space<vmem_shared>>)
    %dma_wait3A_523 = arith.constant 1 : i32
    %dma_wait3A_524 = arith.constant 0 : i32
    %dma_wait3A_525 = arith.constant 0 : i32
    %dma_wait3A_526 = arith.constant 0 : i32
    %dma_wait3A_527 = tpu.memref_slice %arg10[%dma_wait3A_523, %dma_wait3A_525, %dma_wait3A_526] : memref<10x128x8xf32, #tpu.memory_space<vmem>> -> memref<1x128x8xf32, #tpu.memory_space<vmem>>
    %dma_wait3A_528 = tpu.memref_squeeze %dma_wait3A_527 : memref<1x128x8xf32, #tpu.memory_space<vmem>> -> memref<128x8xf32, #tpu.memory_space<vmem>>
    %dma_wait3A_529 = arith.constant 0 : i32
    %dma_wait3A_530 = tpu.memref_slice %arg8[%dma_wait3A_524, %dma_wait3A_529] : memref<40x128xi32, #tpu.memory_space<vmem>> -> memref<1x128xi32, #tpu.memory_space<vmem>>
    %dma_wait3A_531 = tpu.memref_squeeze %dma_wait3A_530 : memref<1x128xi32, #tpu.memory_space<vmem>> -> memref<128xi32, #tpu.memory_space<vmem>>
    %dma_wait3A_532 = arith.constant 0 : i32
    %dma_wait3A_533 = arith.constant 0 : i32
    %dma_wait3A_534 = tpu.memref_slice %arg31[%dma_wait3A_532, %dma_wait3A_533] : memref<10240x8xf32, #tpu.memory_space<vmem_shared>> -> memref<10240x8xf32, #tpu.memory_space<vmem_shared>>
    tpu.wait_indirect_dma semaphore(%arg22 : memref<!tpu.dma_semaphore, #tpu.memory_space<semaphore_mem>>) src(%dma_wait3A_528 : memref<128x8xf32, #tpu.memory_space<vmem>>) dst(%dma_wait3A_534 : memref<10240x8xf32, #tpu.memory_space<vmem_shared>>)
    %dma_wait3A_535 = arith.constant 2 : i32
    %dma_wait3A_536 = arith.constant 0 : i32
    %dma_wait3A_537 = arith.constant 0 : i32
    %dma_wait3A_538 = arith.constant 0 : i32
    %dma_wait3A_539 = tpu.memref_slice %arg10[%dma_wait3A_535, %dma_wait3A_537, %dma_wait3A_538] : memref<10x128x8xf32, #tpu.memory_space<vmem>> -> memref<1x128x8xf32, #tpu.memory_space<vmem>>
    %dma_wait3A_540 = tpu.memref_squeeze %dma_wait3A_539 : memref<1x128x8xf32, #tpu.memory_space<vmem>> -> memref<128x8xf32, #tpu.memory_space<vmem>>
    %dma_wait3A_541 = arith.constant 0 : i32
    %dma_wait3A_542 = tpu.memref_slice %arg8[%dma_wait3A_536, %dma_wait3A_541] : memref<40x128xi32, #tpu.memory_space<vmem>> -> memref<1x128xi32, #tpu.memory_space<vmem>>
    %dma_wait3A_543 = tpu.memref_squeeze %dma_wait3A_542 : memref<1x128xi32, #tpu.memory_space<vmem>> -> memref<128xi32, #tpu.memory_space<vmem>>
    %dma_wait3A_544 = arith.constant 0 : i32
    %dma_wait3A_545 = arith.constant 0 : i32
    %dma_wait3A_546 = tpu.memref_slice %arg31[%dma_wait3A_544, %dma_wait3A_545] : memref<10240x8xf32, #tpu.memory_space<vmem_shared>> -> memref<10240x8xf32, #tpu.memory_space<vmem_shared>>
    tpu.wait_indirect_dma semaphore(%arg23 : memref<!tpu.dma_semaphore, #tpu.memory_space<semaphore_mem>>) src(%dma_wait3A_540 : memref<128x8xf32, #tpu.memory_space<vmem>>) dst(%dma_wait3A_546 : memref<10240x8xf32, #tpu.memory_space<vmem_shared>>)
    %dma_wait3A_547 = arith.constant 3 : i32
    %dma_wait3A_548 = arith.constant 0 : i32
    %dma_wait3A_549 = arith.constant 0 : i32
    %dma_wait3A_550 = arith.constant 0 : i32
    %dma_wait3A_551 = tpu.memref_slice %arg10[%dma_wait3A_547, %dma_wait3A_549, %dma_wait3A_550] : memref<10x128x8xf32, #tpu.memory_space<vmem>> -> memref<1x128x8xf32, #tpu.memory_space<vmem>>
    %dma_wait3A_552 = tpu.memref_squeeze %dma_wait3A_551 : memref<1x128x8xf32, #tpu.memory_space<vmem>> -> memref<128x8xf32, #tpu.memory_space<vmem>>
    %dma_wait3A_553 = arith.constant 0 : i32
    %dma_wait3A_554 = tpu.memref_slice %arg8[%dma_wait3A_548, %dma_wait3A_553] : memref<40x128xi32, #tpu.memory_space<vmem>> -> memref<1x128xi32, #tpu.memory_space<vmem>>
    %dma_wait3A_555 = tpu.memref_squeeze %dma_wait3A_554 : memref<1x128xi32, #tpu.memory_space<vmem>> -> memref<128xi32, #tpu.memory_space<vmem>>
    %dma_wait3A_556 = arith.constant 0 : i32
    %dma_wait3A_557 = arith.constant 0 : i32
    %dma_wait3A_558 = tpu.memref_slice %arg31[%dma_wait3A_556, %dma_wait3A_557] : memref<10240x8xf32, #tpu.memory_space<vmem_shared>> -> memref<10240x8xf32, #tpu.memory_space<vmem_shared>>
    tpu.wait_indirect_dma semaphore(%arg24 : memref<!tpu.dma_semaphore, #tpu.memory_space<semaphore_mem>>) src(%dma_wait3A_552 : memref<128x8xf32, #tpu.memory_space<vmem>>) dst(%dma_wait3A_558 : memref<10240x8xf32, #tpu.memory_space<vmem_shared>>)
    %dma_wait3A_559 = arith.constant 4 : i32
    %dma_wait3A_560 = arith.constant 0 : i32
    %dma_wait3A_561 = arith.constant 0 : i32
    %dma_wait3A_562 = arith.constant 0 : i32
    %dma_wait3A_563 = tpu.memref_slice %arg10[%dma_wait3A_559, %dma_wait3A_561, %dma_wait3A_562] : memref<10x128x8xf32, #tpu.memory_space<vmem>> -> memref<1x128x8xf32, #tpu.memory_space<vmem>>
    %dma_wait3A_564 = tpu.memref_squeeze %dma_wait3A_563 : memref<1x128x8xf32, #tpu.memory_space<vmem>> -> memref<128x8xf32, #tpu.memory_space<vmem>>
    %dma_wait3A_565 = arith.constant 0 : i32
    %dma_wait3A_566 = tpu.memref_slice %arg8[%dma_wait3A_560, %dma_wait3A_565] : memref<40x128xi32, #tpu.memory_space<vmem>> -> memref<1x128xi32, #tpu.memory_space<vmem>>
    %dma_wait3A_567 = tpu.memref_squeeze %dma_wait3A_566 : memref<1x128xi32, #tpu.memory_space<vmem>> -> memref<128xi32, #tpu.memory_space<vmem>>
    %dma_wait3A_568 = arith.constant 0 : i32
    %dma_wait3A_569 = arith.constant 0 : i32
    %dma_wait3A_570 = tpu.memref_slice %arg31[%dma_wait3A_568, %dma_wait3A_569] : memref<10240x8xf32, #tpu.memory_space<vmem_shared>> -> memref<10240x8xf32, #tpu.memory_space<vmem_shared>>
    tpu.wait_indirect_dma semaphore(%arg25 : memref<!tpu.dma_semaphore, #tpu.memory_space<semaphore_mem>>) src(%dma_wait3A_564 : memref<128x8xf32, #tpu.memory_space<vmem>>) dst(%dma_wait3A_570 : memref<10240x8xf32, #tpu.memory_space<vmem_shared>>)
    %dma_wait3A_571 = arith.constant 5 : i32
    %dma_wait3A_572 = arith.constant 0 : i32
    %dma_wait3A_573 = arith.constant 0 : i32
    %dma_wait3A_574 = arith.constant 0 : i32
    %dma_wait3A_575 = tpu.memref_slice %arg10[%dma_wait3A_571, %dma_wait3A_573, %dma_wait3A_574] : memref<10x128x8xf32, #tpu.memory_space<vmem>> -> memref<1x128x8xf32, #tpu.memory_space<vmem>>
    %dma_wait3A_576 = tpu.memref_squeeze %dma_wait3A_575 : memref<1x128x8xf32, #tpu.memory_space<vmem>> -> memref<128x8xf32, #tpu.memory_space<vmem>>
    %dma_wait3A_577 = arith.constant 0 : i32
    %dma_wait3A_578 = tpu.memref_slice %arg8[%dma_wait3A_572, %dma_wait3A_577] : memref<40x128xi32, #tpu.memory_space<vmem>> -> memref<1x128xi32, #tpu.memory_space<vmem>>
    %dma_wait3A_579 = tpu.memref_squeeze %dma_wait3A_578 : memref<1x128xi32, #tpu.memory_space<vmem>> -> memref<128xi32, #tpu.memory_space<vmem>>
    %dma_wait3A_580 = arith.constant 0 : i32
    %dma_wait3A_581 = arith.constant 0 : i32
    %dma_wait3A_582 = tpu.memref_slice %arg31[%dma_wait3A_580, %dma_wait3A_581] : memref<10240x8xf32, #tpu.memory_space<vmem_shared>> -> memref<10240x8xf32, #tpu.memory_space<vmem_shared>>
    tpu.wait_indirect_dma semaphore(%arg26 : memref<!tpu.dma_semaphore, #tpu.memory_space<semaphore_mem>>) src(%dma_wait3A_576 : memref<128x8xf32, #tpu.memory_space<vmem>>) dst(%dma_wait3A_582 : memref<10240x8xf32, #tpu.memory_space<vmem_shared>>)
    %dma_wait3A_583 = arith.constant 6 : i32
    %dma_wait3A_584 = arith.constant 0 : i32
    %dma_wait3A_585 = arith.constant 0 : i32
    %dma_wait3A_586 = arith.constant 0 : i32
    %dma_wait3A_587 = tpu.memref_slice %arg10[%dma_wait3A_583, %dma_wait3A_585, %dma_wait3A_586] : memref<10x128x8xf32, #tpu.memory_space<vmem>> -> memref<1x128x8xf32, #tpu.memory_space<vmem>>
    %dma_wait3A_588 = tpu.memref_squeeze %dma_wait3A_587 : memref<1x128x8xf32, #tpu.memory_space<vmem>> -> memref<128x8xf32, #tpu.memory_space<vmem>>
    %dma_wait3A_589 = arith.constant 0 : i32
    %dma_wait3A_590 = tpu.memref_slice %arg8[%dma_wait3A_584, %dma_wait3A_589] : memref<40x128xi32, #tpu.memory_space<vmem>> -> memref<1x128xi32, #tpu.memory_space<vmem>>
    %dma_wait3A_591 = tpu.memref_squeeze %dma_wait3A_590 : memref<1x128xi32, #tpu.memory_space<vmem>> -> memref<128xi32, #tpu.memory_space<vmem>>
    %dma_wait3A_592 = arith.constant 0 : i32
    %dma_wait3A_593 = arith.constant 0 : i32
    %dma_wait3A_594 = tpu.memref_slice %arg31[%dma_wait3A_592, %dma_wait3A_593] : memref<10240x8xf32, #tpu.memory_space<vmem_shared>> -> memref<10240x8xf32, #tpu.memory_space<vmem_shared>>
    tpu.wait_indirect_dma semaphore(%arg27 : memref<!tpu.dma_semaphore, #tpu.memory_space<semaphore_mem>>) src(%dma_wait3A_588 : memref<128x8xf32, #tpu.memory_space<vmem>>) dst(%dma_wait3A_594 : memref<10240x8xf32, #tpu.memory_space<vmem_shared>>)
    %dma_wait3A_595 = arith.constant 7 : i32
    %dma_wait3A_596 = arith.constant 0 : i32
    %dma_wait3A_597 = arith.constant 0 : i32
    %dma_wait3A_598 = arith.constant 0 : i32
    %dma_wait3A_599 = tpu.memref_slice %arg10[%dma_wait3A_595, %dma_wait3A_597, %dma_wait3A_598] : memref<10x128x8xf32, #tpu.memory_space<vmem>> -> memref<1x128x8xf32, #tpu.memory_space<vmem>>
    %dma_wait3A_600 = tpu.memref_squeeze %dma_wait3A_599 : memref<1x128x8xf32, #tpu.memory_space<vmem>> -> memref<128x8xf32, #tpu.memory_space<vmem>>
    %dma_wait3A_601 = arith.constant 0 : i32
    %dma_wait3A_602 = tpu.memref_slice %arg8[%dma_wait3A_596, %dma_wait3A_601] : memref<40x128xi32, #tpu.memory_space<vmem>> -> memref<1x128xi32, #tpu.memory_space<vmem>>
    %dma_wait3A_603 = tpu.memref_squeeze %dma_wait3A_602 : memref<1x128xi32, #tpu.memory_space<vmem>> -> memref<128xi32, #tpu.memory_space<vmem>>
    %dma_wait3A_604 = arith.constant 0 : i32
    %dma_wait3A_605 = arith.constant 0 : i32
    %dma_wait3A_606 = tpu.memref_slice %arg31[%dma_wait3A_604, %dma_wait3A_605] : memref<10240x8xf32, #tpu.memory_space<vmem_shared>> -> memref<10240x8xf32, #tpu.memory_space<vmem_shared>>
    tpu.wait_indirect_dma semaphore(%arg28 : memref<!tpu.dma_semaphore, #tpu.memory_space<semaphore_mem>>) src(%dma_wait3A_600 : memref<128x8xf32, #tpu.memory_space<vmem>>) dst(%dma_wait3A_606 : memref<10240x8xf32, #tpu.memory_space<vmem_shared>>)
    %dma_wait3A_607 = arith.constant 8 : i32
    %dma_wait3A_608 = arith.constant 0 : i32
    %dma_wait3A_609 = arith.constant 0 : i32
    %dma_wait3A_610 = arith.constant 0 : i32
    %dma_wait3A_611 = tpu.memref_slice %arg10[%dma_wait3A_607, %dma_wait3A_609, %dma_wait3A_610] : memref<10x128x8xf32, #tpu.memory_space<vmem>> -> memref<1x128x8xf32, #tpu.memory_space<vmem>>
    %dma_wait3A_612 = tpu.memref_squeeze %dma_wait3A_611 : memref<1x128x8xf32, #tpu.memory_space<vmem>> -> memref<128x8xf32, #tpu.memory_space<vmem>>
    %dma_wait3A_613 = arith.constant 0 : i32
    %dma_wait3A_614 = tpu.memref_slice %arg8[%dma_wait3A_608, %dma_wait3A_613] : memref<40x128xi32, #tpu.memory_space<vmem>> -> memref<1x128xi32, #tpu.memory_space<vmem>>
    %dma_wait3A_615 = tpu.memref_squeeze %dma_wait3A_614 : memref<1x128xi32, #tpu.memory_space<vmem>> -> memref<128xi32, #tpu.memory_space<vmem>>
    %dma_wait3A_616 = arith.constant 0 : i32
    %dma_wait3A_617 = arith.constant 0 : i32
    %dma_wait3A_618 = tpu.memref_slice %arg31[%dma_wait3A_616, %dma_wait3A_617] : memref<10240x8xf32, #tpu.memory_space<vmem_shared>> -> memref<10240x8xf32, #tpu.memory_space<vmem_shared>>
    tpu.wait_indirect_dma semaphore(%arg29 : memref<!tpu.dma_semaphore, #tpu.memory_space<semaphore_mem>>) src(%dma_wait3A_612 : memref<128x8xf32, #tpu.memory_space<vmem>>) dst(%dma_wait3A_618 : memref<10240x8xf32, #tpu.memory_space<vmem_shared>>)
    %dma_wait3A_619 = arith.constant 9 : i32
    %dma_wait3A_620 = arith.constant 0 : i32
    %dma_wait3A_621 = arith.constant 0 : i32
    %dma_wait3A_622 = arith.constant 0 : i32
    %dma_wait3A_623 = tpu.memref_slice %arg10[%dma_wait3A_619, %dma_wait3A_621, %dma_wait3A_622] : memref<10x128x8xf32, #tpu.memory_space<vmem>> -> memref<1x128x8xf32, #tpu.memory_space<vmem>>
    %dma_wait3A_624 = tpu.memref_squeeze %dma_wait3A_623 : memref<1x128x8xf32, #tpu.memory_space<vmem>> -> memref<128x8xf32, #tpu.memory_space<vmem>>
    %dma_wait3A_625 = arith.constant 0 : i32
    %dma_wait3A_626 = tpu.memref_slice %arg8[%dma_wait3A_620, %dma_wait3A_625] : memref<40x128xi32, #tpu.memory_space<vmem>> -> memref<1x128xi32, #tpu.memory_space<vmem>>
    %dma_wait3A_627 = tpu.memref_squeeze %dma_wait3A_626 : memref<1x128xi32, #tpu.memory_space<vmem>> -> memref<128xi32, #tpu.memory_space<vmem>>
    %dma_wait3A_628 = arith.constant 0 : i32
    %dma_wait3A_629 = arith.constant 0 : i32
    %dma_wait3A_630 = tpu.memref_slice %arg31[%dma_wait3A_628, %dma_wait3A_629] : memref<10240x8xf32, #tpu.memory_space<vmem_shared>> -> memref<10240x8xf32, #tpu.memory_space<vmem_shared>>
    tpu.wait_indirect_dma semaphore(%arg30 : memref<!tpu.dma_semaphore, #tpu.memory_space<semaphore_mem>>) src(%dma_wait3A_624 : memref<128x8xf32, #tpu.memory_space<vmem>>) dst(%dma_wait3A_630 : memref<10240x8xf32, #tpu.memory_space<vmem_shared>>)
    %barrier3A_631 = arith.constant 0 : index
    tpu.barrier barrier_id(%barrier3A_631)
    %eq3A = arith.constant 0 : i32
    %eq3A_632 = arith.cmpi eq, %arg0, %eq3A : i32
    %convert_element_type3A = arith.extui %eq3A_632 : i1 to i32
    %cond3A = arith.constant 0 : i32
    %cond3A_633 = arith.cmpi ne, %convert_element_type3A, %cond3A : i32
    scf.if %cond3A_633 {
      %mul3A_639 = arith.constant 640 : i32
      %mul3A_640 = arith.muli %arg1, %mul3A_639 : i32
      %mul3A_641 = arith.constant 640 : i32
      %mul3A_642 = arith.muli %arg1, %mul3A_641 : i32
      "tpu.region"() ({
        %run_scoped3A_643 = tpu.sem_alloc : memref<!tpu.dma_semaphore, #tpu.memory_space<semaphore_mem>>
        %dma_start3A_644 = arith.constant 0 : i32
        %dma_start3A_645 = tpu.memref_slice %arg5[%mul3A_642, %dma_start3A_644] : memref<10240x8xf32, #tpu.memory_space<hbm>> -> memref<640x8xf32, #tpu.memory_space<hbm>>
        %dma_start3A_646 = arith.constant 0 : i32
        %dma_start3A_647 = tpu.memref_slice %arg31[%mul3A_640, %dma_start3A_646] : memref<10240x8xf32, #tpu.memory_space<vmem_shared>> -> memref<640x8xf32, #tpu.memory_space<vmem_shared>>
        tpu.enqueue_dma source(%dma_start3A_647 : memref<640x8xf32, #tpu.memory_space<vmem_shared>>) target(%dma_start3A_645 : memref<640x8xf32, #tpu.memory_space<hbm>>) target_semaphore(%run_scoped3A_643 : memref<!tpu.dma_semaphore, #tpu.memory_space<semaphore_mem>>)
        %dma_wait3A_648 = arith.constant 0 : i32
        %dma_wait3A_649 = tpu.memref_slice %arg5[%mul3A_642, %dma_wait3A_648] : memref<10240x8xf32, #tpu.memory_space<hbm>> -> memref<640x8xf32, #tpu.memory_space<hbm>>
        %dma_wait3A_650 = arith.constant 0 : i32
        %dma_wait3A_651 = tpu.memref_slice %arg31[%mul3A_640, %dma_wait3A_650] : memref<10240x8xf32, #tpu.memory_space<vmem_shared>> -> memref<640x8xf32, #tpu.memory_space<vmem_shared>>
        tpu.wait_dma2 semaphore(%run_scoped3A_643 : memref<!tpu.dma_semaphore, #tpu.memory_space<semaphore_mem>>) src(%dma_wait3A_651 : memref<640x8xf32, #tpu.memory_space<vmem_shared>>) dst(%dma_wait3A_649 : memref<640x8xf32, #tpu.memory_space<hbm>>)
        tpu.yield
      }) : () -> ()
    } else {
    }
    %eq3A_634 = arith.constant 1 : i32
    %eq3A_635 = arith.cmpi eq, %arg0, %eq3A_634 : i32
    %convert_element_type3A_636 = arith.extui %eq3A_635 : i1 to i32
    %cond3A_637 = arith.constant 0 : i32
    %cond3A_638 = arith.cmpi ne, %convert_element_type3A_636, %cond3A_637 : i32
    scf.if %cond3A_638 {
      %mul3A_639 = arith.constant 640 : i32
      %mul3A_640 = arith.muli %arg1, %mul3A_639 : i32
      %mul3A_641 = arith.constant 640 : i32
      %mul3A_642 = arith.muli %arg1, %mul3A_641 : i32
      "tpu.region"() ({
        %run_scoped3A_643 = tpu.sem_alloc : memref<!tpu.dma_semaphore, #tpu.memory_space<semaphore_mem>>
        %dma_start3A_644 = arith.constant 0 : i32
        %dma_start3A_645 = tpu.memref_slice %arg6[%mul3A_642, %dma_start3A_644] : memref<10240x8xf32, #tpu.memory_space<hbm>> -> memref<640x8xf32, #tpu.memory_space<hbm>>
        %dma_start3A_646 = arith.constant 0 : i32
        %dma_start3A_647 = tpu.memref_slice %arg31[%mul3A_640, %dma_start3A_646] : memref<10240x8xf32, #tpu.memory_space<vmem_shared>> -> memref<640x8xf32, #tpu.memory_space<vmem_shared>>
        tpu.enqueue_dma source(%dma_start3A_647 : memref<640x8xf32, #tpu.memory_space<vmem_shared>>) target(%dma_start3A_645 : memref<640x8xf32, #tpu.memory_space<hbm>>) target_semaphore(%run_scoped3A_643 : memref<!tpu.dma_semaphore, #tpu.memory_space<semaphore_mem>>)
        %dma_wait3A_648 = arith.constant 0 : i32
        %dma_wait3A_649 = tpu.memref_slice %arg6[%mul3A_642, %dma_wait3A_648] : memref<10240x8xf32, #tpu.memory_space<hbm>> -> memref<640x8xf32, #tpu.memory_space<hbm>>
        %dma_wait3A_650 = arith.constant 0 : i32
        %dma_wait3A_651 = tpu.memref_slice %arg31[%mul3A_640, %dma_wait3A_650] : memref<10240x8xf32, #tpu.memory_space<vmem_shared>> -> memref<640x8xf32, #tpu.memory_space<vmem_shared>>
        tpu.wait_dma2 semaphore(%run_scoped3A_643 : memref<!tpu.dma_semaphore, #tpu.memory_space<semaphore_mem>>) src(%dma_wait3A_651 : memref<640x8xf32, #tpu.memory_space<vmem_shared>>) dst(%dma_wait3A_649 : memref<640x8xf32, #tpu.memory_space<hbm>>)
        tpu.yield
      }) : () -> ()
    } else {
    }
    return
  }
}

module attributes {stable_mosaic.version = 14 : i64} {
  func.func @_scale_body(%arg0: i32, %arg1: memref<320x256xf32, #tpu.memory_space<vmem>>, %arg2: memref<320x256xf32, #tpu.memory_space<vmem>>, %arg3: memref<320x256xf32, #tpu.memory_space<vmem>>, %arg4: memref<320x256xf32, #tpu.memory_space<vmem>>, %arg5: memref<320x256xf32, #tpu.memory_space<vmem>>, %arg6: memref<320x256xf32, #tpu.memory_space<vmem>>, %arg7: memref<320x256xf32, #tpu.memory_space<vmem>>, %arg8: memref<320x256xf32, #tpu.memory_space<vmem>>, %arg9: memref<320x256xf32, #tpu.memory_space<vmem>>, %arg10: memref<320x256xf32, #tpu.memory_space<vmem>>, %arg11: memref<320x256xf32, #tpu.memory_space<vmem>>, %arg12: memref<320x256xf32, #tpu.memory_space<vmem>>, %arg13: memref<320x256xf32, #tpu.memory_space<vmem>>, %arg14: memref<320x256xf32, #tpu.memory_space<vmem>>, %arg15: memref<320x256xf32, #tpu.memory_space<vmem>>, %arg16: memref<320x256xf32, #tpu.memory_space<vmem>>, %arg17: memref<256x128xf32, #tpu.memory_space<vmem>>, %arg18: memref<256x8xf32, #tpu.memory_space<vmem>>, %arg19: memref<128x8xf32, #tpu.memory_space<vmem>>, %arg20: memref<320x128xf32, #tpu.memory_space<vmem>>, %arg21: memref<320x128xf32, #tpu.memory_space<vmem>>, %arg22: memref<320x128xf32, #tpu.memory_space<vmem>>, %arg23: memref<320x128xf32, #tpu.memory_space<vmem>>) attributes {dimension_semantics = [#tpu.dimension_semantics<arbitrary>], iteration_bounds = array<i64: 2>, scalar_prefetch = 0 : i64, scratch_operands = 0 : i64, tpu.core_type = #tpu.core_type<tc>, window_params = [{transform_indices = @transform_0, window_bounds = array<i64: 320, 256>}, {transform_indices = @transform_1, window_bounds = array<i64: 320, 256>}, {transform_indices = @transform_2, window_bounds = array<i64: 320, 256>}, {transform_indices = @transform_3, window_bounds = array<i64: 320, 256>}, {transform_indices = @transform_4, window_bounds = array<i64: 320, 256>}, {transform_indices = @transform_5, window_bounds = array<i64: 320, 256>}, {transform_indices = @transform_6, window_bounds = array<i64: 320, 256>}, {transform_indices = @transform_7, window_bounds = array<i64: 320, 256>}, {transform_indices = @transform_8, window_bounds = array<i64: 320, 256>}, {transform_indices = @transform_9, window_bounds = array<i64: 320, 256>}, {transform_indices = @transform_10, window_bounds = array<i64: 320, 256>}, {transform_indices = @transform_11, window_bounds = array<i64: 320, 256>}, {transform_indices = @transform_12, window_bounds = array<i64: 320, 256>}, {transform_indices = @transform_13, window_bounds = array<i64: 320, 256>}, {transform_indices = @transform_14, window_bounds = array<i64: 320, 256>}, {transform_indices = @transform_15, window_bounds = array<i64: 320, 256>}, {pipeline_mode = #tpu.pipeline_mode<synchronous>, transform_indices = @transform_16, window_bounds = array<i64: 256, 128>}, {pipeline_mode = #tpu.pipeline_mode<synchronous>, transform_indices = @transform_17, window_bounds = array<i64: 256, 8>}, {pipeline_mode = #tpu.pipeline_mode<synchronous>, transform_indices = @transform_18, window_bounds = array<i64: 128, 8>}, {transform_indices = @transform_19, window_bounds = array<i64: 320, 128>}, {transform_indices = @transform_20, window_bounds = array<i64: 320, 128>}, {transform_indices = @transform_21, window_bounds = array<i64: 320, 128>}, {transform_indices = @transform_22, window_bounds = array<i64: 320, 128>}]} {
    %get3A = arith.constant 0 : index
    %get3A_0 = arith.constant 0 : index
    %get3A_1 = vector.load %arg20[%get3A, %get3A_0] : memref<320x128xf32, #tpu.memory_space<vmem>>, vector<320x128xf32>
    %add3A = arith.constant 1.000000e+00 : f32
    %add3A_2 = vector.broadcast %add3A : f32 to vector<320x128xf32>
    %add3A_3 = arith.addf %add3A_2, %get3A_1 : vector<320x128xf32>
    %get3A_4 = arith.constant 0 : index
    %get3A_5 = arith.constant 0 : index
    %get3A_6 = vector.load %arg21[%get3A_4, %get3A_5] : memref<320x128xf32, #tpu.memory_space<vmem>>, vector<320x128xf32>
    %add3A_7 = arith.addf %add3A_3, %get3A_6 : vector<320x128xf32>
    %rsqrt3A = math.rsqrt %add3A_7 : vector<320x128xf32>
    %get3A_8 = arith.constant 0 : index
    %get3A_9 = arith.constant 0 : index
    %get3A_10 = vector.load %arg18[%get3A_8, %get3A_9] : memref<256x8xf32, #tpu.memory_space<vmem>>, vector<256x8xf32>
    %get3A_11 = arith.constant 0 : index
    %get3A_12 = arith.constant 0 : index
    %get3A_13 = vector.load %arg17[%get3A_11, %get3A_12] : memref<256x128xf32, #tpu.memory_space<vmem>>, vector<256x128xf32>
    %get3A_14 = arith.constant 0 : index
    %get3A_15 = arith.constant 0 : index
    %get3A_16 = vector.load %arg19[%get3A_14, %get3A_15] : memref<128x8xf32, #tpu.memory_space<vmem>>, vector<128x8xf32>
    %dot_general3A = arith.constant dense<0.000000e+00> : vector<256x8xf32>
    %dot_general3A_17 = tpu.matmul %get3A_13, %get3A_16, %dot_general3A {dimension_numbers = #tpu.dot_dimension_numbers<[1], [0], [0], [1], [0, 0, 1, 1], [], []>, transpose_lhs_hint = false} : vector<256x128xf32>, vector<128x8xf32>, vector<256x8xf32> -> vector<256x8xf32>
    %add3A_18 = arith.addf %get3A_10, %dot_general3A_17 : vector<256x8xf32>
    %get3A_19 = arith.constant 0 : index
    %get3A_20 = arith.constant 0 : index
    %get3A_21 = vector.load %arg1[%get3A_19, %get3A_20] : memref<320x256xf32, #tpu.memory_space<vmem>>, vector<320x256xf32>
    %dot_general3A_22 = arith.constant dense<0.000000e+00> : vector<320x8xf32>
    %dot_general3A_23 = tpu.matmul %get3A_21, %add3A_18, %dot_general3A_22 {dimension_numbers = #tpu.dot_dimension_numbers<[1], [0], [0], [1], [0, 0, 1, 1], [], []>, transpose_lhs_hint = false} : vector<320x256xf32>, vector<256x8xf32>, vector<320x8xf32> -> vector<320x8xf32>
    %get3A_24 = arith.constant 0 : index
    %get3A_25 = arith.constant 0 : index
    %get3A_26 = vector.load %arg2[%get3A_24, %get3A_25] : memref<320x256xf32, #tpu.memory_space<vmem>>, vector<320x256xf32>
    %dot_general3A_27 = arith.constant dense<0.000000e+00> : vector<320x8xf32>
    %dot_general3A_28 = tpu.matmul %get3A_26, %add3A_18, %dot_general3A_27 {dimension_numbers = #tpu.dot_dimension_numbers<[1], [0], [0], [1], [0, 0, 1, 1], [], []>, transpose_lhs_hint = false} : vector<320x256xf32>, vector<256x8xf32>, vector<320x8xf32> -> vector<320x8xf32>
    %get3A_29 = arith.constant 0 : index
    %get3A_30 = arith.constant 0 : index
    %get3A_31 = vector.load %arg3[%get3A_29, %get3A_30] : memref<320x256xf32, #tpu.memory_space<vmem>>, vector<320x256xf32>
    %dot_general3A_32 = arith.constant dense<0.000000e+00> : vector<320x8xf32>
    %dot_general3A_33 = tpu.matmul %get3A_31, %add3A_18, %dot_general3A_32 {dimension_numbers = #tpu.dot_dimension_numbers<[1], [0], [0], [1], [0, 0, 1, 1], [], []>, transpose_lhs_hint = false} : vector<320x256xf32>, vector<256x8xf32>, vector<320x8xf32> -> vector<320x8xf32>
    %get3A_34 = arith.constant 0 : index
    %get3A_35 = arith.constant 0 : index
    %get3A_36 = vector.load %arg4[%get3A_34, %get3A_35] : memref<320x256xf32, #tpu.memory_space<vmem>>, vector<320x256xf32>
    %dot_general3A_37 = arith.constant dense<0.000000e+00> : vector<320x8xf32>
    %dot_general3A_38 = tpu.matmul %get3A_36, %add3A_18, %dot_general3A_37 {dimension_numbers = #tpu.dot_dimension_numbers<[1], [0], [0], [1], [0, 0, 1, 1], [], []>, transpose_lhs_hint = false} : vector<320x256xf32>, vector<256x8xf32>, vector<320x8xf32> -> vector<320x8xf32>
    %get3A_39 = arith.constant 0 : index
    %get3A_40 = arith.constant 0 : index
    %get3A_41 = vector.load %arg5[%get3A_39, %get3A_40] : memref<320x256xf32, #tpu.memory_space<vmem>>, vector<320x256xf32>
    %dot_general3A_42 = arith.constant dense<0.000000e+00> : vector<320x8xf32>
    %dot_general3A_43 = tpu.matmul %get3A_41, %add3A_18, %dot_general3A_42 {dimension_numbers = #tpu.dot_dimension_numbers<[1], [0], [0], [1], [0, 0, 1, 1], [], []>, transpose_lhs_hint = false} : vector<320x256xf32>, vector<256x8xf32>, vector<320x8xf32> -> vector<320x8xf32>
    %get3A_44 = arith.constant 0 : index
    %get3A_45 = arith.constant 0 : index
    %get3A_46 = vector.load %arg6[%get3A_44, %get3A_45] : memref<320x256xf32, #tpu.memory_space<vmem>>, vector<320x256xf32>
    %dot_general3A_47 = arith.constant dense<0.000000e+00> : vector<320x8xf32>
    %dot_general3A_48 = tpu.matmul %get3A_46, %add3A_18, %dot_general3A_47 {dimension_numbers = #tpu.dot_dimension_numbers<[1], [0], [0], [1], [0, 0, 1, 1], [], []>, transpose_lhs_hint = false} : vector<320x256xf32>, vector<256x8xf32>, vector<320x8xf32> -> vector<320x8xf32>
    %get3A_49 = arith.constant 0 : index
    %get3A_50 = arith.constant 0 : index
    %get3A_51 = vector.load %arg7[%get3A_49, %get3A_50] : memref<320x256xf32, #tpu.memory_space<vmem>>, vector<320x256xf32>
    %dot_general3A_52 = arith.constant dense<0.000000e+00> : vector<320x8xf32>
    %dot_general3A_53 = tpu.matmul %get3A_51, %add3A_18, %dot_general3A_52 {dimension_numbers = #tpu.dot_dimension_numbers<[1], [0], [0], [1], [0, 0, 1, 1], [], []>, transpose_lhs_hint = false} : vector<320x256xf32>, vector<256x8xf32>, vector<320x8xf32> -> vector<320x8xf32>
    %get3A_54 = arith.constant 0 : index
    %get3A_55 = arith.constant 0 : index
    %get3A_56 = vector.load %arg8[%get3A_54, %get3A_55] : memref<320x256xf32, #tpu.memory_space<vmem>>, vector<320x256xf32>
    %dot_general3A_57 = arith.constant dense<0.000000e+00> : vector<320x8xf32>
    %dot_general3A_58 = tpu.matmul %get3A_56, %add3A_18, %dot_general3A_57 {dimension_numbers = #tpu.dot_dimension_numbers<[1], [0], [0], [1], [0, 0, 1, 1], [], []>, transpose_lhs_hint = false} : vector<320x256xf32>, vector<256x8xf32>, vector<320x8xf32> -> vector<320x8xf32>
    %get3A_59 = arith.constant 0 : index
    %get3A_60 = arith.constant 0 : index
    %get3A_61 = vector.load %arg9[%get3A_59, %get3A_60] : memref<320x256xf32, #tpu.memory_space<vmem>>, vector<320x256xf32>
    %dot_general3A_62 = arith.constant dense<0.000000e+00> : vector<320x8xf32>
    %dot_general3A_63 = tpu.matmul %get3A_61, %add3A_18, %dot_general3A_62 {dimension_numbers = #tpu.dot_dimension_numbers<[1], [0], [0], [1], [0, 0, 1, 1], [], []>, transpose_lhs_hint = false} : vector<320x256xf32>, vector<256x8xf32>, vector<320x8xf32> -> vector<320x8xf32>
    %get3A_64 = arith.constant 0 : index
    %get3A_65 = arith.constant 0 : index
    %get3A_66 = vector.load %arg10[%get3A_64, %get3A_65] : memref<320x256xf32, #tpu.memory_space<vmem>>, vector<320x256xf32>
    %dot_general3A_67 = arith.constant dense<0.000000e+00> : vector<320x8xf32>
    %dot_general3A_68 = tpu.matmul %get3A_66, %add3A_18, %dot_general3A_67 {dimension_numbers = #tpu.dot_dimension_numbers<[1], [0], [0], [1], [0, 0, 1, 1], [], []>, transpose_lhs_hint = false} : vector<320x256xf32>, vector<256x8xf32>, vector<320x8xf32> -> vector<320x8xf32>
    %get3A_69 = arith.constant 0 : index
    %get3A_70 = arith.constant 0 : index
    %get3A_71 = vector.load %arg11[%get3A_69, %get3A_70] : memref<320x256xf32, #tpu.memory_space<vmem>>, vector<320x256xf32>
    %dot_general3A_72 = arith.constant dense<0.000000e+00> : vector<320x8xf32>
    %dot_general3A_73 = tpu.matmul %get3A_71, %add3A_18, %dot_general3A_72 {dimension_numbers = #tpu.dot_dimension_numbers<[1], [0], [0], [1], [0, 0, 1, 1], [], []>, transpose_lhs_hint = false} : vector<320x256xf32>, vector<256x8xf32>, vector<320x8xf32> -> vector<320x8xf32>
    %get3A_74 = arith.constant 0 : index
    %get3A_75 = arith.constant 0 : index
    %get3A_76 = vector.load %arg12[%get3A_74, %get3A_75] : memref<320x256xf32, #tpu.memory_space<vmem>>, vector<320x256xf32>
    %dot_general3A_77 = arith.constant dense<0.000000e+00> : vector<320x8xf32>
    %dot_general3A_78 = tpu.matmul %get3A_76, %add3A_18, %dot_general3A_77 {dimension_numbers = #tpu.dot_dimension_numbers<[1], [0], [0], [1], [0, 0, 1, 1], [], []>, transpose_lhs_hint = false} : vector<320x256xf32>, vector<256x8xf32>, vector<320x8xf32> -> vector<320x8xf32>
    %get3A_79 = arith.constant 0 : index
    %get3A_80 = arith.constant 0 : index
    %get3A_81 = vector.load %arg13[%get3A_79, %get3A_80] : memref<320x256xf32, #tpu.memory_space<vmem>>, vector<320x256xf32>
    %dot_general3A_82 = arith.constant dense<0.000000e+00> : vector<320x8xf32>
    %dot_general3A_83 = tpu.matmul %get3A_81, %add3A_18, %dot_general3A_82 {dimension_numbers = #tpu.dot_dimension_numbers<[1], [0], [0], [1], [0, 0, 1, 1], [], []>, transpose_lhs_hint = false} : vector<320x256xf32>, vector<256x8xf32>, vector<320x8xf32> -> vector<320x8xf32>
    %get3A_84 = arith.constant 0 : index
    %get3A_85 = arith.constant 0 : index
    %get3A_86 = vector.load %arg14[%get3A_84, %get3A_85] : memref<320x256xf32, #tpu.memory_space<vmem>>, vector<320x256xf32>
    %dot_general3A_87 = arith.constant dense<0.000000e+00> : vector<320x8xf32>
    %dot_general3A_88 = tpu.matmul %get3A_86, %add3A_18, %dot_general3A_87 {dimension_numbers = #tpu.dot_dimension_numbers<[1], [0], [0], [1], [0, 0, 1, 1], [], []>, transpose_lhs_hint = false} : vector<320x256xf32>, vector<256x8xf32>, vector<320x8xf32> -> vector<320x8xf32>
    %get3A_89 = arith.constant 0 : index
    %get3A_90 = arith.constant 0 : index
    %get3A_91 = vector.load %arg15[%get3A_89, %get3A_90] : memref<320x256xf32, #tpu.memory_space<vmem>>, vector<320x256xf32>
    %dot_general3A_92 = arith.constant dense<0.000000e+00> : vector<320x8xf32>
    %dot_general3A_93 = tpu.matmul %get3A_91, %add3A_18, %dot_general3A_92 {dimension_numbers = #tpu.dot_dimension_numbers<[1], [0], [0], [1], [0, 0, 1, 1], [], []>, transpose_lhs_hint = false} : vector<320x256xf32>, vector<256x8xf32>, vector<320x8xf32> -> vector<320x8xf32>
    %get3A_94 = arith.constant 0 : index
    %get3A_95 = arith.constant 0 : index
    %get3A_96 = vector.load %arg16[%get3A_94, %get3A_95] : memref<320x256xf32, #tpu.memory_space<vmem>>, vector<320x256xf32>
    %dot_general3A_97 = arith.constant dense<0.000000e+00> : vector<320x8xf32>
    %dot_general3A_98 = tpu.matmul %get3A_96, %add3A_18, %dot_general3A_97 {dimension_numbers = #tpu.dot_dimension_numbers<[1], [0], [0], [1], [0, 0, 1, 1], [], []>, transpose_lhs_hint = false} : vector<320x256xf32>, vector<256x8xf32>, vector<320x8xf32> -> vector<320x8xf32>
    %concatenate3A = tpu.concatenate %dot_general3A_23, %dot_general3A_28, %dot_general3A_33, %dot_general3A_38, %dot_general3A_43, %dot_general3A_48, %dot_general3A_53, %dot_general3A_58, %dot_general3A_63, %dot_general3A_68, %dot_general3A_73, %dot_general3A_78, %dot_general3A_83, %dot_general3A_88, %dot_general3A_93, %dot_general3A_98 in 1 : vector<320x8xf32>, vector<320x8xf32>, vector<320x8xf32>, vector<320x8xf32>, vector<320x8xf32>, vector<320x8xf32>, vector<320x8xf32>, vector<320x8xf32>, vector<320x8xf32>, vector<320x8xf32>, vector<320x8xf32>, vector<320x8xf32>, vector<320x8xf32>, vector<320x8xf32>, vector<320x8xf32>, vector<320x8xf32> -> vector<320x128xf32>
    %mul3A = arith.mulf %rsqrt3A, %concatenate3A : vector<320x128xf32>
    %swap3A = arith.constant 0 : index
    %swap3A_99 = arith.constant 0 : index
    %swap3A_100 = vector.load %arg22[%swap3A, %swap3A_99] : memref<320x128xf32, #tpu.memory_space<vmem>>, vector<320x128xf32>
    tpu.vector_store %arg22[%swap3A, %swap3A_99], %mul3A {strides = array<i32>} : memref<320x128xf32, #tpu.memory_space<vmem>>, vector<320x128xf32>,
    %swap3A_101 = arith.constant 0 : index
    %swap3A_102 = arith.constant 0 : index
    %swap3A_103 = vector.load %arg23[%swap3A_101, %swap3A_102] : memref<320x128xf32, #tpu.memory_space<vmem>>, vector<320x128xf32>
    tpu.vector_store %arg23[%swap3A_101, %swap3A_102], %rsqrt3A {strides = array<i32>} : memref<320x128xf32, #tpu.memory_space<vmem>>, vector<320x128xf32>,
    return
  }
  func.func @transform_0(%arg0: i32) -> (i32, i32) {
    %add3A = arith.constant 0 : i32
    %add3A_0 = arith.addi %add3A, %arg0 : i32
    %c0_i32 = arith.constant 0 : i32
    %c0_i32_1 = arith.constant 0 : i32
    return %add3A_0, %c0_i32 : i32, i32
  }
  func.func @transform_1(%arg0: i32) -> (i32, i32) {
    %add3A = arith.constant 2 : i32
    %add3A_0 = arith.addi %add3A, %arg0 : i32
    %c0_i32 = arith.constant 0 : i32
    %c0_i32_1 = arith.constant 0 : i32
    return %add3A_0, %c0_i32 : i32, i32
  }
  func.func @transform_2(%arg0: i32) -> (i32, i32) {
    %add3A = arith.constant 4 : i32
    %add3A_0 = arith.addi %add3A, %arg0 : i32
    %c0_i32 = arith.constant 0 : i32
    %c0_i32_1 = arith.constant 0 : i32
    return %add3A_0, %c0_i32 : i32, i32
  }
  func.func @transform_3(%arg0: i32) -> (i32, i32) {
    %add3A = arith.constant 6 : i32
    %add3A_0 = arith.addi %add3A, %arg0 : i32
    %c0_i32 = arith.constant 0 : i32
    %c0_i32_1 = arith.constant 0 : i32
    return %add3A_0, %c0_i32 : i32, i32
  }
  func.func @transform_4(%arg0: i32) -> (i32, i32) {
    %add3A = arith.constant 8 : i32
    %add3A_0 = arith.addi %add3A, %arg0 : i32
    %c0_i32 = arith.constant 0 : i32
    %c0_i32_1 = arith.constant 0 : i32
    return %add3A_0, %c0_i32 : i32, i32
  }
  func.func @transform_5(%arg0: i32) -> (i32, i32) {
    %add3A = arith.constant 10 : i32
    %add3A_0 = arith.addi %add3A, %arg0 : i32
    %c0_i32 = arith.constant 0 : i32
    %c0_i32_1 = arith.constant 0 : i32
    return %add3A_0, %c0_i32 : i32, i32
  }
  func.func @transform_6(%arg0: i32) -> (i32, i32) {
    %add3A = arith.constant 12 : i32
    %add3A_0 = arith.addi %add3A, %arg0 : i32
    %c0_i32 = arith.constant 0 : i32
    %c0_i32_1 = arith.constant 0 : i32
    return %add3A_0, %c0_i32 : i32, i32
  }
  func.func @transform_7(%arg0: i32) -> (i32, i32) {
    %add3A = arith.constant 14 : i32
    %add3A_0 = arith.addi %add3A, %arg0 : i32
    %c0_i32 = arith.constant 0 : i32
    %c0_i32_1 = arith.constant 0 : i32
    return %add3A_0, %c0_i32 : i32, i32
  }
  func.func @transform_8(%arg0: i32) -> (i32, i32) {
    %add3A = arith.constant 16 : i32
    %add3A_0 = arith.addi %add3A, %arg0 : i32
    %c0_i32 = arith.constant 0 : i32
    %c0_i32_1 = arith.constant 0 : i32
    return %add3A_0, %c0_i32 : i32, i32
  }
  func.func @transform_9(%arg0: i32) -> (i32, i32) {
    %add3A = arith.constant 18 : i32
    %add3A_0 = arith.addi %add3A, %arg0 : i32
    %c0_i32 = arith.constant 0 : i32
    %c0_i32_1 = arith.constant 0 : i32
    return %add3A_0, %c0_i32 : i32, i32
  }
  func.func @transform_10(%arg0: i32) -> (i32, i32) {
    %add3A = arith.constant 20 : i32
    %add3A_0 = arith.addi %add3A, %arg0 : i32
    %c0_i32 = arith.constant 0 : i32
    %c0_i32_1 = arith.constant 0 : i32
    return %add3A_0, %c0_i32 : i32, i32
  }
  func.func @transform_11(%arg0: i32) -> (i32, i32) {
    %add3A = arith.constant 22 : i32
    %add3A_0 = arith.addi %add3A, %arg0 : i32
    %c0_i32 = arith.constant 0 : i32
    %c0_i32_1 = arith.constant 0 : i32
    return %add3A_0, %c0_i32 : i32, i32
  }
  func.func @transform_12(%arg0: i32) -> (i32, i32) {
    %add3A = arith.constant 24 : i32
    %add3A_0 = arith.addi %add3A, %arg0 : i32
    %c0_i32 = arith.constant 0 : i32
    %c0_i32_1 = arith.constant 0 : i32
    return %add3A_0, %c0_i32 : i32, i32
  }
  func.func @transform_13(%arg0: i32) -> (i32, i32) {
    %add3A = arith.constant 26 : i32
    %add3A_0 = arith.addi %add3A, %arg0 : i32
    %c0_i32 = arith.constant 0 : i32
    %c0_i32_1 = arith.constant 0 : i32
    return %add3A_0, %c0_i32 : i32, i32
  }
  func.func @transform_14(%arg0: i32) -> (i32, i32) {
    %add3A = arith.constant 28 : i32
    %add3A_0 = arith.addi %add3A, %arg0 : i32
    %c0_i32 = arith.constant 0 : i32
    %c0_i32_1 = arith.constant 0 : i32
    return %add3A_0, %c0_i32 : i32, i32
  }
  func.func @transform_15(%arg0: i32) -> (i32, i32) {
    %c0_i32 = arith.constant 0 : i32
    %c0_i32_0 = arith.constant 0 : i32
    return %arg0, %c0_i32 : i32, i32
  }
  func.func @transform_16(%arg0: i32) -> (i32, i32) {
    %c0_i32 = arith.constant 0 : i32
    %c0_i32_0 = arith.constant 0 : i32
    %c0_i32_1 = arith.constant 0 : i32
    return %c0_i32, %c0_i32_0 : i32, i32
  }
  func.func @transform_17(%arg0: i32) -> (i32, i32) {
    %c0_i32 = arith.constant 0 : i32
    %c0_i32_0 = arith.constant 0 : i32
    %c0_i32_1 = arith.constant 0 : i32
    return %c0_i32, %c0_i32_0 : i32, i32
  }
  func.func @transform_18(%arg0: i32) -> (i32, i32) {
    %c0_i32 = arith.constant 0 : i32
    %c0_i32_0 = arith.constant 0 : i32
    %c0_i32_1 = arith.constant 0 : i32
    return %c0_i32, %c0_i32_0 : i32, i32
  }
  func.func @transform_19(%arg0: i32) -> (i32, i32) {
    %c0_i32 = arith.constant 0 : i32
    %c0_i32_0 = arith.constant 0 : i32
    return %arg0, %c0_i32 : i32, i32
  }
  func.func @transform_20(%arg0: i32) -> (i32, i32) {
    %c0_i32 = arith.constant 0 : i32
    %c0_i32_0 = arith.constant 0 : i32
    return %arg0, %c0_i32 : i32, i32
  }
  func.func @transform_21(%arg0: i32) -> (i32, i32) {
    %c0_i32 = arith.constant 0 : i32
    %c0_i32_0 = arith.constant 0 : i32
    return %arg0, %c0_i32 : i32, i32
  }
  func.func @transform_22(%arg0: i32) -> (i32, i32) {
    %c0_i32 = arith.constant 0 : i32
    %c0_i32_0 = arith.constant 0 : i32
    return %arg0, %c0_i32 : i32, i32
  }
}

module attributes {stable_mosaic.version = 14 : i64} {
  func.func @_combine_body(%arg0: i32, %arg1: memref<320x128xf32, #tpu.memory_space<vmem>>, %arg2: memref<320x128xf32, #tpu.memory_space<vmem>>, %arg3: memref<320x128xf32, #tpu.memory_space<vmem>>, %arg4: memref<320x128xf32, #tpu.memory_space<vmem>>, %arg5: memref<8x8xf32, #tpu.memory_space<vmem>>, %arg6: memref<8x128xf32, #tpu.memory_space<vmem>>, %arg7: memref<128x8xf32, #tpu.memory_space<vmem>>, %arg8: memref<320x128xf32, #tpu.memory_space<vmem>>) attributes {dimension_semantics = [#tpu.dimension_semantics<arbitrary>], iteration_bounds = array<i64: 2>, scalar_prefetch = 0 : i64, scratch_operands = 0 : i64, tpu.core_type = #tpu.core_type<tc>, window_params = [{transform_indices = @transform_0, window_bounds = array<i64: 320, 128>}, {transform_indices = @transform_1, window_bounds = array<i64: 320, 128>}, {transform_indices = @transform_2, window_bounds = array<i64: 320, 128>}, {transform_indices = @transform_3, window_bounds = array<i64: 320, 128>}, {pipeline_mode = #tpu.pipeline_mode<synchronous>, transform_indices = @transform_4, window_bounds = array<i64: 8, 8>}, {pipeline_mode = #tpu.pipeline_mode<synchronous>, transform_indices = @transform_5, window_bounds = array<i64: 8, 128>}, {pipeline_mode = #tpu.pipeline_mode<synchronous>, transform_indices = @transform_6, window_bounds = array<i64: 128, 8>}, {transform_indices = @transform_7, window_bounds = array<i64: 320, 128>}]} {
    %get3A = arith.constant 0 : index
    %get3A_0 = arith.constant 0 : index
    %get3A_1 = vector.load %arg5[%get3A, %get3A_0] : memref<8x8xf32, #tpu.memory_space<vmem>>, vector<1x8xf32>
    %get3A_2 = arith.constant 0 : index
    %get3A_3 = arith.constant 0 : index
    %get3A_4 = vector.load %arg6[%get3A_2, %get3A_3] : memref<8x128xf32, #tpu.memory_space<vmem>>, vector<8x128xf32>
    %get3A_5 = arith.constant 0 : index
    %get3A_6 = arith.constant 0 : index
    %get3A_7 = vector.load %arg7[%get3A_5, %get3A_6] : memref<128x8xf32, #tpu.memory_space<vmem>>, vector<128x8xf32>
    %dot_general3A = arith.constant dense<0.000000e+00> : vector<8x8xf32>
    %dot_general3A_8 = tpu.matmul %get3A_4, %get3A_7, %dot_general3A {dimension_numbers = #tpu.dot_dimension_numbers<[1], [0], [0], [1], [0, 0, 1, 1], [], []>, transpose_lhs_hint = false} : vector<8x128xf32>, vector<128x8xf32>, vector<8x8xf32> -> vector<8x8xf32>
    %slice3A = vector.extract_strided_slice %dot_general3A_8 {offsets = [0, 0], sizes = [1, 8], strides = [1, 1]} : vector<8x8xf32> to vector<1x8xf32>
    %add3A = arith.addf %get3A_1, %slice3A : vector<1x8xf32>
    %concatenate3A = tpu.concatenate %add3A, %add3A, %add3A, %add3A, %add3A, %add3A, %add3A, %add3A, %add3A, %add3A, %add3A, %add3A, %add3A, %add3A, %add3A, %add3A in 1 : vector<1x8xf32>, vector<1x8xf32>, vector<1x8xf32>, vector<1x8xf32>, vector<1x8xf32>, vector<1x8xf32>, vector<1x8xf32>, vector<1x8xf32>, vector<1x8xf32>, vector<1x8xf32>, vector<1x8xf32>, vector<1x8xf32>, vector<1x8xf32>, vector<1x8xf32>, vector<1x8xf32>, vector<1x8xf32> -> vector<1x128xf32>
    %get3A_9 = arith.constant 0 : index
    %get3A_10 = arith.constant 0 : index
    %get3A_11 = vector.load %arg4[%get3A_9, %get3A_10] : memref<320x128xf32, #tpu.memory_space<vmem>>, vector<320x128xf32>
    %get3A_12 = arith.constant 0 : index
    %get3A_13 = arith.constant 0 : index
    %get3A_14 = vector.load %arg1[%get3A_12, %get3A_13] : memref<320x128xf32, #tpu.memory_space<vmem>>, vector<320x128xf32>
    %get3A_15 = arith.constant 0 : index
    %get3A_16 = arith.constant 0 : index
    %get3A_17 = vector.load %arg2[%get3A_15, %get3A_16] : memref<320x128xf32, #tpu.memory_space<vmem>>, vector<320x128xf32>
    %add3A_18 = arith.addf %get3A_14, %get3A_17 : vector<320x128xf32>
    %get3A_19 = arith.constant 0 : index
    %get3A_20 = arith.constant 0 : index
    %get3A_21 = vector.load %arg3[%get3A_19, %get3A_20] : memref<320x128xf32, #tpu.memory_space<vmem>>, vector<320x128xf32>
    %add3A_22 = arith.addf %add3A_18, %get3A_21 : vector<320x128xf32>
    %mul3A = arith.mulf %get3A_11, %add3A_22 : vector<320x128xf32>
    %add3A_23 = vector.broadcast %concatenate3A : vector<1x128xf32> to vector<320x128xf32>
    %add3A_24 = arith.addf %mul3A, %add3A_23 : vector<320x128xf32>
    %swap3A = arith.constant 0 : index
    %swap3A_25 = arith.constant 0 : index
    %swap3A_26 = vector.load %arg8[%swap3A, %swap3A_25] : memref<320x128xf32, #tpu.memory_space<vmem>>, vector<320x128xf32>
    tpu.vector_store %arg8[%swap3A, %swap3A_25], %add3A_24 {strides = array<i32>} : memref<320x128xf32, #tpu.memory_space<vmem>>, vector<320x128xf32>,
    return
  }
  func.func @transform_0(%arg0: i32) -> (i32, i32) {
    %c0_i32 = arith.constant 0 : i32
    %c0_i32_0 = arith.constant 0 : i32
    return %arg0, %c0_i32 : i32, i32
  }
  func.func @transform_1(%arg0: i32) -> (i32, i32) {
    %c0_i32 = arith.constant 0 : i32
    %c0_i32_0 = arith.constant 0 : i32
    return %arg0, %c0_i32 : i32, i32
  }
  func.func @transform_2(%arg0: i32) -> (i32, i32) {
    %c0_i32 = arith.constant 0 : i32
    %c0_i32_0 = arith.constant 0 : i32
    return %arg0, %c0_i32 : i32, i32
  }
  func.func @transform_3(%arg0: i32) -> (i32, i32) {
    %c0_i32 = arith.constant 0 : i32
    %c0_i32_0 = arith.constant 0 : i32
    return %arg0, %c0_i32 : i32, i32
  }
  func.func @transform_4(%arg0: i32) -> (i32, i32) {
    %c0_i32 = arith.constant 0 : i32
    %c0_i32_0 = arith.constant 0 : i32
    %c0_i32_1 = arith.constant 0 : i32
    return %c0_i32, %c0_i32_0 : i32, i32
  }
  func.func @transform_5(%arg0: i32) -> (i32, i32) {
    %c0_i32 = arith.constant 0 : i32
    %c0_i32_0 = arith.constant 0 : i32
    %c0_i32_1 = arith.constant 0 : i32
    return %c0_i32, %c0_i32_0 : i32, i32
  }
  func.func @transform_6(%arg0: i32) -> (i32, i32) {
    %c0_i32 = arith.constant 0 : i32
    %c0_i32_0 = arith.constant 0 : i32
    %c0_i32_1 = arith.constant 0 : i32
    return %c0_i32, %c0_i32_0 : i32, i32
  }
  func.func @transform_7(%arg0: i32) -> (i32, i32) {
    %c0_i32 = arith.constant 0 : i32
    %c0_i32_0 = arith.constant 0 : i32
    return %arg0, %c0_i32 : i32, i32
  }
}

</mosaic_0001>

<sc_bundles>
// kernel: kernel.6.cloned.1.call-start
scs
__scs_entry_jumppad:
0x0: {  	(pc) =	sbr.rel $0x88, $3  }
0x1: {  	(tag) =	ssettag $0x0;
	lr =	simm.s32 $0x1  }
0x2: {  	[smem:$0x3F99] =	sst lr;
	_ =	strace $0xD0000000  }
0x3: {  	_ = 	snop  }
0x4: {  	_ = 	snop  }
0x5: {  	_ = 	snop  }
0x6: {  	_ = 	snop  }
0x7: {  	_ = 	snop  }
__scs_overlays_trampoline_lowered:
0x8: {  	[smem:$0x3FA8] =	sst s0  }
0x9: {  	[smem:$0x3FA9] =	sst s1  }
0xa: {  	[smem:$0x3FAA] =	sst s2  }
0xb: {  	[smem:$0x3FAB] =	sst s3  }
0xc: {  	[smem:$0x3FAC] =	sst s4  }
0xd: {  	[smem:$0x3FAD] =	sst s5  }
0xe: {  	[smem:$0x3FAE] =	sst s6  }
0xf: {  	[smem:$0x3FAF] =	sst s7  }
0x10: {  	[smem:$0x3FB0] =	sst s8  }
0x11: {  	[smem:$0x3FB1] =	sst s9;
	s0 =	simm.s32 @!p0 $0x0  }
0x12: {  	s1 =	sld [smem:$0x3F97];
	s0 =	simm.s32 @p0 $0x1  }
0x13: {  	[smem:$0x3FB2] =	sst s0;
	s0 =	simm.s32 @!p1 $0x0  }
0x14: {  	s2 =	sld [smem:$0x3F96];
	s0 =	simm.s32 @p1 $0x1  }
0x15: {  	[smem:$0x3FB3] =	sst s0;
	s0 =	simm.s32 @!p2 $0x0  }
0x16: {  	s3 =	sld [smem:$0x3FDB];
	s0 =	simm.s32 @p2 $0x1  }
0x17: {  	s4 =	simm.s32 $0x1BF5;
	[smem:$0x3FB5] =	sst s0  }
0x18: {  	s0 =	sld [smem:$0x3F98];
	_ =	swait.ge [sflag:s4], $0x0  }
0x19: {  	s7 =	sld [smem:$0x3F99]  }
0x1a: {  	s8 =	sadd.s32 $0xFFFFE003, lr  }
0x1b: {  	s9 =	sadd.s32 $0xFFFFFEF7, lr;
	s5 =	simm.s32 $0xFFFFFFFF;
	p2 =	slt.u32 s8, $0xFFFFF086  }
0x1c: {  	p1 =	slt.u32 s9, $0xF7A;
	s5 =	simm.s32 @!p2 $0x0  }
0x1d: {  	s5 =	simm.s32 @p1 $0x1;
	p0 =	seq.s32 s7, s2  }
0x1e: {  	s7 =	smul.u32 @!p0 $0xF7A, s2;
	p2 =	seq.s32 @!p0 s5, $0x0  }
0x1f: {  	s9 =	smul.u32 $0xF7A, s1;
	s8 =	simm.s32 @!p0 $0x1BF5;
	p2 =	por !p2, p0  }
0x20: {  	[sflag:s8] =	ssyncset.s32 @!p0 $0xFFFFF086;
	s6 =	sadd.s32 @!p0 s3, s7;
	s7 =	simm.s32 @!p0 $0x108  }
0x21: {  	s3 =	sadd.s32 s3, s9;
	s6 =	sadd.s32 @!p0 $0x88, s6;
	s7 =	simm.s32 @p2 $0x1082  }
0x22: {  	[simem:s7], [sflag:s8] =	dma.local @!p0 [hbm:s6], $0xF7A  }
0x23: {  	s9 =	sor.u32 $0xD0000000, s2;
	s6 =	simm.s32 $0x108;
	_ =	swait.ge @!p0 [sflag:s8], $0x0  }
0x24: {  	s3 =	sadd.s32 $0x88, s3;
	s6 =	simm.s32 @!p1 $0x1082;
	[sflag:s4] =	ssyncset.s32 $0xFFFFF086  }
0x25: {  	[simem:s6], [sflag:s4] =	dma.local [hbm:s3], $0xF7A  }
0x26: {  	[smem:$0x3F99] =	sst s1;
	(tag) =	ssettag s2;
	_ =	strace s9  }
0x27: {  	s1 =	sld [smem:$0x3FA9]  }
0x28: {  	s2 =	sld [smem:$0x3FAA]  }
0x29: {  	s4 =	sld [smem:$0x3FAC]  }
0x2a: {  	p0 =	seq.s32 s5, $0x0;
	s5 =	sld [smem:$0x3FAD]  }
0x2b: {  	s6 =	sld [smem:$0x3FAE]  }
0x2c: {  	s7 =	sld [smem:$0x3FAF]  }
0x2d: {  	s3 =	simm.s32 $0x108;
	s8 =	sld [smem:$0x3FB0]  }
0x2e: {  	s3 =	simm.s32 @!p0 $0x1082;
	s9 =	sld [smem:$0x3FB1]  }
0x2f: {  	lr =	sadd.s32 s0, s3;
	s0 =	sld [smem:$0x3FA8]  }
0x30: {  	s3 =	sld [smem:$0x3FAB]  }
0x31: {  	[smem:$0x3FB4] =	sst s10  }
0x32: {  	s10 =	sld [smem:$0x3FB2];
	_ =	sdelay $0x3  }
0x33: {  	p0 =	seq.s32 s10, $0x1;
	s10 =	sld [smem:$0x3FB4];
	_ =	sdelay $0x3  }
0x34: {  	[smem:$0x3FB4] =	sst s10  }
0x35: {  	s10 =	sld [smem:$0x3FB3];
	_ =	sdelay $0x3  }
0x36: {  	p1 =	seq.s32 s10, $0x1;
	s10 =	sld [smem:$0x3FB4];
	_ =	sdelay $0x3  }
0x37: {  	[smem:$0x3FB4] =	sst s10  }
0x38: {  	s10 =	sld [smem:$0x3FB5]  }
0x39: {  	_ = 	snop;
	(pc) =	sbr.ind lr, $3  }
0x3a: {  	_ = 	snop  }
0x3b: {  	_ = 	snop  }
0x3c: {  	p2 =	seq.s32 s10, $0x1;
	s10 =	sld [smem:$0x3FB4]  }
0x3d: {  	_ =	shalt  }
0x3e: {  	_ =	shalt  }
0x3f: {  	_ =	shalt  }
0x40: {  	_ =	shalt  }
0x41: {  	_ =	shalt  }
0x42: {  	_ =	shalt  }
0x43: {  	_ =	shalt  }
0x44: {  	_ =	shalt  }
0x45: {  	_ =	shalt  }
0x46: {  	_ =	shalt  }
0x47: {  	_ =	shalt  }
0x48: {  	_ =	shalt  }
0x49: {  	_ =	shalt  }
0x4a: {  	_ =	shalt  }
0x4b: {  	_ =	shalt  }
0x4c: {  	_ =	shalt  }
0x4d: {  	_ =	shalt  }
0x4e: {  	_ =	shalt  }
0x4f: {  	_ =	shalt  }
0x50: {  	_ =	shalt  }
0x51: {  	_ =	shalt  }
0x52: {  	_ =	shalt  }
0x53: {  	_ =	shalt  }
0x54: {  	_ =	shalt  }
0x55: {  	_ =	shalt  }
0x56: {  	_ =	shalt  }
0x57: {  	_ =	shalt  }
0x58: {  	_ =	shalt  }
0x59: {  	_ =	shalt  }
0x5a: {  	_ =	shalt  }
0x5b: {  	_ =	shalt  }
0x5c: {  	_ =	shalt  }
0x5d: {  	_ =	shalt  }
0x5e: {  	_ =	shalt  }
0x5f: {  	_ =	shalt  }
0x60: {  	_ =	shalt  }
0x61: {  	_ =	shalt  }
0x62: {  	_ =	shalt  }
0x63: {  	_ =	shalt  }
0x64: {  	_ =	shalt  }
0x65: {  	_ =	shalt  }
0x66: {  	_ =	shalt  }
0x67: {  	_ =	shalt  }
0x68: {  	_ =	shalt  }
0x69: {  	_ =	shalt  }
0x6a: {  	_ =	shalt  }
0x6b: {  	_ =	shalt  }
0x6c: {  	_ =	shalt  }
0x6d: {  	_ =	shalt  }
0x6e: {  	_ =	shalt  }
0x6f: {  	_ =	shalt  }
0x70: {  	_ =	shalt  }
0x71: {  	_ =	shalt  }
0x72: {  	_ =	shalt  }
0x73: {  	_ =	shalt  }
0x74: {  	_ =	shalt  }
0x75: {  	_ =	shalt  }
0x76: {  	_ =	shalt  }
0x77: {  	_ =	shalt  }
0x78: {  	_ =	shalt  }
0x79: {  	_ =	shalt  }
0x7a: {  	_ =	shalt  }
0x7b: {  	_ =	shalt  }
0x7c: {  	_ =	shalt  }
0x7d: {  	_ =	shalt  }
0x7e: {  	_ =	shalt  }
0x7f: {  	_ =	shalt  }
0x80: {  	_ =	shalt  }
0x81: {  	_ =	shalt  }
0x82: {  	_ =	shalt  }
0x83: {  	_ =	shalt  }
0x84: {  	_ =	shalt  }
0x85: {  	_ =	shalt  }
0x86: {  	_ =	shalt  }
0x87: {  	_ =	shalt  }
.Lfunc_end0:
.L_simem_size_0:
called_computation_lowered:
.L_overlay_start_0:
0x88: {  	s2 =	sld [smem:$0x3FD9]  }
0x89: {  	s3 =	sld [smem:$0x3FFE];
	_ =	sdelay $0x1  }
0x8a: {  	s1 =	srdreg.scid  }
0x8b: {  	s0 =	sand.u32 $0x1, s1  }
0x8c: {  	s14 =	sshll.u32 s0, $0xA;
	s2 =	sadd.s32 s3, s2  }
0x8d: {  	s2 =	sadd.s32 s2, s14  }
0x8e: {  	[smem:$0x3FC0] =	sst s2  }
0x8f: {  	_ = 	snop  }
0x90: {  	s2 =	sld [smem:$0x3FD0];
	_ =	sdelay $0x2  }
0x91: {  	s15 =	simm.s32 $0xA;
	s4 =	simm.s32 $0x10  }
0x92: {  	[smem:s4], [sflag:s15] =	dma.local [hbm:s2], $0x1  }
0x93: {  	_ =	swait.eq [sflag:s15], $0x1  }
0x94: {  	[sflag:s15] =	ssyncset.done $0x0  }
0x95: {  	[sflag:s15] =	ssyncadd.s32 $0xFFFFFFFF  }
0x96: {  	s16 =	sld [smem:$0x11];
	(tm) =	ssettm $0x1  }
0x97: {  	s17 =	sld [smem:$0x3FFB];
	_ =	sdelay $0x3  }
0x98: {  	_ =	strace s17  }
0x99: {  	s3 =	sld [smem:$0x3FFC];
	_ =	sdelay $0x3  }
0x9a: {  	_ =	strace s3  }
0x9b: {  	s3 =	sld [smem:$0x3FFD];
	_ =	sdelay $0x3  }
0x9c: {  	_ =	strace s3  }
0x9d: {  	_ =	strace $0x8FFFFFFF  }
0x9e: {  	s18 =	sld [smem:$0x3FDB];
	_ =	sdelay $0x1  }
0x9f: {  	s19 =	simm.s32 $_scs_section_size  }
0xa0: {  	s5 =	simm.s32 $_size__tile_overlayer_lowered;
	s6 =	simm.s32 $_tile_overlayer_lowered  }
0xa1: {  	s22 =	simm.s32 $0x1BFF;
	s21 =	sshll.u32 s6, $0x1;
	s3 =	sadd.s32 s19, s18  }
0xa2: {  	s7 =	simm.s32 $0x0;
	s20 =	sshll.u32 s5, $0x1;
	s5 =	sadd.s32 s21, s3  }
0xa3: {  	[timem:s7], [sflag:s22] =	dma.local [hbm:s5], s20  }
0xa4: {  	_ =	swait.ge [sflag:s22], s20  }
0xa5: {  	s4 =	ssub.s32 $0x0, s20;
	[sflag:s22] =	ssyncset.done $0x0  }
0xa6: {  	[sflag:s22] =	ssyncadd.s32 s4;
	_ =	sdelay $0x1  }
0xa7: {  	s23 =	simm.s32 $0x1B8B  }
0xa8: {  	_ =	swait.ge [sflag:s23], $0x1  }
0xa9: {  	[sflag:s23] =	ssyncset.done $0x0  }
0xaa: {  	s25 =	simm.s32 $0x1B8E;
	s24 =	sld [smem:$0x3FFE];
	[sflag:s23] =	ssyncadd.s32 $0xFFFFFFFF  }
0xab: {  	s26 =	simm.s32 $execute0_lowered;
	[smem:$0x3FD2] =	sst s25  }
0xac: {  	s5 =	sshll.u32 s26, $0x1;
	_ =	strace $0x80000046;
	[dreg:$0x1] =	wrdreg $0xFFFFFFFF  }
0xad: {  	s28 =	simm.s32 $_size_execute0_lowered;
	s3 =	sadd.s32 s3, s5;
	[dreg:$0x0] =	wrdreg $0x0  }
0xae: {  	s5 =	sshll.u32 s28, $0x1;
	[dreg:$0x2] =	wrdreg s3  }
0xaf: {  	[dreg:$0x3] =	wrdreg s5  }
0xb0: {  	[dreg:$0x4] =	wrdreg $0xC0  }
0xb1: {  	_ =	task [dreg:s7], $0x5FFFF  }
0xb2: {  	[dreg:$0x1] =	wrdreg $0xFFFFFFFF  }
0xb3: {  	[dreg:$0x0] =	wrdreg $0x60  }
0xb4: {  	[dreg:$0x2] =	wrdreg s24  }
0xb5: {  	[dreg:$0x3] =	wrdreg s16  }
0xb6: {  	[dreg:$0x4] =	wrdreg $0x2C880  }
0xb7: {  	[dreg:$0x5] =	wrdreg $0x9  }
0xb8: {  	_ =	task.clear_ibuf [dreg:s7], $0x6FFFF;
	_ =	strace $0x90000046  }
0xb9: {  	s29 =	simm.s32 $0x9;
	_ =	strace $0x80000048  }
0xba: {  	_ =	swait.ge [sflag:s29], $0x1  }
0xbb: {  	[sflag:s29] =	ssyncadd.s32 $0xFFFFFFFF  }
0xbc: {  	_ =	strace $0x90000048  }
0xbd: {  	_ =	sfence  }
0xbe: {  	s30 =	sld [smem:$0x0];
	_ =	sdelay $0x2  }
0xbf: {  	s31 =	sshll.u32 s1, $0xD;
	s1 =	sshrl.u32 s1, $0x2  }
0xc0: {  	s3 =	sand.u32 $0x4000, s31;
	s1 =	sadd.s32 s1, s30  }
0xc1: {  	s0 =	sor.u32 s3, s0;
	s1 =	sshll.u32 s1, $0x11  }
0xc2: {  	s0 =	sor.u32 s1, s0  }
0xc3: {  	s0 =	sadd.s32 $0x8F2B, s0  }
0xc4: {  	[sflag:s0] =	ssyncadd.remote.s32 $0x1  }
0xc5: {  	_ =	sfence.sel $0xFFFF  }
0xc6: {  	[dreg:$0x0] =	wrdreg $0xFFFFFFFF;
	(pc) =	sbr.abs _section_cstart, $3  }
0xc7: {  	[dreg:$0x1] =	wrdreg $0xFFFFFFFF  }
0xc8: {  	_ =	task.clear_ibuf [dreg:s7], $0x2FFFF;
	_ =	strace $0x9FFFFFFF  }
0xc9: {  	(tm) =	ssettm $0x7FFFFFFF  }
tec
execute0_lowered:
.L_overlay_start_1:
0x0: {  	(tag) =	ssettag $0x1  }
0x1: {  	s7 =	rddreg [dreg:$0x0]  }
0x2: {  	s1 =	rddreg [dreg:$0x1]  }
0x3: {  	s3 =	rddreg [dreg:$0x2]  }
0x4: {  	s0 =	rddreg [dreg:$0x3];
	s4 =	simm.s32 $0x0;
	s2 =	stileid.u32  }
0x5: {  	s6 =	srdreg.scid;
	s13 =	simm.s32 $0x1400;
	s14 =	simm.s32 $0x80  }
0x6: {  	s15 =	simm.s32 $0x100;
	s16 =	simm.s32 $0x180;
	s17 =	simm.s32 $0x200  }
0x7: {  	s18 =	simm.s32 $0x280;
	s19 =	simm.s32 $0x1;
	s20 =	simm.s32 $0x0  }
0x8: {  	[smem:$0x7FF] =	sst s4;
	s5 =	smul.u32 $0x1400, s2;
	s8 =	sand.u32 $0x1, s6  }
0x9: {  	s29 =	sshll.u32 s2, $0x1;
	s31 =	sshll.u32 s2, $0x6;
	_ =	strace $0x80000047  }
0xa: {  	s10 =	ssub.s32 $0x2, s8;
	s6 =	sor.u32 s8, s29;
	p0 =	seq.s32 s8, $0x1  }
0xb: {  	s9 =	sshrl.u32 s5, $0x3;
	s11 =	sshrl.u32 s10, $0x1;
	s12 =	smul.u32 $0x1388, s6  }
0xc: {  	s30 =	sadd.s32 s5, s3;
	s6 =	sor.u32 $0x1C02, s31;
	s9 =	sadd.s32 s9, s7  }
0xd: {  	s10 =	ssub.s32 s10, s11;
	s11 =	simm.s32 $0x2;
	s12 =	sshrl.u32 s12, $0x3  }
0xe: {  	s5 =	sadd.s32 $0xCE00, s9;
	s7 =	sadd.s32 s7, s12;
	s12 =	simm.s32 $0x11E00  }
0xf: {  	s8 =	smax.u32 s10, $0x1;
	s10 =	sshrl.u32 s30, $0x3;
	s12 =	simm.s32 @!p0 $0xF600  }
0x10: {  	v0 =	vimm.s32 $0x2720;
	s7 =	sadd.s32 $0x7E20, s7;
	s9 =	sadd.s32 s12, s9;
	s12 =	simm.s32 $0x2888  }
.LBB2_1:
0x11: {  	[spmem:s10], [sflag:s6] =	dma.local [hbm:s5], $0x280  }
0x12: {  	_ =	swait.ge [sflag:s11], $0x280  }
0x13: {  	[sflag:s11] =	ssyncset.done $0x0  }
0x14: {  	[sflag:s11] =	ssyncadd.s32 $0xFFFFFD80  }
0x15: {  	[tilespmem:s12], [sflag:$0x2] =	stream.linear.gather [hbm4b:s1+s4], $0x400, $0x38;
	[tilespmem:$0x4088] =	vst v63  }
0x16: {  	_ =	swait.ge [sflag:s11], $0x400  }
0x17: {  	[sflag:s11] =	ssyncset.done $0x0  }
0x18: {  	[sflag:s11] =	ssyncadd.s32 $0xFFFFFC00  }
0x19: {  	[tilespmem:s13], [sflag:$0x2] =	stream.linear.gather [hbm4b:s7+s4], $0x1388, $0x38;
	[tilespmem:$0x4088] =	vst v63  }
0x1a: {  	_ =	swait.ge [sflag:s11], $0x1388  }
0x1b: {  	[sflag:s11] =	ssyncset.done $0x0  }
0x1c: {  	[sflag:s11] =	ssyncadd.s32 $0xFFFFEC78  }
0x1d: {  	[tilespmem:$0x2788] =	vst v0  }
0x1e: {  	[tilespmem:$0x2798] =	vst v0  }
0x1f: {  	[tilespmem:$0x27A8] =	vst v0  }
0x20: {  	[tilespmem:$0x27B8] =	vst v0  }
0x21: {  	[tilespmem:$0x27C8] =	vst v0  }
0x22: {  	[tilespmem:$0x27D8] =	vst v0  }
0x23: {  	[tilespmem:$0x27E8] =	vst v0  }
0x24: {  	[tilespmem:$0x27F8] =	vst v0  }
0x25: {  	[tilespmem:$0x2808] =	vst v0  }
0x26: {  	[tilespmem:$0x2818] =	vst v0  }
0x27: {  	[tilespmem:$0x2828] =	vst v0  }
0x28: {  	[tilespmem:$0x2838] =	vst v0  }
0x29: {  	[tilespmem:$0x2848] =	vst v0  }
0x2a: {  	[tilespmem:$0x2858] =	vst v0  }
0x2b: {  	s21 =	simm.s32 $0x0;
	[tilespmem:$0x2868] =	vst v0  }
0x2c: {  	v6 =	vld [tilespmem:s21+$0x1470]  }
0x2d: {  	v16 =	vld [tilespmem:s21+$0x1400]  }
0x2e: {  	v17 =	vld [tilespmem:s21+$0x1410]  }
0x2f: {  	v19 =	vld [tilespmem:s21+$0x1420]  }
0x30: {  	v1 =	vld [tilespmem:s21+$0x1430]  }
0x31: {  	v2 =	vld [tilespmem:s21+$0x1440]  }
0x32: {  	v3 =	vld [tilespmem:s21+$0x1450]  }
0x33: {  	v4 =	vshrl.u32 v6, $0x7;
	v5 =	vshrl.u32 v16, $0x7;
	v8 =	vshrl.u32 v17, $0x7  }
0x34: {  	v9 =	vshrl.u32 v19, $0x7;
	v7 =	vmul.u32 $0x199A, v4;
	v5 =	vmul.u32 $0x199A, v5  }
0x35: {  	v4 =	vld [tilespmem:s21+$0x1460];
	v8 =	vmul.u32 $0x199A, v8;
	v10 =	vmul.u32 $0x199A, v9;
	v9 =	vshrl.u32 v1, $0x7  }
0x36: {  	v12 =	vmul.u32 $0x199A, v9;
	v9 =	vshrl.u32 v2, $0x7;
	v7 =	vshrl.u32 v7, $0xF  }
0x37: {  	v5 =	vshrl.u32 v5, $0xF;
	v13 =	vmul.u32 $0x199A, v9;
	v9 =	vshrl.u32 v3, $0x7  }
0x38: {  	v11 =	vmul.u32 $0xFFFFD80, v7;
	v14 =	vmul.u32 $0x199A, v9;
	v9 =	vshrl.u32 v8, $0xF  }
0x39: {  	v20 =	vmul.u32 $0xFFFFD80, v5;
	v21 =	vmul.u32 $0xFFFFD80, v9  }
0x3a: {  	v6 =	vadd.s32 v6, v11;
	v11 =	vshrl.u32 v4, $0x7;
	v8 =	vshrl.u32 v14, $0xF  }
0x3b: {  	v6 =	vshll.u32 v6, $0x4;
	v15 =	vmul.u32 $0x199A, v11;
	v11 =	vshrl.u32 v10, $0xF  }
0x3c: {  	v10 =	vshrl.u32 v12, $0xF;
	v14 =	vmul.u32 $0xFFFFD80, v8;
	v17 =	vadd.s32 v17, v21  }
0x3d: {  	v18 =	vadd.s32 v7, v6;
	v7 =	vshrl.u32 v13, $0xF;
	v22 =	vmul.u32 $0xFFFFD80, v11  }
0x3e: {  	v6 =	vshrl.u32 v15, $0xF;
	v15 =	vmul.u32 $0xFFFFD80, v10;
	v13 =	vmul.u32 $0xFFFFD80, v7  }
0x3f: {  	s22 =	simm.s32 $0x80;
	s23 =	simm.s32 $0x400;
	[tilespmem:s21+$0x70] =	vst v18;
	v18 =	vadd.s32 v16, v20;
	v12 =	vmul.u32 $0xFFFFD80, v6;
	v16 =	vadd.s32 v19, v22  }
.LBB2_2:
0x40: {  	p0 =	sne.s32 s23, $0x4E00;
	v19 =	vld [tilespmem:s22+$0x1470];
	v1 =	vadd.s32 v1, v15;
	v2 =	vadd.s32 v2, v13;
	v3 =	vadd.s32 v3, v14  }
0x41: {  	v13 =	vshll.u32 v18, $0x4;
	v14 =	vshll.u32 v17, $0x4;
	v4 =	vadd.s32 v4, v12;
	v20 =	vld [tilespmem:s22+$0x1400]  }
0x42: {  	v12 =	vshll.u32 v16, $0x4;
	v15 =	vshll.u32 v1, $0x4;
	v16 =	vshll.u32 v2, $0x4;
	v17 =	vld [tilespmem:s22+$0x1410]  }
0x43: {  	v2 =	vadd.s32 v5, v13;
	v3 =	vshll.u32 v3, $0x4;
	v4 =	vshll.u32 v4, $0x4;
	v21 =	vld [tilespmem:s22+$0x1420]  }
0x44: {  	v5 =	vadd.s32 v9, v14;
	v9 =	vadd.s32 v11, v12;
	v10 =	vadd.s32 v10, v15;
	v1 =	vld [tilespmem:s22+$0x1430];
	[tilespmem:s21+$0x0] =	vst v2  }
0x45: {  	v2 =	vld [tilespmem:s22+$0x1440];
	v11 =	vshrl.u32 v19, $0x7;
	[tilespmem:s21+$0x10] =	vst v5;
	v5 =	vadd.s32 v7, v16;
	v7 =	vadd.s32 v8, v3  }
0x46: {  	v6 =	vadd.s32 v6, v4;
	v8 =	vshrl.u32 v20, $0x7;
	v3 =	vld [tilespmem:s22+$0x1450];
	v11 =	vmul.u32 $0x199A, v11;
	[tilespmem:s21+$0x20] =	vst v9  }
0x47: {  	v8 =	vmul.u32 $0x199A, v8;
	v9 =	vshrl.u32 v17, $0x7;
	v4 =	vld [tilespmem:s22+$0x1460];
	[tilespmem:s21+$0x30] =	vst v10  }
0x48: {  	v9 =	vmul.u32 $0x199A, v9;
	v10 =	vshrl.u32 v21, $0x7;
	v11 =	vshrl.u32 v11, $0xF;
	[tilespmem:s21+$0x40] =	vst v5  }
0x49: {  	v10 =	vmul.u32 $0x199A, v10;
	v12 =	vshrl.u32 v1, $0x7;
	v13 =	vmul.u32 $0xFFFFD80, v11;
	[tilespmem:s21+$0x50] =	vst v7  }
0x4a: {  	v5 =	vshrl.u32 v8, $0xF;
	v7 =	vmul.u32 $0x199A, v12;
	v8 =	vshrl.u32 v2, $0x7;
	[tilespmem:s21+$0x60] =	vst v6;
	s21 =	smov.u32 s22  }
0x4b: {  	v6 =	vmul.u32 $0x199A, v8;
	v8 =	vshrl.u32 v3, $0x7;
	v12 =	vadd.s32 v19, v13  }
0x4c: {  	v8 =	vmul.u32 $0x199A, v8;
	v13 =	vshrl.u32 v4, $0x7;
	v12 =	vshll.u32 v12, $0x4  }
0x4d: {  	v9 =	vshrl.u32 v9, $0xF;
	v13 =	vmul.u32 $0x199A, v13;
	v12 =	vadd.s32 v11, v12  }
.Ltmp0:
0x4e: {  	v11 =	vshrl.u32 v10, $0xF;
	v10 =	vshrl.u32 v7, $0xF;
	v7 =	vshrl.u32 v6, $0xF;
	[tilespmem:s21+$0x70] =	vst v12;
	(pc) =	sbr.rel @p0 .LBB2_2-.Ltmp0, $4  }
0x4f: {  	v16 =	vmul.u32 $0xFFFFD80, v5;
	v8 =	vshrl.u32 v8, $0xF;
	v6 =	vshrl.u32 v13, $0xF  }
0x50: {  	v19 =	vmul.u32 $0xFFFFD80, v9;
	v22 =	vmul.u32 $0xFFFFD80, v11;
	v15 =	vmul.u32 $0xFFFFD80, v10  }
0x51: {  	v13 =	vmul.u32 $0xFFFFD80, v7;
	v14 =	vmul.u32 $0xFFFFD80, v8;
	v12 =	vmul.u32 $0xFFFFD80, v6  }
0x52: {  	s22 =	sshra.s32 s23, $0x2;
	s23 =	sadd.s32 $0x200, s23;
	v18 =	vadd.s32 v20, v16;
	v17 =	vadd.s32 v17, v19;
	v16 =	vadd.s32 v21, v22  }
0x53: {  	v19 =	vld [tilespmem:s22+$0x1470]  }
0x54: {  	v20 =	vld [tilespmem:s22+$0x1400];
	v1 =	vadd.s32 v1, v15;
	v36 =	vshll.u32 v18, $0x4  }
0x55: {  	v21 =	vld [tilespmem:s22+$0x1410];
	v2 =	vadd.s32 v2, v13;
	v3 =	vadd.s32 v3, v14;
	v39 =	vshll.u32 v17, $0x4  }
0x56: {  	v37 =	vld [tilespmem:s22+$0x1420];
	v4 =	vadd.s32 v4, v12;
	v40 =	vshll.u32 v16, $0x4;
	v5 =	vadd.s32 v5, v36  }
0x57: {  	v38 =	vld [tilespmem:s22+$0x1430];
	v1 =	vshll.u32 v1, $0x4;
	v2 =	vshll.u32 v2, $0x4;
	v41 =	vadd.s32 v9, v39  }
0x58: {  	v3 =	vshll.u32 v3, $0x4;
	v4 =	vshll.u32 v4, $0x4;
	v11 =	vadd.s32 v11, v40;
	[tilespmem:s21+$0x0] =	vst v5  }
0x59: {  	v1 =	vadd.s32 v10, v1;
	v2 =	vadd.s32 v7, v2;
	v3 =	vadd.s32 v8, v3;
	v42 =	vld [tilespmem:s22+$0x1440]  }
0x5a: {  	v4 =	vadd.s32 v6, v4;
	[tilespmem:s21+$0x10] =	vst v41;
	v43 =	vshrl.u32 v19, $0x7;
	v45 =	vshrl.u32 v20, $0x7  }
0x5b: {  	v44 =	vld [tilespmem:s22+$0x1450];
	v47 =	vshrl.u32 v21, $0x7;
	v49 =	vshrl.u32 v37, $0x7;
	v5 =	vmul.u32 $0x199A, v43  }
0x5c: {  	[tilespmem:s21+$0x20] =	vst v11;
	v50 =	vshrl.u32 v38, $0x7;
	v46 =	vmul.u32 $0x199A, v45;
	v8 =	vmul.u32 $0x199A, v47  }
0x5d: {  	v48 =	vld [tilespmem:s22+$0x1460];
	v11 =	vmul.u32 $0x199A, v49;
	v12 =	vmul.u32 $0x199A, v50;
	v5 =	vshrl.u32 v5, $0xF  }
0x5e: {  	v6 =	vshrl.u32 v46, $0xF;
	v52 =	vshrl.u32 v42, $0x7;
	v8 =	vshrl.u32 v8, $0xF  }
0x5f: {  	v11 =	vshrl.u32 v11, $0xF;
	v12 =	vshrl.u32 v12, $0xF;
	v51 =	vmul.u32 $0xFFFFD80, v5  }
0x60: {  	[tilespmem:s21+$0x30] =	vst v1;
	v15 =	vmul.u32 $0x199A, v52;
	v53 =	vshrl.u32 v44, $0x7;
	v1 =	vmul.u32 $0xFFFFD80, v6  }
0x61: {  	[tilespmem:s21+$0x40] =	vst v2;
	v2 =	vmul.u32 $0xFFFFD80, v8;
	v58 =	vmul.u32 $0xFFFFD80, v11;
	v59 =	vmul.u32 $0xFFFFD80, v12  }
0x62: {  	v16 =	vmul.u32 $0x199A, v53;
	v54 =	vshrl.u32 v48, $0x7;
	v14 =	vadd.s32 v19, v51  }
0x63: {  	v17 =	vmul.u32 $0x199A, v54;
	v55 =	vshrl.u32 v15, $0xF;
	v1 =	vadd.s32 v20, v1  }
0x64: {  	v2 =	vadd.s32 v21, v2;
	v62 =	vadd.s32 v37, v58;
	v63 =	vadd.s32 v38, v59  }
0x65: {  	[tilespmem:s21+$0x50] =	vst v3;
	v14 =	vshll.u32 v14, $0x4;
	v56 =	vshrl.u32 v16, $0xF;
	v3 =	vmul.u32 $0xFFFFD80, v55  }
0x66: {  	[tilespmem:s21+$0x60] =	vst v4;
	v1 =	vshll.u32 v1, $0x4;
	v2 =	vshll.u32 v2, $0x4;
	v5 =	vadd.s32 v5, v14  }
0x67: {  	v57 =	vshrl.u32 v17, $0xF;
	v60 =	vmul.u32 $0xFFFFD80, v56;
	v1 =	vadd.s32 v6, v1;
	[tilespmem:s22+$0x70] =	vst v5  }
0x68: {  	v61 =	vmul.u32 $0xFFFFD80, v57;
	v5 =	vshll.u32 v62, $0x4;
	[tilespmem:s22+$0x0] =	vst v1;
	v1 =	vadd.s32 v8, v2  }
0x69: {  	v2 =	vadd.s32 v42, v3;
	v3 =	vshll.u32 v63, $0x4;
	v5 =	vadd.s32 v11, v5;
	[tilespmem:s22+$0x10] =	vst v1  }
0x6a: {  	v1 =	vadd.s32 v44, v60;
	v2 =	vshll.u32 v2, $0x4;
	v3 =	vadd.s32 v12, v3;
	[tilespmem:s22+$0x20] =	vst v5  }
0x6b: {  	v4 =	vadd.s32 v48, v61;
	v1 =	vshll.u32 v1, $0x4;
	v2 =	vadd.s32 v55, v2;
	[tilespmem:s22+$0x30] =	vst v3  }
0x6c: {  	v3 =	vshll.u32 v4, $0x4;
	v1 =	vadd.s32 v56, v1;
	[tilespmem:s22+$0x40] =	vst v2  }
0x6d: {  	v2 =	vadd.s32 v57, v3;
	[tilespmem:s22+$0x50] =	vst v1  }
0x6e: {  	[tilespmem:s22+$0x60] =	vst v2  }
0x6f: {  	[bflag:$0x0] =	sbarrier.arrive $0xFFFF  }
0x70: {  	[spmem:s3] =	stream.indirect.scatter.add.f32 [tilespmem:s12], [sflag:$0x1], $0x8, s4, s14, $0xb8;
	[tilespmem:$0x4088] =	vst v63  }
0x71: {  	_ = 	snop  }
0x72: {  	[spmem:s3] =	stream.indirect.scatter.add.f32 [tilespmem:s12], [sflag:$0x1], $0x8, s14, s14, $0xb8;
	[tilespmem:$0x4088] =	vst v63  }
0x73: {  	_ = 	snop  }
0x74: {  	[spmem:s3] =	stream.indirect.scatter.add.f32 [tilespmem:s12], [sflag:$0x1], $0x8, s15, s14, $0xb8;
	[tilespmem:$0x4088] =	vst v63  }
0x75: {  	_ = 	snop  }
0x76: {  	[spmem:s3] =	stream.indirect.scatter.add.f32 [tilespmem:s12], [sflag:$0x1], $0x8, s16, s14, $0xb8;
	[tilespmem:$0x4088] =	vst v63  }
0x77: {  	_ = 	snop  }
0x78: {  	[spmem:s3] =	stream.indirect.scatter.add.f32 [tilespmem:s12], [sflag:$0x1], $0x8, s17, s14, $0xb8;
	[tilespmem:$0x4088] =	vst v63  }
0x79: {  	_ = 	snop  }
0x7a: {  	[spmem:s3] =	stream.indirect.scatter.add.f32 [tilespmem:s12], [sflag:$0x1], $0x8, s18, s14, $0xb8;
	[tilespmem:$0x4088] =	vst v63  }
0x7b: {  	_ =	swait.ge [sflag:s19], $0x400  }
0x7c: {  	[sflag:s19] =	ssyncset.done $0x0  }
0x7d: {  	s21 =	simm.s32 $0xE00;
	s22 =	simm.s32 $0x300;
	[sflag:s19] =	ssyncadd.s32 $0xFFFFFC00  }
.LBB2_4:
0x7e: {  	[spmem:s3] =	stream.indirect.scatter.add.f32 [tilespmem:s12], [sflag:$0x1], $0x8, s22, s14, $0xb8;
	[tilespmem:$0x4088] =	vst v63  }
0x7f: {  	s22 =	smov.u32 s21;
	p0 =	sne.s32 s21, $0x4E00  }
.Ltmp1:
0x80: {  	s21 =	sadd.s32 $0x200, s21;
	(pc) =	sbr.rel @p0 .LBB2_4-.Ltmp1, $4  }
0x81: {  	_ = 	snop  }
0x82: {  	_ =	swait.ge [sflag:s19], $0x400  }
0x83: {  	[sflag:s19] =	ssyncset.done $0x0  }
0x84: {  	s22 =	sshra.s32 s22, $0x2;
	[sflag:s19] =	ssyncadd.s32 $0xFFFFFC00  }
0x85: {  	[spmem:s3] =	stream.indirect.scatter.add.f32 [tilespmem:s12], [sflag:$0x1], $0x8, s22, s14, $0xb8;
	[tilespmem:$0x4088] =	vst v63  }
0x86: {  	_ =	swait.ge [sflag:s19], $0x400  }
0x87: {  	[sflag:s19] =	ssyncset.done $0x0  }
0x88: {  	[sflag:s19] =	ssyncadd.s32 $0xFFFFFC00  }
0x89: {  	_ =	swait.ge [sflag:s19], $0x400  }
0x8a: {  	[sflag:s19] =	ssyncset.done $0x0  }
0x8b: {  	[sflag:s19] =	ssyncadd.s32 $0xFFFFFC00  }
0x8c: {  	_ =	swait.ge [sflag:s19], $0x400  }
0x8d: {  	[sflag:s19] =	ssyncset.done $0x0  }
0x8e: {  	[sflag:s19] =	ssyncadd.s32 $0xFFFFFC00  }
0x8f: {  	_ =	swait.ge [sflag:s19], $0x400  }
0x90: {  	[sflag:s19] =	ssyncset.done $0x0  }
0x91: {  	[sflag:s19] =	ssyncadd.s32 $0xFFFFFC00  }
0x92: {  	_ =	swait.ge [sflag:s19], $0x400  }
0x93: {  	[sflag:s19] =	ssyncset.done $0x0  }
0x94: {  	[sflag:s19] =	ssyncadd.s32 $0xFFFFFC00  }
0x95: {  	_ =	swait.ge [sflag:s19], $0x400  }
0x96: {  	s20 =	sadd.s32 $0x1, s20;
	[sflag:s19] =	ssyncset.done $0x0  }
0x97: {  	p0 =	sne.s32 s20, s8;
	[sflag:s19] =	ssyncadd.s32 $0xFFFFFC00  }
.Ltmp2:
0x98: {  	[bflag:$0x0] =	sbarrier.arrive $0xFFFF;
	(pc) =	sbr.rel @p0 .LBB2_1-.Ltmp2, $4  }
0x99: {  	[hbm:s9], [sflag:s6] =	dma.local [spmem:s10], $0x280  }
0x9a: {  	_ =	swait.ge [sflag:s11], $0x280  }
0x9b: {  	[sflag:s11] =	ssyncset.done $0x0  }
0x9c: {  	[sflag:s11] =	ssyncadd.s32 $0xFFFFFD80  }
0x9d: {  	_ =	sfence.sel $0x180000  }
0x9e: {  	[bflag:$0x0] =	sbarrier.arrive $0xFFFF  }
0x9f: {  	p0 =	sne.s32 s2, $0x0;
	_ =	strace $0x90000047  }
0xa0: {  	s0 =	sadd.s32 @!p0 $0x100000, s0;
	[bflag:$0x2] =	sbarrier.arrive $0xFFFF  }
0xa1: {  	[sflag:s0] =	ssyncadd.tile.s32 @!p0 $0x1;
	_ =	shalt  }
.Lfunc_end2:
_tile_overlayer_lowered:
.L_overlay_start_2:
0xa2: {  	(tag) =	ssettag $0x2  }
0xa3: {  	s0 =	rddreg [dreg:$0x0];
	s2 =	stileid.u32  }
0xa4: {  	s1 =	rddreg [dreg:$0x1];
	p0 =	sne.s32 s2, $0x0  }
0xa5: {  	s3 =	rddreg [dreg:$0x2];
	[bflag:$0x3] =	sbarrier.arrive $0xFFFF;
	s2 =	simm.s32 @!p0 $0x1C02  }
0xa6: {  	[timem:s3], [sflag:s2] =	dma.local @!p0 [hbm:s0], s1  }
0xa7: {  	s0 =	simm.s32 @!p0 $0x2  }
0xa8: {  	_ =	swait.ge @!p0 [sflag:s0], s1  }
0xa9: {  	s1 =	ssub.s32 @!p0 $0x0, s1;
	[sflag:s0] =	ssyncset.done @!p0 $0x0  }
0xaa: {  	[sflag:s0] =	ssyncadd.s32 @!p0 s1  }
0xab: {  	[bflag:$0x3] =	sbarrier.arrive $0xFFFF  }
0xac: {  	_ =	shalt  }

// kernel: kernel.9.cloned.1.call-start
scs
__scs_entry_jumppad:
0x0: {  	(pc) =	sbr.rel $0x88, $3  }
0x1: {  	(tag) =	ssettag $0x0;
	lr =	simm.s32 $0x1  }
0x2: {  	[smem:$0x3F99] =	sst lr;
	_ =	strace $0xD0000000  }
0x3: {  	_ = 	snop  }
0x4: {  	_ = 	snop  }
0x5: {  	_ = 	snop  }
0x6: {  	_ = 	snop  }
0x7: {  	_ = 	snop  }
__scs_overlays_trampoline_lowered:
0x8: {  	[smem:$0x3FA8] =	sst s0  }
0x9: {  	[smem:$0x3FA9] =	sst s1  }
0xa: {  	[smem:$0x3FAA] =	sst s2  }
0xb: {  	[smem:$0x3FAB] =	sst s3  }
0xc: {  	[smem:$0x3FAC] =	sst s4  }
0xd: {  	[smem:$0x3FAD] =	sst s5  }
0xe: {  	[smem:$0x3FAE] =	sst s6  }
0xf: {  	[smem:$0x3FAF] =	sst s7  }
0x10: {  	[smem:$0x3FB0] =	sst s8  }
0x11: {  	[smem:$0x3FB1] =	sst s9;
	s0 =	simm.s32 @!p0 $0x0  }
0x12: {  	s1 =	sld [smem:$0x3F97];
	s0 =	simm.s32 @p0 $0x1  }
0x13: {  	[smem:$0x3FB2] =	sst s0;
	s0 =	simm.s32 @!p1 $0x0  }
0x14: {  	s2 =	sld [smem:$0x3F96];
	s0 =	simm.s32 @p1 $0x1  }
0x15: {  	[smem:$0x3FB3] =	sst s0;
	s0 =	simm.s32 @!p2 $0x0  }
0x16: {  	s3 =	sld [smem:$0x3FDB];
	s0 =	simm.s32 @p2 $0x1  }
0x17: {  	s4 =	simm.s32 $0x1BF5;
	[smem:$0x3FB5] =	sst s0  }
0x18: {  	s0 =	sld [smem:$0x3F98];
	_ =	swait.ge [sflag:s4], $0x0  }
0x19: {  	s7 =	sld [smem:$0x3F99]  }
0x1a: {  	s8 =	sadd.s32 $0xFFFFE003, lr  }
0x1b: {  	s9 =	sadd.s32 $0xFFFFFEF7, lr;
	s5 =	simm.s32 $0xFFFFFFFF;
	p2 =	slt.u32 s8, $0xFFFFF086  }
0x1c: {  	p1 =	slt.u32 s9, $0xF7A;
	s5 =	simm.s32 @!p2 $0x0  }
0x1d: {  	s5 =	simm.s32 @p1 $0x1;
	p0 =	seq.s32 s7, s2  }
0x1e: {  	s7 =	smul.u32 @!p0 $0xF7A, s2;
	p2 =	seq.s32 @!p0 s5, $0x0  }
0x1f: {  	s9 =	smul.u32 $0xF7A, s1;
	s8 =	simm.s32 @!p0 $0x1BF5;
	p2 =	por !p2, p0  }
0x20: {  	[sflag:s8] =	ssyncset.s32 @!p0 $0xFFFFF086;
	s6 =	sadd.s32 @!p0 s3, s7;
	s7 =	simm.s32 @!p0 $0x108  }
0x21: {  	s3 =	sadd.s32 s3, s9;
	s6 =	sadd.s32 @!p0 $0x88, s6;
	s7 =	simm.s32 @p2 $0x1082  }
0x22: {  	[simem:s7], [sflag:s8] =	dma.local @!p0 [hbm:s6], $0xF7A  }
0x23: {  	s9 =	sor.u32 $0xD0000000, s2;
	s6 =	simm.s32 $0x108;
	_ =	swait.ge @!p0 [sflag:s8], $0x0  }
0x24: {  	s3 =	sadd.s32 $0x88, s3;
	s6 =	simm.s32 @!p1 $0x1082;
	[sflag:s4] =	ssyncset.s32 $0xFFFFF086  }
0x25: {  	[simem:s6], [sflag:s4] =	dma.local [hbm:s3], $0xF7A  }
0x26: {  	[smem:$0x3F99] =	sst s1;
	(tag) =	ssettag s2;
	_ =	strace s9  }
0x27: {  	s1 =	sld [smem:$0x3FA9]  }
0x28: {  	s2 =	sld [smem:$0x3FAA]  }
0x29: {  	s4 =	sld [smem:$0x3FAC]  }
0x2a: {  	p0 =	seq.s32 s5, $0x0;
	s5 =	sld [smem:$0x3FAD]  }
0x2b: {  	s6 =	sld [smem:$0x3FAE]  }
0x2c: {  	s7 =	sld [smem:$0x3FAF]  }
0x2d: {  	s3 =	simm.s32 $0x108;
	s8 =	sld [smem:$0x3FB0]  }
0x2e: {  	s3 =	simm.s32 @!p0 $0x1082;
	s9 =	sld [smem:$0x3FB1]  }
0x2f: {  	lr =	sadd.s32 s0, s3;
	s0 =	sld [smem:$0x3FA8]  }
0x30: {  	s3 =	sld [smem:$0x3FAB]  }
0x31: {  	[smem:$0x3FB4] =	sst s10  }
0x32: {  	s10 =	sld [smem:$0x3FB2];
	_ =	sdelay $0x3  }
0x33: {  	p0 =	seq.s32 s10, $0x1;
	s10 =	sld [smem:$0x3FB4];
	_ =	sdelay $0x3  }
0x34: {  	[smem:$0x3FB4] =	sst s10  }
0x35: {  	s10 =	sld [smem:$0x3FB3];
	_ =	sdelay $0x3  }
0x36: {  	p1 =	seq.s32 s10, $0x1;
	s10 =	sld [smem:$0x3FB4];
	_ =	sdelay $0x3  }
0x37: {  	[smem:$0x3FB4] =	sst s10  }
0x38: {  	s10 =	sld [smem:$0x3FB5]  }
0x39: {  	_ = 	snop;
	(pc) =	sbr.ind lr, $3  }
0x3a: {  	_ = 	snop  }
0x3b: {  	_ = 	snop  }
0x3c: {  	p2 =	seq.s32 s10, $0x1;
	s10 =	sld [smem:$0x3FB4]  }
0x3d: {  	_ =	shalt  }
0x3e: {  	_ =	shalt  }
0x3f: {  	_ =	shalt  }
0x40: {  	_ =	shalt  }
0x41: {  	_ =	shalt  }
0x42: {  	_ =	shalt  }
0x43: {  	_ =	shalt  }
0x44: {  	_ =	shalt  }
0x45: {  	_ =	shalt  }
0x46: {  	_ =	shalt  }
0x47: {  	_ =	shalt  }
0x48: {  	_ =	shalt  }
0x49: {  	_ =	shalt  }
0x4a: {  	_ =	shalt  }
0x4b: {  	_ =	shalt  }
0x4c: {  	_ =	shalt  }
0x4d: {  	_ =	shalt  }
0x4e: {  	_ =	shalt  }
0x4f: {  	_ =	shalt  }
0x50: {  	_ =	shalt  }
0x51: {  	_ =	shalt  }
0x52: {  	_ =	shalt  }
0x53: {  	_ =	shalt  }
0x54: {  	_ =	shalt  }
0x55: {  	_ =	shalt  }
0x56: {  	_ =	shalt  }
0x57: {  	_ =	shalt  }
0x58: {  	_ =	shalt  }
0x59: {  	_ =	shalt  }
0x5a: {  	_ =	shalt  }
0x5b: {  	_ =	shalt  }
0x5c: {  	_ =	shalt  }
0x5d: {  	_ =	shalt  }
0x5e: {  	_ =	shalt  }
0x5f: {  	_ =	shalt  }
0x60: {  	_ =	shalt  }
0x61: {  	_ =	shalt  }
0x62: {  	_ =	shalt  }
0x63: {  	_ =	shalt  }
0x64: {  	_ =	shalt  }
0x65: {  	_ =	shalt  }
0x66: {  	_ =	shalt  }
0x67: {  	_ =	shalt  }
0x68: {  	_ =	shalt  }
0x69: {  	_ =	shalt  }
0x6a: {  	_ =	shalt  }
0x6b: {  	_ =	shalt  }
0x6c: {  	_ =	shalt  }
0x6d: {  	_ =	shalt  }
0x6e: {  	_ =	shalt  }
0x6f: {  	_ =	shalt  }
0x70: {  	_ =	shalt  }
0x71: {  	_ =	shalt  }
0x72: {  	_ =	shalt  }
0x73: {  	_ =	shalt  }
0x74: {  	_ =	shalt  }
0x75: {  	_ =	shalt  }
0x76: {  	_ =	shalt  }
0x77: {  	_ =	shalt  }
0x78: {  	_ =	shalt  }
0x79: {  	_ =	shalt  }
0x7a: {  	_ =	shalt  }
0x7b: {  	_ =	shalt  }
0x7c: {  	_ =	shalt  }
0x7d: {  	_ =	shalt  }
0x7e: {  	_ =	shalt  }
0x7f: {  	_ =	shalt  }
0x80: {  	_ =	shalt  }
0x81: {  	_ =	shalt  }
0x82: {  	_ =	shalt  }
0x83: {  	_ =	shalt  }
0x84: {  	_ =	shalt  }
0x85: {  	_ =	shalt  }
0x86: {  	_ =	shalt  }
0x87: {  	_ =	shalt  }
.Lfunc_end0:
.L_simem_size_0:
called_computation.1_lowered:
.L_overlay_start_0:
0x88: {  	s2 =	sld [smem:$0x3FD9]  }
0x89: {  	s3 =	sld [smem:$0x3FFE];
	_ =	sdelay $0x1  }
0x8a: {  	s1 =	srdreg.scid  }
0x8b: {  	s0 =	sand.u32 $0x1, s1  }
0x8c: {  	s16 =	sshll.u32 s0, $0xA;
	s2 =	sadd.s32 s3, s2  }
0x8d: {  	s2 =	sadd.s32 s2, s16  }
0x8e: {  	[smem:$0x3FC0] =	sst s2  }
0x8f: {  	_ = 	snop  }
0x90: {  	(tm) =	ssettm $0x1  }
0x91: {  	s17 =	sld [smem:$0x3FFB];
	_ =	sdelay $0x3  }
0x92: {  	_ =	strace s17  }
0x93: {  	s2 =	sld [smem:$0x3FFC];
	_ =	sdelay $0x3  }
0x94: {  	_ =	strace s2  }
0x95: {  	s2 =	sld [smem:$0x3FFD];
	_ =	sdelay $0x3  }
0x96: {  	_ =	strace s2  }
0x97: {  	_ =	strace $0x8FFFFFFF  }
0x98: {  	s18 =	sld [smem:$0x3FDB];
	_ =	sdelay $0x1  }
0x99: {  	s19 =	simm.s32 $_scs_section_size  }
0x9a: {  	s4 =	simm.s32 $_size__tile_overlayer_lowered;
	s5 =	simm.s32 $_tile_overlayer_lowered  }
0x9b: {  	s22 =	simm.s32 $0x1BFF;
	s21 =	sshll.u32 s5, $0x1;
	s2 =	sadd.s32 s19, s18  }
0x9c: {  	s6 =	simm.s32 $0x0;
	s20 =	sshll.u32 s4, $0x1;
	s4 =	sadd.s32 s21, s2  }
0x9d: {  	[timem:s6], [sflag:s22] =	dma.local [hbm:s4], s20  }
0x9e: {  	_ =	swait.ge [sflag:s22], s20  }
0x9f: {  	s3 =	ssub.s32 $0x0, s20;
	[sflag:s22] =	ssyncset.done $0x0  }
0xa0: {  	[sflag:s22] =	ssyncadd.s32 s3;
	_ =	sdelay $0x1  }
0xa1: {  	s23 =	simm.s32 $0x1B8B  }
0xa2: {  	_ =	swait.ge [sflag:s23], $0x1  }
0xa3: {  	[sflag:s23] =	ssyncset.done $0x0  }
0xa4: {  	s25 =	simm.s32 $0x1B8E;
	s24 =	sld [smem:$0x3FFE];
	[sflag:s23] =	ssyncadd.s32 $0xFFFFFFFF  }
0xa5: {  	s26 =	simm.s32 $execute0_lowered;
	[smem:$0x3FD2] =	sst s25  }
0xa6: {  	s4 =	sshll.u32 s26, $0x1;
	_ =	strace $0x80000049;
	[dreg:$0x1] =	wrdreg $0xFFFFFFFF  }
0xa7: {  	s28 =	simm.s32 $_size_execute0_lowered;
	s2 =	sadd.s32 s2, s4;
	[dreg:$0x0] =	wrdreg $0x0  }
0xa8: {  	s4 =	sshll.u32 s28, $0x1;
	[dreg:$0x2] =	wrdreg s2  }
0xa9: {  	[dreg:$0x3] =	wrdreg s4  }
0xaa: {  	[dreg:$0x4] =	wrdreg $0xC0  }
0xab: {  	_ =	task [dreg:s6], $0x5FFFF  }
0xac: {  	[dreg:$0x1] =	wrdreg $0xFFFFFFFF  }
0xad: {  	[dreg:$0x0] =	wrdreg $0x60  }
0xae: {  	[dreg:$0x2] =	wrdreg s24  }
0xaf: {  	[dreg:$0x3] =	wrdreg $0x64880  }
0xb0: {  	[dreg:$0x4] =	wrdreg $0x78880  }
0xb1: {  	[dreg:$0x5] =	wrdreg $0x9  }
0xb2: {  	_ =	task.clear_ibuf [dreg:s6], $0x6FFFF;
	_ =	strace $0x90000049  }
0xb3: {  	s29 =	simm.s32 $0x9;
	_ =	strace $0x8000004B  }
0xb4: {  	_ =	swait.ge [sflag:s29], $0x1  }
0xb5: {  	[sflag:s29] =	ssyncadd.s32 $0xFFFFFFFF  }
0xb6: {  	_ =	strace $0x9000004B  }
0xb7: {  	_ =	sfence  }
0xb8: {  	s30 =	sld [smem:$0x0];
	_ =	sdelay $0x2  }
0xb9: {  	s31 =	sshll.u32 s1, $0xD;
	s1 =	sshrl.u32 s1, $0x2  }
0xba: {  	s3 =	sand.u32 $0x4000, s31;
	s1 =	sadd.s32 s1, s30  }
0xbb: {  	s0 =	sor.u32 s3, s0;
	s1 =	sshll.u32 s1, $0x11  }
0xbc: {  	s0 =	sor.u32 s1, s0  }
0xbd: {  	s0 =	sadd.s32 $0x8F2B, s0  }
0xbe: {  	[sflag:s0] =	ssyncadd.remote.s32 $0x1  }
0xbf: {  	_ =	sfence.sel $0xFFFF  }
0xc0: {  	[dreg:$0x0] =	wrdreg $0xFFFFFFFF;
	(pc) =	sbr.abs _section_cstart, $3  }
0xc1: {  	[dreg:$0x1] =	wrdreg $0xFFFFFFFF  }
0xc2: {  	_ =	task.clear_ibuf [dreg:s6], $0x2FFFF;
	_ =	strace $0x9FFFFFFF  }
0xc3: {  	(tm) =	ssettm $0x7FFFFFFF  }
tec
execute0_lowered:
.L_overlay_start_1:
0x0: {  	(tag) =	ssettag $0x1  }
0x1: {  	s0 =	rddreg [dreg:$0x0]  }
0x2: {  	s2 =	rddreg [dreg:$0x1]  }
0x3: {  	s3 =	rddreg [dreg:$0x2]  }
0x4: {  	s9 =	stileid.u32;
	s1 =	srdreg.scid  }
0x5: {  	s6 =	simm.s32 $0x0;
	s16 =	simm.s32 $0x80;
	s10 =	simm.s32 $0xD  }
0x6: {  	s11 =	simm.s32 $0x8;
	s14 =	simm.s32 $0xE;
	s12 =	simm.s32 $0x9  }
0x7: {  	s13 =	simm.s32 $0xA;
	s17 =	simm.s32 $0x10;
	s31 =	simm.s32 $0x14  }
0x8: {  	s1 =	sand.u32 $0x1, s1;
	s4 =	sshll.u32 s9, $0x1;
	s5 =	smul.u32 $0x1400, s9  }
0x9: {  	[smem:$0x7FF] =	sst s6;
	s21 =	sshll.u32 s9, $0x6;
	s4 =	sor.u32 s1, s4  }
0xa: {  	_ =	strace $0x8000004A;
	s7 =	ssub.s32 $0x2, s1;
	s9 =	sor.u32 $0x1C15, s21  }
0xb: {  	p0 =	seq.s32 s1, $0x1;
	s1 =	simm.s32 $0x14600;
	s4 =	smul.u32 $0x1388, s4  }
0xc: {  	s19 =	sshrl.u32 s5, $0x3;
	s22 =	sadd.s32 s5, s2;
	s5 =	sadd.s32 s5, s3  }
0xd: {  	s8 =	sshrl.u32 s7, $0x1;
	[dreg:$0x5] =	wrdreg s9;
	s29 =	sshrl.u32 s5, $0x3  }
0xe: {  	s6 =	sadd.s32 s19, s0;
	s22 =	sshrl.u32 s22, $0x3;
	[dreg:$0xc] =	wrdreg s29  }
0xf: {  	s1 =	simm.s32 @!p0 $0x11E00;
	s23 =	sadd.s32 $0xCE00, s6;
	[dreg:$0xb] =	wrdreg s22  }
0x10: {  	s20 =	ssub.s32 s7, s8;
	s24 =	sadd.s32 $0xF600, s6;
	[dreg:$0x4] =	wrdreg s23  }
0x11: {  	s4 =	sshrl.u32 s4, $0x3;
	s26 =	smax.u32 s20, $0x1;
	[dreg:$0x6] =	wrdreg s24  }
0x12: {  	s28 =	sadd.s32 s1, s6;
	s0 =	sadd.s32 s4, s0;
	[dreg:$0x9] =	wrdreg s26  }
0x13: {  	s30 =	simm.s32 $0x4888;
	[dreg:$0xa] =	wrdreg s28;
	s25 =	sadd.s32 $0x3000, s0  }
0x14: {  	s1 =	simm.s32 $0x5C88;
	s0 =	sadd.s32 $0x7E20, s0;
	[dreg:$0x7] =	wrdreg s25  }
0x15: {  	v0 =	vimm.s32 $0x2720;
	[dreg:$0x8] =	wrdreg s0;
	s25 =	simm.s32 $0x5888;
	s0 =	simm.s32 $0x0  }
.LBB2_1:
0x16: {  	s4 =	simm.s32 $0x15;
	s20 =	rddreg [dreg:$0x4]  }
0x17: {  	[spmem:s22], [sflag:s9] =	dma.local [hbm:s20], $0x280  }
0x18: {  	_ =	swait.ge [sflag:s4], $0x280  }
0x19: {  	[sflag:s4] =	ssyncset.done $0x0;
	s24 =	rddreg [dreg:$0x6]  }
0x1a: {  	s26 =	rddreg [dreg:$0xc];
	[sflag:s4] =	ssyncadd.s32 $0xFFFFFD80  }
0x1b: {  	[spmem:s26], [sflag:s9] =	dma.local [hbm:s24], $0x280  }
0x1c: {  	_ =	swait.ge [sflag:s4], $0x280  }
0x1d: {  	s28 =	simm.s32 $0x0;
	[sflag:s4] =	ssyncset.done $0x0  }
0x1e: {  	s24 =	simm.s32 $0x2800;
	s29 =	rddreg [dreg:$0x7];
	[sflag:s4] =	ssyncadd.s32 $0xFFFFFD80  }
0x1f: {  	[tilespmem:s24], [sflag:$0x15] =	stream.linear.gather [hbm4b:s29+s28], $0x1388, $0x38;
	[tilespmem:$0x8C88] =	vst v63  }
0x20: {  	_ =	swait.ge [sflag:s4], $0x1388  }
0x21: {  	[sflag:s4] =	ssyncset.done $0x0  }
0x22: {  	[sflag:s4] =	ssyncadd.s32 $0xFFFFEC78  }
0x23: {  	[tilespmem:$0x3B88] =	vst v0  }
0x24: {  	[tilespmem:$0x3B98] =	vst v0  }
0x25: {  	[tilespmem:$0x3BA8] =	vst v0  }
0x26: {  	[tilespmem:$0x3BB8] =	vst v0  }
0x27: {  	[tilespmem:$0x3BC8] =	vst v0  }
0x28: {  	[tilespmem:$0x3BD8] =	vst v0  }
0x29: {  	[tilespmem:$0x3BE8] =	vst v0  }
0x2a: {  	[tilespmem:$0x3BF8] =	vst v0  }
0x2b: {  	[tilespmem:$0x3C08] =	vst v0  }
0x2c: {  	[tilespmem:$0x3C18] =	vst v0  }
0x2d: {  	[tilespmem:$0x3C28] =	vst v0  }
0x2e: {  	[tilespmem:$0x3C38] =	vst v0  }
0x2f: {  	[tilespmem:$0x3C48] =	vst v0  }
0x30: {  	[tilespmem:$0x3C58] =	vst v0  }
0x31: {  	s20 =	simm.s32 $0x0;
	[tilespmem:$0x3C68] =	vst v0  }
0x32: {  	v6 =	vld [tilespmem:s20+$0x2870]  }
0x33: {  	v16 =	vld [tilespmem:s20+$0x2800]  }
0x34: {  	v17 =	vld [tilespmem:s20+$0x2810]  }
0x35: {  	v19 =	vld [tilespmem:s20+$0x2820]  }
0x36: {  	v1 =	vld [tilespmem:s20+$0x2830]  }
0x37: {  	v2 =	vld [tilespmem:s20+$0x2840]  }
0x38: {  	v3 =	vld [tilespmem:s20+$0x2850]  }
0x39: {  	v4 =	vshrl.u32 v6, $0x7;
	v5 =	vshrl.u32 v16, $0x7;
	v8 =	vshrl.u32 v17, $0x7  }
0x3a: {  	v9 =	vshrl.u32 v19, $0x7;
	v7 =	vmul.u32 $0x199A, v4;
	v5 =	vmul.u32 $0x199A, v5  }
0x3b: {  	v4 =	vld [tilespmem:s20+$0x2860];
	v8 =	vmul.u32 $0x199A, v8;
	v10 =	vmul.u32 $0x199A, v9;
	v9 =	vshrl.u32 v1, $0x7  }
0x3c: {  	v12 =	vmul.u32 $0x199A, v9;
	v9 =	vshrl.u32 v2, $0x7;
	v7 =	vshrl.u32 v7, $0xF  }
0x3d: {  	v5 =	vshrl.u32 v5, $0xF;
	v13 =	vmul.u32 $0x199A, v9;
	v9 =	vshrl.u32 v3, $0x7  }
0x3e: {  	v11 =	vmul.u32 $0xFFFFD80, v7;
	v14 =	vmul.u32 $0x199A, v9;
	v9 =	vshrl.u32 v8, $0xF  }
0x3f: {  	v20 =	vmul.u32 $0xFFFFD80, v5;
	v21 =	vmul.u32 $0xFFFFD80, v9  }
0x40: {  	v6 =	vadd.s32 v6, v11;
	v11 =	vshrl.u32 v4, $0x7;
	v8 =	vshrl.u32 v14, $0xF  }
0x41: {  	v6 =	vshll.u32 v6, $0x4;
	v15 =	vmul.u32 $0x199A, v11;
	v11 =	vshrl.u32 v10, $0xF  }
0x42: {  	v10 =	vshrl.u32 v12, $0xF;
	v14 =	vmul.u32 $0xFFFFD80, v8;
	v17 =	vadd.s32 v17, v21  }
0x43: {  	v18 =	vadd.s32 v7, v6;
	v7 =	vshrl.u32 v13, $0xF;
	v22 =	vmul.u32 $0xFFFFD80, v11  }
0x44: {  	v6 =	vshrl.u32 v15, $0xF;
	v15 =	vmul.u32 $0xFFFFD80, v10;
	v13 =	vmul.u32 $0xFFFFD80, v7  }
0x45: {  	s22 =	simm.s32 $0x80;
	s24 =	simm.s32 $0x400;
	[tilespmem:s20+$0x70] =	vst v18;
	v18 =	vadd.s32 v16, v20;
	v12 =	vmul.u32 $0xFFFFD80, v6;
	v16 =	vadd.s32 v19, v22  }
.LBB2_2:
0x46: {  	p0 =	sne.s32 s24, $0x4E00;
	v19 =	vld [tilespmem:s22+$0x2870];
	v1 =	vadd.s32 v1, v15;
	v2 =	vadd.s32 v2, v13;
	v3 =	vadd.s32 v3, v14  }
0x47: {  	v13 =	vshll.u32 v18, $0x4;
	v14 =	vshll.u32 v17, $0x4;
	v4 =	vadd.s32 v4, v12;
	v20 =	vld [tilespmem:s22+$0x2800]  }
0x48: {  	v12 =	vshll.u32 v16, $0x4;
	v15 =	vshll.u32 v1, $0x4;
	v16 =	vshll.u32 v2, $0x4;
	v17 =	vld [tilespmem:s22+$0x2810]  }
0x49: {  	v2 =	vadd.s32 v5, v13;
	v3 =	vshll.u32 v3, $0x4;
	v4 =	vshll.u32 v4, $0x4;
	v21 =	vld [tilespmem:s22+$0x2820]  }
0x4a: {  	v5 =	vadd.s32 v9, v14;
	v9 =	vadd.s32 v11, v12;
	v10 =	vadd.s32 v10, v15;
	v1 =	vld [tilespmem:s22+$0x2830];
	[tilespmem:s20+$0x0] =	vst v2  }
0x4b: {  	v2 =	vld [tilespmem:s22+$0x2840];
	v11 =	vshrl.u32 v19, $0x7;
	[tilespmem:s20+$0x10] =	vst v5;
	v5 =	vadd.s32 v7, v16;
	v7 =	vadd.s32 v8, v3  }
0x4c: {  	v6 =	vadd.s32 v6, v4;
	v8 =	vshrl.u32 v20, $0x7;
	v3 =	vld [tilespmem:s22+$0x2850];
	v11 =	vmul.u32 $0x199A, v11;
	[tilespmem:s20+$0x20] =	vst v9  }
0x4d: {  	v8 =	vmul.u32 $0x199A, v8;
	v9 =	vshrl.u32 v17, $0x7;
	v4 =	vld [tilespmem:s22+$0x2860];
	[tilespmem:s20+$0x30] =	vst v10  }
0x4e: {  	v9 =	vmul.u32 $0x199A, v9;
	v10 =	vshrl.u32 v21, $0x7;
	v11 =	vshrl.u32 v11, $0xF;
	[tilespmem:s20+$0x40] =	vst v5  }
0x4f: {  	v10 =	vmul.u32 $0x199A, v10;
	v12 =	vshrl.u32 v1, $0x7;
	v13 =	vmul.u32 $0xFFFFD80, v11;
	[tilespmem:s20+$0x50] =	vst v7  }
0x50: {  	v5 =	vshrl.u32 v8, $0xF;
	v7 =	vmul.u32 $0x199A, v12;
	v8 =	vshrl.u32 v2, $0x7;
	[tilespmem:s20+$0x60] =	vst v6;
	s20 =	smov.u32 s22  }
0x51: {  	v6 =	vmul.u32 $0x199A, v8;
	v8 =	vshrl.u32 v3, $0x7;
	v12 =	vadd.s32 v19, v13  }
0x52: {  	v8 =	vmul.u32 $0x199A, v8;
	v13 =	vshrl.u32 v4, $0x7;
	v12 =	vshll.u32 v12, $0x4  }
0x53: {  	v9 =	vshrl.u32 v9, $0xF;
	v13 =	vmul.u32 $0x199A, v13;
	v12 =	vadd.s32 v11, v12  }
.Ltmp0:
0x54: {  	v11 =	vshrl.u32 v10, $0xF;
	v10 =	vshrl.u32 v7, $0xF;
	v7 =	vshrl.u32 v6, $0xF;
	[tilespmem:s20+$0x70] =	vst v12;
	(pc) =	sbr.rel @p0 .LBB2_2-.Ltmp0, $4  }
0x55: {  	v16 =	vmul.u32 $0xFFFFD80, v5;
	v8 =	vshrl.u32 v8, $0xF;
	v6 =	vshrl.u32 v13, $0xF  }
0x56: {  	v19 =	vmul.u32 $0xFFFFD80, v9;
	v22 =	vmul.u32 $0xFFFFD80, v11;
	v15 =	vmul.u32 $0xFFFFD80, v10  }
0x57: {  	v13 =	vmul.u32 $0xFFFFD80, v7;
	v14 =	vmul.u32 $0xFFFFD80, v8;
	v12 =	vmul.u32 $0xFFFFD80, v6  }
0x58: {  	s22 =	sshra.s32 s24, $0x2;
	s24 =	sadd.s32 $0x200, s24;
	v18 =	vadd.s32 v20, v16;
	v17 =	vadd.s32 v17, v19;
	v16 =	vadd.s32 v21, v22  }
0x59: {  	v19 =	vld [tilespmem:s22+$0x2870]  }
0x5a: {  	v20 =	vld [tilespmem:s22+$0x2800];
	v1 =	vadd.s32 v1, v15;
	v15 =	vshll.u32 v18, $0x4  }
0x5b: {  	v18 =	vld [tilespmem:s22+$0x2820];
	v2 =	vadd.s32 v2, v13;
	v3 =	vadd.s32 v3, v14;
	v14 =	vshll.u32 v17, $0x4  }
0x5c: {  	v13 =	vld [tilespmem:s22+$0x2830];
	v4 =	vadd.s32 v4, v12;
	v12 =	vshll.u32 v16, $0x4;
	v5 =	vadd.s32 v5, v15  }
0x5d: {  	v21 =	vld [tilespmem:s22+$0x2810];
	v1 =	vshll.u32 v1, $0x4;
	v2 =	vshll.u32 v2, $0x4;
	v3 =	vshll.u32 v3, $0x4  }
0x5e: {  	v4 =	vshll.u32 v4, $0x4;
	v11 =	vadd.s32 v11, v12;
	[tilespmem:s20+$0x0] =	vst v5;
	v5 =	vadd.s32 v9, v14  }
0x5f: {  	v1 =	vadd.s32 v10, v1;
	v2 =	vadd.s32 v7, v2;
	v3 =	vadd.s32 v8, v3;
	v9 =	vld [tilespmem:s22+$0x2840]  }
0x60: {  	v4 =	vadd.s32 v6, v4;
	[tilespmem:s20+$0x10] =	vst v5;
	v5 =	vshrl.u32 v19, $0x7;
	v8 =	vshrl.u32 v20, $0x7  }
0x61: {  	v7 =	vld [tilespmem:s22+$0x2850];
	[tilespmem:s20+$0x20] =	vst v11;
	v11 =	vshrl.u32 v18, $0x7;
	v12 =	vshrl.u32 v13, $0x7;
	v5 =	vmul.u32 $0x199A, v5  }
0x62: {  	v10 =	vld [tilespmem:s22+$0x2860];
	v6 =	vmul.u32 $0x199A, v8;
	v8 =	vshrl.u32 v21, $0x7;
	v11 =	vmul.u32 $0x199A, v11  }
0x63: {  	v12 =	vmul.u32 $0x199A, v12;
	v8 =	vmul.u32 $0x199A, v8;
	v5 =	vshrl.u32 v5, $0xF  }
0x64: {  	v6 =	vshrl.u32 v6, $0xF;
	v15 =	vshrl.u32 v9, $0x7;
	v11 =	vshrl.u32 v11, $0xF  }
0x65: {  	v12 =	vshrl.u32 v12, $0xF;
	v14 =	vmul.u32 $0xFFFFD80, v5;
	v15 =	vmul.u32 $0x199A, v15  }
0x66: {  	[tilespmem:s20+$0x30] =	vst v1;
	v16 =	vshrl.u32 v7, $0x7;
	v8 =	vshrl.u32 v8, $0xF;
	v1 =	vmul.u32 $0xFFFFD80, v6  }
0x67: {  	[tilespmem:s20+$0x40] =	vst v2;
	v16 =	vmul.u32 $0x199A, v16;
	v17 =	vshrl.u32 v10, $0x7;
	v2 =	vmul.u32 $0xFFFFD80, v8  }
0x68: {  	v14 =	vadd.s32 v19, v14;
	v17 =	vmul.u32 $0x199A, v17;
	v19 =	vmul.u32 $0xFFFFD80, v12  }
0x69: {  	v1 =	vadd.s32 v20, v1;
	v14 =	vshll.u32 v14, $0x4;
	v2 =	vadd.s32 v21, v2  }
0x6a: {  	v1 =	vshll.u32 v1, $0x4;
	v5 =	vadd.s32 v5, v14;
	v14 =	vshrl.u32 v15, $0xF  }
0x6b: {  	[tilespmem:s20+$0x50] =	vst v3;
	v15 =	vshrl.u32 v16, $0xF;
	v16 =	vshrl.u32 v17, $0xF;
	v17 =	vmul.u32 $0xFFFFD80, v11  }
0x6c: {  	[tilespmem:s20+$0x60] =	vst v4;
	v2 =	vshll.u32 v2, $0x4;
	v1 =	vadd.s32 v6, v1;
	v6 =	vadd.s32 v13, v19  }
0x6d: {  	v3 =	vmul.u32 $0xFFFFD80, v14;
	v22 =	vmul.u32 $0xFFFFD80, v15;
	[tilespmem:s22+$0x70] =	vst v5;
	v5 =	vadd.s32 v18, v17  }
0x6e: {  	v4 =	vmul.u32 $0xFFFFD80, v16;
	[tilespmem:s22+$0x0] =	vst v1;
	v1 =	vadd.s32 v8, v2;
	v5 =	vshll.u32 v5, $0x4  }
0x6f: {  	[tilespmem:s22+$0x10] =	vst v1;
	v2 =	vadd.s32 v9, v3;
	v3 =	vshll.u32 v6, $0x4;
	v5 =	vadd.s32 v11, v5  }
0x70: {  	v1 =	vadd.s32 v7, v22;
	v2 =	vshll.u32 v2, $0x4;
	v3 =	vadd.s32 v12, v3;
	[tilespmem:s22+$0x20] =	vst v5  }
0x71: {  	v4 =	vadd.s32 v10, v4;
	v1 =	vshll.u32 v1, $0x4;
	v2 =	vadd.s32 v14, v2;
	[tilespmem:s22+$0x30] =	vst v3  }
0x72: {  	v3 =	vshll.u32 v4, $0x4;
	v1 =	vadd.s32 v15, v1;
	[tilespmem:s22+$0x40] =	vst v2  }
0x73: {  	[dreg:$0xd] =	wrdreg s0;
	s26 =	simm.s32 $0x0;
	v2 =	vadd.s32 v16, v3;
	[tilespmem:s22+$0x50] =	vst v1  }
0x74: {  	s28 =	rddreg [dreg:$0x8];
	s24 =	simm.s32 $0x2800;
	s29 =	simm.s32 $0x15;
	[tilespmem:s22+$0x60] =	vst v2  }
0x75: {  	[tilespmem:s24], [sflag:$0x15] =	stream.linear.gather [hbm4b:s28+s26], $0x1388, $0x38;
	[tilespmem:$0x8C88] =	vst v63  }
0x76: {  	_ =	swait.ge [sflag:s29], $0x1388  }
0x77: {  	[sflag:s29] =	ssyncset.done $0x0  }
0x78: {  	[sflag:s29] =	ssyncadd.s32 $0xFFFFEC78  }
0x79: {  	[tilespmem:$0x3B88] =	vst v0  }
0x7a: {  	[tilespmem:$0x3B98] =	vst v0  }
0x7b: {  	[tilespmem:$0x3BA8] =	vst v0  }
0x7c: {  	[tilespmem:$0x3BB8] =	vst v0  }
0x7d: {  	[tilespmem:$0x3BC8] =	vst v0  }
0x7e: {  	[tilespmem:$0x3BD8] =	vst v0  }
0x7f: {  	[tilespmem:$0x3BE8] =	vst v0  }
0x80: {  	[tilespmem:$0x3BF8] =	vst v0  }
0x81: {  	[tilespmem:$0x3C08] =	vst v0  }
0x82: {  	[tilespmem:$0x3C18] =	vst v0  }
0x83: {  	[tilespmem:$0x3C28] =	vst v0  }
0x84: {  	[tilespmem:$0x3C38] =	vst v0  }
0x85: {  	[tilespmem:$0x3C48] =	vst v0  }
0x86: {  	[tilespmem:$0x3C58] =	vst v0  }
0x87: {  	s20 =	simm.s32 $0x0;
	[tilespmem:$0x3C68] =	vst v0  }
0x88: {  	v6 =	vld [tilespmem:s20+$0x2870]  }
0x89: {  	v16 =	vld [tilespmem:s20+$0x2800]  }
0x8a: {  	v17 =	vld [tilespmem:s20+$0x2810]  }
0x8b: {  	v19 =	vld [tilespmem:s20+$0x2820]  }
0x8c: {  	v1 =	vld [tilespmem:s20+$0x2830]  }
0x8d: {  	v2 =	vld [tilespmem:s20+$0x2840]  }
0x8e: {  	v3 =	vld [tilespmem:s20+$0x2850]  }
0x8f: {  	v4 =	vshrl.u32 v6, $0x7;
	v5 =	vshrl.u32 v16, $0x7;
	v8 =	vshrl.u32 v17, $0x7  }
0x90: {  	v9 =	vshrl.u32 v19, $0x7;
	v7 =	vmul.u32 $0x199A, v4;
	v5 =	vmul.u32 $0x199A, v5  }
0x91: {  	v4 =	vld [tilespmem:s20+$0x2860];
	v8 =	vmul.u32 $0x199A, v8;
	v10 =	vmul.u32 $0x199A, v9;
	v9 =	vshrl.u32 v1, $0x7  }
0x92: {  	v12 =	vmul.u32 $0x199A, v9;
	v9 =	vshrl.u32 v2, $0x7;
	v7 =	vshrl.u32 v7, $0xF  }
0x93: {  	v5 =	vshrl.u32 v5, $0xF;
	v13 =	vmul.u32 $0x199A, v9;
	v9 =	vshrl.u32 v3, $0x7  }
0x94: {  	v11 =	vmul.u32 $0xFFFFD80, v7;
	v14 =	vmul.u32 $0x199A, v9;
	v9 =	vshrl.u32 v8, $0xF  }
0x95: {  	v20 =	vmul.u32 $0xFFFFD80, v5;
	v62 =	vmul.u32 $0xFFFFD80, v9  }
0x96: {  	v6 =	vadd.s32 v6, v11;
	v11 =	vshrl.u32 v4, $0x7;
	v8 =	vshrl.u32 v14, $0xF  }
0x97: {  	v6 =	vshll.u32 v6, $0x4;
	v15 =	vmul.u32 $0x199A, v11;
	v11 =	vshrl.u32 v10, $0xF  }
0x98: {  	v10 =	vshrl.u32 v12, $0xF;
	v14 =	vmul.u32 $0xFFFFD80, v8;
	v17 =	vadd.s32 v17, v62  }
0x99: {  	v18 =	vadd.s32 v7, v6;
	v7 =	vshrl.u32 v13, $0xF;
	v63 =	vmul.u32 $0xFFFFD80, v11  }
0x9a: {  	v6 =	vshrl.u32 v15, $0xF;
	v15 =	vmul.u32 $0xFFFFD80, v10;
	v13 =	vmul.u32 $0xFFFFD80, v7  }
0x9b: {  	s22 =	simm.s32 $0x80;
	s24 =	simm.s32 $0x400;
	[tilespmem:s20+$0x1470] =	vst v18;
	v18 =	vadd.s32 v16, v20;
	v12 =	vmul.u32 $0xFFFFD80, v6;
	v16 =	vadd.s32 v19, v63  }
.LBB2_4:
0x9c: {  	p0 =	sne.s32 s24, $0x4E00;
	v19 =	vld [tilespmem:s22+$0x2870];
	v1 =	vadd.s32 v1, v15;
	v2 =	vadd.s32 v2, v13;
	v3 =	vadd.s32 v3, v14  }
0x9d: {  	v13 =	vshll.u32 v18, $0x4;
	v14 =	vshll.u32 v17, $0x4;
	v4 =	vadd.s32 v4, v12;
	v20 =	vld [tilespmem:s22+$0x2800]  }
0x9e: {  	v12 =	vshll.u32 v16, $0x4;
	v15 =	vshll.u32 v1, $0x4;
	v16 =	vshll.u32 v2, $0x4;
	v17 =	vld [tilespmem:s22+$0x2810]  }
0x9f: {  	v2 =	vadd.s32 v5, v13;
	v3 =	vshll.u32 v3, $0x4;
	v4 =	vshll.u32 v4, $0x4;
	v21 =	vld [tilespmem:s22+$0x2820]  }
0xa0: {  	v5 =	vadd.s32 v9, v14;
	v9 =	vadd.s32 v11, v12;
	v10 =	vadd.s32 v10, v15;
	v1 =	vld [tilespmem:s22+$0x2830];
	[tilespmem:s20+$0x1400] =	vst v2  }
0xa1: {  	v2 =	vld [tilespmem:s22+$0x2840];
	v11 =	vshrl.u32 v19, $0x7;
	[tilespmem:s20+$0x1410] =	vst v5;
	v5 =	vadd.s32 v7, v16;
	v7 =	vadd.s32 v8, v3  }
0xa2: {  	v6 =	vadd.s32 v6, v4;
	v8 =	vshrl.u32 v20, $0x7;
	v3 =	vld [tilespmem:s22+$0x2850];
	v11 =	vmul.u32 $0x199A, v11;
	[tilespmem:s20+$0x1420] =	vst v9  }
0xa3: {  	v8 =	vmul.u32 $0x199A, v8;
	v9 =	vshrl.u32 v17, $0x7;
	v4 =	vld [tilespmem:s22+$0x2860];
	[tilespmem:s20+$0x1430] =	vst v10  }
0xa4: {  	v9 =	vmul.u32 $0x199A, v9;
	v10 =	vshrl.u32 v21, $0x7;
	v11 =	vshrl.u32 v11, $0xF;
	[tilespmem:s20+$0x1440] =	vst v5  }
0xa5: {  	v10 =	vmul.u32 $0x199A, v10;
	v12 =	vshrl.u32 v1, $0x7;
	v13 =	vmul.u32 $0xFFFFD80, v11;
	[tilespmem:s20+$0x1450] =	vst v7  }
0xa6: {  	v5 =	vshrl.u32 v8, $0xF;
	v7 =	vmul.u32 $0x199A, v12;
	v8 =	vshrl.u32 v2, $0x7;
	[tilespmem:s20+$0x1460] =	vst v6;
	s20 =	smov.u32 s22  }
0xa7: {  	v6 =	vmul.u32 $0x199A, v8;
	v8 =	vshrl.u32 v3, $0x7;
	v12 =	vadd.s32 v19, v13  }
0xa8: {  	v8 =	vmul.u32 $0x199A, v8;
	v13 =	vshrl.u32 v4, $0x7;
	v12 =	vshll.u32 v12, $0x4  }
0xa9: {  	v9 =	vshrl.u32 v9, $0xF;
	v13 =	vmul.u32 $0x199A, v13;
	v12 =	vadd.s32 v11, v12  }
.Ltmp1:
0xaa: {  	v11 =	vshrl.u32 v10, $0xF;
	v10 =	vshrl.u32 v7, $0xF;
	v7 =	vshrl.u32 v6, $0xF;
	[tilespmem:s20+$0x1470] =	vst v12;
	(pc) =	sbr.rel @p0 .LBB2_4-.Ltmp1, $4  }
0xab: {  	v16 =	vmul.u32 $0xFFFFD80, v5;
	v8 =	vshrl.u32 v8, $0xF;
	v6 =	vshrl.u32 v13, $0xF  }
0xac: {  	v19 =	vmul.u32 $0xFFFFD80, v9;
	v22 =	vmul.u32 $0xFFFFD80, v11;
	v15 =	vmul.u32 $0xFFFFD80, v10  }
0xad: {  	v13 =	vmul.u32 $0xFFFFD80, v7;
	v14 =	vmul.u32 $0xFFFFD80, v8;
	v12 =	vmul.u32 $0xFFFFD80, v6  }
0xae: {  	s22 =	sshra.s32 s24, $0x2;
	s24 =	sadd.s32 $0x200, s24;
	v18 =	vadd.s32 v20, v16;
	v17 =	vadd.s32 v17, v19;
	v16 =	vadd.s32 v21, v22  }
0xaf: {  	v19 =	vld [tilespmem:s22+$0x2870]  }
0xb0: {  	v20 =	vld [tilespmem:s22+$0x2800];
	v1 =	vadd.s32 v1, v15;
	v36 =	vshll.u32 v18, $0x4  }
0xb1: {  	v21 =	vld [tilespmem:s22+$0x2810];
	v2 =	vadd.s32 v2, v13;
	v3 =	vadd.s32 v3, v14;
	v39 =	vshll.u32 v17, $0x4  }
0xb2: {  	v37 =	vld [tilespmem:s22+$0x2820];
	v4 =	vadd.s32 v4, v12;
	v40 =	vshll.u32 v16, $0x4;
	v5 =	vadd.s32 v5, v36  }
0xb3: {  	v38 =	vld [tilespmem:s22+$0x2830];
	v1 =	vshll.u32 v1, $0x4;
	v2 =	vshll.u32 v2, $0x4;
	v41 =	vadd.s32 v9, v39  }
0xb4: {  	v3 =	vshll.u32 v3, $0x4;
	v4 =	vshll.u32 v4, $0x4;
	v11 =	vadd.s32 v11, v40;
	[tilespmem:s20+$0x1400] =	vst v5  }
0xb5: {  	v1 =	vadd.s32 v10, v1;
	v2 =	vadd.s32 v7, v2;
	v3 =	vadd.s32 v8, v3;
	v42 =	vld [tilespmem:s22+$0x2840]  }
0xb6: {  	v4 =	vadd.s32 v6, v4;
	[tilespmem:s20+$0x1410] =	vst v41;
	v43 =	vshrl.u32 v19, $0x7;
	v45 =	vshrl.u32 v20, $0x7  }
0xb7: {  	v44 =	vld [tilespmem:s22+$0x2850];
	v47 =	vshrl.u32 v21, $0x7;
	v49 =	vshrl.u32 v37, $0x7;
	v5 =	vmul.u32 $0x199A, v43  }
0xb8: {  	[tilespmem:s20+$0x1420] =	vst v11;
	v50 =	vshrl.u32 v38, $0x7;
	v46 =	vmul.u32 $0x199A, v45;
	v8 =	vmul.u32 $0x199A, v47  }
0xb9: {  	v48 =	vld [tilespmem:s22+$0x2860];
	v11 =	vmul.u32 $0x199A, v49;
	v12 =	vmul.u32 $0x199A, v50;
	v5 =	vshrl.u32 v5, $0xF  }
0xba: {  	v6 =	vshrl.u32 v46, $0xF;
	v52 =	vshrl.u32 v42, $0x7;
	v8 =	vshrl.u32 v8, $0xF  }
0xbb: {  	v11 =	vshrl.u32 v11, $0xF;
	v12 =	vshrl.u32 v12, $0xF;
	v51 =	vmul.u32 $0xFFFFD80, v5  }
0xbc: {  	[tilespmem:s20+$0x1430] =	vst v1;
	v15 =	vmul.u32 $0x199A, v52;
	v53 =	vshrl.u32 v44, $0x7;
	v1 =	vmul.u32 $0xFFFFD80, v6  }
0xbd: {  	[tilespmem:s20+$0x1440] =	vst v2;
	v2 =	vmul.u32 $0xFFFFD80, v8;
	v58 =	vmul.u32 $0xFFFFD80, v11;
	v59 =	vmul.u32 $0xFFFFD80, v12  }
0xbe: {  	v16 =	vmul.u32 $0x199A, v53;
	v54 =	vshrl.u32 v48, $0x7;
	v14 =	vadd.s32 v19, v51  }
0xbf: {  	v17 =	vmul.u32 $0x199A, v54;
	v55 =	vshrl.u32 v15, $0xF;
	v1 =	vadd.s32 v20, v1  }
0xc0: {  	v2 =	vadd.s32 v21, v2;
	v62 =	vadd.s32 v37, v58;
	v63 =	vadd.s32 v38, v59  }
0xc1: {  	[tilespmem:s20+$0x1450] =	vst v3;
	v14 =	vshll.u32 v14, $0x4;
	v56 =	vshrl.u32 v16, $0xF;
	v3 =	vmul.u32 $0xFFFFD80, v55  }
0xc2: {  	[tilespmem:s20+$0x1460] =	vst v4;
	v1 =	vshll.u32 v1, $0x4;
	v2 =	vshll.u32 v2, $0x4;
	v5 =	vadd.s32 v5, v14  }
0xc3: {  	v57 =	vshrl.u32 v17, $0xF;
	v60 =	vmul.u32 $0xFFFFD80, v56;
	v1 =	vadd.s32 v6, v1;
	[tilespmem:s22+$0x1470] =	vst v5  }
0xc4: {  	v61 =	vmul.u32 $0xFFFFD80, v57;
	v5 =	vshll.u32 v62, $0x4;
	[tilespmem:s22+$0x1400] =	vst v1;
	v1 =	vadd.s32 v8, v2  }
0xc5: {  	v2 =	vadd.s32 v42, v3;
	v3 =	vshll.u32 v63, $0x4;
	v5 =	vadd.s32 v11, v5;
	[tilespmem:s22+$0x1410] =	vst v1  }
0xc6: {  	v1 =	vadd.s32 v44, v60;
	v2 =	vshll.u32 v2, $0x4;
	v3 =	vadd.s32 v12, v3;
	[tilespmem:s22+$0x1420] =	vst v5  }
0xc7: {  	v4 =	vadd.s32 v48, v61;
	v1 =	vshll.u32 v1, $0x4;
	v2 =	vadd.s32 v55, v2;
	[tilespmem:s22+$0x1430] =	vst v3  }
0xc8: {  	v3 =	vshll.u32 v4, $0x4;
	v1 =	vadd.s32 v56, v1;
	[tilespmem:s22+$0x1440] =	vst v2  }
0xc9: {  	v2 =	vadd.s32 v57, v3;
	[tilespmem:s22+$0x1450] =	vst v1  }
0xca: {  	[tilespmem:s22+$0x1460] =	vst v2  }
0xcb: {  	s29 =	simm.s32 $0x0;
	s18 =	simm.s32 $0x3C88;
	[bflag:$0x0] =	sbarrier.arrive $0xFFFF  }
0xcc: {  	[tilespmem:s18], [sflag:$0x1] =	stream.indirect.gather [spmem:s3], $0x8, s29, s16, $0xb8;
	[tilespmem:$0x8C88] =	vst v63  }
0xcd: {  	s19 =	simm.s32 $0x4088  }
0xce: {  	[tilespmem:s19], [sflag:$0x2] =	stream.indirect.gather [spmem:s3], $0x8, s16, s16, $0xb8;
	[tilespmem:$0x8C88] =	vst v63  }
0xcf: {  	s0 =	simm.s32 $0x100;
	s23 =	simm.s32 $0x4488  }
0xd0: {  	[tilespmem:s23], [sflag:$0x3] =	stream.indirect.gather [spmem:s3], $0x8, s0, s16, $0xb8;
	[tilespmem:$0x8C88] =	vst v63  }
0xd1: {  	s4 =	simm.s32 $0x180;
	s5 =	simm.s32 $0x4888  }
0xd2: {  	[tilespmem:s5], [sflag:$0x4] =	stream.indirect.gather [spmem:s3], $0x8, s4, s16, $0xb8;
	[tilespmem:$0x8C88] =	vst v63  }
0xd3: {  	s6 =	simm.s32 $0x200;
	s0 =	simm.s32 $0x4C88  }
0xd4: {  	[tilespmem:s0], [sflag:$0x5] =	stream.indirect.gather [spmem:s3], $0x8, s6, s16, $0xb8;
	[tilespmem:$0x8C88] =	vst v63  }
0xd5: {  	s7 =	simm.s32 $0x280;
	s26 =	simm.s32 $0x1;
	s4 =	simm.s32 $0x5088  }
0xd6: {  	[tilespmem:s4], [sflag:$0x6] =	stream.indirect.gather [spmem:s3], $0x8, s7, s16, $0xb8;
	[tilespmem:$0x8C88] =	vst v63  }
0xd7: {  	_ =	swait.ge [sflag:s26], $0x400  }
0xd8: {  	[sflag:s26] =	ssyncset.done $0x0  }
0xd9: {  	s8 =	simm.s32 $0x1400;
	[sflag:s26] =	ssyncadd.s32 $0xFFFFFC00  }
0xda: {  	[spmem:s2] =	stream.indirect.scatter.add.f32 [tilespmem:s18], [sflag:$0xB], $0x8, s8, s16, $0xb8;
	[tilespmem:$0x8C88] =	vst v63  }
0xdb: {  	s9 =	simm.s32 $0x300;
	s21 =	simm.s32 $0x5488;
	s28 =	simm.s32 $0x2  }
0xdc: {  	[tilespmem:s21], [sflag:$0x7] =	stream.indirect.gather [spmem:s3], $0x8, s9, s16, $0xb8;
	[tilespmem:$0x8C88] =	vst v63  }
0xdd: {  	_ =	swait.ge [sflag:s28], $0x400  }
0xde: {  	[sflag:s28] =	ssyncset.done $0x0  }
0xdf: {  	s15 =	simm.s32 $0x1480;
	[sflag:s28] =	ssyncadd.s32 $0xFFFFFC00  }
0xe0: {  	[spmem:s2] =	stream.indirect.scatter.add.f32 [tilespmem:s19], [sflag:$0xC], $0x8, s15, s16, $0xb8;
	[tilespmem:$0x8C88] =	vst v63  }
0xe1: {  	s22 =	simm.s32 $0x380  }
0xe2: {  	[tilespmem:s25], [sflag:$0x8] =	stream.indirect.gather [spmem:s3], $0x8, s22, s16, $0xb8;
	[tilespmem:$0x8C88] =	vst v63  }
0xe3: {  	s25 =	simm.s32 $0x3  }
0xe4: {  	_ =	swait.ge [sflag:s25], $0x400  }
0xe5: {  	[sflag:s25] =	ssyncset.done $0x0  }
0xe6: {  	s24 =	simm.s32 $0x1500;
	[sflag:s25] =	ssyncadd.s32 $0xFFFFFC00  }
0xe7: {  	[spmem:s2] =	stream.indirect.scatter.add.f32 [tilespmem:s23], [sflag:$0xD], $0x8, s24, s16, $0xb8;
	[tilespmem:$0x8C88] =	vst v63  }
0xe8: {  	s29 =	simm.s32 $0x400  }
0xe9: {  	[tilespmem:s1], [sflag:$0x9] =	stream.indirect.gather [spmem:s3], $0x8, s29, s16, $0xb8;
	[tilespmem:$0x8C88] =	vst v63  }
0xea: {  	s1 =	simm.s32 $0x4  }
0xeb: {  	_ =	swait.ge [sflag:s1], $0x400  }
0xec: {  	[sflag:s1] =	ssyncset.done $0x0  }
0xed: {  	s6 =	simm.s32 $0x1580;
	[sflag:s1] =	ssyncadd.s32 $0xFFFFFC00  }
0xee: {  	[spmem:s2] =	stream.indirect.scatter.add.f32 [tilespmem:s5], [sflag:$0xE], $0x8, s6, s16, $0xb8;
	[tilespmem:$0x8C88] =	vst v63  }
0xef: {  	s7 =	simm.s32 $0x480;
	s8 =	simm.s32 $0x6088;
	s22 =	simm.s32 $0x5  }
0xf0: {  	[tilespmem:s8], [sflag:$0xA] =	stream.indirect.gather [spmem:s3], $0x8, s7, s16, $0xb8;
	[tilespmem:$0x8C88] =	vst v63  }
0xf1: {  	_ =	swait.ge [sflag:s22], $0x400  }
0xf2: {  	[sflag:s22] =	ssyncset.done $0x0  }
0xf3: {  	s24 =	simm.s32 $0xB;
	s7 =	simm.s32 $0x1600;
	[sflag:s22] =	ssyncadd.s32 $0xFFFFFC00  }
0xf4: {  	[spmem:s2] =	stream.indirect.scatter.add.f32 [tilespmem:s0], [sflag:$0xF], $0x8, s7, s16, $0xb8;
	[tilespmem:$0x8C88] =	vst v63  }
0xf5: {  	_ =	swait.ge [sflag:s24], $0x400  }
0xf6: {  	[sflag:s24] =	ssyncset.done $0x0  }
0xf7: {  	s9 =	simm.s32 $0x500;
	s7 =	simm.s32 $0x6;
	[sflag:s24] =	ssyncadd.s32 $0xFFFFFC00  }
0xf8: {  	[tilespmem:s18], [sflag:$0x1] =	stream.indirect.gather [spmem:s3], $0x8, s9, s16, $0xb8;
	[tilespmem:$0x8C88] =	vst v63  }
0xf9: {  	_ =	swait.ge [sflag:s7], $0x400  }
0xfa: {  	[sflag:s7] =	ssyncset.done $0x0  }
0xfb: {  	s6 =	simm.s32 $0x1680;
	[sflag:s7] =	ssyncadd.s32 $0xFFFFFC00  }
0xfc: {  	[spmem:s2] =	stream.indirect.scatter.add.f32 [tilespmem:s4], [sflag:$0x10], $0x8, s6, s16, $0xb8;
	[tilespmem:$0x8C88] =	vst v63  }
0xfd: {  	s6 =	simm.s32 $0xC  }
0xfe: {  	_ =	swait.ge [sflag:s6], $0x400  }
0xff: {  	[sflag:s6] =	ssyncset.done $0x0  }
0x100: {  	s9 =	simm.s32 $0x580;
	[sflag:s6] =	ssyncadd.s32 $0xFFFFFC00  }
0x101: {  	[tilespmem:s19], [sflag:$0x2] =	stream.indirect.gather [spmem:s3], $0x8, s9, s16, $0xb8;
	[tilespmem:$0x8C88] =	vst v63  }
0x102: {  	s9 =	simm.s32 $0x7  }
0x103: {  	_ =	swait.ge [sflag:s9], $0x400  }
0x104: {  	[sflag:s9] =	ssyncset.done $0x0  }
0x105: {  	s6 =	simm.s32 $0x1700;
	[sflag:s9] =	ssyncadd.s32 $0xFFFFFC00  }
0x106: {  	[spmem:s2] =	stream.indirect.scatter.add.f32 [tilespmem:s21], [sflag:$0x11], $0x8, s6, s16, $0xb8;
	[tilespmem:$0x8C88] =	vst v63  }
0x107: {  	_ =	swait.ge [sflag:s10], $0x400  }
0x108: {  	[sflag:s10] =	ssyncset.done $0x0  }
0x109: {  	s6 =	simm.s32 $0x600;
	[sflag:s10] =	ssyncadd.s32 $0xFFFFFC00  }
0x10a: {  	[tilespmem:s23], [sflag:$0x3] =	stream.indirect.gather [spmem:s3], $0x8, s6, s16, $0xb8;
	[tilespmem:$0x8C88] =	vst v63  }
0x10b: {  	_ =	swait.ge [sflag:s11], $0x400  }
0x10c: {  	[sflag:s11] =	ssyncset.done $0x0  }
0x10d: {  	s15 =	simm.s32 $0x5888;
	s6 =	simm.s32 $0x1780;
	[sflag:s11] =	ssyncadd.s32 $0xFFFFFC00  }
0x10e: {  	[spmem:s2] =	stream.indirect.scatter.add.f32 [tilespmem:s15], [sflag:$0x12], $0x8, s6, s16, $0xb8;
	[tilespmem:$0x8C88] =	vst v63  }
0x10f: {  	_ =	swait.ge [sflag:s14], $0x400  }
0x110: {  	[sflag:s14] =	ssyncset.done $0x0  }
0x111: {  	s6 =	simm.s32 $0x680;
	[sflag:s14] =	ssyncadd.s32 $0xFFFFFC00  }
0x112: {  	[tilespmem:s5], [sflag:$0x4] =	stream.indirect.gather [spmem:s3], $0x8, s6, s16, $0xb8;
	[tilespmem:$0x8C88] =	vst v63  }
0x113: {  	_ =	swait.ge [sflag:s12], $0x400  }
0x114: {  	[sflag:s12] =	ssyncset.done $0x0  }
0x115: {  	s29 =	simm.s32 $0x5C88;
	s6 =	simm.s32 $0x1800;
	[sflag:s12] =	ssyncadd.s32 $0xFFFFFC00  }
0x116: {  	[spmem:s2] =	stream.indirect.scatter.add.f32 [tilespmem:s29], [sflag:$0x13], $0x8, s6, s16, $0xb8;
	[tilespmem:$0x8C88] =	vst v63  }
0x117: {  	s6 =	simm.s32 $0xF  }
0x118: {  	_ =	swait.ge [sflag:s6], $0x400  }
0x119: {  	[sflag:s6] =	ssyncset.done $0x0  }
0x11a: {  	s20 =	simm.s32 $0x700;
	[sflag:s6] =	ssyncadd.s32 $0xFFFFFC00  }
0x11b: {  	[tilespmem:s0], [sflag:$0x5] =	stream.indirect.gather [spmem:s3], $0x8, s20, s16, $0xb8;
	[tilespmem:$0x8C88] =	vst v63  }
0x11c: {  	_ =	swait.ge [sflag:s13], $0x400  }
0x11d: {  	[sflag:s13] =	ssyncset.done $0x0  }
0x11e: {  	s0 =	simm.s32 $0x1880;
	[sflag:s13] =	ssyncadd.s32 $0xFFFFFC00  }
0x11f: {  	[spmem:s2] =	stream.indirect.scatter.add.f32 [tilespmem:s8], [sflag:$0x14], $0x8, s0, s16, $0xb8;
	[tilespmem:$0x8C88] =	vst v63  }
0x120: {  	_ =	swait.ge [sflag:s17], $0x400  }
0x121: {  	[sflag:s17] =	ssyncset.done $0x0  }
0x122: {  	s0 =	simm.s32 $0x780;
	[sflag:s17] =	ssyncadd.s32 $0xFFFFFC00  }
0x123: {  	[tilespmem:s4], [sflag:$0x6] =	stream.indirect.gather [spmem:s3], $0x8, s0, s16, $0xb8;
	[tilespmem:$0x8C88] =	vst v63  }
0x124: {  	_ =	swait.ge [sflag:s26], $0x400  }
0x125: {  	[sflag:s26] =	ssyncset.done $0x0  }
0x126: {  	[sflag:s26] =	ssyncadd.s32 $0xFFFFFC00;
	s26 =	simm.s32 $0x1900  }
0x127: {  	[spmem:s2] =	stream.indirect.scatter.add.f32 [tilespmem:s18], [sflag:$0xB], $0x8, s26, s16, $0xb8;
	[tilespmem:$0x8C88] =	vst v63  }
0x128: {  	s18 =	simm.s32 $0x11  }
0x129: {  	_ =	swait.ge [sflag:s18], $0x400  }
0x12a: {  	[sflag:s18] =	ssyncset.done $0x0  }
0x12b: {  	s0 =	simm.s32 $0x800;
	[sflag:s18] =	ssyncadd.s32 $0xFFFFFC00  }
0x12c: {  	[tilespmem:s21], [sflag:$0x7] =	stream.indirect.gather [spmem:s3], $0x8, s0, s16, $0xb8;
	[tilespmem:$0x8C88] =	vst v63  }
0x12d: {  	_ =	swait.ge [sflag:s28], $0x400  }
0x12e: {  	[sflag:s28] =	ssyncset.done $0x0  }
0x12f: {  	s4 =	simm.s32 $0x1980;
	s26 =	simm.s32 $0x12;
	[sflag:s28] =	ssyncadd.s32 $0xFFFFFC00  }
0x130: {  	[spmem:s2] =	stream.indirect.scatter.add.f32 [tilespmem:s19], [sflag:$0xC], $0x8, s4, s16, $0xb8;
	[tilespmem:$0x8C88] =	vst v63  }
0x131: {  	_ =	swait.ge [sflag:s26], $0x400  }
0x132: {  	[sflag:s26] =	ssyncset.done $0x0  }
0x133: {  	s19 =	simm.s32 $0x880;
	[sflag:s26] =	ssyncadd.s32 $0xFFFFFC00  }
0x134: {  	[tilespmem:s15], [sflag:$0x8] =	stream.indirect.gather [spmem:s3], $0x8, s19, s16, $0xb8;
	[tilespmem:$0x8C88] =	vst v63  }
0x135: {  	_ =	swait.ge [sflag:s25], $0x400  }
0x136: {  	[sflag:s25] =	ssyncset.done $0x0  }
0x137: {  	s21 =	simm.s32 $0x1A00;
	s28 =	simm.s32 $0x13;
	[sflag:s25] =	ssyncadd.s32 $0xFFFFFC00  }
0x138: {  	[spmem:s2] =	stream.indirect.scatter.add.f32 [tilespmem:s23], [sflag:$0xD], $0x8, s21, s16, $0xb8;
	[tilespmem:$0x8C88] =	vst v63  }
0x139: {  	_ =	swait.ge [sflag:s28], $0x400  }
0x13a: {  	[sflag:s28] =	ssyncset.done $0x0  }
0x13b: {  	s23 =	simm.s32 $0x900;
	[sflag:s28] =	ssyncadd.s32 $0xFFFFFC00  }
0x13c: {  	[tilespmem:s29], [sflag:$0x9] =	stream.indirect.gather [spmem:s3], $0x8, s23, s16, $0xb8;
	[tilespmem:$0x8C88] =	vst v63  }
0x13d: {  	_ =	swait.ge [sflag:s1], $0x400  }
0x13e: {  	[sflag:s1] =	ssyncset.done $0x0  }
0x13f: {  	s25 =	simm.s32 $0x1A80;
	[sflag:s1] =	ssyncadd.s32 $0xFFFFFC00  }
0x140: {  	[spmem:s2] =	stream.indirect.scatter.add.f32 [tilespmem:s5], [sflag:$0xE], $0x8, s25, s16, $0xb8;
	[tilespmem:$0x8C88] =	vst v63  }
0x141: {  	_ =	swait.ge [sflag:s31], $0x400  }
0x142: {  	[sflag:s31] =	ssyncset.done $0x0  }
0x143: {  	s29 =	simm.s32 $0x980;
	[sflag:s31] =	ssyncadd.s32 $0xFFFFFC00  }
0x144: {  	[tilespmem:s8], [sflag:$0xA] =	stream.indirect.gather [spmem:s3], $0x8, s29, s16, $0xb8;
	[tilespmem:$0x8C88] =	vst v63  }
0x145: {  	_ =	swait.ge [sflag:s22], $0x400  }
0x146: {  	[sflag:s22] =	ssyncset.done $0x0  }
0x147: {  	s20 =	simm.s32 $0x1400;
	[sflag:s22] =	ssyncadd.s32 $0xFFFFFC00;
	s22 =	simm.s32 $0x1B00  }
.LBB2_6:
0x148: {  	s19 =	simm.s32 $0x4C88  }
0x149: {  	[spmem:s2] =	stream.indirect.scatter.add.f32 [tilespmem:s19], [sflag:$0xF], $0x8, s22, s16, $0xb8;
	[tilespmem:$0x8C88] =	vst v63  }
0x14a: {  	s22 =	smov.u32 s20  }
0x14b: {  	p0 =	sne.s32 s20, $0x2800;
	s20 =	sadd.s32 $0x1400, s20;
	_ =	swait.ge [sflag:s24], $0x400  }
0x14c: {  	s22 =	sshra.s32 s22, $0x2;
	[sflag:s24] =	ssyncset.done $0x0  }
0x14d: {  	s21 =	simm.s32 $0x3C88;
	[sflag:s24] =	ssyncadd.s32 $0xFFFFFC00;
	s24 =	sadd.s32 $0x500, s22  }
0x14e: {  	[tilespmem:s21], [sflag:$0x1] =	stream.indirect.gather [spmem:s3], $0x8, s24, s16, $0xb8;
	[tilespmem:$0x8C88] =	vst v63  }
0x14f: {  	_ =	swait.ge [sflag:s7], $0x400  }
0x150: {  	s4 =	simm.s32 $0x5088;
	[sflag:s7] =	ssyncset.done $0x0  }
0x151: {  	s0 =	simm.s32 $0xC;
	s24 =	sadd.s32 $0x1680, s22;
	[sflag:s7] =	ssyncadd.s32 $0xFFFFFC00  }
0x152: {  	[spmem:s2] =	stream.indirect.scatter.add.f32 [tilespmem:s4], [sflag:$0x10], $0x8, s24, s16, $0xb8;
	[tilespmem:$0x8C88] =	vst v63  }
0x153: {  	_ =	swait.ge [sflag:s0], $0x400  }
0x154: {  	[sflag:s0] =	ssyncset.done $0x0  }
0x155: {  	s23 =	simm.s32 $0x4088;
	s24 =	sadd.s32 $0x580, s22;
	[sflag:s0] =	ssyncadd.s32 $0xFFFFFC00  }
0x156: {  	[tilespmem:s23], [sflag:$0x2] =	stream.indirect.gather [spmem:s3], $0x8, s24, s16, $0xb8;
	[tilespmem:$0x8C88] =	vst v63  }
0x157: {  	_ =	swait.ge [sflag:s9], $0x400  }
0x158: {  	[sflag:s9] =	ssyncset.done $0x0  }
0x159: {  	s29 =	simm.s32 $0x5488;
	s24 =	sadd.s32 $0x1700, s22;
	[sflag:s9] =	ssyncadd.s32 $0xFFFFFC00  }
0x15a: {  	[spmem:s2] =	stream.indirect.scatter.add.f32 [tilespmem:s29], [sflag:$0x11], $0x8, s24, s16, $0xb8;
	[tilespmem:$0x8C88] =	vst v63  }
0x15b: {  	_ =	swait.ge [sflag:s10], $0x400  }
0x15c: {  	[sflag:s10] =	ssyncset.done $0x0  }
0x15d: {  	s15 =	simm.s32 $0x4488;
	s24 =	sadd.s32 $0x600, s22;
	[sflag:s10] =	ssyncadd.s32 $0xFFFFFC00  }
0x15e: {  	[tilespmem:s15], [sflag:$0x3] =	stream.indirect.gather [spmem:s3], $0x8, s24, s16, $0xb8;
	[tilespmem:$0x8C88] =	vst v63  }
0x15f: {  	_ =	swait.ge [sflag:s11], $0x400  }
0x160: {  	[sflag:s11] =	ssyncset.done $0x0  }
0x161: {  	s5 =	simm.s32 $0x5888;
	s24 =	sadd.s32 $0x1780, s22;
	[sflag:s11] =	ssyncadd.s32 $0xFFFFFC00  }
0x162: {  	[spmem:s2] =	stream.indirect.scatter.add.f32 [tilespmem:s5], [sflag:$0x12], $0x8, s24, s16, $0xb8;
	[tilespmem:$0x8C88] =	vst v63  }
0x163: {  	_ =	swait.ge [sflag:s14], $0x400  }
0x164: {  	[sflag:s14] =	ssyncset.done $0x0  }
0x165: {  	s24 =	sadd.s32 $0x680, s22;
	[sflag:s14] =	ssyncadd.s32 $0xFFFFFC00  }
0x166: {  	[tilespmem:s30], [sflag:$0x4] =	stream.indirect.gather [spmem:s3], $0x8, s24, s16, $0xb8;
	[tilespmem:$0x8C88] =	vst v63  }
0x167: {  	_ =	swait.ge [sflag:s12], $0x400  }
0x168: {  	[sflag:s12] =	ssyncset.done $0x0  }
0x169: {  	s8 =	simm.s32 $0x5C88;
	s24 =	sadd.s32 $0x1800, s22;
	[sflag:s12] =	ssyncadd.s32 $0xFFFFFC00  }
0x16a: {  	[spmem:s2] =	stream.indirect.scatter.add.f32 [tilespmem:s8], [sflag:$0x13], $0x8, s24, s16, $0xb8;
	[tilespmem:$0x8C88] =	vst v63  }
0x16b: {  	_ =	swait.ge [sflag:s6], $0x400  }
0x16c: {  	[sflag:s6] =	ssyncset.done $0x0  }
0x16d: {  	s0 =	simm.s32 $0x4C88;
	s24 =	sadd.s32 $0x700, s22;
	[sflag:s6] =	ssyncadd.s32 $0xFFFFFC00  }
0x16e: {  	[tilespmem:s19], [sflag:$0x5] =	stream.indirect.gather [spmem:s3], $0x8, s24, s16, $0xb8;
	[tilespmem:$0x8C88] =	vst v63  }
0x16f: {  	_ =	swait.ge [sflag:s13], $0x400  }
0x170: {  	[sflag:s13] =	ssyncset.done $0x0  }
0x171: {  	s25 =	simm.s32 $0x6088;
	s24 =	sadd.s32 $0x1880, s22;
	[sflag:s13] =	ssyncadd.s32 $0xFFFFFC00  }
0x172: {  	[spmem:s2] =	stream.indirect.scatter.add.f32 [tilespmem:s25], [sflag:$0x14], $0x8, s24, s16, $0xb8;
	[tilespmem:$0x8C88] =	vst v63  }
0x173: {  	_ =	swait.ge [sflag:s17], $0x400  }
0x174: {  	[sflag:s17] =	ssyncset.done $0x0  }
0x175: {  	s24 =	sadd.s32 $0x780, s22;
	[sflag:s17] =	ssyncadd.s32 $0xFFFFFC00  }
0x176: {  	[tilespmem:s4], [sflag:$0x6] =	stream.indirect.gather [spmem:s3], $0x8, s24, s16, $0xb8;
	[tilespmem:$0x8C88] =	vst v63  }
0x177: {  	s19 =	simm.s32 $0x5088;
	s4 =	simm.s32 $0x1  }
0x178: {  	_ =	swait.ge [sflag:s4], $0x400  }
0x179: {  	[sflag:s4] =	ssyncset.done $0x0  }
0x17a: {  	s24 =	sadd.s32 $0x1900, s22;
	[sflag:s4] =	ssyncadd.s32 $0xFFFFFC00  }
0x17b: {  	[spmem:s2] =	stream.indirect.scatter.add.f32 [tilespmem:s21], [sflag:$0xB], $0x8, s24, s16, $0xb8;
	[tilespmem:$0x8C88] =	vst v63  }
0x17c: {  	_ =	swait.ge [sflag:s18], $0x400  }
0x17d: {  	s4 =	simm.s32 $0x5488;
	[sflag:s18] =	ssyncset.done $0x0  }
0x17e: {  	s24 =	sadd.s32 $0x800, s22;
	s21 =	simm.s32 $0x2;
	[sflag:s18] =	ssyncadd.s32 $0xFFFFFC00  }
0x17f: {  	[tilespmem:s29], [sflag:$0x7] =	stream.indirect.gather [spmem:s3], $0x8, s24, s16, $0xb8;
	[tilespmem:$0x8C88] =	vst v63  }
0x180: {  	_ =	swait.ge [sflag:s21], $0x400  }
0x181: {  	[sflag:s21] =	ssyncset.done $0x0  }
0x182: {  	s24 =	sadd.s32 $0x1980, s22;
	[sflag:s21] =	ssyncadd.s32 $0xFFFFFC00  }
0x183: {  	[spmem:s2] =	stream.indirect.scatter.add.f32 [tilespmem:s23], [sflag:$0xC], $0x8, s24, s16, $0xb8;
	[tilespmem:$0x8C88] =	vst v63  }
0x184: {  	_ =	swait.ge [sflag:s26], $0x400  }
0x185: {  	[sflag:s26] =	ssyncset.done $0x0  }
0x186: {  	s24 =	sadd.s32 $0x880, s22;
	[sflag:s26] =	ssyncadd.s32 $0xFFFFFC00  }
0x187: {  	[tilespmem:s5], [sflag:$0x8] =	stream.indirect.gather [spmem:s3], $0x8, s24, s16, $0xb8;
	[tilespmem:$0x8C88] =	vst v63  }
0x188: {  	s21 =	simm.s32 $0x5888;
	s5 =	simm.s32 $0x3  }
0x189: {  	_ =	swait.ge [sflag:s5], $0x400  }
0x18a: {  	[sflag:s5] =	ssyncset.done $0x0  }
0x18b: {  	s24 =	sadd.s32 $0x1A00, s22;
	[sflag:s5] =	ssyncadd.s32 $0xFFFFFC00  }
0x18c: {  	[spmem:s2] =	stream.indirect.scatter.add.f32 [tilespmem:s15], [sflag:$0xD], $0x8, s24, s16, $0xb8;
	[tilespmem:$0x8C88] =	vst v63  }
0x18d: {  	_ =	swait.ge [sflag:s28], $0x400  }
0x18e: {  	[sflag:s28] =	ssyncset.done $0x0  }
0x18f: {  	s5 =	simm.s32 $0x5C88;
	s24 =	sadd.s32 $0x900, s22;
	[sflag:s28] =	ssyncadd.s32 $0xFFFFFC00  }
0x190: {  	[tilespmem:s8], [sflag:$0x9] =	stream.indirect.gather [spmem:s3], $0x8, s24, s16, $0xb8;
	[tilespmem:$0x8C88] =	vst v63  }
0x191: {  	_ =	swait.ge [sflag:s1], $0x400  }
0x192: {  	[sflag:s1] =	ssyncset.done $0x0  }
0x193: {  	s24 =	sadd.s32 $0x1A80, s22;
	[sflag:s1] =	ssyncadd.s32 $0xFFFFFC00  }
0x194: {  	[spmem:s2] =	stream.indirect.scatter.add.f32 [tilespmem:s30], [sflag:$0xE], $0x8, s24, s16, $0xb8;
	[tilespmem:$0x8C88] =	vst v63  }
0x195: {  	_ =	swait.ge [sflag:s31], $0x400  }
0x196: {  	[sflag:s31] =	ssyncset.done $0x0  }
0x197: {  	s24 =	sadd.s32 $0x980, s22;
	[sflag:s31] =	ssyncadd.s32 $0xFFFFFC00  }
0x198: {  	[tilespmem:s25], [sflag:$0xA] =	stream.indirect.gather [spmem:s3], $0x8, s24, s16, $0xb8;
	[tilespmem:$0x8C88] =	vst v63  }
.Ltmp2:
0x199: {  	_ = 	snop;
	(pc) =	sbr.rel @p0 .LBB2_6-.Ltmp2, $4  }
0x19a: {  	s8 =	simm.s32 $0x6088;
	s24 =	simm.s32 $0x5  }
0x19b: {  	_ =	swait.ge [sflag:s24], $0x400  }
0x19c: {  	[sflag:s24] =	ssyncset.done $0x0  }
0x19d: {  	s22 =	sadd.s32 $0x1B00, s22;
	[sflag:s24] =	ssyncadd.s32 $0xFFFFFC00;
	s24 =	simm.s32 $0xB  }
0x19e: {  	[spmem:s2] =	stream.indirect.scatter.add.f32 [tilespmem:s0], [sflag:$0xF], $0x8, s22, s16, $0xb8;
	[tilespmem:$0x8C88] =	vst v63  }
0x19f: {  	_ =	swait.ge [sflag:s7], $0x400  }
0x1a0: {  	[sflag:s7] =	ssyncset.done $0x0  }
0x1a1: {  	s15 =	simm.s32 $0x2580;
	[sflag:s7] =	ssyncadd.s32 $0xFFFFFC00  }
0x1a2: {  	[spmem:s2] =	stream.indirect.scatter.add.f32 [tilespmem:s19], [sflag:$0x10], $0x8, s15, s16, $0xb8;
	[tilespmem:$0x8C88] =	vst v63  }
0x1a3: {  	_ =	swait.ge [sflag:s9], $0x400  }
0x1a4: {  	[sflag:s9] =	ssyncset.done $0x0  }
0x1a5: {  	s19 =	simm.s32 $0x2600;
	[sflag:s9] =	ssyncadd.s32 $0xFFFFFC00  }
0x1a6: {  	[spmem:s2] =	stream.indirect.scatter.add.f32 [tilespmem:s4], [sflag:$0x11], $0x8, s19, s16, $0xb8;
	[tilespmem:$0x8C88] =	vst v63  }
0x1a7: {  	_ =	swait.ge [sflag:s11], $0x400  }
0x1a8: {  	[sflag:s11] =	ssyncset.done $0x0  }
0x1a9: {  	s20 =	simm.s32 $0x2680;
	[sflag:s11] =	ssyncadd.s32 $0xFFFFFC00  }
0x1aa: {  	[spmem:s2] =	stream.indirect.scatter.add.f32 [tilespmem:s21], [sflag:$0x12], $0x8, s20, s16, $0xb8;
	[tilespmem:$0x8C88] =	vst v63  }
0x1ab: {  	_ =	swait.ge [sflag:s12], $0x400  }
0x1ac: {  	[sflag:s12] =	ssyncset.done $0x0  }
0x1ad: {  	s22 =	simm.s32 $0x2700;
	[sflag:s12] =	ssyncadd.s32 $0xFFFFFC00  }
0x1ae: {  	[spmem:s2] =	stream.indirect.scatter.add.f32 [tilespmem:s5], [sflag:$0x13], $0x8, s22, s16, $0xb8;
	[tilespmem:$0x8C88] =	vst v63  }
0x1af: {  	_ =	swait.ge [sflag:s13], $0x400  }
0x1b0: {  	[sflag:s13] =	ssyncset.done $0x0  }
0x1b1: {  	s23 =	simm.s32 $0x2780;
	[sflag:s13] =	ssyncadd.s32 $0xFFFFFC00  }
0x1b2: {  	[spmem:s2] =	stream.indirect.scatter.add.f32 [tilespmem:s8], [sflag:$0x14], $0x8, s23, s16, $0xb8;
	[tilespmem:$0x8C88] =	vst v63  }
0x1b3: {  	_ =	swait.ge [sflag:s24], $0x400  }
0x1b4: {  	[sflag:s24] =	ssyncset.done $0x0  }
0x1b5: {  	[sflag:s24] =	ssyncadd.s32 $0xFFFFFC00;
	s24 =	simm.s32 $0xC  }
0x1b6: {  	_ =	swait.ge [sflag:s24], $0x400  }
0x1b7: {  	[sflag:s24] =	ssyncset.done $0x0  }
0x1b8: {  	[sflag:s24] =	ssyncadd.s32 $0xFFFFFC00  }
0x1b9: {  	_ =	swait.ge [sflag:s10], $0x400  }
0x1ba: {  	[sflag:s10] =	ssyncset.done $0x0  }
0x1bb: {  	[sflag:s10] =	ssyncadd.s32 $0xFFFFFC00  }
0x1bc: {  	_ =	swait.ge [sflag:s14], $0x400  }
0x1bd: {  	[sflag:s14] =	ssyncset.done $0x0  }
0x1be: {  	[sflag:s14] =	ssyncadd.s32 $0xFFFFFC00  }
0x1bf: {  	_ =	swait.ge [sflag:s6], $0x400  }
0x1c0: {  	[sflag:s6] =	ssyncset.done $0x0  }
0x1c1: {  	[sflag:s6] =	ssyncadd.s32 $0xFFFFFC00  }
0x1c2: {  	_ =	swait.ge [sflag:s17], $0x400  }
0x1c3: {  	[sflag:s17] =	ssyncset.done $0x0  }
0x1c4: {  	[sflag:s17] =	ssyncadd.s32 $0xFFFFFC00  }
0x1c5: {  	_ =	swait.ge [sflag:s18], $0x400  }
0x1c6: {  	[sflag:s18] =	ssyncset.done $0x0  }
0x1c7: {  	[sflag:s18] =	ssyncadd.s32 $0xFFFFFC00  }
0x1c8: {  	_ =	swait.ge [sflag:s26], $0x400  }
0x1c9: {  	[sflag:s26] =	ssyncset.done $0x0  }
0x1ca: {  	[sflag:s26] =	ssyncadd.s32 $0xFFFFFC00  }
0x1cb: {  	_ =	swait.ge [sflag:s28], $0x400  }
0x1cc: {  	[sflag:s28] =	ssyncset.done $0x0  }
0x1cd: {  	[sflag:s28] =	ssyncadd.s32 $0xFFFFFC00  }
0x1ce: {  	_ =	swait.ge [sflag:s31], $0x400  }
0x1cf: {  	[sflag:s31] =	ssyncset.done $0x0  }
0x1d0: {  	[sflag:s31] =	ssyncadd.s32 $0xFFFFFC00  }
0x1d1: {  	[bflag:$0x0] =	sbarrier.arrive $0xFFFF  }
0x1d2: {  	s9 =	rddreg [dreg:$0x5]  }
0x1d3: {  	s20 =	rddreg [dreg:$0xa]  }
0x1d4: {  	s25 =	simm.s32 $0x15;
	s22 =	rddreg [dreg:$0xb]  }
0x1d5: {  	[hbm:s20], [sflag:s9] =	dma.local [spmem:s22], $0x280  }
0x1d6: {  	_ =	swait.ge [sflag:s25], $0x280  }
0x1d7: {  	s26 =	rddreg [dreg:$0xd]  }
0x1d8: {  	s28 =	rddreg [dreg:$0x9];
	s0 =	sadd.s32 $0x1, s26  }
0x1d9: {  	p0 =	sne.s32 s0, s28  }
.Ltmp3:
0x1da: {  	_ = 	snop;
	(pc) =	sbr.rel @p0 .LBB2_1-.Ltmp3, $3  }
0x1db: {  	_ =	sdelay $0x1  }
0x1dc: {  	s29 =	simm.s32 $0x15;
	[sflag:s25] =	ssyncset.done $0x0  }
0x1dd: {  	s1 =	simm.s32 $0x5C88;
	s25 =	simm.s32 $0x5888;
	[sflag:s29] =	ssyncadd.s32 $0xFFFFFD80  }
0x1de: {  	_ =	sfence.sel $0x180000  }
0x1df: {  	[bflag:$0x0] =	sbarrier.arrive $0xFFFF  }
0x1e0: {  	_ =	strace $0x9000004A  }
0x1e1: {  	s0 =	stileid.u32;
	[bflag:$0x2] =	sbarrier.arrive $0xFFFF  }
0x1e2: {  	p0 =	sne.s32 s0, $0x0;
	s0 =	rddreg [dreg:$0x3]  }
0x1e3: {  	s0 =	sadd.s32 @!p0 $0x100000, s0  }
0x1e4: {  	[sflag:s0] =	ssyncadd.tile.s32 @!p0 $0x1;
	_ =	shalt  }
.Lfunc_end2:
_tile_overlayer_lowered:
.L_overlay_start_2:
0x1e5: {  	(tag) =	ssettag $0x2  }
0x1e6: {  	s0 =	rddreg [dreg:$0x0];
	s2 =	stileid.u32  }
0x1e7: {  	s1 =	rddreg [dreg:$0x1];
	p0 =	sne.s32 s2, $0x0  }
0x1e8: {  	s3 =	rddreg [dreg:$0x2];
	[bflag:$0x3] =	sbarrier.arrive $0xFFFF;
	s2 =	simm.s32 @!p0 $0x1C15  }
0x1e9: {  	[timem:s3], [sflag:s2] =	dma.local @!p0 [hbm:s0], s1  }
0x1ea: {  	s0 =	simm.s32 @!p0 $0x15  }
0x1eb: {  	_ =	swait.ge @!p0 [sflag:s0], s1  }
0x1ec: {  	s1 =	ssub.s32 @!p0 $0x0, s1;
	[sflag:s0] =	ssyncset.done @!p0 $0x0  }
0x1ed: {  	[sflag:s0] =	ssyncadd.s32 @!p0 s1  }
0x1ee: {  	[bflag:$0x3] =	sbarrier.arrive $0xFFFF  }
0x1ef: {  	_ =	shalt  }

</sc_bundles>
